<compile_context>
chip_gen: v7x
topology: tpu7x:2x2x1
jax: 0.10.2.dev20260603
libtpu: 0.0.44.dev20260713+nightly
codegen_flags: <defaults>
</compile_context>

<pallas_src>
import jax
import jax.numpy as jnp
from jax import lax
from jax.experimental import pallas as pl
from jax.experimental.pallas import tpu as pltpu
from jax.experimental.pallas import tpu_sc as plsc

NC = 2
NS = 16
NW = NC * NS
CN = 16
ROWS = CN * 7
GC = 2
NIB = 4
FEAT = 128
INV7 = float(1.0 / 7.0)


def _tec_body(x_hbm, idx_hbm, out_hbm,
              idx0, idx1, idx2, idx3, rows_a, rows_b, out0, out1,
              si0, si1, si2, si3, sa0, sa1, sb0, sb1, so0, so1):
    wid = lax.axis_index("s") * NC + lax.axis_index("c")
    npw = out_hbm.shape[0] // NW
    nchunk = npw // CN
    nsuper = nchunk // GC
    chunk_base = wid * nchunk

    lane = lax.iota(jnp.int32, 16)
    lane7 = lane * 7

    idx_bufs = (idx0, idx1, idx2, idx3)
    idx_sems = (si0, si1, si2, si3)
    rows_bufs = (rows_a, rows_b)
    gat_sems = ((sa0, sa1), (sb0, sb1))
    out_bufs = (out0, out1)
    out_sems = (so0, so1)

    def idx_src(s):
        return idx_hbm.at[pl.ds(chunk_base + s * GC, GC)]

    def idx_fetch(s, m):
        pltpu.async_copy(idx_src(s), idx_bufs[m], idx_sems[m])

    def gather_fire(s, m, b):
        pltpu.make_async_copy(idx_src(s), idx_bufs[m], idx_sems[m]).wait()
        for j in range(GC):
            pltpu.async_copy(
                x_hbm.at[idx_bufs[m].at[j]], rows_bufs[b].at[j],
                gat_sems[b][j])

    def compute_group(s, b):
        for j in range(GC):
            pltpu.make_async_copy(
                x_hbm.at[idx_bufs[0].at[j]], rows_bufs[b].at[j],
                gat_sems[b][j]).wait()
            rows = rows_bufs[b].at[j]
            node0 = (chunk_base + s * GC + j) * CN
            out_dst = out_hbm.at[pl.ds(node0, CN)]

            @pl.when(s > 0)
            def _drain_prev():
                pltpu.make_async_copy(
                    out_bufs[j], out_dst, out_sems[j]).wait()

            @plsc.parallel_loop(0, FEAT, unroll=4)
            def _pool(f):
                p0 = 7 * f
                vs = []
                for k in range(7):
                    p = p0 + k
                    rvec = lane7 + (p >> 7)
                    cvec = jnp.full((16,), p & 127, jnp.int32)
                    vs.append(plsc.load_gather(rows, [rvec, cvec]))
                acc = ((vs[0] + vs[1]) + (vs[2] + vs[3])) + (
                    (vs[4] + vs[5]) + vs[6])
                fvec = jnp.full((16,), f, jnp.int32)
                plsc.store_scatter(out_bufs[j], [lane, fvec], acc * INV7)

            pltpu.async_copy(out_bufs[j], out_dst, out_sems[j])

    idx_fetch(0, 0)
    idx_fetch(1, 1)
    gather_fire(0, 0, 0)
    idx_fetch(2, 2)
    gather_fire(1, 1, 1)
    idx_fetch(3, 3)

    def loop_body(i, carry):
        for b in range(NIB):
            s = i * NIB + b

            @pl.when(s < nsuper)
            def _do():
                compute_group(s, b % 2)

                @pl.when(s + 2 < nsuper)
                def _prefetch():
                    gather_fire(s + 2, (b + 2) % NIB, b % 2)

                    @pl.when(s + 4 < nsuper)
                    def _idx():
                        idx_fetch(s + 4, b)

        return carry

    lax.fori_loop(0, (nsuper + NIB - 1) // NIB, loop_body, 0)

    last0 = (chunk_base + (nsuper - 1) * GC) * CN
    for j in range(GC):
        pltpu.make_async_copy(
            out_bufs[j], out_hbm.at[pl.ds(last0 + j * CN, CN)],
            out_sems[j]).wait()


def _build(n_pad):
    mesh = plsc.VectorSubcoreMesh(core_axis_name="c", subcore_axis_name="s")
    return pl.kernel(
        _tec_body,
        mesh=mesh,
        out_type=jax.ShapeDtypeStruct((n_pad, FEAT), jnp.float32),
        scratch_types=[
            pltpu.VMEM((GC, ROWS), jnp.int32),
            pltpu.VMEM((GC, ROWS), jnp.int32),
            pltpu.VMEM((GC, ROWS), jnp.int32),
            pltpu.VMEM((GC, ROWS), jnp.int32),
            pltpu.VMEM((GC, ROWS, FEAT), jnp.float32),
            pltpu.VMEM((GC, ROWS, FEAT), jnp.float32),
            pltpu.VMEM((CN, FEAT), jnp.float32),
            pltpu.VMEM((CN, FEAT), jnp.float32),
            pltpu.SemaphoreType.DMA,
            pltpu.SemaphoreType.DMA,
            pltpu.SemaphoreType.DMA,
            pltpu.SemaphoreType.DMA,
            pltpu.SemaphoreType.DMA,
            pltpu.SemaphoreType.DMA,
            pltpu.SemaphoreType.DMA,
            pltpu.SemaphoreType.DMA,
            pltpu.SemaphoreType.DMA,
            pltpu.SemaphoreType.DMA,
        ],
        compiler_params=pltpu.CompilerParams(needs_layout_passes=False),
    )


@jax.jit
def kernel(x, hex):
    n = hex.shape[0]
    group_stride = NW * CN * GC
    n_pad = -(-n // group_stride) * group_stride
    idx = hex.reshape(-1)
    idx = jnp.pad(idx, (0, n_pad * 7 - idx.shape[0]))
    idx = idx.reshape(n_pad // CN, ROWS)
    out = _build(n_pad)(x, idx)
    return out[:n]

# --- scband reference (transcript-rebuilt; emitter-appended) ---
"""Pipeline reference for scband-hex-pooling-mean-32968168964588 (READ-ONLY COPY).

The authoritative reference and input builder live on the scoring server;
editing this copy changes nothing except your own understanding.
"""

import jax, jax.numpy as jnp
import numpy as np

N_FINE = 163842  # icosphere level-7 node count (10*4^7 + 2)
FEAT = 128
N_COARSE = (N_FINE + 6) // 4  # 40962, level-6 node count


def setup_inputs(seed: int = 0) -> dict:
    key = jax.random.key(seed)
    k1, k2 = jax.random.split(key)
    x = jax.random.normal(k1, (N_FINE, FEAT), dtype=jnp.float32)
    # hex buffer: for each coarse node, indices of itself + 6 hexagonal neighbors in the fine mesh
    hex_idx = jax.random.randint(k2, (N_COARSE, 7), 0, N_FINE, dtype=jnp.int32)
    return {"x": x, "hex": hex_idx}


def reference(x, hex):
    num_nodes = (x.shape[0] + 6) // 4
    feat_num = x.shape[1]
    # gather: [num_nodes, 7, feat_num]
    g = jnp.take(x, hex[:num_nodes], axis=0)
    # faithful to torch .view(num_nodes, feat_num, 7): a reshape (reinterpretation), NOT a transpose
    g = g.reshape(num_nodes, feat_num, 7)
    out = jnp.mean(g, axis=2)
    assert out.shape == (num_nodes, feat_num)
    return out

if __name__ == "__main__":
    import jax
    _d = setup_inputs()
    print(jax.jit(kernel)(*tuple(_d.values())))

</pallas_src>

<mosaic_0001>
#map = affine_map<(d0, d1) -> (0, 0)>
module attributes {stable_mosaic.version = 14 : i64} {
  func.func @_tec_body(%arg0: i32, %arg1: i32, %arg2: memref<163842x128xf32, #tpu.memory_space<hbm>>, %arg3: memref<2624x112xi32, #tpu.memory_space<hbm>>, %arg4: memref<41984x128xf32, #tpu.memory_space<hbm>>, %arg5: memref<2x112xi32, #tpu.memory_space<vmem>>, %arg6: memref<2x112xi32, #tpu.memory_space<vmem>>, %arg7: memref<2x112xi32, #tpu.memory_space<vmem>>, %arg8: memref<2x112xi32, #tpu.memory_space<vmem>>, %arg9: memref<2x112x128xf32, #tpu.memory_space<vmem>>, %arg10: memref<2x112x128xf32, #tpu.memory_space<vmem>>, %arg11: memref<16x128xf32, #tpu.memory_space<vmem>>, %arg12: memref<16x128xf32, #tpu.memory_space<vmem>>, %arg13: memref<!tpu.dma_semaphore, #tpu.memory_space<semaphore_mem>>, %arg14: memref<!tpu.dma_semaphore, #tpu.memory_space<semaphore_mem>>, %arg15: memref<!tpu.dma_semaphore, #tpu.memory_space<semaphore_mem>>, %arg16: memref<!tpu.dma_semaphore, #tpu.memory_space<semaphore_mem>>, %arg17: memref<!tpu.dma_semaphore, #tpu.memory_space<semaphore_mem>>, %arg18: memref<!tpu.dma_semaphore, #tpu.memory_space<semaphore_mem>>, %arg19: memref<!tpu.dma_semaphore, #tpu.memory_space<semaphore_mem>>, %arg20: memref<!tpu.dma_semaphore, #tpu.memory_space<semaphore_mem>>, %arg21: memref<!tpu.dma_semaphore, #tpu.memory_space<semaphore_mem>>, %arg22: memref<!tpu.dma_semaphore, #tpu.memory_space<semaphore_mem>>) attributes {dimension_semantics = [#tpu.dimension_semantics<core_parallel>, #tpu.dimension_semantics<subcore_parallel>], iteration_bounds = array<i64: 2, 16>, scalar_prefetch = 0 : i64, scratch_operands = 18 : i64, tpu.core_type = #tpu.core_type<sc_vector_subcore>, window_params = [{transform_indices = #map}, {transform_indices = #map}, {transform_indices = #map}]} {
    %mul3A = arith.constant 2 : i32
    %mul3A_0 = arith.muli %arg1, %mul3A : i32
    %add3A = arith.addi %mul3A_0, %arg0 : i32
    %mul3A_1 = arith.constant 82 : i32
    %mul3A_2 = arith.muli %add3A, %mul3A_1 : i32
    %iota3A = tpu.iota {dimensions = array<i32: 0>} : vector<16xi32>
    %mul3A_3 = arith.constant 7 : i32
    %mul3A_4 = vector.broadcast %mul3A_3 : i32 to vector<16xi32>
    %mul3A_5 = arith.muli %iota3A, %mul3A_4 : vector<16xi32>
    %add3A_6 = arith.constant 0 : i32
    %add3A_7 = arith.addi %mul3A_2, %add3A_6 : i32
    %dma_start3A = arith.constant 0 : i32
    %dma_start3A_8 = tpu.memref_slice %arg3[%add3A_7, %dma_start3A] : memref<2624x112xi32, #tpu.memory_space<hbm>> -> memref<2x112xi32, #tpu.memory_space<hbm>>
    %dma_start3A_9 = arith.constant 0 : i32
    %dma_start3A_10 = tpu.memref_slice %arg3[%add3A_7, %dma_start3A_9] : memref<2624x112xi32, #tpu.memory_space<hbm>> -> memref<2x112xi32, #tpu.memory_space<hbm>>
    tpu.enqueue_dma source(%dma_start3A_10 : memref<2x112xi32, #tpu.memory_space<hbm>>) target(%arg5 : memref<2x112xi32, #tpu.memory_space<vmem>>) target_semaphore(%arg13 : memref<!tpu.dma_semaphore, #tpu.memory_space<semaphore_mem>>)
    %add3A_11 = arith.constant 2 : i32
    %add3A_12 = arith.addi %mul3A_2, %add3A_11 : i32
    %dma_start3A_13 = arith.constant 0 : i32
    %dma_start3A_14 = tpu.memref_slice %arg3[%add3A_12, %dma_start3A_13] : memref<2624x112xi32, #tpu.memory_space<hbm>> -> memref<2x112xi32, #tpu.memory_space<hbm>>
    %dma_start3A_15 = arith.constant 0 : i32
    %dma_start3A_16 = tpu.memref_slice %arg3[%add3A_12, %dma_start3A_15] : memref<2624x112xi32, #tpu.memory_space<hbm>> -> memref<2x112xi32, #tpu.memory_space<hbm>>
    tpu.enqueue_dma source(%dma_start3A_16 : memref<2x112xi32, #tpu.memory_space<hbm>>) target(%arg6 : memref<2x112xi32, #tpu.memory_space<vmem>>) target_semaphore(%arg14 : memref<!tpu.dma_semaphore, #tpu.memory_space<semaphore_mem>>)
    %add3A_17 = arith.constant 0 : i32
    %add3A_18 = arith.addi %mul3A_2, %add3A_17 : i32
    %dma_wait3A = arith.constant 0 : i32
    %dma_wait3A_19 = tpu.memref_slice %arg3[%add3A_18, %dma_wait3A] : memref<2624x112xi32, #tpu.memory_space<hbm>> -> memref<2x112xi32, #tpu.memory_space<hbm>>
    %dma_wait3A_20 = arith.constant 0 : i32
    %dma_wait3A_21 = tpu.memref_slice %arg3[%add3A_18, %dma_wait3A_20] : memref<2624x112xi32, #tpu.memory_space<hbm>> -> memref<2x112xi32, #tpu.memory_space<hbm>>
    tpu.wait_dma2 semaphore(%arg13 : memref<!tpu.dma_semaphore, #tpu.memory_space<semaphore_mem>>) src(%dma_wait3A_21 : memref<2x112xi32, #tpu.memory_space<hbm>>) dst(%arg5 : memref<2x112xi32, #tpu.memory_space<vmem>>)
    %dma_start3A_22 = arith.constant 0 : i32
    %dma_start3A_23 = arith.constant 0 : i32
    %dma_start3A_24 = arith.constant 0 : i32
    %dma_start3A_25 = arith.constant 0 : i32
    %dma_start3A_26 = tpu.memref_slice %arg9[%dma_start3A_23, %dma_start3A_24, %dma_start3A_25] : memref<2x112x128xf32, #tpu.memory_space<vmem>> -> memref<1x112x128xf32, #tpu.memory_space<vmem>>
    %dma_start3A_27 = tpu.memref_squeeze %dma_start3A_26 : memref<1x112x128xf32, #tpu.memory_space<vmem>> -> memref<112x128xf32, #tpu.memory_space<vmem>>
    %dma_start3A_28 = arith.constant 0 : i32
    %dma_start3A_29 = tpu.memref_slice %arg5[%dma_start3A_22, %dma_start3A_28] : memref<2x112xi32, #tpu.memory_space<vmem>> -> memref<1x112xi32, #tpu.memory_space<vmem>>
    %dma_start3A_30 = tpu.memref_squeeze %dma_start3A_29 : memref<1x112xi32, #tpu.memory_space<vmem>> -> memref<112xi32, #tpu.memory_space<vmem>>
    %dma_start3A_31 = arith.constant 0 : i32
    %dma_start3A_32 = arith.constant 0 : i32
    %dma_start3A_33 = tpu.memref_slice %arg2[%dma_start3A_31, %dma_start3A_32] : memref<163842x128xf32, #tpu.memory_space<hbm>> -> memref<163842x128xf32, #tpu.memory_space<hbm>>
    tpu.enqueue_indirect_dma source(%dma_start3A_33 : memref<163842x128xf32, #tpu.memory_space<hbm>>) target(%dma_start3A_27 : memref<112x128xf32, #tpu.memory_space<vmem>>) offsets(%dma_start3A_30 : memref<112xi32, #tpu.memory_space<vmem>>) semaphore(%arg17 : memref<!tpu.dma_semaphore, #tpu.memory_space<semaphore_mem>>)
    %dma_start3A_34 = arith.constant 1 : i32
    %dma_start3A_35 = arith.constant 1 : i32
    %dma_start3A_36 = arith.constant 0 : i32
    %dma_start3A_37 = arith.constant 0 : i32
    %dma_start3A_38 = tpu.memref_slice %arg9[%dma_start3A_35, %dma_start3A_36, %dma_start3A_37] : memref<2x112x128xf32, #tpu.memory_space<vmem>> -> memref<1x112x128xf32, #tpu.memory_space<vmem>>
    %dma_start3A_39 = tpu.memref_squeeze %dma_start3A_38 : memref<1x112x128xf32, #tpu.memory_space<vmem>> -> memref<112x128xf32, #tpu.memory_space<vmem>>
    %dma_start3A_40 = arith.constant 0 : i32
    %dma_start3A_41 = tpu.memref_slice %arg5[%dma_start3A_34, %dma_start3A_40] : memref<2x112xi32, #tpu.memory_space<vmem>> -> memref<1x112xi32, #tpu.memory_space<vmem>>
    %dma_start3A_42 = tpu.memref_squeeze %dma_start3A_41 : memref<1x112xi32, #tpu.memory_space<vmem>> -> memref<112xi32, #tpu.memory_space<vmem>>
    %dma_start3A_43 = arith.constant 0 : i32
    %dma_start3A_44 = arith.constant 0 : i32
    %dma_start3A_45 = tpu.memref_slice %arg2[%dma_start3A_43, %dma_start3A_44] : memref<163842x128xf32, #tpu.memory_space<hbm>> -> memref<163842x128xf32, #tpu.memory_space<hbm>>
    tpu.enqueue_indirect_dma source(%dma_start3A_45 : memref<163842x128xf32, #tpu.memory_space<hbm>>) target(%dma_start3A_39 : memref<112x128xf32, #tpu.memory_space<vmem>>) offsets(%dma_start3A_42 : memref<112xi32, #tpu.memory_space<vmem>>) semaphore(%arg18 : memref<!tpu.dma_semaphore, #tpu.memory_space<semaphore_mem>>)
    %add3A_46 = arith.constant 4 : i32
    %add3A_47 = arith.addi %mul3A_2, %add3A_46 : i32
    %dma_start3A_48 = arith.constant 0 : i32
    %dma_start3A_49 = tpu.memref_slice %arg3[%add3A_47, %dma_start3A_48] : memref<2624x112xi32, #tpu.memory_space<hbm>> -> memref<2x112xi32, #tpu.memory_space<hbm>>
    %dma_start3A_50 = arith.constant 0 : i32
    %dma_start3A_51 = tpu.memref_slice %arg3[%add3A_47, %dma_start3A_50] : memref<2624x112xi32, #tpu.memory_space<hbm>> -> memref<2x112xi32, #tpu.memory_space<hbm>>
    tpu.enqueue_dma source(%dma_start3A_51 : memref<2x112xi32, #tpu.memory_space<hbm>>) target(%arg7 : memref<2x112xi32, #tpu.memory_space<vmem>>) target_semaphore(%arg15 : memref<!tpu.dma_semaphore, #tpu.memory_space<semaphore_mem>>)
    %add3A_52 = arith.constant 2 : i32
    %add3A_53 = arith.addi %mul3A_2, %add3A_52 : i32
    %dma_wait3A_54 = arith.constant 0 : i32
    %dma_wait3A_55 = tpu.memref_slice %arg3[%add3A_53, %dma_wait3A_54] : memref<2624x112xi32, #tpu.memory_space<hbm>> -> memref<2x112xi32, #tpu.memory_space<hbm>>
    %dma_wait3A_56 = arith.constant 0 : i32
    %dma_wait3A_57 = tpu.memref_slice %arg3[%add3A_53, %dma_wait3A_56] : memref<2624x112xi32, #tpu.memory_space<hbm>> -> memref<2x112xi32, #tpu.memory_space<hbm>>
    tpu.wait_dma2 semaphore(%arg14 : memref<!tpu.dma_semaphore, #tpu.memory_space<semaphore_mem>>) src(%dma_wait3A_57 : memref<2x112xi32, #tpu.memory_space<hbm>>) dst(%arg6 : memref<2x112xi32, #tpu.memory_space<vmem>>)
    %dma_start3A_58 = arith.constant 0 : i32
    %dma_start3A_59 = arith.constant 0 : i32
    %dma_start3A_60 = arith.constant 0 : i32
    %dma_start3A_61 = arith.constant 0 : i32
    %dma_start3A_62 = tpu.memref_slice %arg10[%dma_start3A_59, %dma_start3A_60, %dma_start3A_61] : memref<2x112x128xf32, #tpu.memory_space<vmem>> -> memref<1x112x128xf32, #tpu.memory_space<vmem>>
    %dma_start3A_63 = tpu.memref_squeeze %dma_start3A_62 : memref<1x112x128xf32, #tpu.memory_space<vmem>> -> memref<112x128xf32, #tpu.memory_space<vmem>>
    %dma_start3A_64 = arith.constant 0 : i32
    %dma_start3A_65 = tpu.memref_slice %arg6[%dma_start3A_58, %dma_start3A_64] : memref<2x112xi32, #tpu.memory_space<vmem>> -> memref<1x112xi32, #tpu.memory_space<vmem>>
    %dma_start3A_66 = tpu.memref_squeeze %dma_start3A_65 : memref<1x112xi32, #tpu.memory_space<vmem>> -> memref<112xi32, #tpu.memory_space<vmem>>
    %dma_start3A_67 = arith.constant 0 : i32
    %dma_start3A_68 = arith.constant 0 : i32
    %dma_start3A_69 = tpu.memref_slice %arg2[%dma_start3A_67, %dma_start3A_68] : memref<163842x128xf32, #tpu.memory_space<hbm>> -> memref<163842x128xf32, #tpu.memory_space<hbm>>
    tpu.enqueue_indirect_dma source(%dma_start3A_69 : memref<163842x128xf32, #tpu.memory_space<hbm>>) target(%dma_start3A_63 : memref<112x128xf32, #tpu.memory_space<vmem>>) offsets(%dma_start3A_66 : memref<112xi32, #tpu.memory_space<vmem>>) semaphore(%arg19 : memref<!tpu.dma_semaphore, #tpu.memory_space<semaphore_mem>>)
    %dma_start3A_70 = arith.constant 1 : i32
    %dma_start3A_71 = arith.constant 1 : i32
    %dma_start3A_72 = arith.constant 0 : i32
    %dma_start3A_73 = arith.constant 0 : i32
    %dma_start3A_74 = tpu.memref_slice %arg10[%dma_start3A_71, %dma_start3A_72, %dma_start3A_73] : memref<2x112x128xf32, #tpu.memory_space<vmem>> -> memref<1x112x128xf32, #tpu.memory_space<vmem>>
    %dma_start3A_75 = tpu.memref_squeeze %dma_start3A_74 : memref<1x112x128xf32, #tpu.memory_space<vmem>> -> memref<112x128xf32, #tpu.memory_space<vmem>>
    %dma_start3A_76 = arith.constant 0 : i32
    %dma_start3A_77 = tpu.memref_slice %arg6[%dma_start3A_70, %dma_start3A_76] : memref<2x112xi32, #tpu.memory_space<vmem>> -> memref<1x112xi32, #tpu.memory_space<vmem>>
    %dma_start3A_78 = tpu.memref_squeeze %dma_start3A_77 : memref<1x112xi32, #tpu.memory_space<vmem>> -> memref<112xi32, #tpu.memory_space<vmem>>
    %dma_start3A_79 = arith.constant 0 : i32
    %dma_start3A_80 = arith.constant 0 : i32
    %dma_start3A_81 = tpu.memref_slice %arg2[%dma_start3A_79, %dma_start3A_80] : memref<163842x128xf32, #tpu.memory_space<hbm>> -> memref<163842x128xf32, #tpu.memory_space<hbm>>
    tpu.enqueue_indirect_dma source(%dma_start3A_81 : memref<163842x128xf32, #tpu.memory_space<hbm>>) target(%dma_start3A_75 : memref<112x128xf32, #tpu.memory_space<vmem>>) offsets(%dma_start3A_78 : memref<112xi32, #tpu.memory_space<vmem>>) semaphore(%arg20 : memref<!tpu.dma_semaphore, #tpu.memory_space<semaphore_mem>>)
    %add3A_82 = arith.constant 6 : i32
    %add3A_83 = arith.addi %mul3A_2, %add3A_82 : i32
    %dma_start3A_84 = arith.constant 0 : i32
    %dma_start3A_85 = tpu.memref_slice %arg3[%add3A_83, %dma_start3A_84] : memref<2624x112xi32, #tpu.memory_space<hbm>> -> memref<2x112xi32, #tpu.memory_space<hbm>>
    %dma_start3A_86 = arith.constant 0 : i32
    %dma_start3A_87 = tpu.memref_slice %arg3[%add3A_83, %dma_start3A_86] : memref<2624x112xi32, #tpu.memory_space<hbm>> -> memref<2x112xi32, #tpu.memory_space<hbm>>
    tpu.enqueue_dma source(%dma_start3A_87 : memref<2x112xi32, #tpu.memory_space<hbm>>) target(%arg8 : memref<2x112xi32, #tpu.memory_space<vmem>>) target_semaphore(%arg16 : memref<!tpu.dma_semaphore, #tpu.memory_space<semaphore_mem>>)
    %scan3A = arith.constant 0 : i32
    %scan3A_88 = arith.constant 0 : i32
    %scan3A_89 = arith.constant 11 : i32
    %scan3A_90 = arith.addi %scan3A_88, %scan3A_89 : i32
    %scan3A_91 = arith.constant 1 : i32
    scf.for %scan3A_109 = %scan3A_88 to %scan3A_90 step %scan3A_91  : i32 {
      %mul3A_110 = arith.constant 4 : i32
      %mul3A_111 = arith.muli %scan3A_109, %mul3A_110 : i32
      %add3A_112 = arith.constant 0 : i32
      %add3A_113 = arith.addi %mul3A_111, %add3A_112 : i32
      %lt3A = arith.constant 41 : i32
      %lt3A_114 = arith.cmpi slt, %add3A_113, %lt3A : i32
      %convert_element_type3A = arith.extui %lt3A_114 : i1 to i32
      %cond3A = arith.constant 0 : i32
      %cond3A_115 = arith.cmpi ne, %convert_element_type3A, %cond3A : i32
      scf.if %cond3A_115 {
        %dma_wait3A_143 = arith.constant 0 : i32
        %dma_wait3A_144 = arith.constant 0 : i32
        %dma_wait3A_145 = arith.constant 0 : i32
        %dma_wait3A_146 = arith.constant 0 : i32
        %dma_wait3A_147 = tpu.memref_slice %arg9[%dma_wait3A_144, %dma_wait3A_145, %dma_wait3A_146] : memref<2x112x128xf32, #tpu.memory_space<vmem>> -> memref<1x112x128xf32, #tpu.memory_space<vmem>>
        %dma_wait3A_148 = tpu.memref_squeeze %dma_wait3A_147 : memref<1x112x128xf32, #tpu.memory_space<vmem>> -> memref<112x128xf32, #tpu.memory_space<vmem>>
        %dma_wait3A_149 = arith.constant 0 : i32
        %dma_wait3A_150 = tpu.memref_slice %arg5[%dma_wait3A_143, %dma_wait3A_149] : memref<2x112xi32, #tpu.memory_space<vmem>> -> memref<1x112xi32, #tpu.memory_space<vmem>>
        %dma_wait3A_151 = tpu.memref_squeeze %dma_wait3A_150 : memref<1x112xi32, #tpu.memory_space<vmem>> -> memref<112xi32, #tpu.memory_space<vmem>>
        %dma_wait3A_152 = arith.constant 0 : i32
        %dma_wait3A_153 = arith.constant 0 : i32
        %dma_wait3A_154 = tpu.memref_slice %arg2[%dma_wait3A_152, %dma_wait3A_153] : memref<163842x128xf32, #tpu.memory_space<hbm>> -> memref<163842x128xf32, #tpu.memory_space<hbm>>
        tpu.wait_indirect_dma semaphore(%arg17 : memref<!tpu.dma_semaphore, #tpu.memory_space<semaphore_mem>>) src(%dma_wait3A_154 : memref<163842x128xf32, #tpu.memory_space<hbm>>) dst(%dma_wait3A_148 : memref<112x128xf32, #tpu.memory_space<vmem>>)
        %mul3A_155 = arith.constant 2 : i32
        %mul3A_156 = arith.muli %add3A_113, %mul3A_155 : i32
        %add3A_157 = arith.addi %mul3A_2, %mul3A_156 : i32
        %add3A_158 = arith.constant 0 : i32
        %add3A_159 = arith.addi %add3A_157, %add3A_158 : i32
        %mul3A_160 = arith.constant 16 : i32
        %mul3A_161 = arith.muli %add3A_159, %mul3A_160 : i32
        %gt3A = arith.constant 0 : i32
        %gt3A_162 = arith.cmpi sgt, %add3A_113, %gt3A : i32
        %convert_element_type3A_163 = arith.extui %gt3A_162 : i1 to i32
        %cond3A_164 = arith.constant 0 : i32
        %cond3A_165 = arith.cmpi ne, %convert_element_type3A_163, %cond3A_164 : i32
        scf.if %cond3A_165 {
          %dma_wait3A_212 = arith.constant 0 : i32
          %dma_wait3A_213 = tpu.memref_slice %arg4[%mul3A_161, %dma_wait3A_212] : memref<41984x128xf32, #tpu.memory_space<hbm>> -> memref<16x128xf32, #tpu.memory_space<hbm>>
          %dma_wait3A_214 = arith.constant 0 : i32
          %dma_wait3A_215 = tpu.memref_slice %arg4[%mul3A_161, %dma_wait3A_214] : memref<41984x128xf32, #tpu.memory_space<hbm>> -> memref<16x128xf32, #tpu.memory_space<hbm>>
          tpu.wait_dma2 semaphore(%arg21 : memref<!tpu.dma_semaphore, #tpu.memory_space<semaphore_mem>>) src(%arg11 : memref<16x128xf32, #tpu.memory_space<vmem>>) dst(%dma_wait3A_215 : memref<16x128xf32, #tpu.memory_space<hbm>>)
        } else {
        }
        %parallel_loop3A = arith.constant 0 : i32
        %parallel_loop3A_166 = arith.constant 128 : i32
        %parallel_loop3A_167 = arith.constant 1 : i32
        %parallel_loop3A_168 = arith.constant 0 : i32
        scf.for %parallel_loop3A_212 = %parallel_loop3A to %parallel_loop3A_166 step %parallel_loop3A_167  : i32 {
          %parallel_loop3A_213 = arith.constant 7 : i32
          %parallel_loop3A_214 = arith.muli %parallel_loop3A_213, %parallel_loop3A_212 : i32
          %parallel_loop3A_215 = arith.constant 0 : i32
          %parallel_loop3A_216 = arith.addi %parallel_loop3A_214, %parallel_loop3A_215 : i32
          %parallel_loop3A_217 = arith.constant 7 : i32
          %parallel_loop3A_218 = arith.shrsi %parallel_loop3A_216, %parallel_loop3A_217 : i32
          %parallel_loop3A_219 = vector.broadcast %parallel_loop3A_218 : i32 to vector<16xi32>
          %parallel_loop3A_220 = arith.addi %mul3A_5, %parallel_loop3A_219 : vector<16xi32>
          %parallel_loop3A_221 = arith.constant 127 : i32
          %parallel_loop3A_222 = arith.andi %parallel_loop3A_216, %parallel_loop3A_221 : i32
          %parallel_loop3A_223 = vector.broadcast %parallel_loop3A_222 : i32 to vector<16xi32>
          %parallel_loop3A_224 = arith.constant 0 : i32
          %parallel_loop3A_225 = arith.constant 0 : i32
          %parallel_loop3A_226 = tpu.memref_slice %arg9[%parallel_loop3A_168, %parallel_loop3A_224, %parallel_loop3A_225] : memref<2x112x128xf32, #tpu.memory_space<vmem>> -> memref<1x112x128xf32, #tpu.memory_space<vmem>>
          %parallel_loop3A_227 = tpu.memref_squeeze %parallel_loop3A_226 : memref<1x112x128xf32, #tpu.memory_space<vmem>> -> memref<112x128xf32, #tpu.memory_space<vmem>>
          %parallel_loop3A_228 = tpu.vector_load_idx %parallel_loop3A_227[%parallel_loop3A_220, %parallel_loop3A_223] : memref<112x128xf32, #tpu.memory_space<vmem>>[vector<16xi32>, vector<16xi32>], vector<16xf32>,
          %parallel_loop3A_229 = arith.constant 1 : i32
          %parallel_loop3A_230 = arith.addi %parallel_loop3A_214, %parallel_loop3A_229 : i32
          %parallel_loop3A_231 = arith.constant 7 : i32
          %parallel_loop3A_232 = arith.shrsi %parallel_loop3A_230, %parallel_loop3A_231 : i32
          %parallel_loop3A_233 = vector.broadcast %parallel_loop3A_232 : i32 to vector<16xi32>
          %parallel_loop3A_234 = arith.addi %mul3A_5, %parallel_loop3A_233 : vector<16xi32>
          %parallel_loop3A_235 = arith.constant 127 : i32
          %parallel_loop3A_236 = arith.andi %parallel_loop3A_230, %parallel_loop3A_235 : i32
          %parallel_loop3A_237 = vector.broadcast %parallel_loop3A_236 : i32 to vector<16xi32>
          %parallel_loop3A_238 = arith.constant 0 : i32
          %parallel_loop3A_239 = arith.constant 0 : i32
          %parallel_loop3A_240 = tpu.memref_slice %arg9[%parallel_loop3A_168, %parallel_loop3A_238, %parallel_loop3A_239] : memref<2x112x128xf32, #tpu.memory_space<vmem>> -> memref<1x112x128xf32, #tpu.memory_space<vmem>>
          %parallel_loop3A_241 = tpu.memref_squeeze %parallel_loop3A_240 : memref<1x112x128xf32, #tpu.memory_space<vmem>> -> memref<112x128xf32, #tpu.memory_space<vmem>>
          %parallel_loop3A_242 = tpu.vector_load_idx %parallel_loop3A_241[%parallel_loop3A_234, %parallel_loop3A_237] : memref<112x128xf32, #tpu.memory_space<vmem>>[vector<16xi32>, vector<16xi32>], vector<16xf32>,
          %parallel_loop3A_243 = arith.constant 2 : i32
          %parallel_loop3A_244 = arith.addi %parallel_loop3A_214, %parallel_loop3A_243 : i32
          %parallel_loop3A_245 = arith.constant 7 : i32
          %parallel_loop3A_246 = arith.shrsi %parallel_loop3A_244, %parallel_loop3A_245 : i32
          %parallel_loop3A_247 = vector.broadcast %parallel_loop3A_246 : i32 to vector<16xi32>
          %parallel_loop3A_248 = arith.addi %mul3A_5, %parallel_loop3A_247 : vector<16xi32>
          %parallel_loop3A_249 = arith.constant 127 : i32
          %parallel_loop3A_250 = arith.andi %parallel_loop3A_244, %parallel_loop3A_249 : i32
          %parallel_loop3A_251 = vector.broadcast %parallel_loop3A_250 : i32 to vector<16xi32>
          %parallel_loop3A_252 = arith.constant 0 : i32
          %parallel_loop3A_253 = arith.constant 0 : i32
          %parallel_loop3A_254 = tpu.memref_slice %arg9[%parallel_loop3A_168, %parallel_loop3A_252, %parallel_loop3A_253] : memref<2x112x128xf32, #tpu.memory_space<vmem>> -> memref<1x112x128xf32, #tpu.memory_space<vmem>>
          %parallel_loop3A_255 = tpu.memref_squeeze %parallel_loop3A_254 : memref<1x112x128xf32, #tpu.memory_space<vmem>> -> memref<112x128xf32, #tpu.memory_space<vmem>>
          %parallel_loop3A_256 = tpu.vector_load_idx %parallel_loop3A_255[%parallel_loop3A_248, %parallel_loop3A_251] : memref<112x128xf32, #tpu.memory_space<vmem>>[vector<16xi32>, vector<16xi32>], vector<16xf32>,
          %parallel_loop3A_257 = arith.constant 3 : i32
          %parallel_loop3A_258 = arith.addi %parallel_loop3A_214, %parallel_loop3A_257 : i32
          %parallel_loop3A_259 = arith.constant 7 : i32
          %parallel_loop3A_260 = arith.shrsi %parallel_loop3A_258, %parallel_loop3A_259 : i32
          %parallel_loop3A_261 = vector.broadcast %parallel_loop3A_260 : i32 to vector<16xi32>
          %parallel_loop3A_262 = arith.addi %mul3A_5, %parallel_loop3A_261 : vector<16xi32>
          %parallel_loop3A_263 = arith.constant 127 : i32
          %parallel_loop3A_264 = arith.andi %parallel_loop3A_258, %parallel_loop3A_263 : i32
          %parallel_loop3A_265 = vector.broadcast %parallel_loop3A_264 : i32 to vector<16xi32>
          %parallel_loop3A_266 = arith.constant 0 : i32
          %parallel_loop3A_267 = arith.constant 0 : i32
          %parallel_loop3A_268 = tpu.memref_slice %arg9[%parallel_loop3A_168, %parallel_loop3A_266, %parallel_loop3A_267] : memref<2x112x128xf32, #tpu.memory_space<vmem>> -> memref<1x112x128xf32, #tpu.memory_space<vmem>>
          %parallel_loop3A_269 = tpu.memref_squeeze %parallel_loop3A_268 : memref<1x112x128xf32, #tpu.memory_space<vmem>> -> memref<112x128xf32, #tpu.memory_space<vmem>>
          %parallel_loop3A_270 = tpu.vector_load_idx %parallel_loop3A_269[%parallel_loop3A_262, %parallel_loop3A_265] : memref<112x128xf32, #tpu.memory_space<vmem>>[vector<16xi32>, vector<16xi32>], vector<16xf32>,
          %parallel_loop3A_271 = arith.constant 4 : i32
          %parallel_loop3A_272 = arith.addi %parallel_loop3A_214, %parallel_loop3A_271 : i32
          %parallel_loop3A_273 = arith.constant 7 : i32
          %parallel_loop3A_274 = arith.shrsi %parallel_loop3A_272, %parallel_loop3A_273 : i32
          %parallel_loop3A_275 = vector.broadcast %parallel_loop3A_274 : i32 to vector<16xi32>
          %parallel_loop3A_276 = arith.addi %mul3A_5, %parallel_loop3A_275 : vector<16xi32>
          %parallel_loop3A_277 = arith.constant 127 : i32
          %parallel_loop3A_278 = arith.andi %parallel_loop3A_272, %parallel_loop3A_277 : i32
          %parallel_loop3A_279 = vector.broadcast %parallel_loop3A_278 : i32 to vector<16xi32>
          %parallel_loop3A_280 = arith.constant 0 : i32
          %parallel_loop3A_281 = arith.constant 0 : i32
          %parallel_loop3A_282 = tpu.memref_slice %arg9[%parallel_loop3A_168, %parallel_loop3A_280, %parallel_loop3A_281] : memref<2x112x128xf32, #tpu.memory_space<vmem>> -> memref<1x112x128xf32, #tpu.memory_space<vmem>>
          %parallel_loop3A_283 = tpu.memref_squeeze %parallel_loop3A_282 : memref<1x112x128xf32, #tpu.memory_space<vmem>> -> memref<112x128xf32, #tpu.memory_space<vmem>>
          %parallel_loop3A_284 = tpu.vector_load_idx %parallel_loop3A_283[%parallel_loop3A_276, %parallel_loop3A_279] : memref<112x128xf32, #tpu.memory_space<vmem>>[vector<16xi32>, vector<16xi32>], vector<16xf32>,
          %parallel_loop3A_285 = arith.constant 5 : i32
          %parallel_loop3A_286 = arith.addi %parallel_loop3A_214, %parallel_loop3A_285 : i32
          %parallel_loop3A_287 = arith.constant 7 : i32
          %parallel_loop3A_288 = arith.shrsi %parallel_loop3A_286, %parallel_loop3A_287 : i32
          %parallel_loop3A_289 = vector.broadcast %parallel_loop3A_288 : i32 to vector<16xi32>
          %parallel_loop3A_290 = arith.addi %mul3A_5, %parallel_loop3A_289 : vector<16xi32>
          %parallel_loop3A_291 = arith.constant 127 : i32
          %parallel_loop3A_292 = arith.andi %parallel_loop3A_286, %parallel_loop3A_291 : i32
          %parallel_loop3A_293 = vector.broadcast %parallel_loop3A_292 : i32 to vector<16xi32>
          %parallel_loop3A_294 = arith.constant 0 : i32
          %parallel_loop3A_295 = arith.constant 0 : i32
          %parallel_loop3A_296 = tpu.memref_slice %arg9[%parallel_loop3A_168, %parallel_loop3A_294, %parallel_loop3A_295] : memref<2x112x128xf32, #tpu.memory_space<vmem>> -> memref<1x112x128xf32, #tpu.memory_space<vmem>>
          %parallel_loop3A_297 = tpu.memref_squeeze %parallel_loop3A_296 : memref<1x112x128xf32, #tpu.memory_space<vmem>> -> memref<112x128xf32, #tpu.memory_space<vmem>>
          %parallel_loop3A_298 = tpu.vector_load_idx %parallel_loop3A_297[%parallel_loop3A_290, %parallel_loop3A_293] : memref<112x128xf32, #tpu.memory_space<vmem>>[vector<16xi32>, vector<16xi32>], vector<16xf32>,
          %parallel_loop3A_299 = arith.constant 6 : i32
          %parallel_loop3A_300 = arith.addi %parallel_loop3A_214, %parallel_loop3A_299 : i32
          %parallel_loop3A_301 = arith.constant 7 : i32
          %parallel_loop3A_302 = arith.shrsi %parallel_loop3A_300, %parallel_loop3A_301 : i32
          %parallel_loop3A_303 = vector.broadcast %parallel_loop3A_302 : i32 to vector<16xi32>
          %parallel_loop3A_304 = arith.addi %mul3A_5, %parallel_loop3A_303 : vector<16xi32>
          %parallel_loop3A_305 = arith.constant 127 : i32
          %parallel_loop3A_306 = arith.andi %parallel_loop3A_300, %parallel_loop3A_305 : i32
          %parallel_loop3A_307 = vector.broadcast %parallel_loop3A_306 : i32 to vector<16xi32>
          %parallel_loop3A_308 = arith.constant 0 : i32
          %parallel_loop3A_309 = arith.constant 0 : i32
          %parallel_loop3A_310 = tpu.memref_slice %arg9[%parallel_loop3A_168, %parallel_loop3A_308, %parallel_loop3A_309] : memref<2x112x128xf32, #tpu.memory_space<vmem>> -> memref<1x112x128xf32, #tpu.memory_space<vmem>>
          %parallel_loop3A_311 = tpu.memref_squeeze %parallel_loop3A_310 : memref<1x112x128xf32, #tpu.memory_space<vmem>> -> memref<112x128xf32, #tpu.memory_space<vmem>>
          %parallel_loop3A_312 = tpu.vector_load_idx %parallel_loop3A_311[%parallel_loop3A_304, %parallel_loop3A_307] : memref<112x128xf32, #tpu.memory_space<vmem>>[vector<16xi32>, vector<16xi32>], vector<16xf32>,
          %parallel_loop3A_313 = arith.addf %parallel_loop3A_228, %parallel_loop3A_242 : vector<16xf32>
          %parallel_loop3A_314 = arith.addf %parallel_loop3A_256, %parallel_loop3A_270 : vector<16xf32>
          %parallel_loop3A_315 = arith.addf %parallel_loop3A_313, %parallel_loop3A_314 : vector<16xf32>
          %parallel_loop3A_316 = arith.addf %parallel_loop3A_284, %parallel_loop3A_298 : vector<16xf32>
          %parallel_loop3A_317 = arith.addf %parallel_loop3A_316, %parallel_loop3A_312 : vector<16xf32>
          %parallel_loop3A_318 = arith.addf %parallel_loop3A_315, %parallel_loop3A_317 : vector<16xf32>
          %parallel_loop3A_319 = vector.broadcast %parallel_loop3A_212 : i32 to vector<16xi32>
          %parallel_loop3A_320 = arith.constant 0.142857149 : f32
          %parallel_loop3A_321 = vector.broadcast %parallel_loop3A_320 : f32 to vector<16xf32>
          %parallel_loop3A_322 = arith.mulf %parallel_loop3A_318, %parallel_loop3A_321 : vector<16xf32>
          tpu.vector_store_idx %arg11[%iota3A, %parallel_loop3A_319], %parallel_loop3A_322 : memref<16x128xf32, #tpu.memory_space<vmem>>[vector<16xi32>, vector<16xi32>], vector<16xf32>,
        } {sc.loop_unroll_factor = 4 : i64, sc.parallel_access}
        %dma_start3A_169 = arith.constant 0 : i32
        %dma_start3A_170 = tpu.memref_slice %arg4[%mul3A_161, %dma_start3A_169] : memref<41984x128xf32, #tpu.memory_space<hbm>> -> memref<16x128xf32, #tpu.memory_space<hbm>>
        %dma_start3A_171 = arith.constant 0 : i32
        %dma_start3A_172 = tpu.memref_slice %arg4[%mul3A_161, %dma_start3A_171] : memref<41984x128xf32, #tpu.memory_space<hbm>> -> memref<16x128xf32, #tpu.memory_space<hbm>>
        tpu.enqueue_dma source(%arg11 : memref<16x128xf32, #tpu.memory_space<vmem>>) target(%dma_start3A_172 : memref<16x128xf32, #tpu.memory_space<hbm>>) target_semaphore(%arg21 : memref<!tpu.dma_semaphore, #tpu.memory_space<semaphore_mem>>)
        %dma_wait3A_173 = arith.constant 1 : i32
        %dma_wait3A_174 = arith.constant 1 : i32
        %dma_wait3A_175 = arith.constant 0 : i32
        %dma_wait3A_176 = arith.constant 0 : i32
        %dma_wait3A_177 = tpu.memref_slice %arg9[%dma_wait3A_174, %dma_wait3A_175, %dma_wait3A_176] : memref<2x112x128xf32, #tpu.memory_space<vmem>> -> memref<1x112x128xf32, #tpu.memory_space<vmem>>
        %dma_wait3A_178 = tpu.memref_squeeze %dma_wait3A_177 : memref<1x112x128xf32, #tpu.memory_space<vmem>> -> memref<112x128xf32, #tpu.memory_space<vmem>>
        %dma_wait3A_179 = arith.constant 0 : i32
        %dma_wait3A_180 = tpu.memref_slice %arg5[%dma_wait3A_173, %dma_wait3A_179] : memref<2x112xi32, #tpu.memory_space<vmem>> -> memref<1x112xi32, #tpu.memory_space<vmem>>
        %dma_wait3A_181 = tpu.memref_squeeze %dma_wait3A_180 : memref<1x112xi32, #tpu.memory_space<vmem>> -> memref<112xi32, #tpu.memory_space<vmem>>
        %dma_wait3A_182 = arith.constant 0 : i32
        %dma_wait3A_183 = arith.constant 0 : i32
        %dma_wait3A_184 = tpu.memref_slice %arg2[%dma_wait3A_182, %dma_wait3A_183] : memref<163842x128xf32, #tpu.memory_space<hbm>> -> memref<163842x128xf32, #tpu.memory_space<hbm>>
        tpu.wait_indirect_dma semaphore(%arg18 : memref<!tpu.dma_semaphore, #tpu.memory_space<semaphore_mem>>) src(%dma_wait3A_184 : memref<163842x128xf32, #tpu.memory_space<hbm>>) dst(%dma_wait3A_178 : memref<112x128xf32, #tpu.memory_space<vmem>>)
        %mul3A_185 = arith.constant 2 : i32
        %mul3A_186 = arith.muli %add3A_113, %mul3A_185 : i32
        %add3A_187 = arith.addi %mul3A_2, %mul3A_186 : i32
        %add3A_188 = arith.constant 1 : i32
        %add3A_189 = arith.addi %add3A_187, %add3A_188 : i32
        %mul3A_190 = arith.constant 16 : i32
        %mul3A_191 = arith.muli %add3A_189, %mul3A_190 : i32
        %gt3A_192 = arith.constant 0 : i32
        %gt3A_193 = arith.cmpi sgt, %add3A_113, %gt3A_192 : i32
        %convert_element_type3A_194 = arith.extui %gt3A_193 : i1 to i32
        %cond3A_195 = arith.constant 0 : i32
        %cond3A_196 = arith.cmpi ne, %convert_element_type3A_194, %cond3A_195 : i32
        scf.if %cond3A_196 {
          %dma_wait3A_212 = arith.constant 0 : i32
          %dma_wait3A_213 = tpu.memref_slice %arg4[%mul3A_191, %dma_wait3A_212] : memref<41984x128xf32, #tpu.memory_space<hbm>> -> memref<16x128xf32, #tpu.memory_space<hbm>>
          %dma_wait3A_214 = arith.constant 0 : i32
          %dma_wait3A_215 = tpu.memref_slice %arg4[%mul3A_191, %dma_wait3A_214] : memref<41984x128xf32, #tpu.memory_space<hbm>> -> memref<16x128xf32, #tpu.memory_space<hbm>>
          tpu.wait_dma2 semaphore(%arg22 : memref<!tpu.dma_semaphore, #tpu.memory_space<semaphore_mem>>) src(%arg12 : memref<16x128xf32, #tpu.memory_space<vmem>>) dst(%dma_wait3A_215 : memref<16x128xf32, #tpu.memory_space<hbm>>)
        } else {
        }
        %parallel_loop3A_197 = arith.constant 0 : i32
        %parallel_loop3A_198 = arith.constant 128 : i32
        %parallel_loop3A_199 = arith.constant 1 : i32
        %parallel_loop3A_200 = arith.constant 1 : i32
        scf.for %parallel_loop3A_212 = %parallel_loop3A_197 to %parallel_loop3A_198 step %parallel_loop3A_199  : i32 {
          %parallel_loop3A_213 = arith.constant 7 : i32
          %parallel_loop3A_214 = arith.muli %parallel_loop3A_213, %parallel_loop3A_212 : i32
          %parallel_loop3A_215 = arith.constant 0 : i32
          %parallel_loop3A_216 = arith.addi %parallel_loop3A_214, %parallel_loop3A_215 : i32
          %parallel_loop3A_217 = arith.constant 7 : i32
          %parallel_loop3A_218 = arith.shrsi %parallel_loop3A_216, %parallel_loop3A_217 : i32
          %parallel_loop3A_219 = vector.broadcast %parallel_loop3A_218 : i32 to vector<16xi32>
          %parallel_loop3A_220 = arith.addi %mul3A_5, %parallel_loop3A_219 : vector<16xi32>
          %parallel_loop3A_221 = arith.constant 127 : i32
          %parallel_loop3A_222 = arith.andi %parallel_loop3A_216, %parallel_loop3A_221 : i32
          %parallel_loop3A_223 = vector.broadcast %parallel_loop3A_222 : i32 to vector<16xi32>
          %parallel_loop3A_224 = arith.constant 0 : i32
          %parallel_loop3A_225 = arith.constant 0 : i32
          %parallel_loop3A_226 = tpu.memref_slice %arg9[%parallel_loop3A_200, %parallel_loop3A_224, %parallel_loop3A_225] : memref<2x112x128xf32, #tpu.memory_space<vmem>> -> memref<1x112x128xf32, #tpu.memory_space<vmem>>
          %parallel_loop3A_227 = tpu.memref_squeeze %parallel_loop3A_226 : memref<1x112x128xf32, #tpu.memory_space<vmem>> -> memref<112x128xf32, #tpu.memory_space<vmem>>
          %parallel_loop3A_228 = tpu.vector_load_idx %parallel_loop3A_227[%parallel_loop3A_220, %parallel_loop3A_223] : memref<112x128xf32, #tpu.memory_space<vmem>>[vector<16xi32>, vector<16xi32>], vector<16xf32>,
          %parallel_loop3A_229 = arith.constant 1 : i32
          %parallel_loop3A_230 = arith.addi %parallel_loop3A_214, %parallel_loop3A_229 : i32
          %parallel_loop3A_231 = arith.constant 7 : i32
          %parallel_loop3A_232 = arith.shrsi %parallel_loop3A_230, %parallel_loop3A_231 : i32
          %parallel_loop3A_233 = vector.broadcast %parallel_loop3A_232 : i32 to vector<16xi32>
          %parallel_loop3A_234 = arith.addi %mul3A_5, %parallel_loop3A_233 : vector<16xi32>
          %parallel_loop3A_235 = arith.constant 127 : i32
          %parallel_loop3A_236 = arith.andi %parallel_loop3A_230, %parallel_loop3A_235 : i32
          %parallel_loop3A_237 = vector.broadcast %parallel_loop3A_236 : i32 to vector<16xi32>
          %parallel_loop3A_238 = arith.constant 0 : i32
          %parallel_loop3A_239 = arith.constant 0 : i32
          %parallel_loop3A_240 = tpu.memref_slice %arg9[%parallel_loop3A_200, %parallel_loop3A_238, %parallel_loop3A_239] : memref<2x112x128xf32, #tpu.memory_space<vmem>> -> memref<1x112x128xf32, #tpu.memory_space<vmem>>
          %parallel_loop3A_241 = tpu.memref_squeeze %parallel_loop3A_240 : memref<1x112x128xf32, #tpu.memory_space<vmem>> -> memref<112x128xf32, #tpu.memory_space<vmem>>
          %parallel_loop3A_242 = tpu.vector_load_idx %parallel_loop3A_241[%parallel_loop3A_234, %parallel_loop3A_237] : memref<112x128xf32, #tpu.memory_space<vmem>>[vector<16xi32>, vector<16xi32>], vector<16xf32>,
          %parallel_loop3A_243 = arith.constant 2 : i32
          %parallel_loop3A_244 = arith.addi %parallel_loop3A_214, %parallel_loop3A_243 : i32
          %parallel_loop3A_245 = arith.constant 7 : i32
          %parallel_loop3A_246 = arith.shrsi %parallel_loop3A_244, %parallel_loop3A_245 : i32
          %parallel_loop3A_247 = vector.broadcast %parallel_loop3A_246 : i32 to vector<16xi32>
          %parallel_loop3A_248 = arith.addi %mul3A_5, %parallel_loop3A_247 : vector<16xi32>
          %parallel_loop3A_249 = arith.constant 127 : i32
          %parallel_loop3A_250 = arith.andi %parallel_loop3A_244, %parallel_loop3A_249 : i32
          %parallel_loop3A_251 = vector.broadcast %parallel_loop3A_250 : i32 to vector<16xi32>
          %parallel_loop3A_252 = arith.constant 0 : i32
          %parallel_loop3A_253 = arith.constant 0 : i32
          %parallel_loop3A_254 = tpu.memref_slice %arg9[%parallel_loop3A_200, %parallel_loop3A_252, %parallel_loop3A_253] : memref<2x112x128xf32, #tpu.memory_space<vmem>> -> memref<1x112x128xf32, #tpu.memory_space<vmem>>
          %parallel_loop3A_255 = tpu.memref_squeeze %parallel_loop3A_254 : memref<1x112x128xf32, #tpu.memory_space<vmem>> -> memref<112x128xf32, #tpu.memory_space<vmem>>
          %parallel_loop3A_256 = tpu.vector_load_idx %parallel_loop3A_255[%parallel_loop3A_248, %parallel_loop3A_251] : memref<112x128xf32, #tpu.memory_space<vmem>>[vector<16xi32>, vector<16xi32>], vector<16xf32>,
          %parallel_loop3A_257 = arith.constant 3 : i32
          %parallel_loop3A_258 = arith.addi %parallel_loop3A_214, %parallel_loop3A_257 : i32
          %parallel_loop3A_259 = arith.constant 7 : i32
          %parallel_loop3A_260 = arith.shrsi %parallel_loop3A_258, %parallel_loop3A_259 : i32
          %parallel_loop3A_261 = vector.broadcast %parallel_loop3A_260 : i32 to vector<16xi32>
          %parallel_loop3A_262 = arith.addi %mul3A_5, %parallel_loop3A_261 : vector<16xi32>
          %parallel_loop3A_263 = arith.constant 127 : i32
          %parallel_loop3A_264 = arith.andi %parallel_loop3A_258, %parallel_loop3A_263 : i32
          %parallel_loop3A_265 = vector.broadcast %parallel_loop3A_264 : i32 to vector<16xi32>
          %parallel_loop3A_266 = arith.constant 0 : i32
          %parallel_loop3A_267 = arith.constant 0 : i32
          %parallel_loop3A_268 = tpu.memref_slice %arg9[%parallel_loop3A_200, %parallel_loop3A_266, %parallel_loop3A_267] : memref<2x112x128xf32, #tpu.memory_space<vmem>> -> memref<1x112x128xf32, #tpu.memory_space<vmem>>
          %parallel_loop3A_269 = tpu.memref_squeeze %parallel_loop3A_268 : memref<1x112x128xf32, #tpu.memory_space<vmem>> -> memref<112x128xf32, #tpu.memory_space<vmem>>
          %parallel_loop3A_270 = tpu.vector_load_idx %parallel_loop3A_269[%parallel_loop3A_262, %parallel_loop3A_265] : memref<112x128xf32, #tpu.memory_space<vmem>>[vector<16xi32>, vector<16xi32>], vector<16xf32>,
          %parallel_loop3A_271 = arith.constant 4 : i32
          %parallel_loop3A_272 = arith.addi %parallel_loop3A_214, %parallel_loop3A_271 : i32
          %parallel_loop3A_273 = arith.constant 7 : i32
          %parallel_loop3A_274 = arith.shrsi %parallel_loop3A_272, %parallel_loop3A_273 : i32
          %parallel_loop3A_275 = vector.broadcast %parallel_loop3A_274 : i32 to vector<16xi32>
          %parallel_loop3A_276 = arith.addi %mul3A_5, %parallel_loop3A_275 : vector<16xi32>
          %parallel_loop3A_277 = arith.constant 127 : i32
          %parallel_loop3A_278 = arith.andi %parallel_loop3A_272, %parallel_loop3A_277 : i32
          %parallel_loop3A_279 = vector.broadcast %parallel_loop3A_278 : i32 to vector<16xi32>
          %parallel_loop3A_280 = arith.constant 0 : i32
          %parallel_loop3A_281 = arith.constant 0 : i32
          %parallel_loop3A_282 = tpu.memref_slice %arg9[%parallel_loop3A_200, %parallel_loop3A_280, %parallel_loop3A_281] : memref<2x112x128xf32, #tpu.memory_space<vmem>> -> memref<1x112x128xf32, #tpu.memory_space<vmem>>
          %parallel_loop3A_283 = tpu.memref_squeeze %parallel_loop3A_282 : memref<1x112x128xf32, #tpu.memory_space<vmem>> -> memref<112x128xf32, #tpu.memory_space<vmem>>
          %parallel_loop3A_284 = tpu.vector_load_idx %parallel_loop3A_283[%parallel_loop3A_276, %parallel_loop3A_279] : memref<112x128xf32, #tpu.memory_space<vmem>>[vector<16xi32>, vector<16xi32>], vector<16xf32>,
          %parallel_loop3A_285 = arith.constant 5 : i32
          %parallel_loop3A_286 = arith.addi %parallel_loop3A_214, %parallel_loop3A_285 : i32
          %parallel_loop3A_287 = arith.constant 7 : i32
          %parallel_loop3A_288 = arith.shrsi %parallel_loop3A_286, %parallel_loop3A_287 : i32
          %parallel_loop3A_289 = vector.broadcast %parallel_loop3A_288 : i32 to vector<16xi32>
          %parallel_loop3A_290 = arith.addi %mul3A_5, %parallel_loop3A_289 : vector<16xi32>
          %parallel_loop3A_291 = arith.constant 127 : i32
          %parallel_loop3A_292 = arith.andi %parallel_loop3A_286, %parallel_loop3A_291 : i32
          %parallel_loop3A_293 = vector.broadcast %parallel_loop3A_292 : i32 to vector<16xi32>
          %parallel_loop3A_294 = arith.constant 0 : i32
          %parallel_loop3A_295 = arith.constant 0 : i32
          %parallel_loop3A_296 = tpu.memref_slice %arg9[%parallel_loop3A_200, %parallel_loop3A_294, %parallel_loop3A_295] : memref<2x112x128xf32, #tpu.memory_space<vmem>> -> memref<1x112x128xf32, #tpu.memory_space<vmem>>
          %parallel_loop3A_297 = tpu.memref_squeeze %parallel_loop3A_296 : memref<1x112x128xf32, #tpu.memory_space<vmem>> -> memref<112x128xf32, #tpu.memory_space<vmem>>
          %parallel_loop3A_298 = tpu.vector_load_idx %parallel_loop3A_297[%parallel_loop3A_290, %parallel_loop3A_293] : memref<112x128xf32, #tpu.memory_space<vmem>>[vector<16xi32>, vector<16xi32>], vector<16xf32>,
          %parallel_loop3A_299 = arith.constant 6 : i32
          %parallel_loop3A_300 = arith.addi %parallel_loop3A_214, %parallel_loop3A_299 : i32
          %parallel_loop3A_301 = arith.constant 7 : i32
          %parallel_loop3A_302 = arith.shrsi %parallel_loop3A_300, %parallel_loop3A_301 : i32
          %parallel_loop3A_303 = vector.broadcast %parallel_loop3A_302 : i32 to vector<16xi32>
          %parallel_loop3A_304 = arith.addi %mul3A_5, %parallel_loop3A_303 : vector<16xi32>
          %parallel_loop3A_305 = arith.constant 127 : i32
          %parallel_loop3A_306 = arith.andi %parallel_loop3A_300, %parallel_loop3A_305 : i32
          %parallel_loop3A_307 = vector.broadcast %parallel_loop3A_306 : i32 to vector<16xi32>
          %parallel_loop3A_308 = arith.constant 0 : i32
          %parallel_loop3A_309 = arith.constant 0 : i32
          %parallel_loop3A_310 = tpu.memref_slice %arg9[%parallel_loop3A_200, %parallel_loop3A_308, %parallel_loop3A_309] : memref<2x112x128xf32, #tpu.memory_space<vmem>> -> memref<1x112x128xf32, #tpu.memory_space<vmem>>
          %parallel_loop3A_311 = tpu.memref_squeeze %parallel_loop3A_310 : memref<1x112x128xf32, #tpu.memory_space<vmem>> -> memref<112x128xf32, #tpu.memory_space<vmem>>
          %parallel_loop3A_312 = tpu.vector_load_idx %parallel_loop3A_311[%parallel_loop3A_304, %parallel_loop3A_307] : memref<112x128xf32, #tpu.memory_space<vmem>>[vector<16xi32>, vector<16xi32>], vector<16xf32>,
          %parallel_loop3A_313 = arith.addf %parallel_loop3A_228, %parallel_loop3A_242 : vector<16xf32>
          %parallel_loop3A_314 = arith.addf %parallel_loop3A_256, %parallel_loop3A_270 : vector<16xf32>
          %parallel_loop3A_315 = arith.addf %parallel_loop3A_313, %parallel_loop3A_314 : vector<16xf32>
          %parallel_loop3A_316 = arith.addf %parallel_loop3A_284, %parallel_loop3A_298 : vector<16xf32>
          %parallel_loop3A_317 = arith.addf %parallel_loop3A_316, %parallel_loop3A_312 : vector<16xf32>
          %parallel_loop3A_318 = arith.addf %parallel_loop3A_315, %parallel_loop3A_317 : vector<16xf32>
          %parallel_loop3A_319 = vector.broadcast %parallel_loop3A_212 : i32 to vector<16xi32>
          %parallel_loop3A_320 = arith.constant 0.142857149 : f32
          %parallel_loop3A_321 = vector.broadcast %parallel_loop3A_320 : f32 to vector<16xf32>
          %parallel_loop3A_322 = arith.mulf %parallel_loop3A_318, %parallel_loop3A_321 : vector<16xf32>
          tpu.vector_store_idx %arg12[%iota3A, %parallel_loop3A_319], %parallel_loop3A_322 : memref<16x128xf32, #tpu.memory_space<vmem>>[vector<16xi32>, vector<16xi32>], vector<16xf32>,
        } {sc.loop_unroll_factor = 4 : i64, sc.parallel_access}
        %dma_start3A_201 = arith.constant 0 : i32
        %dma_start3A_202 = tpu.memref_slice %arg4[%mul3A_191, %dma_start3A_201] : memref<41984x128xf32, #tpu.memory_space<hbm>> -> memref<16x128xf32, #tpu.memory_space<hbm>>
        %dma_start3A_203 = arith.constant 0 : i32
        %dma_start3A_204 = tpu.memref_slice %arg4[%mul3A_191, %dma_start3A_203] : memref<41984x128xf32, #tpu.memory_space<hbm>> -> memref<16x128xf32, #tpu.memory_space<hbm>>
        tpu.enqueue_dma source(%arg12 : memref<16x128xf32, #tpu.memory_space<vmem>>) target(%dma_start3A_204 : memref<16x128xf32, #tpu.memory_space<hbm>>) target_semaphore(%arg22 : memref<!tpu.dma_semaphore, #tpu.memory_space<semaphore_mem>>)
        %add3A_205 = arith.constant 2 : i32
        %add3A_206 = arith.addi %add3A_113, %add3A_205 : i32
        %lt3A_207 = arith.constant 41 : i32
        %lt3A_208 = arith.cmpi slt, %add3A_206, %lt3A_207 : i32
        %convert_element_type3A_209 = arith.extui %lt3A_208 : i1 to i32
        %cond3A_210 = arith.constant 0 : i32
        %cond3A_211 = arith.cmpi ne, %convert_element_type3A_209, %cond3A_210 : i32
        scf.if %cond3A_211 {
          %add3A_212 = arith.constant 2 : i32
          %add3A_213 = arith.addi %add3A_113, %add3A_212 : i32
          %mul3A_214 = arith.constant 2 : i32
          %mul3A_215 = arith.muli %add3A_213, %mul3A_214 : i32
          %add3A_216 = arith.addi %mul3A_2, %mul3A_215 : i32
          %dma_wait3A_217 = arith.constant 0 : i32
          %dma_wait3A_218 = tpu.memref_slice %arg3[%add3A_216, %dma_wait3A_217] : memref<2624x112xi32, #tpu.memory_space<hbm>> -> memref<2x112xi32, #tpu.memory_space<hbm>>
          %dma_wait3A_219 = arith.constant 0 : i32
          %dma_wait3A_220 = tpu.memref_slice %arg3[%add3A_216, %dma_wait3A_219] : memref<2624x112xi32, #tpu.memory_space<hbm>> -> memref<2x112xi32, #tpu.memory_space<hbm>>
          tpu.wait_dma2 semaphore(%arg15 : memref<!tpu.dma_semaphore, #tpu.memory_space<semaphore_mem>>) src(%dma_wait3A_220 : memref<2x112xi32, #tpu.memory_space<hbm>>) dst(%arg7 : memref<2x112xi32, #tpu.memory_space<vmem>>)
          %dma_start3A_221 = arith.constant 0 : i32
          %dma_start3A_222 = arith.constant 0 : i32
          %dma_start3A_223 = arith.constant 0 : i32
          %dma_start3A_224 = arith.constant 0 : i32
          %dma_start3A_225 = tpu.memref_slice %arg9[%dma_start3A_222, %dma_start3A_223, %dma_start3A_224] : memref<2x112x128xf32, #tpu.memory_space<vmem>> -> memref<1x112x128xf32, #tpu.memory_space<vmem>>
          %dma_start3A_226 = tpu.memref_squeeze %dma_start3A_225 : memref<1x112x128xf32, #tpu.memory_space<vmem>> -> memref<112x128xf32, #tpu.memory_space<vmem>>
          %dma_start3A_227 = arith.constant 0 : i32
          %dma_start3A_228 = tpu.memref_slice %arg7[%dma_start3A_221, %dma_start3A_227] : memref<2x112xi32, #tpu.memory_space<vmem>> -> memref<1x112xi32, #tpu.memory_space<vmem>>
          %dma_start3A_229 = tpu.memref_squeeze %dma_start3A_228 : memref<1x112xi32, #tpu.memory_space<vmem>> -> memref<112xi32, #tpu.memory_space<vmem>>
          %dma_start3A_230 = arith.constant 0 : i32
          %dma_start3A_231 = arith.constant 0 : i32
          %dma_start3A_232 = tpu.memref_slice %arg2[%dma_start3A_230, %dma_start3A_231] : memref<163842x128xf32, #tpu.memory_space<hbm>> -> memref<163842x128xf32, #tpu.memory_space<hbm>>
          tpu.enqueue_indirect_dma source(%dma_start3A_232 : memref<163842x128xf32, #tpu.memory_space<hbm>>) target(%dma_start3A_226 : memref<112x128xf32, #tpu.memory_space<vmem>>) offsets(%dma_start3A_229 : memref<112xi32, #tpu.memory_space<vmem>>) semaphore(%arg17 : memref<!tpu.dma_semaphore, #tpu.memory_space<semaphore_mem>>)
          %dma_start3A_233 = arith.constant 1 : i32
          %dma_start3A_234 = arith.constant 1 : i32
          %dma_start3A_235 = arith.constant 0 : i32
          %dma_start3A_236 = arith.constant 0 : i32
          %dma_start3A_237 = tpu.memref_slice %arg9[%dma_start3A_234, %dma_start3A_235, %dma_start3A_236] : memref<2x112x128xf32, #tpu.memory_space<vmem>> -> memref<1x112x128xf32, #tpu.memory_space<vmem>>
          %dma_start3A_238 = tpu.memref_squeeze %dma_start3A_237 : memref<1x112x128xf32, #tpu.memory_space<vmem>> -> memref<112x128xf32, #tpu.memory_space<vmem>>
          %dma_start3A_239 = arith.constant 0 : i32
          %dma_start3A_240 = tpu.memref_slice %arg7[%dma_start3A_233, %dma_start3A_239] : memref<2x112xi32, #tpu.memory_space<vmem>> -> memref<1x112xi32, #tpu.memory_space<vmem>>
          %dma_start3A_241 = tpu.memref_squeeze %dma_start3A_240 : memref<1x112xi32, #tpu.memory_space<vmem>> -> memref<112xi32, #tpu.memory_space<vmem>>
          %dma_start3A_242 = arith.constant 0 : i32
          %dma_start3A_243 = arith.constant 0 : i32
          %dma_start3A_244 = tpu.memref_slice %arg2[%dma_start3A_242, %dma_start3A_243] : memref<163842x128xf32, #tpu.memory_space<hbm>> -> memref<163842x128xf32, #tpu.memory_space<hbm>>
          tpu.enqueue_indirect_dma source(%dma_start3A_244 : memref<163842x128xf32, #tpu.memory_space<hbm>>) target(%dma_start3A_238 : memref<112x128xf32, #tpu.memory_space<vmem>>) offsets(%dma_start3A_241 : memref<112xi32, #tpu.memory_space<vmem>>) semaphore(%arg18 : memref<!tpu.dma_semaphore, #tpu.memory_space<semaphore_mem>>)
          %add3A_245 = arith.constant 4 : i32
          %add3A_246 = arith.addi %add3A_113, %add3A_245 : i32
          %lt3A_247 = arith.constant 41 : i32
          %lt3A_248 = arith.cmpi slt, %add3A_246, %lt3A_247 : i32
          %convert_element_type3A_249 = arith.extui %lt3A_248 : i1 to i32
          %cond3A_250 = arith.constant 0 : i32
          %cond3A_251 = arith.cmpi ne, %convert_element_type3A_249, %cond3A_250 : i32
          scf.if %cond3A_251 {
            %add3A_252 = arith.constant 4 : i32
            %add3A_253 = arith.addi %add3A_113, %add3A_252 : i32
            %mul3A_254 = arith.constant 2 : i32
            %mul3A_255 = arith.muli %add3A_253, %mul3A_254 : i32
            %add3A_256 = arith.addi %mul3A_2, %mul3A_255 : i32
            %dma_start3A_257 = arith.constant 0 : i32
            %dma_start3A_258 = tpu.memref_slice %arg3[%add3A_256, %dma_start3A_257] : memref<2624x112xi32, #tpu.memory_space<hbm>> -> memref<2x112xi32, #tpu.memory_space<hbm>>
            %dma_start3A_259 = arith.constant 0 : i32
            %dma_start3A_260 = tpu.memref_slice %arg3[%add3A_256, %dma_start3A_259] : memref<2624x112xi32, #tpu.memory_space<hbm>> -> memref<2x112xi32, #tpu.memory_space<hbm>>
            tpu.enqueue_dma source(%dma_start3A_260 : memref<2x112xi32, #tpu.memory_space<hbm>>) target(%arg5 : memref<2x112xi32, #tpu.memory_space<vmem>>) target_semaphore(%arg13 : memref<!tpu.dma_semaphore, #tpu.memory_space<semaphore_mem>>)
          } else {
          }
        } else {
        }
      } else {
      }
      %mul3A_116 = arith.constant 4 : i32
      %mul3A_117 = arith.muli %scan3A_109, %mul3A_116 : i32
      %add3A_118 = arith.constant 1 : i32
      %add3A_119 = arith.addi %mul3A_117, %add3A_118 : i32
      %lt3A_120 = arith.constant 41 : i32
      %lt3A_121 = arith.cmpi slt, %add3A_119, %lt3A_120 : i32
      %convert_element_type3A_122 = arith.extui %lt3A_121 : i1 to i32
      %cond3A_123 = arith.constant 0 : i32
      %cond3A_124 = arith.cmpi ne, %convert_element_type3A_122, %cond3A_123 : i32
      scf.if %cond3A_124 {
        %dma_wait3A_143 = arith.constant 0 : i32
        %dma_wait3A_144 = arith.constant 0 : i32
        %dma_wait3A_145 = arith.constant 0 : i32
        %dma_wait3A_146 = arith.constant 0 : i32
        %dma_wait3A_147 = tpu.memref_slice %arg10[%dma_wait3A_144, %dma_wait3A_145, %dma_wait3A_146] : memref<2x112x128xf32, #tpu.memory_space<vmem>> -> memref<1x112x128xf32, #tpu.memory_space<vmem>>
        %dma_wait3A_148 = tpu.memref_squeeze %dma_wait3A_147 : memref<1x112x128xf32, #tpu.memory_space<vmem>> -> memref<112x128xf32, #tpu.memory_space<vmem>>
        %dma_wait3A_149 = arith.constant 0 : i32
        %dma_wait3A_150 = tpu.memref_slice %arg5[%dma_wait3A_143, %dma_wait3A_149] : memref<2x112xi32, #tpu.memory_space<vmem>> -> memref<1x112xi32, #tpu.memory_space<vmem>>
        %dma_wait3A_151 = tpu.memref_squeeze %dma_wait3A_150 : memref<1x112xi32, #tpu.memory_space<vmem>> -> memref<112xi32, #tpu.memory_space<vmem>>
        %dma_wait3A_152 = arith.constant 0 : i32
        %dma_wait3A_153 = arith.constant 0 : i32
        %dma_wait3A_154 = tpu.memref_slice %arg2[%dma_wait3A_152, %dma_wait3A_153] : memref<163842x128xf32, #tpu.memory_space<hbm>> -> memref<163842x128xf32, #tpu.memory_space<hbm>>
        tpu.wait_indirect_dma semaphore(%arg19 : memref<!tpu.dma_semaphore, #tpu.memory_space<semaphore_mem>>) src(%dma_wait3A_154 : memref<163842x128xf32, #tpu.memory_space<hbm>>) dst(%dma_wait3A_148 : memref<112x128xf32, #tpu.memory_space<vmem>>)
        %mul3A_155 = arith.constant 2 : i32
        %mul3A_156 = arith.muli %add3A_119, %mul3A_155 : i32
        %add3A_157 = arith.addi %mul3A_2, %mul3A_156 : i32
        %add3A_158 = arith.constant 0 : i32
        %add3A_159 = arith.addi %add3A_157, %add3A_158 : i32
        %mul3A_160 = arith.constant 16 : i32
        %mul3A_161 = arith.muli %add3A_159, %mul3A_160 : i32
        %gt3A = arith.constant 0 : i32
        %gt3A_162 = arith.cmpi sgt, %add3A_119, %gt3A : i32
        %convert_element_type3A_163 = arith.extui %gt3A_162 : i1 to i32
        %cond3A_164 = arith.constant 0 : i32
        %cond3A_165 = arith.cmpi ne, %convert_element_type3A_163, %cond3A_164 : i32
        scf.if %cond3A_165 {
          %dma_wait3A_212 = arith.constant 0 : i32
          %dma_wait3A_213 = tpu.memref_slice %arg4[%mul3A_161, %dma_wait3A_212] : memref<41984x128xf32, #tpu.memory_space<hbm>> -> memref<16x128xf32, #tpu.memory_space<hbm>>
          %dma_wait3A_214 = arith.constant 0 : i32
          %dma_wait3A_215 = tpu.memref_slice %arg4[%mul3A_161, %dma_wait3A_214] : memref<41984x128xf32, #tpu.memory_space<hbm>> -> memref<16x128xf32, #tpu.memory_space<hbm>>
          tpu.wait_dma2 semaphore(%arg21 : memref<!tpu.dma_semaphore, #tpu.memory_space<semaphore_mem>>) src(%arg11 : memref<16x128xf32, #tpu.memory_space<vmem>>) dst(%dma_wait3A_215 : memref<16x128xf32, #tpu.memory_space<hbm>>)
        } else {
        }
        %parallel_loop3A = arith.constant 0 : i32
        %parallel_loop3A_166 = arith.constant 128 : i32
        %parallel_loop3A_167 = arith.constant 1 : i32
        %parallel_loop3A_168 = arith.constant 0 : i32
        scf.for %parallel_loop3A_212 = %parallel_loop3A to %parallel_loop3A_166 step %parallel_loop3A_167  : i32 {
          %parallel_loop3A_213 = arith.constant 7 : i32
          %parallel_loop3A_214 = arith.muli %parallel_loop3A_213, %parallel_loop3A_212 : i32
          %parallel_loop3A_215 = arith.constant 0 : i32
          %parallel_loop3A_216 = arith.addi %parallel_loop3A_214, %parallel_loop3A_215 : i32
          %parallel_loop3A_217 = arith.constant 7 : i32
          %parallel_loop3A_218 = arith.shrsi %parallel_loop3A_216, %parallel_loop3A_217 : i32
          %parallel_loop3A_219 = vector.broadcast %parallel_loop3A_218 : i32 to vector<16xi32>
          %parallel_loop3A_220 = arith.addi %mul3A_5, %parallel_loop3A_219 : vector<16xi32>
          %parallel_loop3A_221 = arith.constant 127 : i32
          %parallel_loop3A_222 = arith.andi %parallel_loop3A_216, %parallel_loop3A_221 : i32
          %parallel_loop3A_223 = vector.broadcast %parallel_loop3A_222 : i32 to vector<16xi32>
          %parallel_loop3A_224 = arith.constant 0 : i32
          %parallel_loop3A_225 = arith.constant 0 : i32
          %parallel_loop3A_226 = tpu.memref_slice %arg10[%parallel_loop3A_168, %parallel_loop3A_224, %parallel_loop3A_225] : memref<2x112x128xf32, #tpu.memory_space<vmem>> -> memref<1x112x128xf32, #tpu.memory_space<vmem>>
          %parallel_loop3A_227 = tpu.memref_squeeze %parallel_loop3A_226 : memref<1x112x128xf32, #tpu.memory_space<vmem>> -> memref<112x128xf32, #tpu.memory_space<vmem>>
          %parallel_loop3A_228 = tpu.vector_load_idx %parallel_loop3A_227[%parallel_loop3A_220, %parallel_loop3A_223] : memref<112x128xf32, #tpu.memory_space<vmem>>[vector<16xi32>, vector<16xi32>], vector<16xf32>,
          %parallel_loop3A_229 = arith.constant 1 : i32
          %parallel_loop3A_230 = arith.addi %parallel_loop3A_214, %parallel_loop3A_229 : i32
          %parallel_loop3A_231 = arith.constant 7 : i32
          %parallel_loop3A_232 = arith.shrsi %parallel_loop3A_230, %parallel_loop3A_231 : i32
          %parallel_loop3A_233 = vector.broadcast %parallel_loop3A_232 : i32 to vector<16xi32>
          %parallel_loop3A_234 = arith.addi %mul3A_5, %parallel_loop3A_233 : vector<16xi32>
          %parallel_loop3A_235 = arith.constant 127 : i32
          %parallel_loop3A_236 = arith.andi %parallel_loop3A_230, %parallel_loop3A_235 : i32
          %parallel_loop3A_237 = vector.broadcast %parallel_loop3A_236 : i32 to vector<16xi32>
          %parallel_loop3A_238 = arith.constant 0 : i32
          %parallel_loop3A_239 = arith.constant 0 : i32
          %parallel_loop3A_240 = tpu.memref_slice %arg10[%parallel_loop3A_168, %parallel_loop3A_238, %parallel_loop3A_239] : memref<2x112x128xf32, #tpu.memory_space<vmem>> -> memref<1x112x128xf32, #tpu.memory_space<vmem>>
          %parallel_loop3A_241 = tpu.memref_squeeze %parallel_loop3A_240 : memref<1x112x128xf32, #tpu.memory_space<vmem>> -> memref<112x128xf32, #tpu.memory_space<vmem>>
          %parallel_loop3A_242 = tpu.vector_load_idx %parallel_loop3A_241[%parallel_loop3A_234, %parallel_loop3A_237] : memref<112x128xf32, #tpu.memory_space<vmem>>[vector<16xi32>, vector<16xi32>], vector<16xf32>,
          %parallel_loop3A_243 = arith.constant 2 : i32
          %parallel_loop3A_244 = arith.addi %parallel_loop3A_214, %parallel_loop3A_243 : i32
          %parallel_loop3A_245 = arith.constant 7 : i32
          %parallel_loop3A_246 = arith.shrsi %parallel_loop3A_244, %parallel_loop3A_245 : i32
          %parallel_loop3A_247 = vector.broadcast %parallel_loop3A_246 : i32 to vector<16xi32>
          %parallel_loop3A_248 = arith.addi %mul3A_5, %parallel_loop3A_247 : vector<16xi32>
          %parallel_loop3A_249 = arith.constant 127 : i32
          %parallel_loop3A_250 = arith.andi %parallel_loop3A_244, %parallel_loop3A_249 : i32
          %parallel_loop3A_251 = vector.broadcast %parallel_loop3A_250 : i32 to vector<16xi32>
          %parallel_loop3A_252 = arith.constant 0 : i32
          %parallel_loop3A_253 = arith.constant 0 : i32
          %parallel_loop3A_254 = tpu.memref_slice %arg10[%parallel_loop3A_168, %parallel_loop3A_252, %parallel_loop3A_253] : memref<2x112x128xf32, #tpu.memory_space<vmem>> -> memref<1x112x128xf32, #tpu.memory_space<vmem>>
          %parallel_loop3A_255 = tpu.memref_squeeze %parallel_loop3A_254 : memref<1x112x128xf32, #tpu.memory_space<vmem>> -> memref<112x128xf32, #tpu.memory_space<vmem>>
          %parallel_loop3A_256 = tpu.vector_load_idx %parallel_loop3A_255[%parallel_loop3A_248, %parallel_loop3A_251] : memref<112x128xf32, #tpu.memory_space<vmem>>[vector<16xi32>, vector<16xi32>], vector<16xf32>,
          %parallel_loop3A_257 = arith.constant 3 : i32
          %parallel_loop3A_258 = arith.addi %parallel_loop3A_214, %parallel_loop3A_257 : i32
          %parallel_loop3A_259 = arith.constant 7 : i32
          %parallel_loop3A_260 = arith.shrsi %parallel_loop3A_258, %parallel_loop3A_259 : i32
          %parallel_loop3A_261 = vector.broadcast %parallel_loop3A_260 : i32 to vector<16xi32>
          %parallel_loop3A_262 = arith.addi %mul3A_5, %parallel_loop3A_261 : vector<16xi32>
          %parallel_loop3A_263 = arith.constant 127 : i32
          %parallel_loop3A_264 = arith.andi %parallel_loop3A_258, %parallel_loop3A_263 : i32
          %parallel_loop3A_265 = vector.broadcast %parallel_loop3A_264 : i32 to vector<16xi32>
          %parallel_loop3A_266 = arith.constant 0 : i32
          %parallel_loop3A_267 = arith.constant 0 : i32
          %parallel_loop3A_268 = tpu.memref_slice %arg10[%parallel_loop3A_168, %parallel_loop3A_266, %parallel_loop3A_267] : memref<2x112x128xf32, #tpu.memory_space<vmem>> -> memref<1x112x128xf32, #tpu.memory_space<vmem>>
          %parallel_loop3A_269 = tpu.memref_squeeze %parallel_loop3A_268 : memref<1x112x128xf32, #tpu.memory_space<vmem>> -> memref<112x128xf32, #tpu.memory_space<vmem>>
          %parallel_loop3A_270 = tpu.vector_load_idx %parallel_loop3A_269[%parallel_loop3A_262, %parallel_loop3A_265] : memref<112x128xf32, #tpu.memory_space<vmem>>[vector<16xi32>, vector<16xi32>], vector<16xf32>,
          %parallel_loop3A_271 = arith.constant 4 : i32
          %parallel_loop3A_272 = arith.addi %parallel_loop3A_214, %parallel_loop3A_271 : i32
          %parallel_loop3A_273 = arith.constant 7 : i32
          %parallel_loop3A_274 = arith.shrsi %parallel_loop3A_272, %parallel_loop3A_273 : i32
          %parallel_loop3A_275 = vector.broadcast %parallel_loop3A_274 : i32 to vector<16xi32>
          %parallel_loop3A_276 = arith.addi %mul3A_5, %parallel_loop3A_275 : vector<16xi32>
          %parallel_loop3A_277 = arith.constant 127 : i32
          %parallel_loop3A_278 = arith.andi %parallel_loop3A_272, %parallel_loop3A_277 : i32
          %parallel_loop3A_279 = vector.broadcast %parallel_loop3A_278 : i32 to vector<16xi32>
          %parallel_loop3A_280 = arith.constant 0 : i32
          %parallel_loop3A_281 = arith.constant 0 : i32
          %parallel_loop3A_282 = tpu.memref_slice %arg10[%parallel_loop3A_168, %parallel_loop3A_280, %parallel_loop3A_281] : memref<2x112x128xf32, #tpu.memory_space<vmem>> -> memref<1x112x128xf32, #tpu.memory_space<vmem>>
          %parallel_loop3A_283 = tpu.memref_squeeze %parallel_loop3A_282 : memref<1x112x128xf32, #tpu.memory_space<vmem>> -> memref<112x128xf32, #tpu.memory_space<vmem>>
          %parallel_loop3A_284 = tpu.vector_load_idx %parallel_loop3A_283[%parallel_loop3A_276, %parallel_loop3A_279] : memref<112x128xf32, #tpu.memory_space<vmem>>[vector<16xi32>, vector<16xi32>], vector<16xf32>,
          %parallel_loop3A_285 = arith.constant 5 : i32
          %parallel_loop3A_286 = arith.addi %parallel_loop3A_214, %parallel_loop3A_285 : i32
          %parallel_loop3A_287 = arith.constant 7 : i32
          %parallel_loop3A_288 = arith.shrsi %parallel_loop3A_286, %parallel_loop3A_287 : i32
          %parallel_loop3A_289 = vector.broadcast %parallel_loop3A_288 : i32 to vector<16xi32>
          %parallel_loop3A_290 = arith.addi %mul3A_5, %parallel_loop3A_289 : vector<16xi32>
          %parallel_loop3A_291 = arith.constant 127 : i32
          %parallel_loop3A_292 = arith.andi %parallel_loop3A_286, %parallel_loop3A_291 : i32
          %parallel_loop3A_293 = vector.broadcast %parallel_loop3A_292 : i32 to vector<16xi32>
          %parallel_loop3A_294 = arith.constant 0 : i32
          %parallel_loop3A_295 = arith.constant 0 : i32
          %parallel_loop3A_296 = tpu.memref_slice %arg10[%parallel_loop3A_168, %parallel_loop3A_294, %parallel_loop3A_295] : memref<2x112x128xf32, #tpu.memory_space<vmem>> -> memref<1x112x128xf32, #tpu.memory_space<vmem>>
          %parallel_loop3A_297 = tpu.memref_squeeze %parallel_loop3A_296 : memref<1x112x128xf32, #tpu.memory_space<vmem>> -> memref<112x128xf32, #tpu.memory_space<vmem>>
          %parallel_loop3A_298 = tpu.vector_load_idx %parallel_loop3A_297[%parallel_loop3A_290, %parallel_loop3A_293] : memref<112x128xf32, #tpu.memory_space<vmem>>[vector<16xi32>, vector<16xi32>], vector<16xf32>,
          %parallel_loop3A_299 = arith.constant 6 : i32
          %parallel_loop3A_300 = arith.addi %parallel_loop3A_214, %parallel_loop3A_299 : i32
          %parallel_loop3A_301 = arith.constant 7 : i32
          %parallel_loop3A_302 = arith.shrsi %parallel_loop3A_300, %parallel_loop3A_301 : i32
          %parallel_loop3A_303 = vector.broadcast %parallel_loop3A_302 : i32 to vector<16xi32>
          %parallel_loop3A_304 = arith.addi %mul3A_5, %parallel_loop3A_303 : vector<16xi32>
          %parallel_loop3A_305 = arith.constant 127 : i32
          %parallel_loop3A_306 = arith.andi %parallel_loop3A_300, %parallel_loop3A_305 : i32
          %parallel_loop3A_307 = vector.broadcast %parallel_loop3A_306 : i32 to vector<16xi32>
          %parallel_loop3A_308 = arith.constant 0 : i32
          %parallel_loop3A_309 = arith.constant 0 : i32
          %parallel_loop3A_310 = tpu.memref_slice %arg10[%parallel_loop3A_168, %parallel_loop3A_308, %parallel_loop3A_309] : memref<2x112x128xf32, #tpu.memory_space<vmem>> -> memref<1x112x128xf32, #tpu.memory_space<vmem>>
          %parallel_loop3A_311 = tpu.memref_squeeze %parallel_loop3A_310 : memref<1x112x128xf32, #tpu.memory_space<vmem>> -> memref<112x128xf32, #tpu.memory_space<vmem>>
          %parallel_loop3A_312 = tpu.vector_load_idx %parallel_loop3A_311[%parallel_loop3A_304, %parallel_loop3A_307] : memref<112x128xf32, #tpu.memory_space<vmem>>[vector<16xi32>, vector<16xi32>], vector<16xf32>,
          %parallel_loop3A_313 = arith.addf %parallel_loop3A_228, %parallel_loop3A_242 : vector<16xf32>
          %parallel_loop3A_314 = arith.addf %parallel_loop3A_256, %parallel_loop3A_270 : vector<16xf32>
          %parallel_loop3A_315 = arith.addf %parallel_loop3A_313, %parallel_loop3A_314 : vector<16xf32>
          %parallel_loop3A_316 = arith.addf %parallel_loop3A_284, %parallel_loop3A_298 : vector<16xf32>
          %parallel_loop3A_317 = arith.addf %parallel_loop3A_316, %parallel_loop3A_312 : vector<16xf32>
          %parallel_loop3A_318 = arith.addf %parallel_loop3A_315, %parallel_loop3A_317 : vector<16xf32>
          %parallel_loop3A_319 = vector.broadcast %parallel_loop3A_212 : i32 to vector<16xi32>
          %parallel_loop3A_320 = arith.constant 0.142857149 : f32
          %parallel_loop3A_321 = vector.broadcast %parallel_loop3A_320 : f32 to vector<16xf32>
          %parallel_loop3A_322 = arith.mulf %parallel_loop3A_318, %parallel_loop3A_321 : vector<16xf32>
          tpu.vector_store_idx %arg11[%iota3A, %parallel_loop3A_319], %parallel_loop3A_322 : memref<16x128xf32, #tpu.memory_space<vmem>>[vector<16xi32>, vector<16xi32>], vector<16xf32>,
        } {sc.loop_unroll_factor = 4 : i64, sc.parallel_access}
        %dma_start3A_169 = arith.constant 0 : i32
        %dma_start3A_170 = tpu.memref_slice %arg4[%mul3A_161, %dma_start3A_169] : memref<41984x128xf32, #tpu.memory_space<hbm>> -> memref<16x128xf32, #tpu.memory_space<hbm>>
        %dma_start3A_171 = arith.constant 0 : i32
        %dma_start3A_172 = tpu.memref_slice %arg4[%mul3A_161, %dma_start3A_171] : memref<41984x128xf32, #tpu.memory_space<hbm>> -> memref<16x128xf32, #tpu.memory_space<hbm>>
        tpu.enqueue_dma source(%arg11 : memref<16x128xf32, #tpu.memory_space<vmem>>) target(%dma_start3A_172 : memref<16x128xf32, #tpu.memory_space<hbm>>) target_semaphore(%arg21 : memref<!tpu.dma_semaphore, #tpu.memory_space<semaphore_mem>>)
        %dma_wait3A_173 = arith.constant 1 : i32
        %dma_wait3A_174 = arith.constant 1 : i32
        %dma_wait3A_175 = arith.constant 0 : i32
        %dma_wait3A_176 = arith.constant 0 : i32
        %dma_wait3A_177 = tpu.memref_slice %arg10[%dma_wait3A_174, %dma_wait3A_175, %dma_wait3A_176] : memref<2x112x128xf32, #tpu.memory_space<vmem>> -> memref<1x112x128xf32, #tpu.memory_space<vmem>>
        %dma_wait3A_178 = tpu.memref_squeeze %dma_wait3A_177 : memref<1x112x128xf32, #tpu.memory_space<vmem>> -> memref<112x128xf32, #tpu.memory_space<vmem>>
        %dma_wait3A_179 = arith.constant 0 : i32
        %dma_wait3A_180 = tpu.memref_slice %arg5[%dma_wait3A_173, %dma_wait3A_179] : memref<2x112xi32, #tpu.memory_space<vmem>> -> memref<1x112xi32, #tpu.memory_space<vmem>>
        %dma_wait3A_181 = tpu.memref_squeeze %dma_wait3A_180 : memref<1x112xi32, #tpu.memory_space<vmem>> -> memref<112xi32, #tpu.memory_space<vmem>>
        %dma_wait3A_182 = arith.constant 0 : i32
        %dma_wait3A_183 = arith.constant 0 : i32
        %dma_wait3A_184 = tpu.memref_slice %arg2[%dma_wait3A_182, %dma_wait3A_183] : memref<163842x128xf32, #tpu.memory_space<hbm>> -> memref<163842x128xf32, #tpu.memory_space<hbm>>
        tpu.wait_indirect_dma semaphore(%arg20 : memref<!tpu.dma_semaphore, #tpu.memory_space<semaphore_mem>>) src(%dma_wait3A_184 : memref<163842x128xf32, #tpu.memory_space<hbm>>) dst(%dma_wait3A_178 : memref<112x128xf32, #tpu.memory_space<vmem>>)
        %mul3A_185 = arith.constant 2 : i32
        %mul3A_186 = arith.muli %add3A_119, %mul3A_185 : i32
        %add3A_187 = arith.addi %mul3A_2, %mul3A_186 : i32
        %add3A_188 = arith.constant 1 : i32
        %add3A_189 = arith.addi %add3A_187, %add3A_188 : i32
        %mul3A_190 = arith.constant 16 : i32
        %mul3A_191 = arith.muli %add3A_189, %mul3A_190 : i32
        %gt3A_192 = arith.constant 0 : i32
        %gt3A_193 = arith.cmpi sgt, %add3A_119, %gt3A_192 : i32
        %convert_element_type3A_194 = arith.extui %gt3A_193 : i1 to i32
        %cond3A_195 = arith.constant 0 : i32
        %cond3A_196 = arith.cmpi ne, %convert_element_type3A_194, %cond3A_195 : i32
        scf.if %cond3A_196 {
          %dma_wait3A_212 = arith.constant 0 : i32
          %dma_wait3A_213 = tpu.memref_slice %arg4[%mul3A_191, %dma_wait3A_212] : memref<41984x128xf32, #tpu.memory_space<hbm>> -> memref<16x128xf32, #tpu.memory_space<hbm>>
          %dma_wait3A_214 = arith.constant 0 : i32
          %dma_wait3A_215 = tpu.memref_slice %arg4[%mul3A_191, %dma_wait3A_214] : memref<41984x128xf32, #tpu.memory_space<hbm>> -> memref<16x128xf32, #tpu.memory_space<hbm>>
          tpu.wait_dma2 semaphore(%arg22 : memref<!tpu.dma_semaphore, #tpu.memory_space<semaphore_mem>>) src(%arg12 : memref<16x128xf32, #tpu.memory_space<vmem>>) dst(%dma_wait3A_215 : memref<16x128xf32, #tpu.memory_space<hbm>>)
        } else {
        }
        %parallel_loop3A_197 = arith.constant 0 : i32
        %parallel_loop3A_198 = arith.constant 128 : i32
        %parallel_loop3A_199 = arith.constant 1 : i32
        %parallel_loop3A_200 = arith.constant 1 : i32
        scf.for %parallel_loop3A_212 = %parallel_loop3A_197 to %parallel_loop3A_198 step %parallel_loop3A_199  : i32 {
          %parallel_loop3A_213 = arith.constant 7 : i32
          %parallel_loop3A_214 = arith.muli %parallel_loop3A_213, %parallel_loop3A_212 : i32
          %parallel_loop3A_215 = arith.constant 0 : i32
          %parallel_loop3A_216 = arith.addi %parallel_loop3A_214, %parallel_loop3A_215 : i32
          %parallel_loop3A_217 = arith.constant 7 : i32
          %parallel_loop3A_218 = arith.shrsi %parallel_loop3A_216, %parallel_loop3A_217 : i32
          %parallel_loop3A_219 = vector.broadcast %parallel_loop3A_218 : i32 to vector<16xi32>
          %parallel_loop3A_220 = arith.addi %mul3A_5, %parallel_loop3A_219 : vector<16xi32>
          %parallel_loop3A_221 = arith.constant 127 : i32
          %parallel_loop3A_222 = arith.andi %parallel_loop3A_216, %parallel_loop3A_221 : i32
          %parallel_loop3A_223 = vector.broadcast %parallel_loop3A_222 : i32 to vector<16xi32>
          %parallel_loop3A_224 = arith.constant 0 : i32
          %parallel_loop3A_225 = arith.constant 0 : i32
          %parallel_loop3A_226 = tpu.memref_slice %arg10[%parallel_loop3A_200, %parallel_loop3A_224, %parallel_loop3A_225] : memref<2x112x128xf32, #tpu.memory_space<vmem>> -> memref<1x112x128xf32, #tpu.memory_space<vmem>>
          %parallel_loop3A_227 = tpu.memref_squeeze %parallel_loop3A_226 : memref<1x112x128xf32, #tpu.memory_space<vmem>> -> memref<112x128xf32, #tpu.memory_space<vmem>>
          %parallel_loop3A_228 = tpu.vector_load_idx %parallel_loop3A_227[%parallel_loop3A_220, %parallel_loop3A_223] : memref<112x128xf32, #tpu.memory_space<vmem>>[vector<16xi32>, vector<16xi32>], vector<16xf32>,
          %parallel_loop3A_229 = arith.constant 1 : i32
          %parallel_loop3A_230 = arith.addi %parallel_loop3A_214, %parallel_loop3A_229 : i32
          %parallel_loop3A_231 = arith.constant 7 : i32
          %parallel_loop3A_232 = arith.shrsi %parallel_loop3A_230, %parallel_loop3A_231 : i32
          %parallel_loop3A_233 = vector.broadcast %parallel_loop3A_232 : i32 to vector<16xi32>
          %parallel_loop3A_234 = arith.addi %mul3A_5, %parallel_loop3A_233 : vector<16xi32>
          %parallel_loop3A_235 = arith.constant 127 : i32
          %parallel_loop3A_236 = arith.andi %parallel_loop3A_230, %parallel_loop3A_235 : i32
          %parallel_loop3A_237 = vector.broadcast %parallel_loop3A_236 : i32 to vector<16xi32>
          %parallel_loop3A_238 = arith.constant 0 : i32
          %parallel_loop3A_239 = arith.constant 0 : i32
          %parallel_loop3A_240 = tpu.memref_slice %arg10[%parallel_loop3A_200, %parallel_loop3A_238, %parallel_loop3A_239] : memref<2x112x128xf32, #tpu.memory_space<vmem>> -> memref<1x112x128xf32, #tpu.memory_space<vmem>>
          %parallel_loop3A_241 = tpu.memref_squeeze %parallel_loop3A_240 : memref<1x112x128xf32, #tpu.memory_space<vmem>> -> memref<112x128xf32, #tpu.memory_space<vmem>>
          %parallel_loop3A_242 = tpu.vector_load_idx %parallel_loop3A_241[%parallel_loop3A_234, %parallel_loop3A_237] : memref<112x128xf32, #tpu.memory_space<vmem>>[vector<16xi32>, vector<16xi32>], vector<16xf32>,
          %parallel_loop3A_243 = arith.constant 2 : i32
          %parallel_loop3A_244 = arith.addi %parallel_loop3A_214, %parallel_loop3A_243 : i32
          %parallel_loop3A_245 = arith.constant 7 : i32
          %parallel_loop3A_246 = arith.shrsi %parallel_loop3A_244, %parallel_loop3A_245 : i32
          %parallel_loop3A_247 = vector.broadcast %parallel_loop3A_246 : i32 to vector<16xi32>
          %parallel_loop3A_248 = arith.addi %mul3A_5, %parallel_loop3A_247 : vector<16xi32>
          %parallel_loop3A_249 = arith.constant 127 : i32
          %parallel_loop3A_250 = arith.andi %parallel_loop3A_244, %parallel_loop3A_249 : i32
          %parallel_loop3A_251 = vector.broadcast %parallel_loop3A_250 : i32 to vector<16xi32>
          %parallel_loop3A_252 = arith.constant 0 : i32
          %parallel_loop3A_253 = arith.constant 0 : i32
          %parallel_loop3A_254 = tpu.memref_slice %arg10[%parallel_loop3A_200, %parallel_loop3A_252, %parallel_loop3A_253] : memref<2x112x128xf32, #tpu.memory_space<vmem>> -> memref<1x112x128xf32, #tpu.memory_space<vmem>>
          %parallel_loop3A_255 = tpu.memref_squeeze %parallel_loop3A_254 : memref<1x112x128xf32, #tpu.memory_space<vmem>> -> memref<112x128xf32, #tpu.memory_space<vmem>>
          %parallel_loop3A_256 = tpu.vector_load_idx %parallel_loop3A_255[%parallel_loop3A_248, %parallel_loop3A_251] : memref<112x128xf32, #tpu.memory_space<vmem>>[vector<16xi32>, vector<16xi32>], vector<16xf32>,
          %parallel_loop3A_257 = arith.constant 3 : i32
          %parallel_loop3A_258 = arith.addi %parallel_loop3A_214, %parallel_loop3A_257 : i32
          %parallel_loop3A_259 = arith.constant 7 : i32
          %parallel_loop3A_260 = arith.shrsi %parallel_loop3A_258, %parallel_loop3A_259 : i32
          %parallel_loop3A_261 = vector.broadcast %parallel_loop3A_260 : i32 to vector<16xi32>
          %parallel_loop3A_262 = arith.addi %mul3A_5, %parallel_loop3A_261 : vector<16xi32>
          %parallel_loop3A_263 = arith.constant 127 : i32
          %parallel_loop3A_264 = arith.andi %parallel_loop3A_258, %parallel_loop3A_263 : i32
          %parallel_loop3A_265 = vector.broadcast %parallel_loop3A_264 : i32 to vector<16xi32>
          %parallel_loop3A_266 = arith.constant 0 : i32
          %parallel_loop3A_267 = arith.constant 0 : i32
          %parallel_loop3A_268 = tpu.memref_slice %arg10[%parallel_loop3A_200, %parallel_loop3A_266, %parallel_loop3A_267] : memref<2x112x128xf32, #tpu.memory_space<vmem>> -> memref<1x112x128xf32, #tpu.memory_space<vmem>>
          %parallel_loop3A_269 = tpu.memref_squeeze %parallel_loop3A_268 : memref<1x112x128xf32, #tpu.memory_space<vmem>> -> memref<112x128xf32, #tpu.memory_space<vmem>>
          %parallel_loop3A_270 = tpu.vector_load_idx %parallel_loop3A_269[%parallel_loop3A_262, %parallel_loop3A_265] : memref<112x128xf32, #tpu.memory_space<vmem>>[vector<16xi32>, vector<16xi32>], vector<16xf32>,
          %parallel_loop3A_271 = arith.constant 4 : i32
          %parallel_loop3A_272 = arith.addi %parallel_loop3A_214, %parallel_loop3A_271 : i32
          %parallel_loop3A_273 = arith.constant 7 : i32
          %parallel_loop3A_274 = arith.shrsi %parallel_loop3A_272, %parallel_loop3A_273 : i32
          %parallel_loop3A_275 = vector.broadcast %parallel_loop3A_274 : i32 to vector<16xi32>
          %parallel_loop3A_276 = arith.addi %mul3A_5, %parallel_loop3A_275 : vector<16xi32>
          %parallel_loop3A_277 = arith.constant 127 : i32
          %parallel_loop3A_278 = arith.andi %parallel_loop3A_272, %parallel_loop3A_277 : i32
          %parallel_loop3A_279 = vector.broadcast %parallel_loop3A_278 : i32 to vector<16xi32>
          %parallel_loop3A_280 = arith.constant 0 : i32
          %parallel_loop3A_281 = arith.constant 0 : i32
          %parallel_loop3A_282 = tpu.memref_slice %arg10[%parallel_loop3A_200, %parallel_loop3A_280, %parallel_loop3A_281] : memref<2x112x128xf32, #tpu.memory_space<vmem>> -> memref<1x112x128xf32, #tpu.memory_space<vmem>>
          %parallel_loop3A_283 = tpu.memref_squeeze %parallel_loop3A_282 : memref<1x112x128xf32, #tpu.memory_space<vmem>> -> memref<112x128xf32, #tpu.memory_space<vmem>>
          %parallel_loop3A_284 = tpu.vector_load_idx %parallel_loop3A_283[%parallel_loop3A_276, %parallel_loop3A_279] : memref<112x128xf32, #tpu.memory_space<vmem>>[vector<16xi32>, vector<16xi32>], vector<16xf32>,
          %parallel_loop3A_285 = arith.constant 5 : i32
          %parallel_loop3A_286 = arith.addi %parallel_loop3A_214, %parallel_loop3A_285 : i32
          %parallel_loop3A_287 = arith.constant 7 : i32
          %parallel_loop3A_288 = arith.shrsi %parallel_loop3A_286, %parallel_loop3A_287 : i32
          %parallel_loop3A_289 = vector.broadcast %parallel_loop3A_288 : i32 to vector<16xi32>
          %parallel_loop3A_290 = arith.addi %mul3A_5, %parallel_loop3A_289 : vector<16xi32>
          %parallel_loop3A_291 = arith.constant 127 : i32
          %parallel_loop3A_292 = arith.andi %parallel_loop3A_286, %parallel_loop3A_291 : i32
          %parallel_loop3A_293 = vector.broadcast %parallel_loop3A_292 : i32 to vector<16xi32>
          %parallel_loop3A_294 = arith.constant 0 : i32
          %parallel_loop3A_295 = arith.constant 0 : i32
          %parallel_loop3A_296 = tpu.memref_slice %arg10[%parallel_loop3A_200, %parallel_loop3A_294, %parallel_loop3A_295] : memref<2x112x128xf32, #tpu.memory_space<vmem>> -> memref<1x112x128xf32, #tpu.memory_space<vmem>>
          %parallel_loop3A_297 = tpu.memref_squeeze %parallel_loop3A_296 : memref<1x112x128xf32, #tpu.memory_space<vmem>> -> memref<112x128xf32, #tpu.memory_space<vmem>>
          %parallel_loop3A_298 = tpu.vector_load_idx %parallel_loop3A_297[%parallel_loop3A_290, %parallel_loop3A_293] : memref<112x128xf32, #tpu.memory_space<vmem>>[vector<16xi32>, vector<16xi32>], vector<16xf32>,
          %parallel_loop3A_299 = arith.constant 6 : i32
          %parallel_loop3A_300 = arith.addi %parallel_loop3A_214, %parallel_loop3A_299 : i32
          %parallel_loop3A_301 = arith.constant 7 : i32
          %parallel_loop3A_302 = arith.shrsi %parallel_loop3A_300, %parallel_loop3A_301 : i32
          %parallel_loop3A_303 = vector.broadcast %parallel_loop3A_302 : i32 to vector<16xi32>
          %parallel_loop3A_304 = arith.addi %mul3A_5, %parallel_loop3A_303 : vector<16xi32>
          %parallel_loop3A_305 = arith.constant 127 : i32
          %parallel_loop3A_306 = arith.andi %parallel_loop3A_300, %parallel_loop3A_305 : i32
          %parallel_loop3A_307 = vector.broadcast %parallel_loop3A_306 : i32 to vector<16xi32>
          %parallel_loop3A_308 = arith.constant 0 : i32
          %parallel_loop3A_309 = arith.constant 0 : i32
          %parallel_loop3A_310 = tpu.memref_slice %arg10[%parallel_loop3A_200, %parallel_loop3A_308, %parallel_loop3A_309] : memref<2x112x128xf32, #tpu.memory_space<vmem>> -> memref<1x112x128xf32, #tpu.memory_space<vmem>>
          %parallel_loop3A_311 = tpu.memref_squeeze %parallel_loop3A_310 : memref<1x112x128xf32, #tpu.memory_space<vmem>> -> memref<112x128xf32, #tpu.memory_space<vmem>>
          %parallel_loop3A_312 = tpu.vector_load_idx %parallel_loop3A_311[%parallel_loop3A_304, %parallel_loop3A_307] : memref<112x128xf32, #tpu.memory_space<vmem>>[vector<16xi32>, vector<16xi32>], vector<16xf32>,
          %parallel_loop3A_313 = arith.addf %parallel_loop3A_228, %parallel_loop3A_242 : vector<16xf32>
          %parallel_loop3A_314 = arith.addf %parallel_loop3A_256, %parallel_loop3A_270 : vector<16xf32>
          %parallel_loop3A_315 = arith.addf %parallel_loop3A_313, %parallel_loop3A_314 : vector<16xf32>
          %parallel_loop3A_316 = arith.addf %parallel_loop3A_284, %parallel_loop3A_298 : vector<16xf32>
          %parallel_loop3A_317 = arith.addf %parallel_loop3A_316, %parallel_loop3A_312 : vector<16xf32>
          %parallel_loop3A_318 = arith.addf %parallel_loop3A_315, %parallel_loop3A_317 : vector<16xf32>
          %parallel_loop3A_319 = vector.broadcast %parallel_loop3A_212 : i32 to vector<16xi32>
          %parallel_loop3A_320 = arith.constant 0.142857149 : f32
          %parallel_loop3A_321 = vector.broadcast %parallel_loop3A_320 : f32 to vector<16xf32>
          %parallel_loop3A_322 = arith.mulf %parallel_loop3A_318, %parallel_loop3A_321 : vector<16xf32>
          tpu.vector_store_idx %arg12[%iota3A, %parallel_loop3A_319], %parallel_loop3A_322 : memref<16x128xf32, #tpu.memory_space<vmem>>[vector<16xi32>, vector<16xi32>], vector<16xf32>,
        } {sc.loop_unroll_factor = 4 : i64, sc.parallel_access}
        %dma_start3A_201 = arith.constant 0 : i32
        %dma_start3A_202 = tpu.memref_slice %arg4[%mul3A_191, %dma_start3A_201] : memref<41984x128xf32, #tpu.memory_space<hbm>> -> memref<16x128xf32, #tpu.memory_space<hbm>>
        %dma_start3A_203 = arith.constant 0 : i32
        %dma_start3A_204 = tpu.memref_slice %arg4[%mul3A_191, %dma_start3A_203] : memref<41984x128xf32, #tpu.memory_space<hbm>> -> memref<16x128xf32, #tpu.memory_space<hbm>>
        tpu.enqueue_dma source(%arg12 : memref<16x128xf32, #tpu.memory_space<vmem>>) target(%dma_start3A_204 : memref<16x128xf32, #tpu.memory_space<hbm>>) target_semaphore(%arg22 : memref<!tpu.dma_semaphore, #tpu.memory_space<semaphore_mem>>)
        %add3A_205 = arith.constant 2 : i32
        %add3A_206 = arith.addi %add3A_119, %add3A_205 : i32
        %lt3A_207 = arith.constant 41 : i32
        %lt3A_208 = arith.cmpi slt, %add3A_206, %lt3A_207 : i32
        %convert_element_type3A_209 = arith.extui %lt3A_208 : i1 to i32
        %cond3A_210 = arith.constant 0 : i32
        %cond3A_211 = arith.cmpi ne, %convert_element_type3A_209, %cond3A_210 : i32
        scf.if %cond3A_211 {
          %add3A_212 = arith.constant 2 : i32
          %add3A_213 = arith.addi %add3A_119, %add3A_212 : i32
          %mul3A_214 = arith.constant 2 : i32
          %mul3A_215 = arith.muli %add3A_213, %mul3A_214 : i32
          %add3A_216 = arith.addi %mul3A_2, %mul3A_215 : i32
          %dma_wait3A_217 = arith.constant 0 : i32
          %dma_wait3A_218 = tpu.memref_slice %arg3[%add3A_216, %dma_wait3A_217] : memref<2624x112xi32, #tpu.memory_space<hbm>> -> memref<2x112xi32, #tpu.memory_space<hbm>>
          %dma_wait3A_219 = arith.constant 0 : i32
          %dma_wait3A_220 = tpu.memref_slice %arg3[%add3A_216, %dma_wait3A_219] : memref<2624x112xi32, #tpu.memory_space<hbm>> -> memref<2x112xi32, #tpu.memory_space<hbm>>
          tpu.wait_dma2 semaphore(%arg16 : memref<!tpu.dma_semaphore, #tpu.memory_space<semaphore_mem>>) src(%dma_wait3A_220 : memref<2x112xi32, #tpu.memory_space<hbm>>) dst(%arg8 : memref<2x112xi32, #tpu.memory_space<vmem>>)
          %dma_start3A_221 = arith.constant 0 : i32
          %dma_start3A_222 = arith.constant 0 : i32
          %dma_start3A_223 = arith.constant 0 : i32
          %dma_start3A_224 = arith.constant 0 : i32
          %dma_start3A_225 = tpu.memref_slice %arg10[%dma_start3A_222, %dma_start3A_223, %dma_start3A_224] : memref<2x112x128xf32, #tpu.memory_space<vmem>> -> memref<1x112x128xf32, #tpu.memory_space<vmem>>
          %dma_start3A_226 = tpu.memref_squeeze %dma_start3A_225 : memref<1x112x128xf32, #tpu.memory_space<vmem>> -> memref<112x128xf32, #tpu.memory_space<vmem>>
          %dma_start3A_227 = arith.constant 0 : i32
          %dma_start3A_228 = tpu.memref_slice %arg8[%dma_start3A_221, %dma_start3A_227] : memref<2x112xi32, #tpu.memory_space<vmem>> -> memref<1x112xi32, #tpu.memory_space<vmem>>
          %dma_start3A_229 = tpu.memref_squeeze %dma_start3A_228 : memref<1x112xi32, #tpu.memory_space<vmem>> -> memref<112xi32, #tpu.memory_space<vmem>>
          %dma_start3A_230 = arith.constant 0 : i32
          %dma_start3A_231 = arith.constant 0 : i32
          %dma_start3A_232 = tpu.memref_slice %arg2[%dma_start3A_230, %dma_start3A_231] : memref<163842x128xf32, #tpu.memory_space<hbm>> -> memref<163842x128xf32, #tpu.memory_space<hbm>>
          tpu.enqueue_indirect_dma source(%dma_start3A_232 : memref<163842x128xf32, #tpu.memory_space<hbm>>) target(%dma_start3A_226 : memref<112x128xf32, #tpu.memory_space<vmem>>) offsets(%dma_start3A_229 : memref<112xi32, #tpu.memory_space<vmem>>) semaphore(%arg19 : memref<!tpu.dma_semaphore, #tpu.memory_space<semaphore_mem>>)
          %dma_start3A_233 = arith.constant 1 : i32
          %dma_start3A_234 = arith.constant 1 : i32
          %dma_start3A_235 = arith.constant 0 : i32
          %dma_start3A_236 = arith.constant 0 : i32
          %dma_start3A_237 = tpu.memref_slice %arg10[%dma_start3A_234, %dma_start3A_235, %dma_start3A_236] : memref<2x112x128xf32, #tpu.memory_space<vmem>> -> memref<1x112x128xf32, #tpu.memory_space<vmem>>
          %dma_start3A_238 = tpu.memref_squeeze %dma_start3A_237 : memref<1x112x128xf32, #tpu.memory_space<vmem>> -> memref<112x128xf32, #tpu.memory_space<vmem>>
          %dma_start3A_239 = arith.constant 0 : i32
          %dma_start3A_240 = tpu.memref_slice %arg8[%dma_start3A_233, %dma_start3A_239] : memref<2x112xi32, #tpu.memory_space<vmem>> -> memref<1x112xi32, #tpu.memory_space<vmem>>
          %dma_start3A_241 = tpu.memref_squeeze %dma_start3A_240 : memref<1x112xi32, #tpu.memory_space<vmem>> -> memref<112xi32, #tpu.memory_space<vmem>>
          %dma_start3A_242 = arith.constant 0 : i32
          %dma_start3A_243 = arith.constant 0 : i32
          %dma_start3A_244 = tpu.memref_slice %arg2[%dma_start3A_242, %dma_start3A_243] : memref<163842x128xf32, #tpu.memory_space<hbm>> -> memref<163842x128xf32, #tpu.memory_space<hbm>>
          tpu.enqueue_indirect_dma source(%dma_start3A_244 : memref<163842x128xf32, #tpu.memory_space<hbm>>) target(%dma_start3A_238 : memref<112x128xf32, #tpu.memory_space<vmem>>) offsets(%dma_start3A_241 : memref<112xi32, #tpu.memory_space<vmem>>) semaphore(%arg20 : memref<!tpu.dma_semaphore, #tpu.memory_space<semaphore_mem>>)
          %add3A_245 = arith.constant 4 : i32
          %add3A_246 = arith.addi %add3A_119, %add3A_245 : i32
          %lt3A_247 = arith.constant 41 : i32
          %lt3A_248 = arith.cmpi slt, %add3A_246, %lt3A_247 : i32
          %convert_element_type3A_249 = arith.extui %lt3A_248 : i1 to i32
          %cond3A_250 = arith.constant 0 : i32
          %cond3A_251 = arith.cmpi ne, %convert_element_type3A_249, %cond3A_250 : i32
          scf.if %cond3A_251 {
            %add3A_252 = arith.constant 4 : i32
            %add3A_253 = arith.addi %add3A_119, %add3A_252 : i32
            %mul3A_254 = arith.constant 2 : i32
            %mul3A_255 = arith.muli %add3A_253, %mul3A_254 : i32
            %add3A_256 = arith.addi %mul3A_2, %mul3A_255 : i32
            %dma_start3A_257 = arith.constant 0 : i32
            %dma_start3A_258 = tpu.memref_slice %arg3[%add3A_256, %dma_start3A_257] : memref<2624x112xi32, #tpu.memory_space<hbm>> -> memref<2x112xi32, #tpu.memory_space<hbm>>
            %dma_start3A_259 = arith.constant 0 : i32
            %dma_start3A_260 = tpu.memref_slice %arg3[%add3A_256, %dma_start3A_259] : memref<2624x112xi32, #tpu.memory_space<hbm>> -> memref<2x112xi32, #tpu.memory_space<hbm>>
            tpu.enqueue_dma source(%dma_start3A_260 : memref<2x112xi32, #tpu.memory_space<hbm>>) target(%arg6 : memref<2x112xi32, #tpu.memory_space<vmem>>) target_semaphore(%arg14 : memref<!tpu.dma_semaphore, #tpu.memory_space<semaphore_mem>>)
          } else {
          }
        } else {
        }
      } else {
      }
      %mul3A_125 = arith.constant 4 : i32
      %mul3A_126 = arith.muli %scan3A_109, %mul3A_125 : i32
      %add3A_127 = arith.constant 2 : i32
      %add3A_128 = arith.addi %mul3A_126, %add3A_127 : i32
      %lt3A_129 = arith.constant 41 : i32
      %lt3A_130 = arith.cmpi slt, %add3A_128, %lt3A_129 : i32
      %convert_element_type3A_131 = arith.extui %lt3A_130 : i1 to i32
      %cond3A_132 = arith.constant 0 : i32
      %cond3A_133 = arith.cmpi ne, %convert_element_type3A_131, %cond3A_132 : i32
      scf.if %cond3A_133 {
        %dma_wait3A_143 = arith.constant 0 : i32
        %dma_wait3A_144 = arith.constant 0 : i32
        %dma_wait3A_145 = arith.constant 0 : i32
        %dma_wait3A_146 = arith.constant 0 : i32
        %dma_wait3A_147 = tpu.memref_slice %arg9[%dma_wait3A_144, %dma_wait3A_145, %dma_wait3A_146] : memref<2x112x128xf32, #tpu.memory_space<vmem>> -> memref<1x112x128xf32, #tpu.memory_space<vmem>>
        %dma_wait3A_148 = tpu.memref_squeeze %dma_wait3A_147 : memref<1x112x128xf32, #tpu.memory_space<vmem>> -> memref<112x128xf32, #tpu.memory_space<vmem>>
        %dma_wait3A_149 = arith.constant 0 : i32
        %dma_wait3A_150 = tpu.memref_slice %arg5[%dma_wait3A_143, %dma_wait3A_149] : memref<2x112xi32, #tpu.memory_space<vmem>> -> memref<1x112xi32, #tpu.memory_space<vmem>>
        %dma_wait3A_151 = tpu.memref_squeeze %dma_wait3A_150 : memref<1x112xi32, #tpu.memory_space<vmem>> -> memref<112xi32, #tpu.memory_space<vmem>>
        %dma_wait3A_152 = arith.constant 0 : i32
        %dma_wait3A_153 = arith.constant 0 : i32
        %dma_wait3A_154 = tpu.memref_slice %arg2[%dma_wait3A_152, %dma_wait3A_153] : memref<163842x128xf32, #tpu.memory_space<hbm>> -> memref<163842x128xf32, #tpu.memory_space<hbm>>
        tpu.wait_indirect_dma semaphore(%arg17 : memref<!tpu.dma_semaphore, #tpu.memory_space<semaphore_mem>>) src(%dma_wait3A_154 : memref<163842x128xf32, #tpu.memory_space<hbm>>) dst(%dma_wait3A_148 : memref<112x128xf32, #tpu.memory_space<vmem>>)
        %mul3A_155 = arith.constant 2 : i32
        %mul3A_156 = arith.muli %add3A_128, %mul3A_155 : i32
        %add3A_157 = arith.addi %mul3A_2, %mul3A_156 : i32
        %add3A_158 = arith.constant 0 : i32
        %add3A_159 = arith.addi %add3A_157, %add3A_158 : i32
        %mul3A_160 = arith.constant 16 : i32
        %mul3A_161 = arith.muli %add3A_159, %mul3A_160 : i32
        %gt3A = arith.constant 0 : i32
        %gt3A_162 = arith.cmpi sgt, %add3A_128, %gt3A : i32
        %convert_element_type3A_163 = arith.extui %gt3A_162 : i1 to i32
        %cond3A_164 = arith.constant 0 : i32
        %cond3A_165 = arith.cmpi ne, %convert_element_type3A_163, %cond3A_164 : i32
        scf.if %cond3A_165 {
          %dma_wait3A_212 = arith.constant 0 : i32
          %dma_wait3A_213 = tpu.memref_slice %arg4[%mul3A_161, %dma_wait3A_212] : memref<41984x128xf32, #tpu.memory_space<hbm>> -> memref<16x128xf32, #tpu.memory_space<hbm>>
          %dma_wait3A_214 = arith.constant 0 : i32
          %dma_wait3A_215 = tpu.memref_slice %arg4[%mul3A_161, %dma_wait3A_214] : memref<41984x128xf32, #tpu.memory_space<hbm>> -> memref<16x128xf32, #tpu.memory_space<hbm>>
          tpu.wait_dma2 semaphore(%arg21 : memref<!tpu.dma_semaphore, #tpu.memory_space<semaphore_mem>>) src(%arg11 : memref<16x128xf32, #tpu.memory_space<vmem>>) dst(%dma_wait3A_215 : memref<16x128xf32, #tpu.memory_space<hbm>>)
        } else {
        }
        %parallel_loop3A = arith.constant 0 : i32
        %parallel_loop3A_166 = arith.constant 128 : i32
        %parallel_loop3A_167 = arith.constant 1 : i32
        %parallel_loop3A_168 = arith.constant 0 : i32
        scf.for %parallel_loop3A_212 = %parallel_loop3A to %parallel_loop3A_166 step %parallel_loop3A_167  : i32 {
          %parallel_loop3A_213 = arith.constant 7 : i32
          %parallel_loop3A_214 = arith.muli %parallel_loop3A_213, %parallel_loop3A_212 : i32
          %parallel_loop3A_215 = arith.constant 0 : i32
          %parallel_loop3A_216 = arith.addi %parallel_loop3A_214, %parallel_loop3A_215 : i32
          %parallel_loop3A_217 = arith.constant 7 : i32
          %parallel_loop3A_218 = arith.shrsi %parallel_loop3A_216, %parallel_loop3A_217 : i32
          %parallel_loop3A_219 = vector.broadcast %parallel_loop3A_218 : i32 to vector<16xi32>
          %parallel_loop3A_220 = arith.addi %mul3A_5, %parallel_loop3A_219 : vector<16xi32>
          %parallel_loop3A_221 = arith.constant 127 : i32
          %parallel_loop3A_222 = arith.andi %parallel_loop3A_216, %parallel_loop3A_221 : i32
          %parallel_loop3A_223 = vector.broadcast %parallel_loop3A_222 : i32 to vector<16xi32>
          %parallel_loop3A_224 = arith.constant 0 : i32
          %parallel_loop3A_225 = arith.constant 0 : i32
          %parallel_loop3A_226 = tpu.memref_slice %arg9[%parallel_loop3A_168, %parallel_loop3A_224, %parallel_loop3A_225] : memref<2x112x128xf32, #tpu.memory_space<vmem>> -> memref<1x112x128xf32, #tpu.memory_space<vmem>>
          %parallel_loop3A_227 = tpu.memref_squeeze %parallel_loop3A_226 : memref<1x112x128xf32, #tpu.memory_space<vmem>> -> memref<112x128xf32, #tpu.memory_space<vmem>>
          %parallel_loop3A_228 = tpu.vector_load_idx %parallel_loop3A_227[%parallel_loop3A_220, %parallel_loop3A_223] : memref<112x128xf32, #tpu.memory_space<vmem>>[vector<16xi32>, vector<16xi32>], vector<16xf32>,
          %parallel_loop3A_229 = arith.constant 1 : i32
          %parallel_loop3A_230 = arith.addi %parallel_loop3A_214, %parallel_loop3A_229 : i32
          %parallel_loop3A_231 = arith.constant 7 : i32
          %parallel_loop3A_232 = arith.shrsi %parallel_loop3A_230, %parallel_loop3A_231 : i32
          %parallel_loop3A_233 = vector.broadcast %parallel_loop3A_232 : i32 to vector<16xi32>
          %parallel_loop3A_234 = arith.addi %mul3A_5, %parallel_loop3A_233 : vector<16xi32>
          %parallel_loop3A_235 = arith.constant 127 : i32
          %parallel_loop3A_236 = arith.andi %parallel_loop3A_230, %parallel_loop3A_235 : i32
          %parallel_loop3A_237 = vector.broadcast %parallel_loop3A_236 : i32 to vector<16xi32>
          %parallel_loop3A_238 = arith.constant 0 : i32
          %parallel_loop3A_239 = arith.constant 0 : i32
          %parallel_loop3A_240 = tpu.memref_slice %arg9[%parallel_loop3A_168, %parallel_loop3A_238, %parallel_loop3A_239] : memref<2x112x128xf32, #tpu.memory_space<vmem>> -> memref<1x112x128xf32, #tpu.memory_space<vmem>>
          %parallel_loop3A_241 = tpu.memref_squeeze %parallel_loop3A_240 : memref<1x112x128xf32, #tpu.memory_space<vmem>> -> memref<112x128xf32, #tpu.memory_space<vmem>>
          %parallel_loop3A_242 = tpu.vector_load_idx %parallel_loop3A_241[%parallel_loop3A_234, %parallel_loop3A_237] : memref<112x128xf32, #tpu.memory_space<vmem>>[vector<16xi32>, vector<16xi32>], vector<16xf32>,
          %parallel_loop3A_243 = arith.constant 2 : i32
          %parallel_loop3A_244 = arith.addi %parallel_loop3A_214, %parallel_loop3A_243 : i32
          %parallel_loop3A_245 = arith.constant 7 : i32
          %parallel_loop3A_246 = arith.shrsi %parallel_loop3A_244, %parallel_loop3A_245 : i32
          %parallel_loop3A_247 = vector.broadcast %parallel_loop3A_246 : i32 to vector<16xi32>
          %parallel_loop3A_248 = arith.addi %mul3A_5, %parallel_loop3A_247 : vector<16xi32>
          %parallel_loop3A_249 = arith.constant 127 : i32
          %parallel_loop3A_250 = arith.andi %parallel_loop3A_244, %parallel_loop3A_249 : i32
          %parallel_loop3A_251 = vector.broadcast %parallel_loop3A_250 : i32 to vector<16xi32>
          %parallel_loop3A_252 = arith.constant 0 : i32
          %parallel_loop3A_253 = arith.constant 0 : i32
          %parallel_loop3A_254 = tpu.memref_slice %arg9[%parallel_loop3A_168, %parallel_loop3A_252, %parallel_loop3A_253] : memref<2x112x128xf32, #tpu.memory_space<vmem>> -> memref<1x112x128xf32, #tpu.memory_space<vmem>>
          %parallel_loop3A_255 = tpu.memref_squeeze %parallel_loop3A_254 : memref<1x112x128xf32, #tpu.memory_space<vmem>> -> memref<112x128xf32, #tpu.memory_space<vmem>>
          %parallel_loop3A_256 = tpu.vector_load_idx %parallel_loop3A_255[%parallel_loop3A_248, %parallel_loop3A_251] : memref<112x128xf32, #tpu.memory_space<vmem>>[vector<16xi32>, vector<16xi32>], vector<16xf32>,
          %parallel_loop3A_257 = arith.constant 3 : i32
          %parallel_loop3A_258 = arith.addi %parallel_loop3A_214, %parallel_loop3A_257 : i32
          %parallel_loop3A_259 = arith.constant 7 : i32
          %parallel_loop3A_260 = arith.shrsi %parallel_loop3A_258, %parallel_loop3A_259 : i32
          %parallel_loop3A_261 = vector.broadcast %parallel_loop3A_260 : i32 to vector<16xi32>
          %parallel_loop3A_262 = arith.addi %mul3A_5, %parallel_loop3A_261 : vector<16xi32>
          %parallel_loop3A_263 = arith.constant 127 : i32
          %parallel_loop3A_264 = arith.andi %parallel_loop3A_258, %parallel_loop3A_263 : i32
          %parallel_loop3A_265 = vector.broadcast %parallel_loop3A_264 : i32 to vector<16xi32>
          %parallel_loop3A_266 = arith.constant 0 : i32
          %parallel_loop3A_267 = arith.constant 0 : i32
          %parallel_loop3A_268 = tpu.memref_slice %arg9[%parallel_loop3A_168, %parallel_loop3A_266, %parallel_loop3A_267] : memref<2x112x128xf32, #tpu.memory_space<vmem>> -> memref<1x112x128xf32, #tpu.memory_space<vmem>>
          %parallel_loop3A_269 = tpu.memref_squeeze %parallel_loop3A_268 : memref<1x112x128xf32, #tpu.memory_space<vmem>> -> memref<112x128xf32, #tpu.memory_space<vmem>>
          %parallel_loop3A_270 = tpu.vector_load_idx %parallel_loop3A_269[%parallel_loop3A_262, %parallel_loop3A_265] : memref<112x128xf32, #tpu.memory_space<vmem>>[vector<16xi32>, vector<16xi32>], vector<16xf32>,
          %parallel_loop3A_271 = arith.constant 4 : i32
          %parallel_loop3A_272 = arith.addi %parallel_loop3A_214, %parallel_loop3A_271 : i32
          %parallel_loop3A_273 = arith.constant 7 : i32
          %parallel_loop3A_274 = arith.shrsi %parallel_loop3A_272, %parallel_loop3A_273 : i32
          %parallel_loop3A_275 = vector.broadcast %parallel_loop3A_274 : i32 to vector<16xi32>
          %parallel_loop3A_276 = arith.addi %mul3A_5, %parallel_loop3A_275 : vector<16xi32>
          %parallel_loop3A_277 = arith.constant 127 : i32
          %parallel_loop3A_278 = arith.andi %parallel_loop3A_272, %parallel_loop3A_277 : i32
          %parallel_loop3A_279 = vector.broadcast %parallel_loop3A_278 : i32 to vector<16xi32>
          %parallel_loop3A_280 = arith.constant 0 : i32
          %parallel_loop3A_281 = arith.constant 0 : i32
          %parallel_loop3A_282 = tpu.memref_slice %arg9[%parallel_loop3A_168, %parallel_loop3A_280, %parallel_loop3A_281] : memref<2x112x128xf32, #tpu.memory_space<vmem>> -> memref<1x112x128xf32, #tpu.memory_space<vmem>>
          %parallel_loop3A_283 = tpu.memref_squeeze %parallel_loop3A_282 : memref<1x112x128xf32, #tpu.memory_space<vmem>> -> memref<112x128xf32, #tpu.memory_space<vmem>>
          %parallel_loop3A_284 = tpu.vector_load_idx %parallel_loop3A_283[%parallel_loop3A_276, %parallel_loop3A_279] : memref<112x128xf32, #tpu.memory_space<vmem>>[vector<16xi32>, vector<16xi32>], vector<16xf32>,
          %parallel_loop3A_285 = arith.constant 5 : i32
          %parallel_loop3A_286 = arith.addi %parallel_loop3A_214, %parallel_loop3A_285 : i32
          %parallel_loop3A_287 = arith.constant 7 : i32
          %parallel_loop3A_288 = arith.shrsi %parallel_loop3A_286, %parallel_loop3A_287 : i32
          %parallel_loop3A_289 = vector.broadcast %parallel_loop3A_288 : i32 to vector<16xi32>
          %parallel_loop3A_290 = arith.addi %mul3A_5, %parallel_loop3A_289 : vector<16xi32>
          %parallel_loop3A_291 = arith.constant 127 : i32
          %parallel_loop3A_292 = arith.andi %parallel_loop3A_286, %parallel_loop3A_291 : i32
          %parallel_loop3A_293 = vector.broadcast %parallel_loop3A_292 : i32 to vector<16xi32>
          %parallel_loop3A_294 = arith.constant 0 : i32
          %parallel_loop3A_295 = arith.constant 0 : i32
          %parallel_loop3A_296 = tpu.memref_slice %arg9[%parallel_loop3A_168, %parallel_loop3A_294, %parallel_loop3A_295] : memref<2x112x128xf32, #tpu.memory_space<vmem>> -> memref<1x112x128xf32, #tpu.memory_space<vmem>>
          %parallel_loop3A_297 = tpu.memref_squeeze %parallel_loop3A_296 : memref<1x112x128xf32, #tpu.memory_space<vmem>> -> memref<112x128xf32, #tpu.memory_space<vmem>>
          %parallel_loop3A_298 = tpu.vector_load_idx %parallel_loop3A_297[%parallel_loop3A_290, %parallel_loop3A_293] : memref<112x128xf32, #tpu.memory_space<vmem>>[vector<16xi32>, vector<16xi32>], vector<16xf32>,
          %parallel_loop3A_299 = arith.constant 6 : i32
          %parallel_loop3A_300 = arith.addi %parallel_loop3A_214, %parallel_loop3A_299 : i32
          %parallel_loop3A_301 = arith.constant 7 : i32
          %parallel_loop3A_302 = arith.shrsi %parallel_loop3A_300, %parallel_loop3A_301 : i32
          %parallel_loop3A_303 = vector.broadcast %parallel_loop3A_302 : i32 to vector<16xi32>
          %parallel_loop3A_304 = arith.addi %mul3A_5, %parallel_loop3A_303 : vector<16xi32>
          %parallel_loop3A_305 = arith.constant 127 : i32
          %parallel_loop3A_306 = arith.andi %parallel_loop3A_300, %parallel_loop3A_305 : i32
          %parallel_loop3A_307 = vector.broadcast %parallel_loop3A_306 : i32 to vector<16xi32>
          %parallel_loop3A_308 = arith.constant 0 : i32
          %parallel_loop3A_309 = arith.constant 0 : i32
          %parallel_loop3A_310 = tpu.memref_slice %arg9[%parallel_loop3A_168, %parallel_loop3A_308, %parallel_loop3A_309] : memref<2x112x128xf32, #tpu.memory_space<vmem>> -> memref<1x112x128xf32, #tpu.memory_space<vmem>>
          %parallel_loop3A_311 = tpu.memref_squeeze %parallel_loop3A_310 : memref<1x112x128xf32, #tpu.memory_space<vmem>> -> memref<112x128xf32, #tpu.memory_space<vmem>>
          %parallel_loop3A_312 = tpu.vector_load_idx %parallel_loop3A_311[%parallel_loop3A_304, %parallel_loop3A_307] : memref<112x128xf32, #tpu.memory_space<vmem>>[vector<16xi32>, vector<16xi32>], vector<16xf32>,
          %parallel_loop3A_313 = arith.addf %parallel_loop3A_228, %parallel_loop3A_242 : vector<16xf32>
          %parallel_loop3A_314 = arith.addf %parallel_loop3A_256, %parallel_loop3A_270 : vector<16xf32>
          %parallel_loop3A_315 = arith.addf %parallel_loop3A_313, %parallel_loop3A_314 : vector<16xf32>
          %parallel_loop3A_316 = arith.addf %parallel_loop3A_284, %parallel_loop3A_298 : vector<16xf32>
          %parallel_loop3A_317 = arith.addf %parallel_loop3A_316, %parallel_loop3A_312 : vector<16xf32>
          %parallel_loop3A_318 = arith.addf %parallel_loop3A_315, %parallel_loop3A_317 : vector<16xf32>
          %parallel_loop3A_319 = vector.broadcast %parallel_loop3A_212 : i32 to vector<16xi32>
          %parallel_loop3A_320 = arith.constant 0.142857149 : f32
          %parallel_loop3A_321 = vector.broadcast %parallel_loop3A_320 : f32 to vector<16xf32>
          %parallel_loop3A_322 = arith.mulf %parallel_loop3A_318, %parallel_loop3A_321 : vector<16xf32>
          tpu.vector_store_idx %arg11[%iota3A, %parallel_loop3A_319], %parallel_loop3A_322 : memref<16x128xf32, #tpu.memory_space<vmem>>[vector<16xi32>, vector<16xi32>], vector<16xf32>,
        } {sc.loop_unroll_factor = 4 : i64, sc.parallel_access}
        %dma_start3A_169 = arith.constant 0 : i32
        %dma_start3A_170 = tpu.memref_slice %arg4[%mul3A_161, %dma_start3A_169] : memref<41984x128xf32, #tpu.memory_space<hbm>> -> memref<16x128xf32, #tpu.memory_space<hbm>>
        %dma_start3A_171 = arith.constant 0 : i32
        %dma_start3A_172 = tpu.memref_slice %arg4[%mul3A_161, %dma_start3A_171] : memref<41984x128xf32, #tpu.memory_space<hbm>> -> memref<16x128xf32, #tpu.memory_space<hbm>>
        tpu.enqueue_dma source(%arg11 : memref<16x128xf32, #tpu.memory_space<vmem>>) target(%dma_start3A_172 : memref<16x128xf32, #tpu.memory_space<hbm>>) target_semaphore(%arg21 : memref<!tpu.dma_semaphore, #tpu.memory_space<semaphore_mem>>)
        %dma_wait3A_173 = arith.constant 1 : i32
        %dma_wait3A_174 = arith.constant 1 : i32
        %dma_wait3A_175 = arith.constant 0 : i32
        %dma_wait3A_176 = arith.constant 0 : i32
        %dma_wait3A_177 = tpu.memref_slice %arg9[%dma_wait3A_174, %dma_wait3A_175, %dma_wait3A_176] : memref<2x112x128xf32, #tpu.memory_space<vmem>> -> memref<1x112x128xf32, #tpu.memory_space<vmem>>
        %dma_wait3A_178 = tpu.memref_squeeze %dma_wait3A_177 : memref<1x112x128xf32, #tpu.memory_space<vmem>> -> memref<112x128xf32, #tpu.memory_space<vmem>>
        %dma_wait3A_179 = arith.constant 0 : i32
        %dma_wait3A_180 = tpu.memref_slice %arg5[%dma_wait3A_173, %dma_wait3A_179] : memref<2x112xi32, #tpu.memory_space<vmem>> -> memref<1x112xi32, #tpu.memory_space<vmem>>
        %dma_wait3A_181 = tpu.memref_squeeze %dma_wait3A_180 : memref<1x112xi32, #tpu.memory_space<vmem>> -> memref<112xi32, #tpu.memory_space<vmem>>
        %dma_wait3A_182 = arith.constant 0 : i32
        %dma_wait3A_183 = arith.constant 0 : i32
        %dma_wait3A_184 = tpu.memref_slice %arg2[%dma_wait3A_182, %dma_wait3A_183] : memref<163842x128xf32, #tpu.memory_space<hbm>> -> memref<163842x128xf32, #tpu.memory_space<hbm>>
        tpu.wait_indirect_dma semaphore(%arg18 : memref<!tpu.dma_semaphore, #tpu.memory_space<semaphore_mem>>) src(%dma_wait3A_184 : memref<163842x128xf32, #tpu.memory_space<hbm>>) dst(%dma_wait3A_178 : memref<112x128xf32, #tpu.memory_space<vmem>>)
        %mul3A_185 = arith.constant 2 : i32
        %mul3A_186 = arith.muli %add3A_128, %mul3A_185 : i32
        %add3A_187 = arith.addi %mul3A_2, %mul3A_186 : i32
        %add3A_188 = arith.constant 1 : i32
        %add3A_189 = arith.addi %add3A_187, %add3A_188 : i32
        %mul3A_190 = arith.constant 16 : i32
        %mul3A_191 = arith.muli %add3A_189, %mul3A_190 : i32
        %gt3A_192 = arith.constant 0 : i32
        %gt3A_193 = arith.cmpi sgt, %add3A_128, %gt3A_192 : i32
        %convert_element_type3A_194 = arith.extui %gt3A_193 : i1 to i32
        %cond3A_195 = arith.constant 0 : i32
        %cond3A_196 = arith.cmpi ne, %convert_element_type3A_194, %cond3A_195 : i32
        scf.if %cond3A_196 {
          %dma_wait3A_212 = arith.constant 0 : i32
          %dma_wait3A_213 = tpu.memref_slice %arg4[%mul3A_191, %dma_wait3A_212] : memref<41984x128xf32, #tpu.memory_space<hbm>> -> memref<16x128xf32, #tpu.memory_space<hbm>>
          %dma_wait3A_214 = arith.constant 0 : i32
          %dma_wait3A_215 = tpu.memref_slice %arg4[%mul3A_191, %dma_wait3A_214] : memref<41984x128xf32, #tpu.memory_space<hbm>> -> memref<16x128xf32, #tpu.memory_space<hbm>>
          tpu.wait_dma2 semaphore(%arg22 : memref<!tpu.dma_semaphore, #tpu.memory_space<semaphore_mem>>) src(%arg12 : memref<16x128xf32, #tpu.memory_space<vmem>>) dst(%dma_wait3A_215 : memref<16x128xf32, #tpu.memory_space<hbm>>)
        } else {
        }
        %parallel_loop3A_197 = arith.constant 0 : i32
        %parallel_loop3A_198 = arith.constant 128 : i32
        %parallel_loop3A_199 = arith.constant 1 : i32
        %parallel_loop3A_200 = arith.constant 1 : i32
        scf.for %parallel_loop3A_212 = %parallel_loop3A_197 to %parallel_loop3A_198 step %parallel_loop3A_199  : i32 {
          %parallel_loop3A_213 = arith.constant 7 : i32
          %parallel_loop3A_214 = arith.muli %parallel_loop3A_213, %parallel_loop3A_212 : i32
          %parallel_loop3A_215 = arith.constant 0 : i32
          %parallel_loop3A_216 = arith.addi %parallel_loop3A_214, %parallel_loop3A_215 : i32
          %parallel_loop3A_217 = arith.constant 7 : i32
          %parallel_loop3A_218 = arith.shrsi %parallel_loop3A_216, %parallel_loop3A_217 : i32
          %parallel_loop3A_219 = vector.broadcast %parallel_loop3A_218 : i32 to vector<16xi32>
          %parallel_loop3A_220 = arith.addi %mul3A_5, %parallel_loop3A_219 : vector<16xi32>
          %parallel_loop3A_221 = arith.constant 127 : i32
          %parallel_loop3A_222 = arith.andi %parallel_loop3A_216, %parallel_loop3A_221 : i32
          %parallel_loop3A_223 = vector.broadcast %parallel_loop3A_222 : i32 to vector<16xi32>
          %parallel_loop3A_224 = arith.constant 0 : i32
          %parallel_loop3A_225 = arith.constant 0 : i32
          %parallel_loop3A_226 = tpu.memref_slice %arg9[%parallel_loop3A_200, %parallel_loop3A_224, %parallel_loop3A_225] : memref<2x112x128xf32, #tpu.memory_space<vmem>> -> memref<1x112x128xf32, #tpu.memory_space<vmem>>
          %parallel_loop3A_227 = tpu.memref_squeeze %parallel_loop3A_226 : memref<1x112x128xf32, #tpu.memory_space<vmem>> -> memref<112x128xf32, #tpu.memory_space<vmem>>
          %parallel_loop3A_228 = tpu.vector_load_idx %parallel_loop3A_227[%parallel_loop3A_220, %parallel_loop3A_223] : memref<112x128xf32, #tpu.memory_space<vmem>>[vector<16xi32>, vector<16xi32>], vector<16xf32>,
          %parallel_loop3A_229 = arith.constant 1 : i32
          %parallel_loop3A_230 = arith.addi %parallel_loop3A_214, %parallel_loop3A_229 : i32
          %parallel_loop3A_231 = arith.constant 7 : i32
          %parallel_loop3A_232 = arith.shrsi %parallel_loop3A_230, %parallel_loop3A_231 : i32
          %parallel_loop3A_233 = vector.broadcast %parallel_loop3A_232 : i32 to vector<16xi32>
          %parallel_loop3A_234 = arith.addi %mul3A_5, %parallel_loop3A_233 : vector<16xi32>
          %parallel_loop3A_235 = arith.constant 127 : i32
          %parallel_loop3A_236 = arith.andi %parallel_loop3A_230, %parallel_loop3A_235 : i32
          %parallel_loop3A_237 = vector.broadcast %parallel_loop3A_236 : i32 to vector<16xi32>
          %parallel_loop3A_238 = arith.constant 0 : i32
          %parallel_loop3A_239 = arith.constant 0 : i32
          %parallel_loop3A_240 = tpu.memref_slice %arg9[%parallel_loop3A_200, %parallel_loop3A_238, %parallel_loop3A_239] : memref<2x112x128xf32, #tpu.memory_space<vmem>> -> memref<1x112x128xf32, #tpu.memory_space<vmem>>
          %parallel_loop3A_241 = tpu.memref_squeeze %parallel_loop3A_240 : memref<1x112x128xf32, #tpu.memory_space<vmem>> -> memref<112x128xf32, #tpu.memory_space<vmem>>
          %parallel_loop3A_242 = tpu.vector_load_idx %parallel_loop3A_241[%parallel_loop3A_234, %parallel_loop3A_237] : memref<112x128xf32, #tpu.memory_space<vmem>>[vector<16xi32>, vector<16xi32>], vector<16xf32>,
          %parallel_loop3A_243 = arith.constant 2 : i32
          %parallel_loop3A_244 = arith.addi %parallel_loop3A_214, %parallel_loop3A_243 : i32
          %parallel_loop3A_245 = arith.constant 7 : i32
          %parallel_loop3A_246 = arith.shrsi %parallel_loop3A_244, %parallel_loop3A_245 : i32
          %parallel_loop3A_247 = vector.broadcast %parallel_loop3A_246 : i32 to vector<16xi32>
          %parallel_loop3A_248 = arith.addi %mul3A_5, %parallel_loop3A_247 : vector<16xi32>
          %parallel_loop3A_249 = arith.constant 127 : i32
          %parallel_loop3A_250 = arith.andi %parallel_loop3A_244, %parallel_loop3A_249 : i32
          %parallel_loop3A_251 = vector.broadcast %parallel_loop3A_250 : i32 to vector<16xi32>
          %parallel_loop3A_252 = arith.constant 0 : i32
          %parallel_loop3A_253 = arith.constant 0 : i32
          %parallel_loop3A_254 = tpu.memref_slice %arg9[%parallel_loop3A_200, %parallel_loop3A_252, %parallel_loop3A_253] : memref<2x112x128xf32, #tpu.memory_space<vmem>> -> memref<1x112x128xf32, #tpu.memory_space<vmem>>
          %parallel_loop3A_255 = tpu.memref_squeeze %parallel_loop3A_254 : memref<1x112x128xf32, #tpu.memory_space<vmem>> -> memref<112x128xf32, #tpu.memory_space<vmem>>
          %parallel_loop3A_256 = tpu.vector_load_idx %parallel_loop3A_255[%parallel_loop3A_248, %parallel_loop3A_251] : memref<112x128xf32, #tpu.memory_space<vmem>>[vector<16xi32>, vector<16xi32>], vector<16xf32>,
          %parallel_loop3A_257 = arith.constant 3 : i32
          %parallel_loop3A_258 = arith.addi %parallel_loop3A_214, %parallel_loop3A_257 : i32
          %parallel_loop3A_259 = arith.constant 7 : i32
          %parallel_loop3A_260 = arith.shrsi %parallel_loop3A_258, %parallel_loop3A_259 : i32
          %parallel_loop3A_261 = vector.broadcast %parallel_loop3A_260 : i32 to vector<16xi32>
          %parallel_loop3A_262 = arith.addi %mul3A_5, %parallel_loop3A_261 : vector<16xi32>
          %parallel_loop3A_263 = arith.constant 127 : i32
          %parallel_loop3A_264 = arith.andi %parallel_loop3A_258, %parallel_loop3A_263 : i32
          %parallel_loop3A_265 = vector.broadcast %parallel_loop3A_264 : i32 to vector<16xi32>
          %parallel_loop3A_266 = arith.constant 0 : i32
          %parallel_loop3A_267 = arith.constant 0 : i32
          %parallel_loop3A_268 = tpu.memref_slice %arg9[%parallel_loop3A_200, %parallel_loop3A_266, %parallel_loop3A_267] : memref<2x112x128xf32, #tpu.memory_space<vmem>> -> memref<1x112x128xf32, #tpu.memory_space<vmem>>
          %parallel_loop3A_269 = tpu.memref_squeeze %parallel_loop3A_268 : memref<1x112x128xf32, #tpu.memory_space<vmem>> -> memref<112x128xf32, #tpu.memory_space<vmem>>
          %parallel_loop3A_270 = tpu.vector_load_idx %parallel_loop3A_269[%parallel_loop3A_262, %parallel_loop3A_265] : memref<112x128xf32, #tpu.memory_space<vmem>>[vector<16xi32>, vector<16xi32>], vector<16xf32>,
          %parallel_loop3A_271 = arith.constant 4 : i32
          %parallel_loop3A_272 = arith.addi %parallel_loop3A_214, %parallel_loop3A_271 : i32
          %parallel_loop3A_273 = arith.constant 7 : i32
          %parallel_loop3A_274 = arith.shrsi %parallel_loop3A_272, %parallel_loop3A_273 : i32
          %parallel_loop3A_275 = vector.broadcast %parallel_loop3A_274 : i32 to vector<16xi32>
          %parallel_loop3A_276 = arith.addi %mul3A_5, %parallel_loop3A_275 : vector<16xi32>
          %parallel_loop3A_277 = arith.constant 127 : i32
          %parallel_loop3A_278 = arith.andi %parallel_loop3A_272, %parallel_loop3A_277 : i32
          %parallel_loop3A_279 = vector.broadcast %parallel_loop3A_278 : i32 to vector<16xi32>
          %parallel_loop3A_280 = arith.constant 0 : i32
          %parallel_loop3A_281 = arith.constant 0 : i32
          %parallel_loop3A_282 = tpu.memref_slice %arg9[%parallel_loop3A_200, %parallel_loop3A_280, %parallel_loop3A_281] : memref<2x112x128xf32, #tpu.memory_space<vmem>> -> memref<1x112x128xf32, #tpu.memory_space<vmem>>
          %parallel_loop3A_283 = tpu.memref_squeeze %parallel_loop3A_282 : memref<1x112x128xf32, #tpu.memory_space<vmem>> -> memref<112x128xf32, #tpu.memory_space<vmem>>
          %parallel_loop3A_284 = tpu.vector_load_idx %parallel_loop3A_283[%parallel_loop3A_276, %parallel_loop3A_279] : memref<112x128xf32, #tpu.memory_space<vmem>>[vector<16xi32>, vector<16xi32>], vector<16xf32>,
          %parallel_loop3A_285 = arith.constant 5 : i32
          %parallel_loop3A_286 = arith.addi %parallel_loop3A_214, %parallel_loop3A_285 : i32
          %parallel_loop3A_287 = arith.constant 7 : i32
          %parallel_loop3A_288 = arith.shrsi %parallel_loop3A_286, %parallel_loop3A_287 : i32
          %parallel_loop3A_289 = vector.broadcast %parallel_loop3A_288 : i32 to vector<16xi32>
          %parallel_loop3A_290 = arith.addi %mul3A_5, %parallel_loop3A_289 : vector<16xi32>
          %parallel_loop3A_291 = arith.constant 127 : i32
          %parallel_loop3A_292 = arith.andi %parallel_loop3A_286, %parallel_loop3A_291 : i32
          %parallel_loop3A_293 = vector.broadcast %parallel_loop3A_292 : i32 to vector<16xi32>
          %parallel_loop3A_294 = arith.constant 0 : i32
          %parallel_loop3A_295 = arith.constant 0 : i32
          %parallel_loop3A_296 = tpu.memref_slice %arg9[%parallel_loop3A_200, %parallel_loop3A_294, %parallel_loop3A_295] : memref<2x112x128xf32, #tpu.memory_space<vmem>> -> memref<1x112x128xf32, #tpu.memory_space<vmem>>
          %parallel_loop3A_297 = tpu.memref_squeeze %parallel_loop3A_296 : memref<1x112x128xf32, #tpu.memory_space<vmem>> -> memref<112x128xf32, #tpu.memory_space<vmem>>
          %parallel_loop3A_298 = tpu.vector_load_idx %parallel_loop3A_297[%parallel_loop3A_290, %parallel_loop3A_293] : memref<112x128xf32, #tpu.memory_space<vmem>>[vector<16xi32>, vector<16xi32>], vector<16xf32>,
          %parallel_loop3A_299 = arith.constant 6 : i32
          %parallel_loop3A_300 = arith.addi %parallel_loop3A_214, %parallel_loop3A_299 : i32
          %parallel_loop3A_301 = arith.constant 7 : i32
          %parallel_loop3A_302 = arith.shrsi %parallel_loop3A_300, %parallel_loop3A_301 : i32
          %parallel_loop3A_303 = vector.broadcast %parallel_loop3A_302 : i32 to vector<16xi32>
          %parallel_loop3A_304 = arith.addi %mul3A_5, %parallel_loop3A_303 : vector<16xi32>
          %parallel_loop3A_305 = arith.constant 127 : i32
          %parallel_loop3A_306 = arith.andi %parallel_loop3A_300, %parallel_loop3A_305 : i32
          %parallel_loop3A_307 = vector.broadcast %parallel_loop3A_306 : i32 to vector<16xi32>
          %parallel_loop3A_308 = arith.constant 0 : i32
          %parallel_loop3A_309 = arith.constant 0 : i32
          %parallel_loop3A_310 = tpu.memref_slice %arg9[%parallel_loop3A_200, %parallel_loop3A_308, %parallel_loop3A_309] : memref<2x112x128xf32, #tpu.memory_space<vmem>> -> memref<1x112x128xf32, #tpu.memory_space<vmem>>
          %parallel_loop3A_311 = tpu.memref_squeeze %parallel_loop3A_310 : memref<1x112x128xf32, #tpu.memory_space<vmem>> -> memref<112x128xf32, #tpu.memory_space<vmem>>
          %parallel_loop3A_312 = tpu.vector_load_idx %parallel_loop3A_311[%parallel_loop3A_304, %parallel_loop3A_307] : memref<112x128xf32, #tpu.memory_space<vmem>>[vector<16xi32>, vector<16xi32>], vector<16xf32>,
          %parallel_loop3A_313 = arith.addf %parallel_loop3A_228, %parallel_loop3A_242 : vector<16xf32>
          %parallel_loop3A_314 = arith.addf %parallel_loop3A_256, %parallel_loop3A_270 : vector<16xf32>
          %parallel_loop3A_315 = arith.addf %parallel_loop3A_313, %parallel_loop3A_314 : vector<16xf32>
          %parallel_loop3A_316 = arith.addf %parallel_loop3A_284, %parallel_loop3A_298 : vector<16xf32>
          %parallel_loop3A_317 = arith.addf %parallel_loop3A_316, %parallel_loop3A_312 : vector<16xf32>
          %parallel_loop3A_318 = arith.addf %parallel_loop3A_315, %parallel_loop3A_317 : vector<16xf32>
          %parallel_loop3A_319 = vector.broadcast %parallel_loop3A_212 : i32 to vector<16xi32>
          %parallel_loop3A_320 = arith.constant 0.142857149 : f32
          %parallel_loop3A_321 = vector.broadcast %parallel_loop3A_320 : f32 to vector<16xf32>
          %parallel_loop3A_322 = arith.mulf %parallel_loop3A_318, %parallel_loop3A_321 : vector<16xf32>
          tpu.vector_store_idx %arg12[%iota3A, %parallel_loop3A_319], %parallel_loop3A_322 : memref<16x128xf32, #tpu.memory_space<vmem>>[vector<16xi32>, vector<16xi32>], vector<16xf32>,
        } {sc.loop_unroll_factor = 4 : i64, sc.parallel_access}
        %dma_start3A_201 = arith.constant 0 : i32
        %dma_start3A_202 = tpu.memref_slice %arg4[%mul3A_191, %dma_start3A_201] : memref<41984x128xf32, #tpu.memory_space<hbm>> -> memref<16x128xf32, #tpu.memory_space<hbm>>
        %dma_start3A_203 = arith.constant 0 : i32
        %dma_start3A_204 = tpu.memref_slice %arg4[%mul3A_191, %dma_start3A_203] : memref<41984x128xf32, #tpu.memory_space<hbm>> -> memref<16x128xf32, #tpu.memory_space<hbm>>
        tpu.enqueue_dma source(%arg12 : memref<16x128xf32, #tpu.memory_space<vmem>>) target(%dma_start3A_204 : memref<16x128xf32, #tpu.memory_space<hbm>>) target_semaphore(%arg22 : memref<!tpu.dma_semaphore, #tpu.memory_space<semaphore_mem>>)
        %add3A_205 = arith.constant 2 : i32
        %add3A_206 = arith.addi %add3A_128, %add3A_205 : i32
        %lt3A_207 = arith.constant 41 : i32
        %lt3A_208 = arith.cmpi slt, %add3A_206, %lt3A_207 : i32
        %convert_element_type3A_209 = arith.extui %lt3A_208 : i1 to i32
        %cond3A_210 = arith.constant 0 : i32
        %cond3A_211 = arith.cmpi ne, %convert_element_type3A_209, %cond3A_210 : i32
        scf.if %cond3A_211 {
          %add3A_212 = arith.constant 2 : i32
          %add3A_213 = arith.addi %add3A_128, %add3A_212 : i32
          %mul3A_214 = arith.constant 2 : i32
          %mul3A_215 = arith.muli %add3A_213, %mul3A_214 : i32
          %add3A_216 = arith.addi %mul3A_2, %mul3A_215 : i32
          %dma_wait3A_217 = arith.constant 0 : i32
          %dma_wait3A_218 = tpu.memref_slice %arg3[%add3A_216, %dma_wait3A_217] : memref<2624x112xi32, #tpu.memory_space<hbm>> -> memref<2x112xi32, #tpu.memory_space<hbm>>
          %dma_wait3A_219 = arith.constant 0 : i32
          %dma_wait3A_220 = tpu.memref_slice %arg3[%add3A_216, %dma_wait3A_219] : memref<2624x112xi32, #tpu.memory_space<hbm>> -> memref<2x112xi32, #tpu.memory_space<hbm>>
          tpu.wait_dma2 semaphore(%arg13 : memref<!tpu.dma_semaphore, #tpu.memory_space<semaphore_mem>>) src(%dma_wait3A_220 : memref<2x112xi32, #tpu.memory_space<hbm>>) dst(%arg5 : memref<2x112xi32, #tpu.memory_space<vmem>>)
          %dma_start3A_221 = arith.constant 0 : i32
          %dma_start3A_222 = arith.constant 0 : i32
          %dma_start3A_223 = arith.constant 0 : i32
          %dma_start3A_224 = arith.constant 0 : i32
          %dma_start3A_225 = tpu.memref_slice %arg9[%dma_start3A_222, %dma_start3A_223, %dma_start3A_224] : memref<2x112x128xf32, #tpu.memory_space<vmem>> -> memref<1x112x128xf32, #tpu.memory_space<vmem>>
          %dma_start3A_226 = tpu.memref_squeeze %dma_start3A_225 : memref<1x112x128xf32, #tpu.memory_space<vmem>> -> memref<112x128xf32, #tpu.memory_space<vmem>>
          %dma_start3A_227 = arith.constant 0 : i32
          %dma_start3A_228 = tpu.memref_slice %arg5[%dma_start3A_221, %dma_start3A_227] : memref<2x112xi32, #tpu.memory_space<vmem>> -> memref<1x112xi32, #tpu.memory_space<vmem>>
          %dma_start3A_229 = tpu.memref_squeeze %dma_start3A_228 : memref<1x112xi32, #tpu.memory_space<vmem>> -> memref<112xi32, #tpu.memory_space<vmem>>
          %dma_start3A_230 = arith.constant 0 : i32
          %dma_start3A_231 = arith.constant 0 : i32
          %dma_start3A_232 = tpu.memref_slice %arg2[%dma_start3A_230, %dma_start3A_231] : memref<163842x128xf32, #tpu.memory_space<hbm>> -> memref<163842x128xf32, #tpu.memory_space<hbm>>
          tpu.enqueue_indirect_dma source(%dma_start3A_232 : memref<163842x128xf32, #tpu.memory_space<hbm>>) target(%dma_start3A_226 : memref<112x128xf32, #tpu.memory_space<vmem>>) offsets(%dma_start3A_229 : memref<112xi32, #tpu.memory_space<vmem>>) semaphore(%arg17 : memref<!tpu.dma_semaphore, #tpu.memory_space<semaphore_mem>>)
          %dma_start3A_233 = arith.constant 1 : i32
          %dma_start3A_234 = arith.constant 1 : i32
          %dma_start3A_235 = arith.constant 0 : i32
          %dma_start3A_236 = arith.constant 0 : i32
          %dma_start3A_237 = tpu.memref_slice %arg9[%dma_start3A_234, %dma_start3A_235, %dma_start3A_236] : memref<2x112x128xf32, #tpu.memory_space<vmem>> -> memref<1x112x128xf32, #tpu.memory_space<vmem>>
          %dma_start3A_238 = tpu.memref_squeeze %dma_start3A_237 : memref<1x112x128xf32, #tpu.memory_space<vmem>> -> memref<112x128xf32, #tpu.memory_space<vmem>>
          %dma_start3A_239 = arith.constant 0 : i32
          %dma_start3A_240 = tpu.memref_slice %arg5[%dma_start3A_233, %dma_start3A_239] : memref<2x112xi32, #tpu.memory_space<vmem>> -> memref<1x112xi32, #tpu.memory_space<vmem>>
          %dma_start3A_241 = tpu.memref_squeeze %dma_start3A_240 : memref<1x112xi32, #tpu.memory_space<vmem>> -> memref<112xi32, #tpu.memory_space<vmem>>
          %dma_start3A_242 = arith.constant 0 : i32
          %dma_start3A_243 = arith.constant 0 : i32
          %dma_start3A_244 = tpu.memref_slice %arg2[%dma_start3A_242, %dma_start3A_243] : memref<163842x128xf32, #tpu.memory_space<hbm>> -> memref<163842x128xf32, #tpu.memory_space<hbm>>
          tpu.enqueue_indirect_dma source(%dma_start3A_244 : memref<163842x128xf32, #tpu.memory_space<hbm>>) target(%dma_start3A_238 : memref<112x128xf32, #tpu.memory_space<vmem>>) offsets(%dma_start3A_241 : memref<112xi32, #tpu.memory_space<vmem>>) semaphore(%arg18 : memref<!tpu.dma_semaphore, #tpu.memory_space<semaphore_mem>>)
          %add3A_245 = arith.constant 4 : i32
          %add3A_246 = arith.addi %add3A_128, %add3A_245 : i32
          %lt3A_247 = arith.constant 41 : i32
          %lt3A_248 = arith.cmpi slt, %add3A_246, %lt3A_247 : i32
          %convert_element_type3A_249 = arith.extui %lt3A_248 : i1 to i32
          %cond3A_250 = arith.constant 0 : i32
          %cond3A_251 = arith.cmpi ne, %convert_element_type3A_249, %cond3A_250 : i32
          scf.if %cond3A_251 {
            %add3A_252 = arith.constant 4 : i32
            %add3A_253 = arith.addi %add3A_128, %add3A_252 : i32
            %mul3A_254 = arith.constant 2 : i32
            %mul3A_255 = arith.muli %add3A_253, %mul3A_254 : i32
            %add3A_256 = arith.addi %mul3A_2, %mul3A_255 : i32
            %dma_start3A_257 = arith.constant 0 : i32
            %dma_start3A_258 = tpu.memref_slice %arg3[%add3A_256, %dma_start3A_257] : memref<2624x112xi32, #tpu.memory_space<hbm>> -> memref<2x112xi32, #tpu.memory_space<hbm>>
            %dma_start3A_259 = arith.constant 0 : i32
            %dma_start3A_260 = tpu.memref_slice %arg3[%add3A_256, %dma_start3A_259] : memref<2624x112xi32, #tpu.memory_space<hbm>> -> memref<2x112xi32, #tpu.memory_space<hbm>>
            tpu.enqueue_dma source(%dma_start3A_260 : memref<2x112xi32, #tpu.memory_space<hbm>>) target(%arg7 : memref<2x112xi32, #tpu.memory_space<vmem>>) target_semaphore(%arg15 : memref<!tpu.dma_semaphore, #tpu.memory_space<semaphore_mem>>)
          } else {
          }
        } else {
        }
      } else {
      }
      %mul3A_134 = arith.constant 4 : i32
      %mul3A_135 = arith.muli %scan3A_109, %mul3A_134 : i32
      %add3A_136 = arith.constant 3 : i32
      %add3A_137 = arith.addi %mul3A_135, %add3A_136 : i32
      %lt3A_138 = arith.constant 41 : i32
      %lt3A_139 = arith.cmpi slt, %add3A_137, %lt3A_138 : i32
      %convert_element_type3A_140 = arith.extui %lt3A_139 : i1 to i32
      %cond3A_141 = arith.constant 0 : i32
      %cond3A_142 = arith.cmpi ne, %convert_element_type3A_140, %cond3A_141 : i32
      scf.if %cond3A_142 {
        %dma_wait3A_143 = arith.constant 0 : i32
        %dma_wait3A_144 = arith.constant 0 : i32
        %dma_wait3A_145 = arith.constant 0 : i32
        %dma_wait3A_146 = arith.constant 0 : i32
        %dma_wait3A_147 = tpu.memref_slice %arg10[%dma_wait3A_144, %dma_wait3A_145, %dma_wait3A_146] : memref<2x112x128xf32, #tpu.memory_space<vmem>> -> memref<1x112x128xf32, #tpu.memory_space<vmem>>
        %dma_wait3A_148 = tpu.memref_squeeze %dma_wait3A_147 : memref<1x112x128xf32, #tpu.memory_space<vmem>> -> memref<112x128xf32, #tpu.memory_space<vmem>>
        %dma_wait3A_149 = arith.constant 0 : i32
        %dma_wait3A_150 = tpu.memref_slice %arg5[%dma_wait3A_143, %dma_wait3A_149] : memref<2x112xi32, #tpu.memory_space<vmem>> -> memref<1x112xi32, #tpu.memory_space<vmem>>
        %dma_wait3A_151 = tpu.memref_squeeze %dma_wait3A_150 : memref<1x112xi32, #tpu.memory_space<vmem>> -> memref<112xi32, #tpu.memory_space<vmem>>
        %dma_wait3A_152 = arith.constant 0 : i32
        %dma_wait3A_153 = arith.constant 0 : i32
        %dma_wait3A_154 = tpu.memref_slice %arg2[%dma_wait3A_152, %dma_wait3A_153] : memref<163842x128xf32, #tpu.memory_space<hbm>> -> memref<163842x128xf32, #tpu.memory_space<hbm>>
        tpu.wait_indirect_dma semaphore(%arg19 : memref<!tpu.dma_semaphore, #tpu.memory_space<semaphore_mem>>) src(%dma_wait3A_154 : memref<163842x128xf32, #tpu.memory_space<hbm>>) dst(%dma_wait3A_148 : memref<112x128xf32, #tpu.memory_space<vmem>>)
        %mul3A_155 = arith.constant 2 : i32
        %mul3A_156 = arith.muli %add3A_137, %mul3A_155 : i32
        %add3A_157 = arith.addi %mul3A_2, %mul3A_156 : i32
        %add3A_158 = arith.constant 0 : i32
        %add3A_159 = arith.addi %add3A_157, %add3A_158 : i32
        %mul3A_160 = arith.constant 16 : i32
        %mul3A_161 = arith.muli %add3A_159, %mul3A_160 : i32
        %gt3A = arith.constant 0 : i32
        %gt3A_162 = arith.cmpi sgt, %add3A_137, %gt3A : i32
        %convert_element_type3A_163 = arith.extui %gt3A_162 : i1 to i32
        %cond3A_164 = arith.constant 0 : i32
        %cond3A_165 = arith.cmpi ne, %convert_element_type3A_163, %cond3A_164 : i32
        scf.if %cond3A_165 {
          %dma_wait3A_212 = arith.constant 0 : i32
          %dma_wait3A_213 = tpu.memref_slice %arg4[%mul3A_161, %dma_wait3A_212] : memref<41984x128xf32, #tpu.memory_space<hbm>> -> memref<16x128xf32, #tpu.memory_space<hbm>>
          %dma_wait3A_214 = arith.constant 0 : i32
          %dma_wait3A_215 = tpu.memref_slice %arg4[%mul3A_161, %dma_wait3A_214] : memref<41984x128xf32, #tpu.memory_space<hbm>> -> memref<16x128xf32, #tpu.memory_space<hbm>>
          tpu.wait_dma2 semaphore(%arg21 : memref<!tpu.dma_semaphore, #tpu.memory_space<semaphore_mem>>) src(%arg11 : memref<16x128xf32, #tpu.memory_space<vmem>>) dst(%dma_wait3A_215 : memref<16x128xf32, #tpu.memory_space<hbm>>)
        } else {
        }
        %parallel_loop3A = arith.constant 0 : i32
        %parallel_loop3A_166 = arith.constant 128 : i32
        %parallel_loop3A_167 = arith.constant 1 : i32
        %parallel_loop3A_168 = arith.constant 0 : i32
        scf.for %parallel_loop3A_212 = %parallel_loop3A to %parallel_loop3A_166 step %parallel_loop3A_167  : i32 {
          %parallel_loop3A_213 = arith.constant 7 : i32
          %parallel_loop3A_214 = arith.muli %parallel_loop3A_213, %parallel_loop3A_212 : i32
          %parallel_loop3A_215 = arith.constant 0 : i32
          %parallel_loop3A_216 = arith.addi %parallel_loop3A_214, %parallel_loop3A_215 : i32
          %parallel_loop3A_217 = arith.constant 7 : i32
          %parallel_loop3A_218 = arith.shrsi %parallel_loop3A_216, %parallel_loop3A_217 : i32
          %parallel_loop3A_219 = vector.broadcast %parallel_loop3A_218 : i32 to vector<16xi32>
          %parallel_loop3A_220 = arith.addi %mul3A_5, %parallel_loop3A_219 : vector<16xi32>
          %parallel_loop3A_221 = arith.constant 127 : i32
          %parallel_loop3A_222 = arith.andi %parallel_loop3A_216, %parallel_loop3A_221 : i32
          %parallel_loop3A_223 = vector.broadcast %parallel_loop3A_222 : i32 to vector<16xi32>
          %parallel_loop3A_224 = arith.constant 0 : i32
          %parallel_loop3A_225 = arith.constant 0 : i32
          %parallel_loop3A_226 = tpu.memref_slice %arg10[%parallel_loop3A_168, %parallel_loop3A_224, %parallel_loop3A_225] : memref<2x112x128xf32, #tpu.memory_space<vmem>> -> memref<1x112x128xf32, #tpu.memory_space<vmem>>
          %parallel_loop3A_227 = tpu.memref_squeeze %parallel_loop3A_226 : memref<1x112x128xf32, #tpu.memory_space<vmem>> -> memref<112x128xf32, #tpu.memory_space<vmem>>
          %parallel_loop3A_228 = tpu.vector_load_idx %parallel_loop3A_227[%parallel_loop3A_220, %parallel_loop3A_223] : memref<112x128xf32, #tpu.memory_space<vmem>>[vector<16xi32>, vector<16xi32>], vector<16xf32>,
          %parallel_loop3A_229 = arith.constant 1 : i32
          %parallel_loop3A_230 = arith.addi %parallel_loop3A_214, %parallel_loop3A_229 : i32
          %parallel_loop3A_231 = arith.constant 7 : i32
          %parallel_loop3A_232 = arith.shrsi %parallel_loop3A_230, %parallel_loop3A_231 : i32
          %parallel_loop3A_233 = vector.broadcast %parallel_loop3A_232 : i32 to vector<16xi32>
          %parallel_loop3A_234 = arith.addi %mul3A_5, %parallel_loop3A_233 : vector<16xi32>
          %parallel_loop3A_235 = arith.constant 127 : i32
          %parallel_loop3A_236 = arith.andi %parallel_loop3A_230, %parallel_loop3A_235 : i32
          %parallel_loop3A_237 = vector.broadcast %parallel_loop3A_236 : i32 to vector<16xi32>
          %parallel_loop3A_238 = arith.constant 0 : i32
          %parallel_loop3A_239 = arith.constant 0 : i32
          %parallel_loop3A_240 = tpu.memref_slice %arg10[%parallel_loop3A_168, %parallel_loop3A_238, %parallel_loop3A_239] : memref<2x112x128xf32, #tpu.memory_space<vmem>> -> memref<1x112x128xf32, #tpu.memory_space<vmem>>
          %parallel_loop3A_241 = tpu.memref_squeeze %parallel_loop3A_240 : memref<1x112x128xf32, #tpu.memory_space<vmem>> -> memref<112x128xf32, #tpu.memory_space<vmem>>
          %parallel_loop3A_242 = tpu.vector_load_idx %parallel_loop3A_241[%parallel_loop3A_234, %parallel_loop3A_237] : memref<112x128xf32, #tpu.memory_space<vmem>>[vector<16xi32>, vector<16xi32>], vector<16xf32>,
          %parallel_loop3A_243 = arith.constant 2 : i32
          %parallel_loop3A_244 = arith.addi %parallel_loop3A_214, %parallel_loop3A_243 : i32
          %parallel_loop3A_245 = arith.constant 7 : i32
          %parallel_loop3A_246 = arith.shrsi %parallel_loop3A_244, %parallel_loop3A_245 : i32
          %parallel_loop3A_247 = vector.broadcast %parallel_loop3A_246 : i32 to vector<16xi32>
          %parallel_loop3A_248 = arith.addi %mul3A_5, %parallel_loop3A_247 : vector<16xi32>
          %parallel_loop3A_249 = arith.constant 127 : i32
          %parallel_loop3A_250 = arith.andi %parallel_loop3A_244, %parallel_loop3A_249 : i32
          %parallel_loop3A_251 = vector.broadcast %parallel_loop3A_250 : i32 to vector<16xi32>
          %parallel_loop3A_252 = arith.constant 0 : i32
          %parallel_loop3A_253 = arith.constant 0 : i32
          %parallel_loop3A_254 = tpu.memref_slice %arg10[%parallel_loop3A_168, %parallel_loop3A_252, %parallel_loop3A_253] : memref<2x112x128xf32, #tpu.memory_space<vmem>> -> memref<1x112x128xf32, #tpu.memory_space<vmem>>
          %parallel_loop3A_255 = tpu.memref_squeeze %parallel_loop3A_254 : memref<1x112x128xf32, #tpu.memory_space<vmem>> -> memref<112x128xf32, #tpu.memory_space<vmem>>
          %parallel_loop3A_256 = tpu.vector_load_idx %parallel_loop3A_255[%parallel_loop3A_248, %parallel_loop3A_251] : memref<112x128xf32, #tpu.memory_space<vmem>>[vector<16xi32>, vector<16xi32>], vector<16xf32>,
          %parallel_loop3A_257 = arith.constant 3 : i32
          %parallel_loop3A_258 = arith.addi %parallel_loop3A_214, %parallel_loop3A_257 : i32
          %parallel_loop3A_259 = arith.constant 7 : i32
          %parallel_loop3A_260 = arith.shrsi %parallel_loop3A_258, %parallel_loop3A_259 : i32
          %parallel_loop3A_261 = vector.broadcast %parallel_loop3A_260 : i32 to vector<16xi32>
          %parallel_loop3A_262 = arith.addi %mul3A_5, %parallel_loop3A_261 : vector<16xi32>
          %parallel_loop3A_263 = arith.constant 127 : i32
          %parallel_loop3A_264 = arith.andi %parallel_loop3A_258, %parallel_loop3A_263 : i32
          %parallel_loop3A_265 = vector.broadcast %parallel_loop3A_264 : i32 to vector<16xi32>
          %parallel_loop3A_266 = arith.constant 0 : i32
          %parallel_loop3A_267 = arith.constant 0 : i32
          %parallel_loop3A_268 = tpu.memref_slice %arg10[%parallel_loop3A_168, %parallel_loop3A_266, %parallel_loop3A_267] : memref<2x112x128xf32, #tpu.memory_space<vmem>> -> memref<1x112x128xf32, #tpu.memory_space<vmem>>
          %parallel_loop3A_269 = tpu.memref_squeeze %parallel_loop3A_268 : memref<1x112x128xf32, #tpu.memory_space<vmem>> -> memref<112x128xf32, #tpu.memory_space<vmem>>
          %parallel_loop3A_270 = tpu.vector_load_idx %parallel_loop3A_269[%parallel_loop3A_262, %parallel_loop3A_265] : memref<112x128xf32, #tpu.memory_space<vmem>>[vector<16xi32>, vector<16xi32>], vector<16xf32>,
          %parallel_loop3A_271 = arith.constant 4 : i32
          %parallel_loop3A_272 = arith.addi %parallel_loop3A_214, %parallel_loop3A_271 : i32
          %parallel_loop3A_273 = arith.constant 7 : i32
          %parallel_loop3A_274 = arith.shrsi %parallel_loop3A_272, %parallel_loop3A_273 : i32
          %parallel_loop3A_275 = vector.broadcast %parallel_loop3A_274 : i32 to vector<16xi32>
          %parallel_loop3A_276 = arith.addi %mul3A_5, %parallel_loop3A_275 : vector<16xi32>
          %parallel_loop3A_277 = arith.constant 127 : i32
          %parallel_loop3A_278 = arith.andi %parallel_loop3A_272, %parallel_loop3A_277 : i32
          %parallel_loop3A_279 = vector.broadcast %parallel_loop3A_278 : i32 to vector<16xi32>
          %parallel_loop3A_280 = arith.constant 0 : i32
          %parallel_loop3A_281 = arith.constant 0 : i32
          %parallel_loop3A_282 = tpu.memref_slice %arg10[%parallel_loop3A_168, %parallel_loop3A_280, %parallel_loop3A_281] : memref<2x112x128xf32, #tpu.memory_space<vmem>> -> memref<1x112x128xf32, #tpu.memory_space<vmem>>
          %parallel_loop3A_283 = tpu.memref_squeeze %parallel_loop3A_282 : memref<1x112x128xf32, #tpu.memory_space<vmem>> -> memref<112x128xf32, #tpu.memory_space<vmem>>
          %parallel_loop3A_284 = tpu.vector_load_idx %parallel_loop3A_283[%parallel_loop3A_276, %parallel_loop3A_279] : memref<112x128xf32, #tpu.memory_space<vmem>>[vector<16xi32>, vector<16xi32>], vector<16xf32>,
          %parallel_loop3A_285 = arith.constant 5 : i32
          %parallel_loop3A_286 = arith.addi %parallel_loop3A_214, %parallel_loop3A_285 : i32
          %parallel_loop3A_287 = arith.constant 7 : i32
          %parallel_loop3A_288 = arith.shrsi %parallel_loop3A_286, %parallel_loop3A_287 : i32
          %parallel_loop3A_289 = vector.broadcast %parallel_loop3A_288 : i32 to vector<16xi32>
          %parallel_loop3A_290 = arith.addi %mul3A_5, %parallel_loop3A_289 : vector<16xi32>
          %parallel_loop3A_291 = arith.constant 127 : i32
          %parallel_loop3A_292 = arith.andi %parallel_loop3A_286, %parallel_loop3A_291 : i32
          %parallel_loop3A_293 = vector.broadcast %parallel_loop3A_292 : i32 to vector<16xi32>
          %parallel_loop3A_294 = arith.constant 0 : i32
          %parallel_loop3A_295 = arith.constant 0 : i32
          %parallel_loop3A_296 = tpu.memref_slice %arg10[%parallel_loop3A_168, %parallel_loop3A_294, %parallel_loop3A_295] : memref<2x112x128xf32, #tpu.memory_space<vmem>> -> memref<1x112x128xf32, #tpu.memory_space<vmem>>
          %parallel_loop3A_297 = tpu.memref_squeeze %parallel_loop3A_296 : memref<1x112x128xf32, #tpu.memory_space<vmem>> -> memref<112x128xf32, #tpu.memory_space<vmem>>
          %parallel_loop3A_298 = tpu.vector_load_idx %parallel_loop3A_297[%parallel_loop3A_290, %parallel_loop3A_293] : memref<112x128xf32, #tpu.memory_space<vmem>>[vector<16xi32>, vector<16xi32>], vector<16xf32>,
          %parallel_loop3A_299 = arith.constant 6 : i32
          %parallel_loop3A_300 = arith.addi %parallel_loop3A_214, %parallel_loop3A_299 : i32
          %parallel_loop3A_301 = arith.constant 7 : i32
          %parallel_loop3A_302 = arith.shrsi %parallel_loop3A_300, %parallel_loop3A_301 : i32
          %parallel_loop3A_303 = vector.broadcast %parallel_loop3A_302 : i32 to vector<16xi32>
          %parallel_loop3A_304 = arith.addi %mul3A_5, %parallel_loop3A_303 : vector<16xi32>
          %parallel_loop3A_305 = arith.constant 127 : i32
          %parallel_loop3A_306 = arith.andi %parallel_loop3A_300, %parallel_loop3A_305 : i32
          %parallel_loop3A_307 = vector.broadcast %parallel_loop3A_306 : i32 to vector<16xi32>
          %parallel_loop3A_308 = arith.constant 0 : i32
          %parallel_loop3A_309 = arith.constant 0 : i32
          %parallel_loop3A_310 = tpu.memref_slice %arg10[%parallel_loop3A_168, %parallel_loop3A_308, %parallel_loop3A_309] : memref<2x112x128xf32, #tpu.memory_space<vmem>> -> memref<1x112x128xf32, #tpu.memory_space<vmem>>
          %parallel_loop3A_311 = tpu.memref_squeeze %parallel_loop3A_310 : memref<1x112x128xf32, #tpu.memory_space<vmem>> -> memref<112x128xf32, #tpu.memory_space<vmem>>
          %parallel_loop3A_312 = tpu.vector_load_idx %parallel_loop3A_311[%parallel_loop3A_304, %parallel_loop3A_307] : memref<112x128xf32, #tpu.memory_space<vmem>>[vector<16xi32>, vector<16xi32>], vector<16xf32>,
          %parallel_loop3A_313 = arith.addf %parallel_loop3A_228, %parallel_loop3A_242 : vector<16xf32>
          %parallel_loop3A_314 = arith.addf %parallel_loop3A_256, %parallel_loop3A_270 : vector<16xf32>
          %parallel_loop3A_315 = arith.addf %parallel_loop3A_313, %parallel_loop3A_314 : vector<16xf32>
          %parallel_loop3A_316 = arith.addf %parallel_loop3A_284, %parallel_loop3A_298 : vector<16xf32>
          %parallel_loop3A_317 = arith.addf %parallel_loop3A_316, %parallel_loop3A_312 : vector<16xf32>
          %parallel_loop3A_318 = arith.addf %parallel_loop3A_315, %parallel_loop3A_317 : vector<16xf32>
          %parallel_loop3A_319 = vector.broadcast %parallel_loop3A_212 : i32 to vector<16xi32>
          %parallel_loop3A_320 = arith.constant 0.142857149 : f32
          %parallel_loop3A_321 = vector.broadcast %parallel_loop3A_320 : f32 to vector<16xf32>
          %parallel_loop3A_322 = arith.mulf %parallel_loop3A_318, %parallel_loop3A_321 : vector<16xf32>
          tpu.vector_store_idx %arg11[%iota3A, %parallel_loop3A_319], %parallel_loop3A_322 : memref<16x128xf32, #tpu.memory_space<vmem>>[vector<16xi32>, vector<16xi32>], vector<16xf32>,
        } {sc.loop_unroll_factor = 4 : i64, sc.parallel_access}
        %dma_start3A_169 = arith.constant 0 : i32
        %dma_start3A_170 = tpu.memref_slice %arg4[%mul3A_161, %dma_start3A_169] : memref<41984x128xf32, #tpu.memory_space<hbm>> -> memref<16x128xf32, #tpu.memory_space<hbm>>
        %dma_start3A_171 = arith.constant 0 : i32
        %dma_start3A_172 = tpu.memref_slice %arg4[%mul3A_161, %dma_start3A_171] : memref<41984x128xf32, #tpu.memory_space<hbm>> -> memref<16x128xf32, #tpu.memory_space<hbm>>
        tpu.enqueue_dma source(%arg11 : memref<16x128xf32, #tpu.memory_space<vmem>>) target(%dma_start3A_172 : memref<16x128xf32, #tpu.memory_space<hbm>>) target_semaphore(%arg21 : memref<!tpu.dma_semaphore, #tpu.memory_space<semaphore_mem>>)
        %dma_wait3A_173 = arith.constant 1 : i32
        %dma_wait3A_174 = arith.constant 1 : i32
        %dma_wait3A_175 = arith.constant 0 : i32
        %dma_wait3A_176 = arith.constant 0 : i32
        %dma_wait3A_177 = tpu.memref_slice %arg10[%dma_wait3A_174, %dma_wait3A_175, %dma_wait3A_176] : memref<2x112x128xf32, #tpu.memory_space<vmem>> -> memref<1x112x128xf32, #tpu.memory_space<vmem>>
        %dma_wait3A_178 = tpu.memref_squeeze %dma_wait3A_177 : memref<1x112x128xf32, #tpu.memory_space<vmem>> -> memref<112x128xf32, #tpu.memory_space<vmem>>
        %dma_wait3A_179 = arith.constant 0 : i32
        %dma_wait3A_180 = tpu.memref_slice %arg5[%dma_wait3A_173, %dma_wait3A_179] : memref<2x112xi32, #tpu.memory_space<vmem>> -> memref<1x112xi32, #tpu.memory_space<vmem>>
        %dma_wait3A_181 = tpu.memref_squeeze %dma_wait3A_180 : memref<1x112xi32, #tpu.memory_space<vmem>> -> memref<112xi32, #tpu.memory_space<vmem>>
        %dma_wait3A_182 = arith.constant 0 : i32
        %dma_wait3A_183 = arith.constant 0 : i32
        %dma_wait3A_184 = tpu.memref_slice %arg2[%dma_wait3A_182, %dma_wait3A_183] : memref<163842x128xf32, #tpu.memory_space<hbm>> -> memref<163842x128xf32, #tpu.memory_space<hbm>>
        tpu.wait_indirect_dma semaphore(%arg20 : memref<!tpu.dma_semaphore, #tpu.memory_space<semaphore_mem>>) src(%dma_wait3A_184 : memref<163842x128xf32, #tpu.memory_space<hbm>>) dst(%dma_wait3A_178 : memref<112x128xf32, #tpu.memory_space<vmem>>)
        %mul3A_185 = arith.constant 2 : i32
        %mul3A_186 = arith.muli %add3A_137, %mul3A_185 : i32
        %add3A_187 = arith.addi %mul3A_2, %mul3A_186 : i32
        %add3A_188 = arith.constant 1 : i32
        %add3A_189 = arith.addi %add3A_187, %add3A_188 : i32
        %mul3A_190 = arith.constant 16 : i32
        %mul3A_191 = arith.muli %add3A_189, %mul3A_190 : i32
        %gt3A_192 = arith.constant 0 : i32
        %gt3A_193 = arith.cmpi sgt, %add3A_137, %gt3A_192 : i32
        %convert_element_type3A_194 = arith.extui %gt3A_193 : i1 to i32
        %cond3A_195 = arith.constant 0 : i32
        %cond3A_196 = arith.cmpi ne, %convert_element_type3A_194, %cond3A_195 : i32
        scf.if %cond3A_196 {
          %dma_wait3A_212 = arith.constant 0 : i32
          %dma_wait3A_213 = tpu.memref_slice %arg4[%mul3A_191, %dma_wait3A_212] : memref<41984x128xf32, #tpu.memory_space<hbm>> -> memref<16x128xf32, #tpu.memory_space<hbm>>
          %dma_wait3A_214 = arith.constant 0 : i32
          %dma_wait3A_215 = tpu.memref_slice %arg4[%mul3A_191, %dma_wait3A_214] : memref<41984x128xf32, #tpu.memory_space<hbm>> -> memref<16x128xf32, #tpu.memory_space<hbm>>
          tpu.wait_dma2 semaphore(%arg22 : memref<!tpu.dma_semaphore, #tpu.memory_space<semaphore_mem>>) src(%arg12 : memref<16x128xf32, #tpu.memory_space<vmem>>) dst(%dma_wait3A_215 : memref<16x128xf32, #tpu.memory_space<hbm>>)
        } else {
        }
        %parallel_loop3A_197 = arith.constant 0 : i32
        %parallel_loop3A_198 = arith.constant 128 : i32
        %parallel_loop3A_199 = arith.constant 1 : i32
        %parallel_loop3A_200 = arith.constant 1 : i32
        scf.for %parallel_loop3A_212 = %parallel_loop3A_197 to %parallel_loop3A_198 step %parallel_loop3A_199  : i32 {
          %parallel_loop3A_213 = arith.constant 7 : i32
          %parallel_loop3A_214 = arith.muli %parallel_loop3A_213, %parallel_loop3A_212 : i32
          %parallel_loop3A_215 = arith.constant 0 : i32
          %parallel_loop3A_216 = arith.addi %parallel_loop3A_214, %parallel_loop3A_215 : i32
          %parallel_loop3A_217 = arith.constant 7 : i32
          %parallel_loop3A_218 = arith.shrsi %parallel_loop3A_216, %parallel_loop3A_217 : i32
          %parallel_loop3A_219 = vector.broadcast %parallel_loop3A_218 : i32 to vector<16xi32>
          %parallel_loop3A_220 = arith.addi %mul3A_5, %parallel_loop3A_219 : vector<16xi32>
          %parallel_loop3A_221 = arith.constant 127 : i32
          %parallel_loop3A_222 = arith.andi %parallel_loop3A_216, %parallel_loop3A_221 : i32
          %parallel_loop3A_223 = vector.broadcast %parallel_loop3A_222 : i32 to vector<16xi32>
          %parallel_loop3A_224 = arith.constant 0 : i32
          %parallel_loop3A_225 = arith.constant 0 : i32
          %parallel_loop3A_226 = tpu.memref_slice %arg10[%parallel_loop3A_200, %parallel_loop3A_224, %parallel_loop3A_225] : memref<2x112x128xf32, #tpu.memory_space<vmem>> -> memref<1x112x128xf32, #tpu.memory_space<vmem>>
          %parallel_loop3A_227 = tpu.memref_squeeze %parallel_loop3A_226 : memref<1x112x128xf32, #tpu.memory_space<vmem>> -> memref<112x128xf32, #tpu.memory_space<vmem>>
          %parallel_loop3A_228 = tpu.vector_load_idx %parallel_loop3A_227[%parallel_loop3A_220, %parallel_loop3A_223] : memref<112x128xf32, #tpu.memory_space<vmem>>[vector<16xi32>, vector<16xi32>], vector<16xf32>,
          %parallel_loop3A_229 = arith.constant 1 : i32
          %parallel_loop3A_230 = arith.addi %parallel_loop3A_214, %parallel_loop3A_229 : i32
          %parallel_loop3A_231 = arith.constant 7 : i32
          %parallel_loop3A_232 = arith.shrsi %parallel_loop3A_230, %parallel_loop3A_231 : i32
          %parallel_loop3A_233 = vector.broadcast %parallel_loop3A_232 : i32 to vector<16xi32>
          %parallel_loop3A_234 = arith.addi %mul3A_5, %parallel_loop3A_233 : vector<16xi32>
          %parallel_loop3A_235 = arith.constant 127 : i32
          %parallel_loop3A_236 = arith.andi %parallel_loop3A_230, %parallel_loop3A_235 : i32
          %parallel_loop3A_237 = vector.broadcast %parallel_loop3A_236 : i32 to vector<16xi32>
          %parallel_loop3A_238 = arith.constant 0 : i32
          %parallel_loop3A_239 = arith.constant 0 : i32
          %parallel_loop3A_240 = tpu.memref_slice %arg10[%parallel_loop3A_200, %parallel_loop3A_238, %parallel_loop3A_239] : memref<2x112x128xf32, #tpu.memory_space<vmem>> -> memref<1x112x128xf32, #tpu.memory_space<vmem>>
          %parallel_loop3A_241 = tpu.memref_squeeze %parallel_loop3A_240 : memref<1x112x128xf32, #tpu.memory_space<vmem>> -> memref<112x128xf32, #tpu.memory_space<vmem>>
          %parallel_loop3A_242 = tpu.vector_load_idx %parallel_loop3A_241[%parallel_loop3A_234, %parallel_loop3A_237] : memref<112x128xf32, #tpu.memory_space<vmem>>[vector<16xi32>, vector<16xi32>], vector<16xf32>,
          %parallel_loop3A_243 = arith.constant 2 : i32
          %parallel_loop3A_244 = arith.addi %parallel_loop3A_214, %parallel_loop3A_243 : i32
          %parallel_loop3A_245 = arith.constant 7 : i32
          %parallel_loop3A_246 = arith.shrsi %parallel_loop3A_244, %parallel_loop3A_245 : i32
          %parallel_loop3A_247 = vector.broadcast %parallel_loop3A_246 : i32 to vector<16xi32>
          %parallel_loop3A_248 = arith.addi %mul3A_5, %parallel_loop3A_247 : vector<16xi32>
          %parallel_loop3A_249 = arith.constant 127 : i32
          %parallel_loop3A_250 = arith.andi %parallel_loop3A_244, %parallel_loop3A_249 : i32
          %parallel_loop3A_251 = vector.broadcast %parallel_loop3A_250 : i32 to vector<16xi32>
          %parallel_loop3A_252 = arith.constant 0 : i32
          %parallel_loop3A_253 = arith.constant 0 : i32
          %parallel_loop3A_254 = tpu.memref_slice %arg10[%parallel_loop3A_200, %parallel_loop3A_252, %parallel_loop3A_253] : memref<2x112x128xf32, #tpu.memory_space<vmem>> -> memref<1x112x128xf32, #tpu.memory_space<vmem>>
          %parallel_loop3A_255 = tpu.memref_squeeze %parallel_loop3A_254 : memref<1x112x128xf32, #tpu.memory_space<vmem>> -> memref<112x128xf32, #tpu.memory_space<vmem>>
          %parallel_loop3A_256 = tpu.vector_load_idx %parallel_loop3A_255[%parallel_loop3A_248, %parallel_loop3A_251] : memref<112x128xf32, #tpu.memory_space<vmem>>[vector<16xi32>, vector<16xi32>], vector<16xf32>,
          %parallel_loop3A_257 = arith.constant 3 : i32
          %parallel_loop3A_258 = arith.addi %parallel_loop3A_214, %parallel_loop3A_257 : i32
          %parallel_loop3A_259 = arith.constant 7 : i32
          %parallel_loop3A_260 = arith.shrsi %parallel_loop3A_258, %parallel_loop3A_259 : i32
          %parallel_loop3A_261 = vector.broadcast %parallel_loop3A_260 : i32 to vector<16xi32>
          %parallel_loop3A_262 = arith.addi %mul3A_5, %parallel_loop3A_261 : vector<16xi32>
          %parallel_loop3A_263 = arith.constant 127 : i32
          %parallel_loop3A_264 = arith.andi %parallel_loop3A_258, %parallel_loop3A_263 : i32
          %parallel_loop3A_265 = vector.broadcast %parallel_loop3A_264 : i32 to vector<16xi32>
          %parallel_loop3A_266 = arith.constant 0 : i32
          %parallel_loop3A_267 = arith.constant 0 : i32
          %parallel_loop3A_268 = tpu.memref_slice %arg10[%parallel_loop3A_200, %parallel_loop3A_266, %parallel_loop3A_267] : memref<2x112x128xf32, #tpu.memory_space<vmem>> -> memref<1x112x128xf32, #tpu.memory_space<vmem>>
          %parallel_loop3A_269 = tpu.memref_squeeze %parallel_loop3A_268 : memref<1x112x128xf32, #tpu.memory_space<vmem>> -> memref<112x128xf32, #tpu.memory_space<vmem>>
          %parallel_loop3A_270 = tpu.vector_load_idx %parallel_loop3A_269[%parallel_loop3A_262, %parallel_loop3A_265] : memref<112x128xf32, #tpu.memory_space<vmem>>[vector<16xi32>, vector<16xi32>], vector<16xf32>,
          %parallel_loop3A_271 = arith.constant 4 : i32
          %parallel_loop3A_272 = arith.addi %parallel_loop3A_214, %parallel_loop3A_271 : i32
          %parallel_loop3A_273 = arith.constant 7 : i32
          %parallel_loop3A_274 = arith.shrsi %parallel_loop3A_272, %parallel_loop3A_273 : i32
          %parallel_loop3A_275 = vector.broadcast %parallel_loop3A_274 : i32 to vector<16xi32>
          %parallel_loop3A_276 = arith.addi %mul3A_5, %parallel_loop3A_275 : vector<16xi32>
          %parallel_loop3A_277 = arith.constant 127 : i32
          %parallel_loop3A_278 = arith.andi %parallel_loop3A_272, %parallel_loop3A_277 : i32
          %parallel_loop3A_279 = vector.broadcast %parallel_loop3A_278 : i32 to vector<16xi32>
          %parallel_loop3A_280 = arith.constant 0 : i32
          %parallel_loop3A_281 = arith.constant 0 : i32
          %parallel_loop3A_282 = tpu.memref_slice %arg10[%parallel_loop3A_200, %parallel_loop3A_280, %parallel_loop3A_281] : memref<2x112x128xf32, #tpu.memory_space<vmem>> -> memref<1x112x128xf32, #tpu.memory_space<vmem>>
          %parallel_loop3A_283 = tpu.memref_squeeze %parallel_loop3A_282 : memref<1x112x128xf32, #tpu.memory_space<vmem>> -> memref<112x128xf32, #tpu.memory_space<vmem>>
          %parallel_loop3A_284 = tpu.vector_load_idx %parallel_loop3A_283[%parallel_loop3A_276, %parallel_loop3A_279] : memref<112x128xf32, #tpu.memory_space<vmem>>[vector<16xi32>, vector<16xi32>], vector<16xf32>,
          %parallel_loop3A_285 = arith.constant 5 : i32
          %parallel_loop3A_286 = arith.addi %parallel_loop3A_214, %parallel_loop3A_285 : i32
          %parallel_loop3A_287 = arith.constant 7 : i32
          %parallel_loop3A_288 = arith.shrsi %parallel_loop3A_286, %parallel_loop3A_287 : i32
          %parallel_loop3A_289 = vector.broadcast %parallel_loop3A_288 : i32 to vector<16xi32>
          %parallel_loop3A_290 = arith.addi %mul3A_5, %parallel_loop3A_289 : vector<16xi32>
          %parallel_loop3A_291 = arith.constant 127 : i32
          %parallel_loop3A_292 = arith.andi %parallel_loop3A_286, %parallel_loop3A_291 : i32
          %parallel_loop3A_293 = vector.broadcast %parallel_loop3A_292 : i32 to vector<16xi32>
          %parallel_loop3A_294 = arith.constant 0 : i32
          %parallel_loop3A_295 = arith.constant 0 : i32
          %parallel_loop3A_296 = tpu.memref_slice %arg10[%parallel_loop3A_200, %parallel_loop3A_294, %parallel_loop3A_295] : memref<2x112x128xf32, #tpu.memory_space<vmem>> -> memref<1x112x128xf32, #tpu.memory_space<vmem>>
          %parallel_loop3A_297 = tpu.memref_squeeze %parallel_loop3A_296 : memref<1x112x128xf32, #tpu.memory_space<vmem>> -> memref<112x128xf32, #tpu.memory_space<vmem>>
          %parallel_loop3A_298 = tpu.vector_load_idx %parallel_loop3A_297[%parallel_loop3A_290, %parallel_loop3A_293] : memref<112x128xf32, #tpu.memory_space<vmem>>[vector<16xi32>, vector<16xi32>], vector<16xf32>,
          %parallel_loop3A_299 = arith.constant 6 : i32
          %parallel_loop3A_300 = arith.addi %parallel_loop3A_214, %parallel_loop3A_299 : i32
          %parallel_loop3A_301 = arith.constant 7 : i32
          %parallel_loop3A_302 = arith.shrsi %parallel_loop3A_300, %parallel_loop3A_301 : i32
          %parallel_loop3A_303 = vector.broadcast %parallel_loop3A_302 : i32 to vector<16xi32>
          %parallel_loop3A_304 = arith.addi %mul3A_5, %parallel_loop3A_303 : vector<16xi32>
          %parallel_loop3A_305 = arith.constant 127 : i32
          %parallel_loop3A_306 = arith.andi %parallel_loop3A_300, %parallel_loop3A_305 : i32
          %parallel_loop3A_307 = vector.broadcast %parallel_loop3A_306 : i32 to vector<16xi32>
          %parallel_loop3A_308 = arith.constant 0 : i32
          %parallel_loop3A_309 = arith.constant 0 : i32
          %parallel_loop3A_310 = tpu.memref_slice %arg10[%parallel_loop3A_200, %parallel_loop3A_308, %parallel_loop3A_309] : memref<2x112x128xf32, #tpu.memory_space<vmem>> -> memref<1x112x128xf32, #tpu.memory_space<vmem>>
          %parallel_loop3A_311 = tpu.memref_squeeze %parallel_loop3A_310 : memref<1x112x128xf32, #tpu.memory_space<vmem>> -> memref<112x128xf32, #tpu.memory_space<vmem>>
          %parallel_loop3A_312 = tpu.vector_load_idx %parallel_loop3A_311[%parallel_loop3A_304, %parallel_loop3A_307] : memref<112x128xf32, #tpu.memory_space<vmem>>[vector<16xi32>, vector<16xi32>], vector<16xf32>,
          %parallel_loop3A_313 = arith.addf %parallel_loop3A_228, %parallel_loop3A_242 : vector<16xf32>
          %parallel_loop3A_314 = arith.addf %parallel_loop3A_256, %parallel_loop3A_270 : vector<16xf32>
          %parallel_loop3A_315 = arith.addf %parallel_loop3A_313, %parallel_loop3A_314 : vector<16xf32>
          %parallel_loop3A_316 = arith.addf %parallel_loop3A_284, %parallel_loop3A_298 : vector<16xf32>
          %parallel_loop3A_317 = arith.addf %parallel_loop3A_316, %parallel_loop3A_312 : vector<16xf32>
          %parallel_loop3A_318 = arith.addf %parallel_loop3A_315, %parallel_loop3A_317 : vector<16xf32>
          %parallel_loop3A_319 = vector.broadcast %parallel_loop3A_212 : i32 to vector<16xi32>
          %parallel_loop3A_320 = arith.constant 0.142857149 : f32
          %parallel_loop3A_321 = vector.broadcast %parallel_loop3A_320 : f32 to vector<16xf32>
          %parallel_loop3A_322 = arith.mulf %parallel_loop3A_318, %parallel_loop3A_321 : vector<16xf32>
          tpu.vector_store_idx %arg12[%iota3A, %parallel_loop3A_319], %parallel_loop3A_322 : memref<16x128xf32, #tpu.memory_space<vmem>>[vector<16xi32>, vector<16xi32>], vector<16xf32>,
        } {sc.loop_unroll_factor = 4 : i64, sc.parallel_access}
        %dma_start3A_201 = arith.constant 0 : i32
        %dma_start3A_202 = tpu.memref_slice %arg4[%mul3A_191, %dma_start3A_201] : memref<41984x128xf32, #tpu.memory_space<hbm>> -> memref<16x128xf32, #tpu.memory_space<hbm>>
        %dma_start3A_203 = arith.constant 0 : i32
        %dma_start3A_204 = tpu.memref_slice %arg4[%mul3A_191, %dma_start3A_203] : memref<41984x128xf32, #tpu.memory_space<hbm>> -> memref<16x128xf32, #tpu.memory_space<hbm>>
        tpu.enqueue_dma source(%arg12 : memref<16x128xf32, #tpu.memory_space<vmem>>) target(%dma_start3A_204 : memref<16x128xf32, #tpu.memory_space<hbm>>) target_semaphore(%arg22 : memref<!tpu.dma_semaphore, #tpu.memory_space<semaphore_mem>>)
        %add3A_205 = arith.constant 2 : i32
        %add3A_206 = arith.addi %add3A_137, %add3A_205 : i32
        %lt3A_207 = arith.constant 41 : i32
        %lt3A_208 = arith.cmpi slt, %add3A_206, %lt3A_207 : i32
        %convert_element_type3A_209 = arith.extui %lt3A_208 : i1 to i32
        %cond3A_210 = arith.constant 0 : i32
        %cond3A_211 = arith.cmpi ne, %convert_element_type3A_209, %cond3A_210 : i32
        scf.if %cond3A_211 {
          %add3A_212 = arith.constant 2 : i32
          %add3A_213 = arith.addi %add3A_137, %add3A_212 : i32
          %mul3A_214 = arith.constant 2 : i32
          %mul3A_215 = arith.muli %add3A_213, %mul3A_214 : i32
          %add3A_216 = arith.addi %mul3A_2, %mul3A_215 : i32
          %dma_wait3A_217 = arith.constant 0 : i32
          %dma_wait3A_218 = tpu.memref_slice %arg3[%add3A_216, %dma_wait3A_217] : memref<2624x112xi32, #tpu.memory_space<hbm>> -> memref<2x112xi32, #tpu.memory_space<hbm>>
          %dma_wait3A_219 = arith.constant 0 : i32
          %dma_wait3A_220 = tpu.memref_slice %arg3[%add3A_216, %dma_wait3A_219] : memref<2624x112xi32, #tpu.memory_space<hbm>> -> memref<2x112xi32, #tpu.memory_space<hbm>>
          tpu.wait_dma2 semaphore(%arg14 : memref<!tpu.dma_semaphore, #tpu.memory_space<semaphore_mem>>) src(%dma_wait3A_220 : memref<2x112xi32, #tpu.memory_space<hbm>>) dst(%arg6 : memref<2x112xi32, #tpu.memory_space<vmem>>)
          %dma_start3A_221 = arith.constant 0 : i32
          %dma_start3A_222 = arith.constant 0 : i32
          %dma_start3A_223 = arith.constant 0 : i32
          %dma_start3A_224 = arith.constant 0 : i32
          %dma_start3A_225 = tpu.memref_slice %arg10[%dma_start3A_222, %dma_start3A_223, %dma_start3A_224] : memref<2x112x128xf32, #tpu.memory_space<vmem>> -> memref<1x112x128xf32, #tpu.memory_space<vmem>>
          %dma_start3A_226 = tpu.memref_squeeze %dma_start3A_225 : memref<1x112x128xf32, #tpu.memory_space<vmem>> -> memref<112x128xf32, #tpu.memory_space<vmem>>
          %dma_start3A_227 = arith.constant 0 : i32
          %dma_start3A_228 = tpu.memref_slice %arg6[%dma_start3A_221, %dma_start3A_227] : memref<2x112xi32, #tpu.memory_space<vmem>> -> memref<1x112xi32, #tpu.memory_space<vmem>>
          %dma_start3A_229 = tpu.memref_squeeze %dma_start3A_228 : memref<1x112xi32, #tpu.memory_space<vmem>> -> memref<112xi32, #tpu.memory_space<vmem>>
          %dma_start3A_230 = arith.constant 0 : i32
          %dma_start3A_231 = arith.constant 0 : i32
          %dma_start3A_232 = tpu.memref_slice %arg2[%dma_start3A_230, %dma_start3A_231] : memref<163842x128xf32, #tpu.memory_space<hbm>> -> memref<163842x128xf32, #tpu.memory_space<hbm>>
          tpu.enqueue_indirect_dma source(%dma_start3A_232 : memref<163842x128xf32, #tpu.memory_space<hbm>>) target(%dma_start3A_226 : memref<112x128xf32, #tpu.memory_space<vmem>>) offsets(%dma_start3A_229 : memref<112xi32, #tpu.memory_space<vmem>>) semaphore(%arg19 : memref<!tpu.dma_semaphore, #tpu.memory_space<semaphore_mem>>)
          %dma_start3A_233 = arith.constant 1 : i32
          %dma_start3A_234 = arith.constant 1 : i32
          %dma_start3A_235 = arith.constant 0 : i32
          %dma_start3A_236 = arith.constant 0 : i32
          %dma_start3A_237 = tpu.memref_slice %arg10[%dma_start3A_234, %dma_start3A_235, %dma_start3A_236] : memref<2x112x128xf32, #tpu.memory_space<vmem>> -> memref<1x112x128xf32, #tpu.memory_space<vmem>>
          %dma_start3A_238 = tpu.memref_squeeze %dma_start3A_237 : memref<1x112x128xf32, #tpu.memory_space<vmem>> -> memref<112x128xf32, #tpu.memory_space<vmem>>
          %dma_start3A_239 = arith.constant 0 : i32
          %dma_start3A_240 = tpu.memref_slice %arg6[%dma_start3A_233, %dma_start3A_239] : memref<2x112xi32, #tpu.memory_space<vmem>> -> memref<1x112xi32, #tpu.memory_space<vmem>>
          %dma_start3A_241 = tpu.memref_squeeze %dma_start3A_240 : memref<1x112xi32, #tpu.memory_space<vmem>> -> memref<112xi32, #tpu.memory_space<vmem>>
          %dma_start3A_242 = arith.constant 0 : i32
          %dma_start3A_243 = arith.constant 0 : i32
          %dma_start3A_244 = tpu.memref_slice %arg2[%dma_start3A_242, %dma_start3A_243] : memref<163842x128xf32, #tpu.memory_space<hbm>> -> memref<163842x128xf32, #tpu.memory_space<hbm>>
          tpu.enqueue_indirect_dma source(%dma_start3A_244 : memref<163842x128xf32, #tpu.memory_space<hbm>>) target(%dma_start3A_238 : memref<112x128xf32, #tpu.memory_space<vmem>>) offsets(%dma_start3A_241 : memref<112xi32, #tpu.memory_space<vmem>>) semaphore(%arg20 : memref<!tpu.dma_semaphore, #tpu.memory_space<semaphore_mem>>)
          %add3A_245 = arith.constant 4 : i32
          %add3A_246 = arith.addi %add3A_137, %add3A_245 : i32
          %lt3A_247 = arith.constant 41 : i32
          %lt3A_248 = arith.cmpi slt, %add3A_246, %lt3A_247 : i32
          %convert_element_type3A_249 = arith.extui %lt3A_248 : i1 to i32
          %cond3A_250 = arith.constant 0 : i32
          %cond3A_251 = arith.cmpi ne, %convert_element_type3A_249, %cond3A_250 : i32
          scf.if %cond3A_251 {
            %add3A_252 = arith.constant 4 : i32
            %add3A_253 = arith.addi %add3A_137, %add3A_252 : i32
            %mul3A_254 = arith.constant 2 : i32
            %mul3A_255 = arith.muli %add3A_253, %mul3A_254 : i32
            %add3A_256 = arith.addi %mul3A_2, %mul3A_255 : i32
            %dma_start3A_257 = arith.constant 0 : i32
            %dma_start3A_258 = tpu.memref_slice %arg3[%add3A_256, %dma_start3A_257] : memref<2624x112xi32, #tpu.memory_space<hbm>> -> memref<2x112xi32, #tpu.memory_space<hbm>>
            %dma_start3A_259 = arith.constant 0 : i32
            %dma_start3A_260 = tpu.memref_slice %arg3[%add3A_256, %dma_start3A_259] : memref<2624x112xi32, #tpu.memory_space<hbm>> -> memref<2x112xi32, #tpu.memory_space<hbm>>
            tpu.enqueue_dma source(%dma_start3A_260 : memref<2x112xi32, #tpu.memory_space<hbm>>) target(%arg8 : memref<2x112xi32, #tpu.memory_space<vmem>>) target_semaphore(%arg16 : memref<!tpu.dma_semaphore, #tpu.memory_space<semaphore_mem>>)
          } else {
          }
        } else {
        }
      } else {
      }
    }
    %scan3A_92 = arith.constant 11 : i32
    %add3A_93 = arith.constant 80 : i32
    %add3A_94 = arith.addi %mul3A_2, %add3A_93 : i32
    %mul3A_95 = arith.constant 16 : i32
    %mul3A_96 = arith.muli %add3A_94, %mul3A_95 : i32
    %add3A_97 = arith.constant 0 : i32
    %add3A_98 = arith.addi %mul3A_96, %add3A_97 : i32
    %dma_wait3A_99 = arith.constant 0 : i32
    %dma_wait3A_100 = tpu.memref_slice %arg4[%add3A_98, %dma_wait3A_99] : memref<41984x128xf32, #tpu.memory_space<hbm>> -> memref<16x128xf32, #tpu.memory_space<hbm>>
    %dma_wait3A_101 = arith.constant 0 : i32
    %dma_wait3A_102 = tpu.memref_slice %arg4[%add3A_98, %dma_wait3A_101] : memref<41984x128xf32, #tpu.memory_space<hbm>> -> memref<16x128xf32, #tpu.memory_space<hbm>>
    tpu.wait_dma2 semaphore(%arg21 : memref<!tpu.dma_semaphore, #tpu.memory_space<semaphore_mem>>) src(%arg11 : memref<16x128xf32, #tpu.memory_space<vmem>>) dst(%dma_wait3A_102 : memref<16x128xf32, #tpu.memory_space<hbm>>)
    %add3A_103 = arith.constant 16 : i32
    %add3A_104 = arith.addi %mul3A_96, %add3A_103 : i32
    %dma_wait3A_105 = arith.constant 0 : i32
    %dma_wait3A_106 = tpu.memref_slice %arg4[%add3A_104, %dma_wait3A_105] : memref<41984x128xf32, #tpu.memory_space<hbm>> -> memref<16x128xf32, #tpu.memory_space<hbm>>
    %dma_wait3A_107 = arith.constant 0 : i32
    %dma_wait3A_108 = tpu.memref_slice %arg4[%add3A_104, %dma_wait3A_107] : memref<41984x128xf32, #tpu.memory_space<hbm>> -> memref<16x128xf32, #tpu.memory_space<hbm>>
    tpu.wait_dma2 semaphore(%arg22 : memref<!tpu.dma_semaphore, #tpu.memory_space<semaphore_mem>>) src(%arg12 : memref<16x128xf32, #tpu.memory_space<vmem>>) dst(%dma_wait3A_108 : memref<16x128xf32, #tpu.memory_space<hbm>>)
    return
  }
}

</mosaic_0001>

<sc_bundles>
// kernel: kernel.3.cloned.1.call-start
scs
__scs_entry_jumppad:
0x0: {  	(pc) =	sbr.rel $0x88, $3  }
0x1: {  	(tag) =	ssettag $0x0;
	lr =	simm.s32 $0x1  }
0x2: {  	[smem:$0x3F9F] =	sst lr;
	_ =	strace $0xD0000000  }
0x3: {  	_ = 	snop  }
0x4: {  	_ = 	snop  }
0x5: {  	_ = 	snop  }
0x6: {  	_ = 	snop  }
0x7: {  	_ = 	snop  }
__scs_overlays_trampoline_lowered:
0x8: {  	[smem:$0x3FAE] =	sst s0  }
0x9: {  	[smem:$0x3FAF] =	sst s1  }
0xa: {  	[smem:$0x3FB0] =	sst s2  }
0xb: {  	[smem:$0x3FB1] =	sst s3  }
0xc: {  	[smem:$0x3FB2] =	sst s4  }
0xd: {  	[smem:$0x3FB3] =	sst s5  }
0xe: {  	[smem:$0x3FB4] =	sst s6  }
0xf: {  	[smem:$0x3FB5] =	sst s7  }
0x10: {  	[smem:$0x3FB6] =	sst s8  }
0x11: {  	[smem:$0x3FB7] =	sst s9;
	s0 =	simm.s32 @!p0 $0x0  }
0x12: {  	s1 =	sld [smem:$0x3F9D];
	s0 =	simm.s32 @p0 $0x1  }
0x13: {  	[smem:$0x3FB8] =	sst s0;
	s0 =	simm.s32 @!p1 $0x0  }
0x14: {  	s2 =	sld [smem:$0x3F9C];
	s0 =	simm.s32 @p1 $0x1  }
0x15: {  	[smem:$0x3FB9] =	sst s0;
	s0 =	simm.s32 @!p2 $0x0  }
0x16: {  	s3 =	sld [smem:$0x3FDB];
	s0 =	simm.s32 @p2 $0x1  }
0x17: {  	s4 =	simm.s32 $0x1BF5;
	[smem:$0x3FBB] =	sst s0  }
0x18: {  	s0 =	sld [smem:$0x3F9E];
	_ =	swait.ge [sflag:s4], $0x0  }
0x19: {  	s7 =	sld [smem:$0x3F9F]  }
0x1a: {  	s8 =	sadd.s32 $0xFFFFE003, lr  }
0x1b: {  	s9 =	sadd.s32 $0xFFFFFEF7, lr;
	s5 =	simm.s32 $0xFFFFFFFF;
	p2 =	slt.u32 s8, $0xFFFFF086  }
0x1c: {  	p1 =	slt.u32 s9, $0xF7A;
	s5 =	simm.s32 @!p2 $0x0  }
0x1d: {  	s5 =	simm.s32 @p1 $0x1;
	p0 =	seq.s32 s7, s2  }
0x1e: {  	s7 =	smul.u32 @!p0 $0xF7A, s2;
	p2 =	seq.s32 @!p0 s5, $0x0  }
0x1f: {  	s9 =	smul.u32 $0xF7A, s1;
	s8 =	simm.s32 @!p0 $0x1BF5;
	p2 =	por !p2, p0  }
0x20: {  	[sflag:s8] =	ssyncset.s32 @!p0 $0xFFFFF086;
	s6 =	sadd.s32 @!p0 s3, s7;
	s7 =	simm.s32 @!p0 $0x108  }
0x21: {  	s3 =	sadd.s32 s3, s9;
	s6 =	sadd.s32 @!p0 $0x88, s6;
	s7 =	simm.s32 @p2 $0x1082  }
0x22: {  	[simem:s7], [sflag:s8] =	dma.local @!p0 [hbm:s6], $0xF7A  }
0x23: {  	s9 =	sor.u32 $0xD0000000, s2;
	s6 =	simm.s32 $0x108;
	_ =	swait.ge @!p0 [sflag:s8], $0x0  }
0x24: {  	s3 =	sadd.s32 $0x88, s3;
	s6 =	simm.s32 @!p1 $0x1082;
	[sflag:s4] =	ssyncset.s32 $0xFFFFF086  }
0x25: {  	[simem:s6], [sflag:s4] =	dma.local [hbm:s3], $0xF7A  }
0x26: {  	[smem:$0x3F9F] =	sst s1;
	(tag) =	ssettag s2;
	_ =	strace s9  }
0x27: {  	s1 =	sld [smem:$0x3FAF]  }
0x28: {  	s2 =	sld [smem:$0x3FB0]  }
0x29: {  	s4 =	sld [smem:$0x3FB2]  }
0x2a: {  	p0 =	seq.s32 s5, $0x0;
	s5 =	sld [smem:$0x3FB3]  }
0x2b: {  	s6 =	sld [smem:$0x3FB4]  }
0x2c: {  	s7 =	sld [smem:$0x3FB5]  }
0x2d: {  	s3 =	simm.s32 $0x108;
	s8 =	sld [smem:$0x3FB6]  }
0x2e: {  	s3 =	simm.s32 @!p0 $0x1082;
	s9 =	sld [smem:$0x3FB7]  }
0x2f: {  	lr =	sadd.s32 s0, s3;
	s0 =	sld [smem:$0x3FAE]  }
0x30: {  	s3 =	sld [smem:$0x3FB1]  }
0x31: {  	[smem:$0x3FBA] =	sst s10  }
0x32: {  	s10 =	sld [smem:$0x3FB8];
	_ =	sdelay $0x3  }
0x33: {  	p0 =	seq.s32 s10, $0x1;
	s10 =	sld [smem:$0x3FBA];
	_ =	sdelay $0x3  }
0x34: {  	[smem:$0x3FBA] =	sst s10  }
0x35: {  	s10 =	sld [smem:$0x3FB9];
	_ =	sdelay $0x3  }
0x36: {  	p1 =	seq.s32 s10, $0x1;
	s10 =	sld [smem:$0x3FBA];
	_ =	sdelay $0x3  }
0x37: {  	[smem:$0x3FBA] =	sst s10  }
0x38: {  	s10 =	sld [smem:$0x3FBB]  }
0x39: {  	_ = 	snop;
	(pc) =	sbr.ind lr, $3  }
0x3a: {  	_ = 	snop  }
0x3b: {  	_ = 	snop  }
0x3c: {  	p2 =	seq.s32 s10, $0x1;
	s10 =	sld [smem:$0x3FBA]  }
0x3d: {  	_ =	shalt  }
0x3e: {  	_ =	shalt  }
0x3f: {  	_ =	shalt  }
0x40: {  	_ =	shalt  }
0x41: {  	_ =	shalt  }
0x42: {  	_ =	shalt  }
0x43: {  	_ =	shalt  }
0x44: {  	_ =	shalt  }
0x45: {  	_ =	shalt  }
0x46: {  	_ =	shalt  }
0x47: {  	_ =	shalt  }
0x48: {  	_ =	shalt  }
0x49: {  	_ =	shalt  }
0x4a: {  	_ =	shalt  }
0x4b: {  	_ =	shalt  }
0x4c: {  	_ =	shalt  }
0x4d: {  	_ =	shalt  }
0x4e: {  	_ =	shalt  }
0x4f: {  	_ =	shalt  }
0x50: {  	_ =	shalt  }
0x51: {  	_ =	shalt  }
0x52: {  	_ =	shalt  }
0x53: {  	_ =	shalt  }
0x54: {  	_ =	shalt  }
0x55: {  	_ =	shalt  }
0x56: {  	_ =	shalt  }
0x57: {  	_ =	shalt  }
0x58: {  	_ =	shalt  }
0x59: {  	_ =	shalt  }
0x5a: {  	_ =	shalt  }
0x5b: {  	_ =	shalt  }
0x5c: {  	_ =	shalt  }
0x5d: {  	_ =	shalt  }
0x5e: {  	_ =	shalt  }
0x5f: {  	_ =	shalt  }
0x60: {  	_ =	shalt  }
0x61: {  	_ =	shalt  }
0x62: {  	_ =	shalt  }
0x63: {  	_ =	shalt  }
0x64: {  	_ =	shalt  }
0x65: {  	_ =	shalt  }
0x66: {  	_ =	shalt  }
0x67: {  	_ =	shalt  }
0x68: {  	_ =	shalt  }
0x69: {  	_ =	shalt  }
0x6a: {  	_ =	shalt  }
0x6b: {  	_ =	shalt  }
0x6c: {  	_ =	shalt  }
0x6d: {  	_ =	shalt  }
0x6e: {  	_ =	shalt  }
0x6f: {  	_ =	shalt  }
0x70: {  	_ =	shalt  }
0x71: {  	_ =	shalt  }
0x72: {  	_ =	shalt  }
0x73: {  	_ =	shalt  }
0x74: {  	_ =	shalt  }
0x75: {  	_ =	shalt  }
0x76: {  	_ =	shalt  }
0x77: {  	_ =	shalt  }
0x78: {  	_ =	shalt  }
0x79: {  	_ =	shalt  }
0x7a: {  	_ =	shalt  }
0x7b: {  	_ =	shalt  }
0x7c: {  	_ =	shalt  }
0x7d: {  	_ =	shalt  }
0x7e: {  	_ =	shalt  }
0x7f: {  	_ =	shalt  }
0x80: {  	_ =	shalt  }
0x81: {  	_ =	shalt  }
0x82: {  	_ =	shalt  }
0x83: {  	_ =	shalt  }
0x84: {  	_ =	shalt  }
0x85: {  	_ =	shalt  }
0x86: {  	_ =	shalt  }
0x87: {  	_ =	shalt  }
.Lfunc_end0:
.L_simem_size_0:
called_computation_lowered:
.L_overlay_start_0:
0x88: {  	s2 =	sld [smem:$0x3FD9]  }
0x89: {  	s3 =	sld [smem:$0x3FFE];
	_ =	sdelay $0x1  }
0x8a: {  	s1 =	srdreg.scid  }
0x8b: {  	s0 =	sand.u32 $0x1, s1  }
0x8c: {  	s17 =	sshll.u32 s0, $0xA;
	s2 =	sadd.s32 s3, s2  }
0x8d: {  	s2 =	sadd.s32 s2, s17  }
0x8e: {  	[smem:$0x3FC6] =	sst s2  }
0x8f: {  	_ = 	snop  }
0x90: {  	s2 =	sld [smem:$0x3FC9]  }
0x91: {  	s18 =	sld [smem:$0x3FD0];
	(tm) =	ssettm $0x1  }
0x92: {  	s4 =	sld [smem:$0x3FFB];
	_ =	sdelay $0x3  }
0x93: {  	_ =	strace s4  }
0x94: {  	s4 =	sld [smem:$0x3FFC];
	_ =	sdelay $0x3  }
0x95: {  	_ =	strace s4  }
0x96: {  	s4 =	sld [smem:$0x3FFD];
	_ =	sdelay $0x3  }
0x97: {  	_ =	strace s4  }
0x98: {  	_ =	strace $0x8FFFFFFF  }
0x99: {  	s19 =	sld [smem:$0x3FDB];
	_ =	sdelay $0x1  }
0x9a: {  	s5 =	simm.s32 $_scs_section_size  }
0x9b: {  	s6 =	simm.s32 $_size__tile_overlayer_lowered;
	s7 =	simm.s32 $_tile_overlayer_lowered  }
0x9c: {  	s22 =	simm.s32 $0x1BFF;
	s21 =	sshll.u32 s7, $0x1;
	s4 =	sadd.s32 s5, s19  }
0x9d: {  	s8 =	simm.s32 $0x0;
	s20 =	sshll.u32 s6, $0x1;
	s6 =	sadd.s32 s21, s4  }
0x9e: {  	[timem:s8], [sflag:s22] =	dma.local [hbm:s6], s20  }
0x9f: {  	_ =	swait.ge [sflag:s22], s20  }
0xa0: {  	s5 =	ssub.s32 $0x0, s20;
	[sflag:s22] =	ssyncset.done $0x0  }
0xa1: {  	[sflag:s22] =	ssyncadd.s32 s5;
	_ =	sdelay $0x1  }
0xa2: {  	s23 =	simm.s32 $0x1B8B  }
0xa3: {  	_ =	swait.ge [sflag:s23], $0x1  }
0xa4: {  	[sflag:s23] =	ssyncset.done $0x0  }
0xa5: {  	s25 =	simm.s32 $0x1B8E;
	s24 =	sld [smem:$0x3FFE];
	[sflag:s23] =	ssyncadd.s32 $0xFFFFFFFF  }
0xa6: {  	s26 =	simm.s32 $execute0_lowered;
	[smem:$0x3FD2] =	sst s25  }
0xa7: {  	s6 =	sshll.u32 s26, $0x1;
	_ =	strace $0x80000046;
	[dreg:$0x1] =	wrdreg $0xFFFFFFFF  }
0xa8: {  	s28 =	simm.s32 $_size_execute0_lowered;
	s4 =	sadd.s32 s4, s6;
	[dreg:$0x0] =	wrdreg $0x0  }
0xa9: {  	s6 =	sshll.u32 s28, $0x1;
	[dreg:$0x2] =	wrdreg s4  }
0xaa: {  	[dreg:$0x3] =	wrdreg s6  }
0xab: {  	[dreg:$0x4] =	wrdreg $0xC0  }
0xac: {  	_ =	task [dreg:s8], $0x5FFFF  }
0xad: {  	[dreg:$0x1] =	wrdreg $0xFFFFFFFF  }
0xae: {  	[dreg:$0x0] =	wrdreg $0x60  }
0xaf: {  	[dreg:$0x2] =	wrdreg s2  }
0xb0: {  	[dreg:$0x3] =	wrdreg s18  }
0xb1: {  	[dreg:$0x4] =	wrdreg s24  }
0xb2: {  	[dreg:$0x5] =	wrdreg $0x9  }
0xb3: {  	_ =	task.clear_ibuf [dreg:s8], $0x6FFFF;
	_ =	strace $0x90000046  }
0xb4: {  	s29 =	simm.s32 $0x9;
	_ =	strace $0x80000048  }
0xb5: {  	_ =	swait.ge [sflag:s29], $0x1  }
0xb6: {  	[sflag:s29] =	ssyncadd.s32 $0xFFFFFFFF  }
0xb7: {  	_ =	strace $0x90000048  }
0xb8: {  	_ =	sfence  }
0xb9: {  	s30 =	sld [smem:$0x0];
	_ =	sdelay $0x2  }
0xba: {  	s31 =	sshll.u32 s1, $0xD;
	s1 =	sshrl.u32 s1, $0x2  }
0xbb: {  	s3 =	sand.u32 $0x4000, s31;
	s1 =	sadd.s32 s1, s30  }
0xbc: {  	s0 =	sor.u32 s3, s0;
	s1 =	sshll.u32 s1, $0x11  }
0xbd: {  	s0 =	sor.u32 s1, s0  }
0xbe: {  	s0 =	sadd.s32 $0x8F2B, s0  }
0xbf: {  	[sflag:s0] =	ssyncadd.remote.s32 $0x1  }
0xc0: {  	_ =	sfence.sel $0xFFFF  }
0xc1: {  	[dreg:$0x0] =	wrdreg $0xFFFFFFFF;
	(pc) =	sbr.abs _section_cstart, $3  }
0xc2: {  	[dreg:$0x1] =	wrdreg $0xFFFFFFFF  }
0xc3: {  	_ =	task.clear_ibuf [dreg:s8], $0x2FFFF;
	_ =	strace $0x9FFFFFFF  }
0xc4: {  	(tm) =	ssettm $0x7FFFFFFF  }
0xc5: {  	_ =	shalt  }
tec
execute0_lowered:
.L_overlay_start_1:
0x0: {  	(tag) =	ssettag $0x1  }
0x1: {  	s7 =	rddreg [dreg:$0x1]  }
0x2: {  	s0 =	rddreg [dreg:$0x2];
	s1 =	srdreg.scid  }
0x3: {  	s2 =	stileid.u32;
	s3 =	simm.s32 $0x0;
	s1 =	sand.u32 $0x1, s1  }
0x4: {  	s2 =	sshll.u32 s2, $0x1;
	[smem:$0x7FF] =	sst s3;
	s4 =	sadd.s32 $0x400, s0  }
0x5: {  	s0 =	sadd.s32 $0x500, s0;
	s2 =	sor.u32 s1, s2;
	_ =	strace $0x80000047  }
0x6: {  	[dreg:$0x4] =	wrdreg s4;
	s18 =	smul.u32 $0x2900, s2;
	s19 =	sshll.u32 s2, $0x8  }
0x7: {  	[dreg:$0xb] =	wrdreg s0;
	s26 =	smul.u32 $0x5200, s2;
	s4 =	sand.u32 $0x300, s19  }
0x8: {  	s21 =	smul.u32 $0x52, s2;
	[dreg:$0x5] =	wrdreg s4  }
0x9: {  	s12 =	simm.s32 $0x400;
	s1 =	ssub.s32 $0x2, s1;
	[dreg:$0xd] =	wrdreg s26  }
0xa: {  	s5 =	sshrl.u32 s1, $0x1;
	s25 =	sadd.s32 $0x400, s18;
	[dreg:$0x6] =	wrdreg s21  }
0xb: {  	s1 =	ssub.s32 s1, s5;
	s28 =	sadd.s32 $0xA, s21;
	[dreg:$0xc] =	wrdreg s25  }
0xc: {  	s6 =	sand.u32 $0x7FC00, s18;
	s29 =	sadd.s32 $0xC, s21;
	[dreg:$0xe] =	wrdreg s28  }
0xd: {  	s20 =	sshrl.u32 s18, $0x3;
	s30 =	sadd.s32 $0xE, s21;
	[dreg:$0xf] =	wrdreg s29  }
0xe: {  	s31 =	smax.u32 s1, $0x1;
	s5 =	sadd.s32 s7, s20;
	[dreg:$0x10] =	wrdreg s30  }
.Ltmp0:
0xf: {  	[dreg:$0x11] =	wrdreg s31;
	s22 =	sadd.s32 $0x20, s5;
	(pc) =	sbr.rel .LBB2_1-.Ltmp0, $4  }
0x10: {  	s4 =	sor.u32 s4, s6;
	s23 =	sadd.s32 $0x40, s5;
	[dreg:$0x8] =	wrdreg s22  }
0x11: {  	s4 =	sshrl.u32 s4, $0x3;
	s24 =	sadd.s32 $0x60, s5;
	[dreg:$0x9] =	wrdreg s23  }
0x12: {  	s17 =	simm.s32 $0x3C00;
	v1 =	vlaneseq.u32;
	s4 =	sadd.s32 s7, s4;
	[dreg:$0xa] =	wrdreg s24  }
0x13: {  	s14 =	simm.s32 $0xE400;
	v0 =	vmul.u32 $0x380, v1;
	v1 =	vmul.u32 $0x80, v1;
	s2 =	simm.s32 $0x0;
	[dreg:$0x7] =	wrdreg s4  }
.LBB2_27:
0x14: {  	s0 =	simm.s32 $0x9  }
0x15: {  	_ =	swait.ge [sflag:s0], $0x800  }
0x16: {  	[sflag:s0] =	ssyncset.done $0x0  }
0x17: {  	s1 =	simm.s32 $0xA;
	[sflag:s0] =	ssyncadd.s32 $0xFFFFF800  }
0x18: {  	_ =	swait.ge [sflag:s1], $0x800  }
0x19: {  	s2 =	rddreg [dreg:$0x12]  }
0x1a: {  	s31 =	rddreg [dreg:$0x11];
	s2 =	sadd.s32 $0x1, s2  }
0x1b: {  	p0 =	sne.s32 s2, s31  }
.Ltmp1:
0x1c: {  	_ = 	snop;
	(pc) =	sbr.rel @!p0 .LBB2_28-.Ltmp1, $3  }
0x1d: {  	_ =	sdelay $0x1  }
0x1e: {  	[sflag:s1] =	ssyncset.done $0x0  }
0x1f: {  	[sflag:s1] =	ssyncadd.s32 $0xFFFFF800  }
.LBB2_1:
0x20: {  	[dreg:$0x12] =	wrdreg s2  }
0x21: {  	s1 =	simm.s32 $0x0;
	s0 =	rddreg [dreg:$0x7]  }
0x22: {  	[tilespmem:s1], [sflag:$0x1] =	stream.linear.gather [hbm4b:s0+s1], $0x100, $0x38;
	[tilespmem:$0xF400] =	vst v63  }
0x23: {  	s21 =	rddreg [dreg:$0x8];
	s3 =	simm.s32 $0x100;
	s22 =	simm.s32 $0x1  }
0x24: {  	[tilespmem:s3], [sflag:$0x2] =	stream.linear.gather [hbm4b:s21+s1], $0x100, $0x38;
	[tilespmem:$0xF400] =	vst v63  }
0x25: {  	_ =	swait.ge [sflag:s22], $0x100  }
0x26: {  	[sflag:s22] =	ssyncset.done $0x0  }
0x27: {  	[sflag:s22] =	ssyncadd.s32 $0xFFFFFF00  }
0x28: {  	s4 =	simm.s32 $0x70;
	s0 =	rddreg [dreg:$0x0]  }
0x29: {  	[tilespmem:s12], [sflag:$0x5] =	stream.indirect.gather [hbm4b:s0+s4], $0x80, s1, s4, $0xb8;
	[tilespmem:$0xF400] =	vst v63  }
0x2a: {  	s23 =	simm.s32 $0x80  }
0x2b: {  	[tilespmem:s17], [sflag:$0x6] =	stream.indirect.gather [hbm4b:s0+s4], $0x80, s23, s4, $0xb8;
	[tilespmem:$0xF400] =	vst v63  }
0x2c: {  	s5 =	simm.s32 $0x200;
	s25 =	simm.s32 $0x2;
	s24 =	rddreg [dreg:$0x9]  }
0x2d: {  	[tilespmem:s5], [sflag:$0x3] =	stream.linear.gather [hbm4b:s24+s1], $0x100, $0x38;
	[tilespmem:$0xF400] =	vst v63  }
0x2e: {  	_ =	swait.ge [sflag:s25], $0x100  }
0x2f: {  	[sflag:s25] =	ssyncset.done $0x0  }
0x30: {  	s26 =	simm.s32 $0x7400;
	[sflag:s25] =	ssyncadd.s32 $0xFFFFFF00  }
0x31: {  	[tilespmem:s26], [sflag:$0x7] =	stream.indirect.gather [hbm4b:s0+s4], $0x80, s3, s4, $0xb8;
	[tilespmem:$0xF400] =	vst v63  }
.Ltmp2:
0x32: {  	_ = 	snop;
	(pc) =	sbr.rel .LBB2_2-.Ltmp2, $4  }
0x33: {  	s28 =	simm.s32 $0x180;
	s29 =	simm.s32 $0xAC00  }
0x34: {  	[tilespmem:s29], [sflag:$0x8] =	stream.indirect.gather [hbm4b:s0+s4], $0x80, s28, s4, $0xb8;
	[tilespmem:$0xF400] =	vst v63  }
0x35: {  	s31 =	simm.s32 $0x300;
	s8 =	simm.s32 $0x0;
	s30 =	rddreg [dreg:$0xa]  }
0x36: {  	[tilespmem:s31], [sflag:$0x4] =	stream.linear.gather [hbm4b:s30+s1], $0x100, $0x38;
	[tilespmem:$0xF400] =	vst v63  }
.LBB2_26:
0x37: {  	s8 =	sadd.s32 $0x1, s8  }
0x38: {  	p0 =	sne.s32 s8, $0xB  }
.Ltmp3:
0x39: {  	_ = 	snop;
	(pc) =	sbr.rel @!p0 .LBB2_27-.Ltmp3, $1  }
0x3a: {  	_ =	sdelay $0x3  }
.LBB2_2:
0x3b: {  	s1 =	simm.s32 $0x5;
	s0 =	simm.s32 $0x0;
	s15 =	simm.s32 $0x0  }
0x3c: {  	s17 =	simm.s32 $0x0;
	s18 =	simm.s32 $0x0;
	_ =	swait.ge [sflag:s1], $0x3800;
	v2 =	vmov s0;
	v3 =	vmov s15  }
0x3d: {  	s16 =	simm.s32 $0x15;
	s19 =	simm.s32 $0x0;
	v4 =	vmov s17;
	v6 =	vmov s18;
	[sflag:s1] =	ssyncset.done $0x0;
	v2 =	vshll.u32 v2, $0x7  }
0x3e: {  	s2 =	simm.s32 $0x16;
	v7 =	vmov s19;
	v3 =	vshll.u32 v3, $0x7;
	[sflag:s1] =	ssyncadd.s32 $0xFFFFC800;
	s1 =	sand.u32 $0x7D, s16;
	v2 =	vadd.s32 v0, v2  }
0x3f: {  	p0 =	seq.s32 s8, $0x0;
	s4 =	simm.s32 $0x18;
	s2 =	sand.u32 $0x7E, s2;
	v4 =	vshll.u32 v4, $0x7;
	v3 =	vadd.s32 v0, v3;
	v5 =	vor.u32 s1, v2  }
0x40: {  	s20 =	simm.s32 $0x19;
	s3 =	simm.s32 @!p0 $0x9;
	s21 =	sand.u32 $0x7C, s4;
	v6 =	vshll.u32 v6, $0x7;
	v4 =	vadd.s32 v0, v4;
	v3 =	vor.u32 s2, v3  }
0x41: {  	s22 =	simm.s32 $0x1A;
	s0 =	sand.u32 $0x7D, s20;
	v7 =	vshll.u32 v7, $0x7;
	v6 =	vadd.s32 v0, v6;
	_ =	swait.ge @!p0 [sflag:s3], $0x800;
	v4 =	vor.u32 s21, v4  }
0x42: {  	s23 =	simm.s32 $0x0;
	s24 =	sand.u32 $0x7E, s22;
	v7 =	vadd.s32 v0, v7;
	v6 =	vor.u32 s0, v6;
	[sflag:s3] =	ssyncset.done @!p0 $0x0  }
0x43: {  	v8 =	vmov s23;
	s1 =	sor.u32 $0x2, s1;
	v7 =	vor.u32 s24, v7;
	[sflag:s3] =	ssyncadd.s32 @!p0 $0xFFFFF800  }
0x44: {  	s25 =	simm.s32 $0x1B;
	s26 =	simm.s32 $0x0;
	s28 =	simm.s32 $0x0;
	v8 =	vshll.u32 v8, $0x7;
	v2 =	vor.u32 s1, v2;
	v5 =	vld.idx.msk [tilespmem:v5+s12+$0x0], $0xffff  }
0x45: {  	s29 =	simm.s32 $0x0;
	s30 =	simm.s32 $0x0;
	v9 =	vmov s26;
	v10 =	vmov s28;
	v8 =	vadd.s32 v0, v8;
	s1 =	sand.u32 $0x7F, s25;
	v3 =	vld.idx.msk [tilespmem:v3+s12+$0x0], $0xffff  }
0x46: {  	s31 =	simm.s32 $0x0;
	s5 =	simm.s32 $0x0;
	s6 =	simm.s32 $0x0;
	v11 =	vmov s29;
	v12 =	vmov s30;
	v8 =	vor.u32 s1, v8;
	v4 =	vld.idx.msk [tilespmem:v4+s12+$0x0], $0xffff  }
0x47: {  	s7 =	simm.s32 $0x0;
	s9 =	simm.s32 $0x0;
	s10 =	simm.s32 $0x0;
	v13 =	vmov s31;
	v15 =	vmov s5;
	v16 =	vmov s6;
	v6 =	vld.idx.msk [tilespmem:v6+s12+$0x0], $0xffff  }
0x48: {  	s11 =	simm.s32 $0x0;
	s13 =	simm.s32 $0x0;
	s4 =	simm.s32 $0x0;
	v17 =	vmov s7;
	v18 =	vmov s9;
	v19 =	vmov s10;
	v7 =	vld.idx.msk [tilespmem:v7+s12+$0x0], $0xffff  }
0x49: {  	s15 =	simm.s32 $0x0;
	v20 =	vmov s11;
	v21 =	vmov s13;
	v14 =	vmov s4;
	v2 =	vld.idx.msk [tilespmem:v2+s12+$0x0], $0xffff  }
0x4a: {  	v22 =	vmov s15;
	v9 =	vshll.u32 v9, $0x7;
	v23 =	vshll.u32 v10, $0x7  }
0x4b: {  	v11 =	vshll.u32 v11, $0x7;
	v12 =	vshll.u32 v12, $0x7;
	v13 =	vshll.u32 v13, $0x7;
	v8 =	vld.idx.msk [tilespmem:v8+s12+$0x0], $0xffff  }
0x4c: {  	v15 =	vshll.u32 v15, $0x7;
	v16 =	vshll.u32 v16, $0x7;
	v17 =	vshll.u32 v17, $0x7  }
0x4d: {  	s20 =	simm.s32 $0x5;
	v18 =	vshll.u32 v18, $0x7;
	v14 =	vshll.u32 v14, $0x7;
	v3 =	vadd.f32 v3, v5  }
0x4e: {  	s16 =	simm.s32 $0x3;
	v11 =	vadd.s32 v0, v11;
	s3 =	sand.u32 $0x7D, s20;
	v2 =	vadd.f32 v4, v2;
	v4 =	vadd.f32 v7, v6  }
0x4f: {  	s17 =	simm.s32 $0x0;
	v12 =	vadd.s32 v0, v12;
	v11 =	vor.u32 s3, v11;
	v5 =	vmov s16  }
0x50: {  	s0 =	sand.u32 $0x7C, s17;
	v2 =	vadd.f32 v2, v3;
	v3 =	vadd.f32 v8, v4;
	v4 =	vadd.s32 v0, v9  }
0x51: {  	s18 =	simm.s32 $0x4;
	s22 =	simm.s32 $0x8;
	v13 =	vadd.s32 v0, v13;
	s5 =	sor.u32 $0x2, s0;
	v5 =	vand.u32 $0x7F, v5;
	v9 =	vor.u32 s0, v4  }
0x52: {  	s6 =	simm.s32 $0x9;
	s23 =	simm.s32 $0xA;
	s19 =	sor.u32 $0x1, s0;
	v7 =	vshll.u32 v20, $0x7;
	v5 =	vbroadcast v5, $0x0;
	v20 =	vor.u32 s5, v4  }
0x53: {  	s7 =	simm.s32 $0xB;
	s9 =	simm.s32 $0xE;
	v16 =	vadd.s32 v0, v16;
	s0 =	sor.u32 $0x3, s0;
	v2 =	vadd.f32 v3, v2;
	v3 =	vor.u32 s19, v4  }
0x54: {  	s10 =	simm.s32 $0x0;
	s11 =	simm.s32 $0x12;
	s1 =	sand.u32 $0x7C, s18;
	v10 =	vor.u32 v1, v5;
	v5 =	vadd.s32 v0, v23;
	v4 =	vor.u32 s0, v4  }
0x55: {  	s28 =	simm.s32 $0x0;
	s7 =	sand.u32 $0x7F, s7;
	s21 =	simm.s32 $0x7;
	v28 =	vld.idx.msk [tilespmem:v11+s12+$0x0], $0xffff;
	v8 =	vshll.u32 v22, $0x7;
	v22 =	vmul.f32 $1.428571490e-01, v2;
	v2 =	vor.u32 s1, v5  }
0x56: {  	s6 =	sand.u32 $0x7D, s6;
	v15 =	vadd.s32 v0, v15;
	v14 =	vadd.s32 v0, v14;
	s2 =	sand.u32 $0x7C, s22;
	v16 =	vor.u32 s7, v16;
	s4 =	sand.u32 $0x7F, s21;
	v9 =	vld.idx.msk [tilespmem:v9+s12+$0x0], $0xffff  }
0x57: {  	s29 =	simm.s32 $0x0;
	s30 =	simm.s32 $0x13;
	s13 =	sshll.u32 s8, $0x2;
	v13 =	vor.u32 s2, v13;
	v14 =	vor.u32 s6, v14;
	v12 =	vor.u32 s4, v12;
	v20 =	vld.idx.msk [tilespmem:v20+s12+$0x0], $0xffff  }
0x58: {  	s9 =	sand.u32 $0x7E, s9;
	s11 =	sand.u32 $0x7E, s11;
	s15 =	sshll.u32 s8, $0x3;
	v6 =	vshll.u32 v19, $0x7;
	v19 =	vshll.u32 v21, $0x7;
	v21 =	vmov s28;
	v3 =	vld.idx.msk [tilespmem:v3+s12+$0x0], $0xffff  }
0x59: {  	s24 =	simm.s32 $0xC;
	s25 =	simm.s32 $0x10;
	s17 =	rddreg [dreg:$0x6];
	v6 =	vadd.s32 v0, v6;
	v7 =	vadd.s32 v0, v7;
	v19 =	vadd.s32 v0, v19;
	v4 =	vld.idx.msk [tilespmem:v4+s12+$0x0], $0xffff  }
0x5a: {  	v31 =	vor.u32 s11, v19;
	s5 =	sand.u32 $0x7E, s23;
	v8 =	vadd.s32 v0, v8;
	v23 =	vmov s29;
	s29 =	simm.s32 $0x0;
	v25 =	vld.idx.msk [tilespmem:v2+s12+$0x0], $0xffff;
	[dreg:$0x15] =	wrdreg s13  }
0x5b: {  	s21 =	simm.s32 $0x14;
	v24 =	vor.u32 s5, v15;
	v11 =	vshll.u32 v23, $0x7;
	v19 =	vmov s29;
	s1 =	sand.u32 $0x7C, s25;
	[dreg:$0x13] =	wrdreg s8  }
0x5c: {  	s0 =	sand.u32 $0x7C, s24;
	v11 =	vadd.s32 v0, v11;
	v5 =	vadd.s32 v0, v17;
	v29 =	vor.u32 s1, v6;
	s1 =	sadd.s32 s17, s15;
	v6 =	vld.idx.msk [tilespmem:v12+s12+$0x0], $0xffff;
	[dreg:$0x14] =	wrdreg s15  }
0x5d: {  	s16 =	sand.u32 $0x7F, s30;
	s30 =	simm.s32 $0x0;
	v23 =	vshll.u32 v19, $0x7;
	v17 =	vadd.s32 v0, v18;
	v5 =	vor.u32 s0, v5;
	[dreg:$0x1d] =	wrdreg s1  }
0x5e: {  	s26 =	simm.s32 $0x11;
	s31 =	sor.u32 $0x1, s9;
	s3 =	sand.u32 $0x7C, s21;
	v19 =	vmov s30;
	v26 =	vor.u32 s9, v17;
	v12 =	vor.u32 s16, v8;
	v8 =	vld.idx.msk [tilespmem:v13+s12+$0x0], $0xffff  }
0x5f: {  	s22 =	simm.s32 $0x1;
	v18 =	vmov s10;
	s10 =	sand.u32 $0x7D, s26;
	v11 =	vor.u32 s3, v11;
	v27 =	vor.u32 s31, v17;
	v15 =	vld.idx.msk [tilespmem:v14+s12+$0x0], $0xffff  }
0x60: {  	s7 =	simm.s32 $0x25;
	s20 =	simm.s32 $0xD;
	s19 =	simm.s32 $0x6;
	v30 =	vor.u32 s10, v7;
	v7 =	vshll.u32 v21, $0x7;
	v2 =	vshll.u32 v18, $0x7;
	v17 =	vld.idx.msk [tilespmem:v24+s12+$0x0], $0xffff  }
0x61: {  	s18 =	simm.s32 $0x0;
	s2 =	sand.u32 $0x7D, s20;
	v23 =	vadd.s32 v0, v23;
	s0 =	sand.u32 $0x7E, s19;
	v7 =	vadd.s32 v0, v7;
	v2 =	vadd.s32 v0, v2;
	v16 =	vld.idx.msk [tilespmem:v16+s12+$0x0], $0xffff  }
0x62: {  	s6 =	simm.s32 $0x8;
	s20 =	simm.s32 $0x24;
	s26 =	simm.s32 $0x0;
	v14 =	vor.u32 s0, v2;
	v13 =	vor.u32 s2, v7;
	v7 =	vmov s18;
	v18 =	vld.idx.msk [tilespmem:v5+s12+$0x0], $0xffff  }
0x63: {  	s28 =	simm.s32 $0x32;
	s23 =	simm.s32 $0x2;
	s31 =	simm.s32 $0x0;
	v21 =	vld.idx.msk [tilespmem:v26+s12+$0x0], $0xffff;
	v3 =	vadd.f32 v3, v9;
	v4 =	vadd.f32 v4, v20;
	v9 =	vmov s26  }
0x64: {  	s4 =	sand.u32 $0x7E, s28;
	s24 =	simm.s32 $0x31;
	s5 =	simm.s32 $0x35;
	v5 =	vmov s23;
	v24 =	vld.idx.msk [tilespmem:v27+s12+$0x0], $0xffff;
	[tilespmem:v10+s14+$0x0] =	vst.idx.msk $0xffff, v22;
	v22 =	vmov s31;
	v9 =	vshll.u32 v9, $0x7  }
0x65: {  	s25 =	simm.s32 $0x4;
	s3 =	simm.s32 $0x20;
	s9 =	simm.s32 $0x34;
	v10 =	vld.idx.msk [tilespmem:v31+s12+$0x0], $0xffff;
	v2 =	vadd.f32 v4, v3;
	v3 =	vadd.f32 v28, v25;
	v4 =	vand.u32 $0x7C, v7  }
0x66: {  	s10 =	simm.s32 $0x0;
	s13 =	simm.s32 $0x23;
	s2 =	sand.u32 $0x7D, s24;
	v7 =	vmov s22;
	v20 =	vadd.s32 v0, v9;
	v9 =	vld.idx.msk [tilespmem:v30+s12+$0x0], $0xffff;
	v4 =	vbroadcast v4, $0x0  }
0x67: {  	s16 =	simm.s32 $0x37;
	s15 =	simm.s32 $0x21;
	s1 =	simm.s32 $0x36;
	v7 =	vand.u32 $0x7D, v7;
	v25 =	vor.u32 s2, v20;
	v6 =	vadd.f32 v8, v6;
	v8 =	vld.idx.msk [tilespmem:v29+s12+$0x0], $0xffff  }
.LBB2_3:
0x68: {  	p1 =	slt.u32 s6, $0x7C  }
0x69: {  	s0 =	sadd.s32 $0xFFFFFFEF, s16;
	v26 =	vor.u32 s4, v23;
	s2 =	sor.u32 $0x2, s2;
	v23 =	vshll.u32 v19, $0x7;
	v27 =	vmov s10;
	v19 =	vld.idx.msk [tilespmem:v12+s12+$0x0], $0xffff;
	s11 =	sadd.s32 $0xFFFFFFF0, s16  }
0x6a: {  	s14 =	sadd.s32 $0xFFFFFFF1, s16;
	v22 =	vshll.u32 v22, $0x7;
	s10 =	sadd.s32 $0xFFFFFFF3, s16;
	v12 =	vor.u32 s2, v20;
	s2 =	sand.u32 $0x7C, s9;
	v23 =	vadd.s32 v0, v23;
	v20 =	vld.idx.msk [tilespmem:v14+s12+$0x0], $0xffff  }
0x6b: {  	s4 =	sshrl.u32 s16, $0x7;
	s21 =	sadd.s32 $0xFFFFFFF5, s16;
	v27 =	vshll.u32 v27, $0x7;
	v14 =	vor.u32 s2, v23;
	s2 =	sand.u32 $0x7D, s5;
	v23 =	vadd.s32 v0, v22;
	v22 =	vld.idx.msk [tilespmem:v13+s12+$0x0], $0xffff  }
0x6c: {  	s26 =	sadd.s32 $0xFFFFFFF6, s16;
	s1 =	sand.u32 $0x7E, s1;
	s19 =	sadd.s32 $0xFFFFFFF8, s16;
	v28 =	vmov s4;
	v27 =	vadd.s32 v0, v27;
	v13 =	vor.u32 s2, v23;
	v23 =	vld.idx.msk [tilespmem:v11+s12+$0x0], $0xffff  }
0x6d: {  	v15 =	vadd.f32 v17, v15;
	s17 =	simm.s32 $0x400;
	s9 =	sadd.s32 $0xFFFFFFF7, s16;
	s2 =	sadd.s32 $0xFFFFFFE5, s16;
	v11 =	vld.idx.msk [tilespmem:v25+s12+$0x0], $0xffff;
	v25 =	vor.u32 s1, v27;
	v27 =	vshll.u32 v28, $0x7  }
0x6e: {  	v16 =	vadd.f32 v18, v16;
	s4 =	sshrl.u32 s3, $0x7;
	v17 =	vadd.f32 v24, v21;
	s5 =	sand.u32 $0x7F, s16;
	s1 =	sshrl.u32 s2, $0x7;
	v26 =	vld.idx.msk [tilespmem:v26+s12+$0x0], $0xffff;
	v27 =	vadd.s32 v0, v27  }
0x6f: {  	v21 =	vmov s4;
	s4 =	sshrl.u32 s13, $0x7;
	v18 =	vmov s1;
	s1 =	sshrl.u32 s15, $0x7;
	s12 =	sshrl.u32 s20, $0x7;
	v12 =	vld.idx.msk [tilespmem:v12+s17+$0x0], $0xffff;
	v24 =	vor.u32 s5, v27  }
0x70: {  	v28 =	vmov s4;
	s4 =	sshrl.u32 s0, $0x7;
	v27 =	vmov s1;
	v29 =	vmov s12;
	s1 =	sshrl.u32 s7, $0x7;
	s5 =	sshrl.u32 s11, $0x7;
	v14 =	vld.idx.msk [tilespmem:v14+s17+$0x0], $0xffff  }
0x71: {  	v31 =	vmov s4;
	s4 =	sshrl.u32 s10, $0x7;
	v30 =	vmov s1;
	v32 =	vmov s5;
	s1 =	sshrl.u32 s14, $0x7;
	s5 =	sshrl.u32 s21, $0x7;
	v13 =	vld.idx.msk [tilespmem:v13+s17+$0x0], $0xffff  }
0x72: {  	v34 =	vmov s4;
	s4 =	sshrl.u32 s9, $0x7;
	v33 =	vmov s1;
	v35 =	vmov s5;
	s1 =	sshrl.u32 s26, $0x7;
	s5 =	sshrl.u32 s19, $0x7;
	v25 =	vld.idx.msk [tilespmem:v25+s17+$0x0], $0xffff  }
0x73: {  	s8 =	sadd.s32 $0xFFFFFFEB, s16;
	s28 =	sadd.s32 $0xFFFFFFF2, s16;
	s30 =	sadd.s32 $0xFFFFFFF9, s16;
	v37 =	vmov s4;
	v36 =	vmov s1;
	v38 =	vmov s5  }
0x74: {  	s31 =	sshrl.u32 s8, $0x7;
	v21 =	vshll.u32 v21, $0x7;
	s29 =	sand.u32 $0x7C, s2;
	v18 =	vshll.u32 v18, $0x7;
	s12 =	sshrl.u32 s28, $0x7;
	v27 =	vshll.u32 v27, $0x7;
	v24 =	vld.idx.msk [tilespmem:v24+s17+$0x0], $0xffff  }
0x75: {  	v28 =	vshll.u32 v28, $0x7;
	s10 =	sand.u32 $0x7E, s10;
	v29 =	vshll.u32 v29, $0x7;
	v30 =	vshll.u32 v30, $0x7;
	s5 =	sor.u32 $0x1, s29;
	s17 =	sshrl.u32 s30, $0x7  }
0x76: {  	s2 =	sadd.s32 $0x3, s25;
	v31 =	vshll.u32 v31, $0x7;
	s4 =	sor.u32 $0x2, s29;
	v32 =	vshll.u32 v32, $0x7;
	s1 =	sor.u32 $0x3, s29;
	v33 =	vshll.u32 v33, $0x7  }
0x77: {  	s23 =	sand.u32 $0x7C, s3;
	s15 =	sand.u32 $0x7D, s15;
	s3 =	sor.u32 $0x1, s10;
	v34 =	vshll.u32 v34, $0x7;
	v11 =	vadd.f32 v26, v11;
	v26 =	vmov s2  }
0x78: {  	s18 =	sand.u32 $0x7D, s7;
	s13 =	sand.u32 $0x7F, s13;
	s20 =	sand.u32 $0x7C, s20;
	v12 =	vadd.f32 v14, v12;
	v14 =	vand.u32 $0x7F, v26;
	v13 =	vadd.f32 v25, v13  }
0x79: {  	s22 =	sand.u32 $0x7F, s11;
	s14 =	sand.u32 $0x7C, s14;
	s2 =	sand.u32 $0x7E, s0;
	v26 =	vshll.u32 v36, $0x7;
	v14 =	vbroadcast v14, $0x0;
	v25 =	vshll.u32 v35, $0x7  }
0x7a: {  	s24 =	sand.u32 $0x7E, s9;
	s21 =	sand.u32 $0x7C, s21;
	s26 =	sand.u32 $0x7D, s26;
	v35 =	vshll.u32 v37, $0x7;
	v11 =	vadd.f32 v12, v11;
	v12 =	vadd.f32 v24, v13  }
0x7b: {  	s7 =	sand.u32 $0x7E, s8;
	s9 =	sand.u32 $0x7D, s28;
	s8 =	sand.u32 $0x7F, s19;
	v14 =	vor.u32 v1, v14;
	v13 =	vadd.s32 v0, v18;
	v18 =	vshll.u32 v38, $0x7  }
0x7c: {  	v21 =	vadd.s32 v0, v21;
	s11 =	sand.u32 $0x7C, s30;
	s0 =	smov.u32 s25;
	s25 =	smov.u32 s6;
	v24 =	vadd.s32 v0, v27;
	v11 =	vadd.f32 v12, v11  }
0x7d: {  	v27 =	vadd.s32 v0, v29;
	v12 =	vadd.s32 v0, v28;
	v28 =	vadd.s32 v0, v30  }
0x7e: {  	v29 =	vadd.s32 v0, v31;
	v30 =	vadd.s32 v0, v32;
	v11 =	vmul.f32 $1.428571490e-01, v11  }
0x7f: {  	s19 =	simm.s32 $0xE400;
	v25 =	vadd.s32 v0, v25;
	v31 =	vadd.s32 v0, v33;
	v32 =	vadd.s32 v0, v34  }
0x80: {  	v26 =	vadd.s32 v0, v26;
	v33 =	vmov s31;
	v34 =	vadd.s32 v0, v35;
	[tilespmem:v14+s19+$0x0] =	vst.idx.msk $0xffff, v11  }
0x81: {  	v11 =	vmov s12;
	s12 =	simm.s32 $0x400;
	v14 =	vadd.s32 v0, v18;
	v18 =	vmov s17  }
0x82: {  	v36 =	vor.u32 s5, v13;
	v37 =	vor.u32 s4, v13;
	v35 =	vor.u32 s29, v13  }
0x83: {  	v21 =	vor.u32 s23, v21;
	v24 =	vor.u32 s15, v24;
	v13 =	vor.u32 s1, v13  }
0x84: {  	v27 =	vor.u32 s20, v27;
	v38 =	vor.u32 s13, v12;
	v28 =	vor.u32 s18, v28  }
0x85: {  	v29 =	vor.u32 s2, v29;
	v31 =	vor.u32 s14, v31;
	v30 =	vor.u32 s22, v30  }
0x86: {  	v25 =	vor.u32 s21, v25;
	v39 =	vor.u32 s10, v32;
	v32 =	vor.u32 s3, v32  }
0x87: {  	v26 =	vor.u32 s26, v26;
	v34 =	vor.u32 s24, v34;
	v12 =	vor.u32 s8, v14;
	v35 =	vld.idx.msk [tilespmem:v35+s12+$0x0], $0xffff  }
0x88: {  	v14 =	vshll.u32 v33, $0x7;
	v11 =	vshll.u32 v11, $0x7;
	v18 =	vshll.u32 v18, $0x7;
	v36 =	vld.idx.msk [tilespmem:v36+s12+$0x0], $0xffff  }
0x89: {  	v14 =	vadd.s32 v0, v14;
	v11 =	vadd.s32 v0, v11;
	v18 =	vadd.s32 v0, v18;
	v33 =	vld.idx.msk [tilespmem:v37+s12+$0x0], $0xffff  }
0x8a: {  	v14 =	vor.u32 s7, v14;
	v37 =	vld.idx.msk [tilespmem:v13+s12+$0x0], $0xffff;
	v13 =	vor.u32 s9, v11;
	v11 =	vor.u32 s11, v18  }
0x8b: {  	v5 =	vand.u32 $0x7E, v5;
	v8 =	vadd.f32 v9, v8;
	v9 =	vadd.f32 v19, v10;
	v18 =	vld.idx.msk [tilespmem:v21+s12+$0x0], $0xffff  }
0x8c: {  	v7 =	vbroadcast v7, $0x0;
	v6 =	vadd.f32 v15, v6;
	v3 =	vadd.f32 v20, v3;
	v10 =	vld.idx.msk [tilespmem:v24+s12+$0x0], $0xffff  }
0x8d: {  	v5 =	vbroadcast v5, $0x0;
	v8 =	vadd.f32 v8, v17;
	v16 =	vadd.f32 v22, v16;
	v19 =	vld.idx.msk [tilespmem:v38+s12+$0x0], $0xffff  }
0x8e: {  	v4 =	vor.u32 v1, v4;
	v9 =	vadd.f32 v23, v9;
	v20 =	vadd.f32 v36, v35;
	v22 =	vld.idx.msk [tilespmem:v27+s12+$0x0], $0xffff  }
0x8f: {  	v7 =	vor.u32 v1, v7;
	v2 =	vadd.f32 v3, v2;
	v3 =	vadd.f32 v16, v6;
	v15 =	vld.idx.msk [tilespmem:v28+s12+$0x0], $0xffff  }
0x90: {  	s16 =	sadd.s32 $0x1C, s16;
	v8 =	vadd.f32 v9, v8;
	v9 =	vor.u32 v1, v5;
	v6 =	vadd.f32 v37, v33;
	v17 =	vld.idx.msk [tilespmem:v29+s12+$0x0], $0xffff  }
0x91: {  	v23 =	vmul.f32 $1.428571490e-01, v2;
	v5 =	vmov s0;
	s2 =	sadd.s32 $0xFFFFFFFA, s16;
	s1 =	sadd.s32 $0x1, s0;
	s0 =	sadd.s32 $0x2, s0;
	v27 =	vmul.f32 $1.428571490e-01, v3;
	v16 =	vld.idx.msk [tilespmem:v30+s12+$0x0], $0xffff  }
0x92: {  	s15 =	sadd.s32 $0xFFFFFFEA, s16;
	s4 =	sshrl.u32 s2, $0x7;
	s3 =	sadd.s32 $0xFFFFFFE9, s16;
	v2 =	vadd.f32 v6, v20;
	v3 =	vadd.f32 v10, v18;
	v10 =	vmul.f32 $1.428571490e-01, v8;
	v18 =	vld.idx.msk [tilespmem:v31+s12+$0x0], $0xffff  }
.Ltmp4:
0x93: {  	s13 =	sadd.s32 $0xFFFFFFEC, s16;
	s8 =	sadd.s32 $0xFFFFFFFB, s16;
	v6 =	vand.u32 $0x7C, v5;
	v8 =	vmov s1;
	v5 =	vmov s0;
	v21 =	vld.idx.msk [tilespmem:v39+s12+$0x0], $0xffff;
	[tilespmem:v4+s19+$0x0] =	vst.idx.msk $0xffff, v23;
	(pc) =	sbr.rel @p1 .LBB2_3-.Ltmp4, $4  }
0x94: {  	s20 =	sadd.s32 $0xFFFFFFED, s16;
	s9 =	sadd.s32 $0xFFFFFFFD, s16;
	v20 =	vmov s4;
	s0 =	sshrl.u32 s8, $0x7;
	v4 =	vbroadcast v6, $0x0;
	v6 =	vadd.f32 v22, v19;
	v24 =	vld.idx.msk [tilespmem:v32+s12+$0x0], $0xffff;
	[tilespmem:v7+s19+$0x0] =	vst.idx.msk $0xffff, v27  }
0x95: {  	s5 =	sadd.s32 $0xFFFFFFFE, s16;
	s7 =	sadd.s32 $0xFFFFFFEE, s16;
	v19 =	vshll.u32 v20, $0x7;
	v22 =	vmov s0;
	s0 =	sshrl.u32 s9, $0x7;
	v7 =	vand.u32 $0x7D, v8;
	v8 =	vld.idx.msk [tilespmem:v25+s12+$0x0], $0xffff;
	[tilespmem:v9+s19+$0x0] =	vst.idx.msk $0xffff, v10  }
0x96: {  	s2 =	sand.u32 $0x7D, s2;
	s1 =	sadd.s32 $0xFFFFFFFF, s16;
	v20 =	vadd.s32 v0, v19;
	v19 =	vmov s0;
	s0 =	sshrl.u32 s5, $0x7;
	v10 =	vshll.u32 v22, $0x7;
	v9 =	vld.idx.msk [tilespmem:v26+s12+$0x0], $0xffff  }
0x97: {  	s6 =	sadd.s32 $0x4, s6;
	s4 =	sand.u32 $0x7E, s8;
	s10 =	sshrl.u32 s1, $0x7;
	v25 =	vor.u32 s2, v20;
	v22 =	vmov s0;
	v23 =	vadd.s32 v0, v10;
	v10 =	vld.idx.msk [tilespmem:v34+s12+$0x0], $0xffff  }
0x98: {  	v23 =	vor.u32 s4, v23;
	v19 =	vshll.u32 v19, $0x7;
	v26 =	vmov s10  }
0x99: {  	v22 =	vshll.u32 v22, $0x7;
	v15 =	vadd.f32 v17, v15;
	v16 =	vadd.f32 v18, v16  }
0x9a: {  	s0 =	sadd.s32 $0xFFFFFFEF, s16;
	s2 =	sor.u32 $0x2, s2;
	v5 =	vand.u32 $0x7E, v5;
	v7 =	vbroadcast v7, $0x0;
	v4 =	vor.u32 v1, v4  }
0x9b: {  	s21 =	sadd.s32 $0xFFFFFFF0, s16;
	s18 =	sshrl.u32 s16, $0x7;
	s24 =	sshrl.u32 s3, $0x7;
	v20 =	vor.u32 s2, v20;
	v19 =	vadd.s32 v0, v19;
	v26 =	vshll.u32 v26, $0x7  }
0x9c: {  	s29 =	sshrl.u32 s15, $0x7;
	s30 =	sshrl.u32 s13, $0x7;
	s31 =	sshrl.u32 s20, $0x7;
	v27 =	vmov s18;
	v22 =	vadd.s32 v0, v22;
	v29 =	vmov s24  }
0x9d: {  	s19 =	sadd.s32 $0xFFFFFFF1, s16;
	s17 =	sand.u32 $0x7C, s9;
	s14 =	sadd.s32 $0xFFFFFFF3, s16;
	v30 =	vmov s29;
	v31 =	vmov s30;
	v32 =	vmov s31  }
0x9e: {  	s22 =	sand.u32 $0x7D, s5;
	s11 =	sadd.s32 $0xFFFFFFF6, s16;
	s4 =	sadd.s32 $0xFFFFFFE5, s16;
	v18 =	vadd.f32 v24, v21;
	v5 =	vbroadcast v5, $0x0;
	v19 =	vor.u32 s17, v19  }
0x9f: {  	s23 =	sshrl.u32 s4, $0x7;
	s2 =	sshrl.u32 s7, $0x7;
	s5 =	sshrl.u32 s0, $0x7;
	v26 =	vadd.s32 v0, v26;
	v27 =	vshll.u32 v27, $0x7;
	v22 =	vor.u32 s22, v22  }
0xa0: {  	s8 =	sshrl.u32 s21, $0x7;
	s9 =	sshrl.u32 s19, $0x7;
	s10 =	sshrl.u32 s14, $0x7;
	v28 =	vmov s23;
	v33 =	vmov s2;
	v34 =	vmov s5  }
0xa1: {  	s18 =	sshrl.u32 s11, $0x7;
	v35 =	vmov s8;
	v36 =	vmov s9;
	v37 =	vmov s10  }
0xa2: {  	s6 =	sadd.s32 $0xFFFFFFF5, s16;
	s1 =	sand.u32 $0x7E, s1;
	s26 =	sadd.s32 $0xFFFFFFF7, s16;
	v39 =	vmov s18;
	v17 =	vshll.u32 v29, $0x7;
	v24 =	vshll.u32 v32, $0x7  }
0xa3: {  	v25 =	vld.idx.msk [tilespmem:v25+s12+$0x0], $0xffff;
	s29 =	sadd.s32 $0xFFFFFFF8, s16;
	s17 =	sshrl.u32 s6, $0x7;
	s22 =	sshrl.u32 s26, $0x7;
	v6 =	vadd.f32 v15, v6;
	v26 =	vor.u32 s1, v26;
	v27 =	vadd.s32 v0, v27  }
0xa4: {  	v12 =	vld.idx.msk [tilespmem:v12+s12+$0x0], $0xffff;
	s23 =	sshrl.u32 s29, $0x7;
	v38 =	vmov s17;
	v40 =	vmov s22;
	v28 =	vshll.u32 v28, $0x7  }
0xa5: {  	s28 =	sand.u32 $0x7F, s16;
	v11 =	vld.idx.msk [tilespmem:v11+s12+$0x0], $0xffff;
	v41 =	vmov s23;
	v17 =	vadd.s32 v0, v17;
	v52 =	vshll.u32 v36, $0x7  }
0xa6: {  	s3 =	sand.u32 $0x7C, s3;
	s24 =	sand.u32 $0x7C, s4;
	s4 =	sand.u32 $0x7D, s15;
	v53 =	vshll.u32 v37, $0x7;
	v55 =	vshll.u32 v39, $0x7;
	v8 =	vadd.f32 v9, v8;
	v23 =	vld.idx.msk [tilespmem:v23+s12+$0x0], $0xffff  }
0xa7: {  	s5 =	sand.u32 $0x7F, s13;
	s9 =	sadd.s32 $0xFFFFFFEB, s16;
	s13 =	sadd.s32 $0xFFFFFFF2, s16;
	v5 =	vor.u32 v1, v5;
	v27 =	vor.u32 s28, v27;
	v28 =	vadd.s32 v0, v28;
	v20 =	vld.idx.msk [tilespmem:v20+s12+$0x0], $0xffff  }
0xa8: {  	s15 =	sshrl.u32 s9, $0x7;
	s17 =	sshrl.u32 s13, $0x7;
	s28 =	sadd.s32 $0x3, s25;
	v17 =	vor.u32 s3, v17;
	v54 =	vshll.u32 v38, $0x7;
	v56 =	vshll.u32 v41, $0x7;
	v19 =	vld.idx.msk [tilespmem:v19+s12+$0x0], $0xffff  }
0xa9: {  	s30 =	sor.u32 $0x1, s24;
	s31 =	sor.u32 $0x2, s24;
	v59 =	vmov s15;
	v60 =	vmov s17;
	v42 =	vmov s28;
	v22 =	vld.idx.msk [tilespmem:v22+s12+$0x0], $0xffff  }
0xaa: {  	s2 =	sor.u32 $0x3, s24;
	v43 =	vor.u32 s30, v28;
	v44 =	vor.u32 s31, v28;
	v45 =	vor.u32 s24, v28;
	v26 =	vld.idx.msk [tilespmem:v26+s12+$0x0], $0xffff  }
0xab: {  	v28 =	vor.u32 s2, v28;
	v32 =	vadd.s32 v0, v54;
	v10 =	vadd.f32 v12, v10  }
0xac: {  	v14 =	vld.idx.msk [tilespmem:v14+s12+$0x0], $0xffff;
	v37 =	vshll.u32 v59, $0x7;
	v38 =	vshll.u32 v60, $0x7;
	v23 =	vadd.f32 v23, v25  }
0xad: {  	s6 =	sand.u32 $0x7C, s6;
	s28 =	sand.u32 $0x7D, s11;
	v25 =	vshll.u32 v33, $0x7;
	v33 =	vadd.s32 v0, v55;
	v19 =	vadd.f32 v19, v20;
	v20 =	vld.idx.msk [tilespmem:v27+s12+$0x0], $0xffff  }
0xae: {  	v13 =	vld.idx.msk [tilespmem:v13+s12+$0x0], $0xffff;
	v32 =	vor.u32 s6, v32;
	v10 =	vadd.f32 v11, v10;
	v33 =	vor.u32 s28, v33  }
0xaf: {  	v17 =	vld.idx.msk [tilespmem:v17+s12+$0x0], $0xffff;
	v27 =	vshll.u32 v35, $0x7;
	v21 =	vadd.f32 v26, v22;
	v22 =	vshll.u32 v30, $0x7  }
0xb0: {  	s18 =	sand.u32 $0x7F, s21;
	v57 =	vld.idx.msk [tilespmem:v43+s12+$0x0], $0xffff;
	v26 =	vshll.u32 v34, $0x7;
	v27 =	vadd.s32 v0, v27;
	v30 =	vadd.s32 v0, v52  }
0xb1: {  	s21 =	sand.u32 $0x7C, s19;
	v58 =	vld.idx.msk [tilespmem:v44+s12+$0x0], $0xffff;
	v34 =	vadd.s32 v0, v56;
	v19 =	vadd.f32 v19, v23;
	v27 =	vor.u32 s18, v27  }
0xb2: {  	s31 =	sand.u32 $0x7F, s29;
	v28 =	vld.idx.msk [tilespmem:v28+s12+$0x0], $0xffff;
	v23 =	vshll.u32 v31, $0x7;
	v30 =	vor.u32 s21, v30;
	v20 =	vadd.f32 v20, v21  }
0xb3: {  	s22 =	sand.u32 $0x7E, s14;
	v15 =	vld.idx.msk [tilespmem:v32+s12+$0x0], $0xffff;
	v22 =	vadd.s32 v0, v22;
	v31 =	vadd.s32 v0, v53;
	v34 =	vor.u32 s31, v34  }
0xb4: {  	v22 =	vor.u32 s4, v22;
	v12 =	vor.u32 s22, v31;
	v11 =	vld.idx.msk [tilespmem:v33+s12+$0x0], $0xffff;
	v19 =	vadd.f32 v20, v19  }
0xb5: {  	v20 =	vadd.s32 v0, v23;
	v23 =	vadd.s32 v0, v24;
	v24 =	vadd.s32 v0, v25;
	v25 =	vld.idx.msk [tilespmem:v45+s12+$0x0], $0xffff  }
0xb6: {  	s24 =	sor.u32 $0x1, s22;
	v3 =	vadd.f32 v14, v3;
	v8 =	vadd.f32 v8, v18;
	v27 =	vld.idx.msk [tilespmem:v27+s12+$0x0], $0xffff;
	v20 =	vor.u32 s5, v20  }
0xb7: {  	s0 =	sand.u32 $0x7E, s0;
	v26 =	vadd.s32 v0, v26;
	v31 =	vor.u32 s24, v31;
	v21 =	vshll.u32 v40, $0x7;
	v30 =	vld.idx.msk [tilespmem:v30+s12+$0x0], $0xffff  }
0xb8: {  	s30 =	sand.u32 $0x7E, s26;
	v8 =	vadd.f32 v10, v8;
	v26 =	vor.u32 s0, v26;
	v21 =	vadd.s32 v0, v21;
	v10 =	vld.idx.msk [tilespmem:v34+s12+$0x0], $0xffff  }
0xb9: {  	s8 =	sand.u32 $0x7C, s20;
	s20 =	sadd.s32 $0xFFFFFFF9, s16;
	v13 =	vadd.f32 v13, v16;
	v51 =	vand.u32 $0x7F, v42;
	v21 =	vor.u32 s30, v21;
	v22 =	vld.idx.msk [tilespmem:v22+s12+$0x0], $0xffff  }
0xba: {  	s10 =	sand.u32 $0x7D, s7;
	s23 =	sshrl.u32 s20, $0x7;
	v37 =	vadd.s32 v0, v37;
	v38 =	vadd.s32 v0, v38;
	v23 =	vor.u32 s8, v23;
	v12 =	vld.idx.msk [tilespmem:v12+s12+$0x0], $0xffff  }
0xbb: {  	s1 =	sand.u32 $0x7D, s13;
	s2 =	sand.u32 $0x7E, s9;
	v29 =	vbroadcast v51, $0x0;
	v24 =	vor.u32 s10, v24;
	v9 =	vld.idx.msk [tilespmem:v20+s12+$0x0], $0xffff;
	v20 =	vmov s23  }
0xbc: {  	v37 =	vor.u32 s2, v37;
	v38 =	vor.u32 s1, v38;
	v14 =	vld.idx.msk [tilespmem:v31+s12+$0x0], $0xffff;
	v20 =	vshll.u32 v20, $0x7  }
0xbd: {  	v2 =	vadd.f32 v3, v2;
	v3 =	vadd.f32 v13, v6;
	s0 =	sand.u32 $0x7C, s20;
	v26 =	vld.idx.msk [tilespmem:v26+s12+$0x0], $0xffff;
	v20 =	vadd.s32 v0, v20  }
0xbe: {  	v18 =	vmov s25;
	v6 =	vor.u32 v1, v7;
	v7 =	vld.idx.msk [tilespmem:v21+s12+$0x0], $0xffff;
	v20 =	vor.u32 s0, v20  }
0xbf: {  	v29 =	vor.u32 v1, v29;
	v2 =	vmul.f32 $1.428571490e-01, v2;
	v3 =	vmul.f32 $1.428571490e-01, v3;
	v23 =	vld.idx.msk [tilespmem:v23+s12+$0x0], $0xffff  }
0xc0: {  	v8 =	vmul.f32 $1.428571490e-01, v8;
	v13 =	vadd.f32 v28, v58;
	s5 =	sadd.s32 $0x2, s25;
	v16 =	vadd.f32 v57, v25;
	v24 =	vld.idx.msk [tilespmem:v24+s12+$0x0], $0xffff  }
0xc1: {  	v11 =	vadd.f32 v11, v15;
	v21 =	vld.idx.msk [tilespmem:v37+s12+$0x0], $0xffff;
	v25 =	vmov s5;
	v12 =	vadd.f32 v14, v12  }
0xc2: {  	s4 =	sadd.s32 $0x1, s25;
	v13 =	vadd.f32 v13, v16;
	v16 =	vadd.f32 v22, v17;
	v17 =	vand.u32 $0x7C, v18;
	v18 =	vld.idx.msk [tilespmem:v38+s12+$0x0], $0xffff  }
0xc3: {  	v22 =	vmov s4;
	v17 =	vbroadcast v17, $0x0;
	v11 =	vadd.f32 v11, v12;
	v20 =	vld.idx.msk [tilespmem:v20+s12+$0x0], $0xffff  }
0xc4: {  	v22 =	vand.u32 $0x7D, v22;
	v7 =	vadd.f32 v10, v7;
	v9 =	vadd.f32 v23, v9  }
0xc5: {  	v15 =	vbroadcast v22, $0x0;
	v23 =	vadd.f32 v26, v24;
	v24 =	vadd.f32 v30, v27  }
0xc6: {  	s6 =	simm.s32 $0xE400;
	v10 =	vand.u32 $0x7E, v25;
	v14 =	vadd.f32 v21, v16;
	v12 =	vor.u32 v1, v17  }
0xc7: {  	[tilespmem:v4+s6+$0x0] =	vst.idx.msk $0xffff, v2;
	v10 =	vbroadcast v10, $0x0;
	v9 =	vadd.f32 v23, v9;
	v16 =	vadd.f32 v18, v24  }
0xc8: {  	v13 =	vadd.f32 v14, v13;
	v14 =	vor.u32 v1, v15;
	v7 =	vadd.f32 v20, v7  }
0xc9: {  	[tilespmem:v6+s6+$0x0] =	vst.idx.msk $0xffff, v3;
	v19 =	vmul.f32 $1.428571490e-01, v19;
	v4 =	vor.u32 v1, v10;
	v2 =	vadd.f32 v16, v9  }
0xca: {  	[tilespmem:v5+s6+$0x0] =	vst.idx.msk $0xffff, v8;
	v6 =	vmul.f32 $1.428571490e-01, v13;
	v3 =	vadd.f32 v7, v11  }
0xcb: {  	s16 =	simm.s32 $0x16;
	s19 =	simm.s32 $0x18;
	s13 =	simm.s32 $0x0;
	[tilespmem:v29+s6+$0x0] =	vst.idx.msk $0xffff, v19;
	v2 =	vmul.f32 $1.428571490e-01, v2  }
0xcc: {  	s14 =	simm.s32 $0x15;
	s15 =	simm.s32 $0x0;
	s23 =	simm.s32 $0x0;
	[tilespmem:v12+s6+$0x0] =	vst.idx.msk $0xffff, v6;
	v3 =	vmul.f32 $1.428571490e-01, v3  }
0xcd: {  	s17 =	simm.s32 $0x0;
	s3 =	simm.s32 @!p0 $0xA;
	s11 =	simm.s32 $0x6;
	v8 =	vmov s23;
	[tilespmem:v14+s6+$0x0] =	vst.idx.msk $0xffff, v2  }
0xce: {  	s28 =	simm.s32 $0x0;
	s4 =	simm.s32 $0x0;
	v8 =	vshll.u32 v8, $0x7;
	s7 =	rddreg [dreg:$0x1d];
	[tilespmem:v4+s6+$0x0] =	vst.idx.msk $0xffff, v3  }
0xcf: {  	v8 =	vadd.s32 v0, v8;
	s12 =	simm.s32 $0x0;
	s8 =	sshll.u32 s7, $0x8;
	s9 =	rddreg [dreg:$0x4]  }
0xd0: {  	s10 =	simm.s32 $0x0;
	v15 =	vmov s4;
	v10 =	vmov s28;
	v2 =	vmov s12;
	[dreg:$0x17] =	wrdreg s8;
	s0 =	sadd.s32 s9, s8  }
0xd1: {  	v15 =	vshll.u32 v15, $0x7;
	v2 =	vshll.u32 v2, $0x7;
	v3 =	vmov s13;
	[hbm4b:s0+s10] =	stream.linear.scatter [tilespmem:s6], [sflag:$0x9], $0x800, $0x38;
	[tilespmem:$0xF400] =	vst v63  }
0xd2: {  	s26 =	simm.s32 $0x0;
	s1 =	sand.u32 $0x7D, s14;
	v6 =	vmov s17;
	v2 =	vadd.s32 v0, v2;
	v3 =	vshll.u32 v3, $0x7;
	_ =	swait.ge [sflag:s11], $0x3800  }
0xd3: {  	s2 =	sand.u32 $0x7E, s16;
	s18 =	simm.s32 $0x0;
	v5 =	vor.u32 s1, v2;
	v4 =	vmov s15;
	v3 =	vadd.s32 v0, v3;
	[sflag:s11] =	ssyncset.done $0x0  }
0xd4: {  	s21 =	sand.u32 $0x7C, s19;
	v6 =	vshll.u32 v6, $0x7;
	s1 =	sor.u32 $0x2, s1;
	v4 =	vshll.u32 v4, $0x7;
	v3 =	vor.u32 s2, v3;
	[sflag:s11] =	ssyncadd.s32 $0xFFFFC800  }
0xd5: {  	s31 =	simm.s32 $0x0;
	s20 =	simm.s32 $0x19;
	v7 =	vmov s18;
	v2 =	vor.u32 s1, v2;
	v4 =	vadd.s32 v0, v4;
	_ =	swait.ge @!p0 [sflag:s3], $0x800  }
0xd6: {  	s22 =	simm.s32 $0x1A;
	v6 =	vadd.s32 v0, v6;
	v7 =	vshll.u32 v7, $0x7;
	v4 =	vor.u32 s21, v4;
	s0 =	sand.u32 $0x7D, s20;
	[sflag:s3] =	ssyncset.done @!p0 $0x0  }
0xd7: {  	s24 =	sand.u32 $0x7E, s22;
	v13 =	vmov s31;
	s17 =	simm.s32 $0x3C00;
	v7 =	vadd.s32 v0, v7;
	v6 =	vor.u32 s0, v6;
	[sflag:s3] =	ssyncadd.s32 @!p0 $0xFFFFF800  }
0xd8: {  	s30 =	simm.s32 $0x0;
	s5 =	simm.s32 $0x0;
	v23 =	vshll.u32 v10, $0x7;
	v9 =	vmov s26;
	v7 =	vor.u32 s24, v7;
	v5 =	vld.idx.msk [tilespmem:v5+s17+$0x0], $0xffff  }
0xd9: {  	s25 =	simm.s32 $0x1B;
	v16 =	vmov s5;
	v13 =	vshll.u32 v13, $0x7;
	v12 =	vmov s30;
	v3 =	vld.idx.msk [tilespmem:v3+s17+$0x0], $0xffff  }
0xda: {  	s29 =	simm.s32 $0x0;
	v9 =	vshll.u32 v9, $0x7;
	v16 =	vshll.u32 v16, $0x7;
	v13 =	vadd.s32 v0, v13;
	s1 =	sand.u32 $0x7F, s25;
	v2 =	vld.idx.msk [tilespmem:v2+s17+$0x0], $0xffff  }
0xdb: {  	v12 =	vshll.u32 v12, $0x7;
	v11 =	vmov s29;
	s7 =	simm.s32 $0x0;
	s18 =	simm.s32 $0x7;
	v8 =	vor.u32 s1, v8;
	v4 =	vld.idx.msk [tilespmem:v4+s17+$0x0], $0xffff  }
0xdc: {  	v12 =	vadd.s32 v0, v12;
	v18 =	vmov s7;
	v11 =	vshll.u32 v11, $0x7;
	s4 =	sand.u32 $0x7F, s18;
	v6 =	vld.idx.msk [tilespmem:v6+s17+$0x0], $0xffff  }
0xdd: {  	v18 =	vshll.u32 v18, $0x7;
	v11 =	vadd.s32 v0, v11;
	v12 =	vor.u32 s4, v12;
	s8 =	simm.s32 $0x0;
	s9 =	simm.s32 $0x0;
	s2 =	simm.s32 $0x0;
	v7 =	vld.idx.msk [tilespmem:v7+s17+$0x0], $0xffff  }
0xde: {  	s6 =	simm.s32 $0x0;
	s10 =	simm.s32 $0x0;
	v19 =	vmov s8;
	v20 =	vmov s9;
	s20 =	simm.s32 $0x8;
	v14 =	vmov s2  }
0xdf: {  	s16 =	simm.s32 $0x5;
	v17 =	vmov s6;
	v21 =	vmov s10;
	s2 =	sand.u32 $0x7C, s20;
	v14 =	vshll.u32 v14, $0x7  }
0xe0: {  	v17 =	vshll.u32 v17, $0x7;
	v13 =	vor.u32 s2, v13;
	s11 =	simm.s32 $0x0;
	v14 =	vadd.s32 v0, v14;
	s3 =	sand.u32 $0x7D, s16;
	v8 =	vld.idx.msk [tilespmem:v8+s17+$0x0], $0xffff  }
0xe1: {  	s12 =	simm.s32 $0x3;
	v22 =	vmov s11;
	v11 =	vor.u32 s3, v11;
	v3 =	vadd.f32 v3, v5  }
0xe2: {  	v5 =	vmov s12;
	v2 =	vadd.f32 v4, v2;
	v4 =	vadd.f32 v7, v6  }
0xe3: {  	s13 =	simm.s32 $0x0;
	v6 =	vshll.u32 v19, $0x7;
	v7 =	vshll.u32 v20, $0x7;
	v5 =	vand.u32 $0x7F, v5  }
0xe4: {  	s0 =	sand.u32 $0x7C, s13;
	v19 =	vshll.u32 v21, $0x7;
	v6 =	vadd.s32 v0, v6;
	v5 =	vbroadcast v5, $0x0  }
0xe5: {  	s19 =	sor.u32 $0x2, s0;
	v2 =	vadd.f32 v2, v3;
	v3 =	vadd.f32 v8, v4;
	v4 =	vadd.s32 v0, v9  }
0xe6: {  	s14 =	simm.s32 $0x4;
	v8 =	vshll.u32 v22, $0x7;
	v9 =	vor.u32 s0, v4;
	v20 =	vor.u32 s19, v4  }
0xe7: {  	s22 =	simm.s32 $0xA;
	s15 =	sor.u32 $0x1, s0;
	s0 =	sor.u32 $0x3, s0;
	v8 =	vadd.s32 v0, v8;
	v10 =	vor.u32 v1, v5;
	v2 =	vadd.f32 v3, v2  }
0xe8: {  	s29 =	simm.s32 $0x12;
	s25 =	simm.s32 $0x10;
	s1 =	sand.u32 $0x7C, s14;
	v5 =	vadd.s32 v0, v23;
	v3 =	vor.u32 s15, v4;
	v4 =	vor.u32 s0, v4  }
0xe9: {  	s21 =	simm.s32 $0x9;
	s9 =	simm.s32 $0x13;
	v27 =	vld.idx.msk [tilespmem:v11+s17+$0x0], $0xffff;
	v23 =	vmul.f32 $1.428571490e-01, v2;
	v2 =	vor.u32 s1, v5;
	v5 =	vadd.s32 v0, v17;
	s1 =	sand.u32 $0x7C, s25  }
0xea: {  	s6 =	sand.u32 $0x7D, s21;
	s13 =	sand.u32 $0x7E, s29;
	s14 =	sand.u32 $0x7F, s9;
	v17 =	vadd.s32 v0, v18;
	v18 =	vadd.s32 v0, v19;
	v61 =	vor.u32 s1, v6;
	v6 =	vld.idx.msk [tilespmem:v12+s17+$0x0], $0xffff  }
0xeb: {  	s23 =	simm.s32 $0xB;
	s28 =	simm.s32 $0x11;
	s26 =	simm.s32 $0x0;
	v14 =	vor.u32 s6, v14;
	v63 =	vor.u32 s13, v18;
	v18 =	vor.u32 s14, v8;
	v8 =	vld.idx.msk [tilespmem:v13+s17+$0x0], $0xffff  }
0xec: {  	v15 =	vadd.s32 v0, v15;
	s5 =	sand.u32 $0x7E, s22;
	v16 =	vadd.s32 v0, v16;
	s7 =	sand.u32 $0x7F, s23;
	s24 =	simm.s32 $0xC;
	v9 =	vld.idx.msk [tilespmem:v9+s17+$0x0], $0xffff  }
0xed: {  	s31 =	simm.s32 $0x0;
	v15 =	vor.u32 s5, v15;
	v16 =	vor.u32 s7, v16;
	s8 =	simm.s32 $0xE;
	v21 =	vmov s26;
	s0 =	sand.u32 $0x7C, s24;
	v19 =	vld.idx.msk [tilespmem:v20+s17+$0x0], $0xffff  }
0xee: {  	s8 =	sand.u32 $0x7E, s8;
	s12 =	sand.u32 $0x7D, s28;
	v7 =	vadd.s32 v0, v7;
	v22 =	vmov s31;
	v5 =	vor.u32 s0, v5;
	v3 =	vld.idx.msk [tilespmem:v3+s17+$0x0], $0xffff  }
0xef: {  	s30 =	simm.s32 $0x0;
	s20 =	simm.s32 $0x14;
	s11 =	sor.u32 $0x1, s8;
	v62 =	vor.u32 s12, v7;
	v25 =	vor.u32 s8, v17;
	v12 =	vshll.u32 v22, $0x7;
	v4 =	vld.idx.msk [tilespmem:v4+s17+$0x0], $0xffff  }
0xf0: {  	s3 =	sand.u32 $0x7C, s20;
	v11 =	vld.idx.msk [tilespmem:v14+s17+$0x0], $0xffff;
	s31 =	simm.s32 $0xEC00;
	v26 =	vor.u32 s11, v17;
	v20 =	vmov s30;
	v12 =	vadd.s32 v0, v12;
	s30 =	simm.s32 $0x0  }
0xf1: {  	s22 =	simm.s32 $0x2;
	s28 =	simm.s32 $0x0;
	v7 =	vshll.u32 v20, $0x7;
	v17 =	vor.u32 s3, v12;
	[tilespmem:v10+s31+$0x0] =	vst.idx.msk $0xffff, v23;
	v23 =	vmov s30;
	v24 =	vld.idx.msk [tilespmem:v2+s17+$0x0], $0xffff  }
0xf2: {  	s18 =	simm.s32 $0x6;
	s23 =	simm.s32 $0x31;
	s7 =	simm.s32 $0x20;
	v13 =	vld.idx.msk [tilespmem:v15+s17+$0x0], $0xffff;
	v7 =	vadd.s32 v0, v7;
	v2 =	vshll.u32 v21, $0x7;
	v21 =	vmov s28  }
0xf3: {  	s4 =	simm.s32 $0x36;
	s19 =	simm.s32 $0xD;
	s0 =	sand.u32 $0x7E, s18;
	v2 =	vadd.s32 v0, v2;
	v14 =	vld.idx.msk [tilespmem:v5+s17+$0x0], $0xffff;
	v5 =	vmov s22;
	v6 =	vadd.f32 v8, v6  }
0xf4: {  	s15 =	simm.s32 $0x0;
	s2 =	sand.u32 $0x7D, s19;
	s24 =	simm.s32 $0x0;
	v12 =	vld.idx.msk [tilespmem:v16+s17+$0x0], $0xffff;
	v20 =	vor.u32 s0, v2;
	v3 =	vadd.f32 v3, v9;
	v4 =	vadd.f32 v4, v19  }
0xf5: {  	s21 =	simm.s32 $0x1;
	s9 =	simm.s32 $0x34;
	s29 =	simm.s32 $0x0;
	v15 =	vld.idx.msk [tilespmem:v25+s17+$0x0], $0xffff;
	v19 =	vor.u32 s2, v7;
	v7 =	vmov s15;
	v9 =	vmov s24  }
0xf6: {  	s10 =	simm.s32 $0x0;
	s6 =	simm.s32 $0x8;
	s26 =	simm.s32 $0x32;
	v16 =	vld.idx.msk [tilespmem:v26+s17+$0x0], $0xffff;
	v9 =	vshll.u32 v9, $0x7;
	v2 =	vadd.f32 v4, v3;
	v4 =	vadd.f32 v27, v24  }
0xf7: {  	s16 =	simm.s32 $0x37;
	s20 =	simm.s32 $0x25;
	s5 =	sand.u32 $0x7E, s26;
	v8 =	vld.idx.msk [tilespmem:v61+s17+$0x0], $0xffff;
	v3 =	vand.u32 $0x7C, v7;
	v7 =	vmov s21;
	v22 =	vadd.s32 v0, v9  }
0xf8: {  	s25 =	simm.s32 $0x4;
	s13 =	simm.s32 $0x21;
	v10 =	vld.idx.msk [tilespmem:v63+s17+$0x0], $0xffff;
	s2 =	sand.u32 $0x7D, s23;
	v24 =	vshll.u32 v21, $0x7;
	v21 =	vmov s29;
	v3 =	vbroadcast v3, $0x0  }
0xf9: {  	s1 =	simm.s32 $0x35;
	s3 =	simm.s32 $0x24;
	s15 =	simm.s32 $0x23;
	v9 =	vld.idx.msk [tilespmem:v62+s17+$0x0], $0xffff;
	v7 =	vand.u32 $0x7D, v7;
	v25 =	vor.u32 s2, v22;
	v24 =	vadd.s32 v0, v24  }
.LBB2_5:
0xfa: {  	p0 =	slt.u32 s6, $0x7C  }
0xfb: {  	s0 =	sadd.s32 $0xFFFFFFEF, s16;
	v26 =	vor.u32 s5, v24;
	s2 =	sor.u32 $0x2, s2;
	v24 =	vshll.u32 v21, $0x7;
	v27 =	vmov s10;
	v21 =	vld.idx.msk [tilespmem:v18+s17+$0x0], $0xffff;
	s11 =	sadd.s32 $0xFFFFFFF0, s16  }
0xfc: {  	s14 =	sadd.s32 $0xFFFFFFF1, s16;
	v23 =	vshll.u32 v23, $0x7;
	s10 =	sadd.s32 $0xFFFFFFF3, s16;
	v18 =	vor.u32 s2, v22;
	s2 =	sand.u32 $0x7C, s9;
	v24 =	vadd.s32 v0, v24;
	v22 =	vld.idx.msk [tilespmem:v20+s17+$0x0], $0xffff  }
0xfd: {  	s1 =	sand.u32 $0x7D, s1;
	s21 =	sadd.s32 $0xFFFFFFF5, s16;
	v27 =	vshll.u32 v27, $0x7;
	v20 =	vor.u32 s2, v24;
	v24 =	vadd.s32 v0, v23;
	s2 =	sshrl.u32 s16, $0x7;
	v23 =	vld.idx.msk [tilespmem:v19+s17+$0x0], $0xffff  }
0xfe: {  	s26 =	sadd.s32 $0xFFFFFFF6, s16;
	s19 =	sadd.s32 $0xFFFFFFF8, s16;
	v27 =	vadd.s32 v0, v27;
	v19 =	vor.u32 s1, v24;
	s1 =	sand.u32 $0x7E, s4;
	v28 =	vmov s2;
	v24 =	vld.idx.msk [tilespmem:v17+s17+$0x0], $0xffff  }
0xff: {  	v11 =	vadd.f32 v13, v11;
	s5 =	sand.u32 $0x7F, s16;
	s9 =	sadd.s32 $0xFFFFFFF7, s16;
	s2 =	sadd.s32 $0xFFFFFFE5, s16;
	v17 =	vld.idx.msk [tilespmem:v25+s17+$0x0], $0xffff;
	v25 =	vor.u32 s1, v27;
	v27 =	vshll.u32 v28, $0x7  }
0x100: {  	v12 =	vadd.f32 v14, v12;
	s8 =	sshrl.u32 s3, $0x7;
	v13 =	vadd.f32 v16, v15;
	s4 =	sshrl.u32 s7, $0x7;
	s1 =	sshrl.u32 s2, $0x7;
	v26 =	vld.idx.msk [tilespmem:v26+s17+$0x0], $0xffff;
	v27 =	vadd.s32 v0, v27  }
0x101: {  	s22 =	sadd.s32 $0xFFFFFFF2, s16;
	v15 =	vmov s4;
	s4 =	sshrl.u32 s15, $0x7;
	v14 =	vmov s1;
	s1 =	sshrl.u32 s13, $0x7;
	v16 =	vld.idx.msk [tilespmem:v18+s17+$0x0], $0xffff;
	v18 =	vor.u32 s5, v27  }
0x102: {  	v29 =	vmov s8;
	v28 =	vmov s4;
	s4 =	sshrl.u32 s0, $0x7;
	v27 =	vmov s1;
	s1 =	sshrl.u32 s20, $0x7;
	s5 =	sshrl.u32 s11, $0x7;
	v20 =	vld.idx.msk [tilespmem:v20+s17+$0x0], $0xffff  }
0x103: {  	v31 =	vmov s4;
	s4 =	sshrl.u32 s10, $0x7;
	v30 =	vmov s1;
	v32 =	vmov s5;
	s1 =	sshrl.u32 s14, $0x7;
	s5 =	sshrl.u32 s21, $0x7;
	v19 =	vld.idx.msk [tilespmem:v19+s17+$0x0], $0xffff  }
0x104: {  	v34 =	vmov s4;
	s4 =	sshrl.u32 s9, $0x7;
	v33 =	vmov s1;
	v35 =	vmov s5;
	s1 =	sshrl.u32 s26, $0x7;
	s5 =	sshrl.u32 s19, $0x7;
	v25 =	vld.idx.msk [tilespmem:v25+s17+$0x0], $0xffff  }
0x105: {  	s24 =	sadd.s32 $0xFFFFFFF9, s16;
	s23 =	sand.u32 $0x7C, s7;
	s8 =	sadd.s32 $0xFFFFFFEB, s16;
	v37 =	vmov s4;
	v36 =	vmov s1;
	v38 =	vmov s5  }
0x106: {  	s12 =	sshrl.u32 s22, $0x7;
	s31 =	sshrl.u32 s8, $0x7;
	s29 =	sand.u32 $0x7C, s2;
	v15 =	vshll.u32 v15, $0x7;
	v14 =	vshll.u32 v14, $0x7;
	v27 =	vshll.u32 v27, $0x7;
	v18 =	vld.idx.msk [tilespmem:v18+s17+$0x0], $0xffff  }
0x107: {  	v29 =	vshll.u32 v29, $0x7;
	v28 =	vshll.u32 v28, $0x7;
	s10 =	sand.u32 $0x7E, s10;
	v30 =	vshll.u32 v30, $0x7;
	s5 =	sor.u32 $0x1, s29;
	s17 =	sshrl.u32 s24, $0x7  }
0x108: {  	s2 =	sadd.s32 $0x3, s25;
	v31 =	vshll.u32 v31, $0x7;
	s4 =	sor.u32 $0x2, s29;
	v32 =	vshll.u32 v32, $0x7;
	s1 =	sor.u32 $0x3, s29;
	v33 =	vshll.u32 v33, $0x7  }
0x109: {  	s18 =	sand.u32 $0x7C, s3;
	s13 =	sand.u32 $0x7D, s13;
	s7 =	sor.u32 $0x1, s10;
	v34 =	vshll.u32 v34, $0x7;
	v17 =	vadd.f32 v26, v17;
	v26 =	vmov s2  }
0x10a: {  	s28 =	sand.u32 $0x7F, s11;
	s15 =	sand.u32 $0x7F, s15;
	s20 =	sand.u32 $0x7D, s20;
	v16 =	vadd.f32 v20, v16;
	v20 =	vand.u32 $0x7F, v26;
	v19 =	vadd.f32 v25, v19  }
0x10b: {  	s30 =	sand.u32 $0x7E, s9;
	s14 =	sand.u32 $0x7C, s14;
	s2 =	sand.u32 $0x7E, s0;
	v26 =	vshll.u32 v36, $0x7;
	v20 =	vbroadcast v20, $0x0;
	v25 =	vshll.u32 v35, $0x7  }
0x10c: {  	s3 =	sand.u32 $0x7E, s8;
	s21 =	sand.u32 $0x7C, s21;
	s26 =	sand.u32 $0x7D, s26;
	v35 =	vshll.u32 v37, $0x7;
	v16 =	vadd.f32 v16, v17;
	v17 =	vadd.f32 v18, v19  }
0x10d: {  	s8 =	sand.u32 $0x7F, s19;
	v14 =	vadd.s32 v0, v14;
	s9 =	sand.u32 $0x7D, s22;
	s22 =	simm.s32 $0xEC00;
	v18 =	vshll.u32 v38, $0x7;
	v19 =	vor.u32 v1, v20  }
0x10e: {  	v15 =	vadd.s32 v0, v15;
	s11 =	sand.u32 $0x7C, s24;
	s0 =	smov.u32 s25;
	s25 =	smov.u32 s6;
	v20 =	vadd.s32 v0, v27;
	v16 =	vadd.f32 v17, v16  }
0x10f: {  	v27 =	vadd.s32 v0, v29;
	v17 =	vadd.s32 v0, v28;
	v28 =	vadd.s32 v0, v30  }
0x110: {  	v29 =	vadd.s32 v0, v31;
	v30 =	vadd.s32 v0, v32;
	v16 =	vmul.f32 $1.428571490e-01, v16  }
0x111: {  	v25 =	vadd.s32 v0, v25;
	v31 =	vadd.s32 v0, v33;
	v32 =	vadd.s32 v0, v34  }
0x112: {  	v26 =	vadd.s32 v0, v26;
	v33 =	vmov s31;
	v34 =	vadd.s32 v0, v35;
	[tilespmem:v19+s22+$0x0] =	vst.idx.msk $0xffff, v16  }
0x113: {  	v18 =	vadd.s32 v0, v18;
	v16 =	vmov s12;
	v19 =	vmov s17;
	s17 =	simm.s32 $0x3C00  }
0x114: {  	v36 =	vor.u32 s5, v14;
	v37 =	vor.u32 s4, v14;
	v35 =	vor.u32 s29, v14  }
0x115: {  	v15 =	vor.u32 s23, v15;
	v38 =	vor.u32 s13, v20;
	v14 =	vor.u32 s1, v14  }
0x116: {  	v27 =	vor.u32 s18, v27;
	v39 =	vor.u32 s15, v17;
	v28 =	vor.u32 s20, v28  }
0x117: {  	v29 =	vor.u32 s2, v29;
	v31 =	vor.u32 s14, v31;
	v30 =	vor.u32 s28, v30  }
0x118: {  	v25 =	vor.u32 s21, v25;
	v40 =	vor.u32 s10, v32;
	v32 =	vor.u32 s7, v32  }
0x119: {  	v26 =	vor.u32 s26, v26;
	v18 =	vor.u32 s8, v18;
	v34 =	vor.u32 s30, v34;
	v35 =	vld.idx.msk [tilespmem:v35+s17+$0x0], $0xffff  }
0x11a: {  	v17 =	vshll.u32 v33, $0x7;
	v16 =	vshll.u32 v16, $0x7;
	v19 =	vshll.u32 v19, $0x7;
	v36 =	vld.idx.msk [tilespmem:v36+s17+$0x0], $0xffff  }
0x11b: {  	v17 =	vadd.s32 v0, v17;
	v16 =	vadd.s32 v0, v16;
	v33 =	vld.idx.msk [tilespmem:v37+s17+$0x0], $0xffff;
	v37 =	vadd.s32 v0, v19  }
0x11c: {  	v20 =	vor.u32 s3, v17;
	v19 =	vor.u32 s9, v16;
	v14 =	vld.idx.msk [tilespmem:v14+s17+$0x0], $0xffff;
	v17 =	vor.u32 s11, v37  }
0x11d: {  	v5 =	vand.u32 $0x7E, v5;
	v8 =	vadd.f32 v9, v8;
	v9 =	vadd.f32 v21, v10;
	v15 =	vld.idx.msk [tilespmem:v15+s17+$0x0], $0xffff  }
0x11e: {  	v7 =	vbroadcast v7, $0x0;
	v6 =	vadd.f32 v11, v6;
	v4 =	vadd.f32 v22, v4;
	v10 =	vld.idx.msk [tilespmem:v38+s17+$0x0], $0xffff  }
0x11f: {  	v5 =	vbroadcast v5, $0x0;
	v8 =	vadd.f32 v8, v13;
	v12 =	vadd.f32 v23, v12;
	v16 =	vld.idx.msk [tilespmem:v39+s17+$0x0], $0xffff  }
0x120: {  	v3 =	vor.u32 v1, v3;
	v9 =	vadd.f32 v24, v9;
	v21 =	vadd.f32 v36, v35;
	v22 =	vld.idx.msk [tilespmem:v27+s17+$0x0], $0xffff  }
0x121: {  	v7 =	vor.u32 v1, v7;
	v2 =	vadd.f32 v4, v2;
	v4 =	vadd.f32 v12, v6;
	v11 =	vld.idx.msk [tilespmem:v28+s17+$0x0], $0xffff  }
0x122: {  	s16 =	sadd.s32 $0x1C, s16;
	v8 =	vadd.f32 v9, v8;
	v9 =	vor.u32 v1, v5;
	v6 =	vadd.f32 v14, v33;
	v13 =	vld.idx.msk [tilespmem:v29+s17+$0x0], $0xffff  }
0x123: {  	v23 =	vmul.f32 $1.428571490e-01, v2;
	v5 =	vmov s0;
	v24 =	vmul.f32 $1.428571490e-01, v4;
	s5 =	sadd.s32 $0xFFFFFFFB, s16;
	s1 =	sadd.s32 $0x1, s0;
	s0 =	sadd.s32 $0x2, s0;
	v12 =	vld.idx.msk [tilespmem:v30+s17+$0x0], $0xffff  }
0x124: {  	s13 =	sadd.s32 $0xFFFFFFEA, s16;
	s2 =	sadd.s32 $0xFFFFFFFA, s16;
	s7 =	sadd.s32 $0xFFFFFFE9, s16;
	v2 =	vadd.f32 v6, v21;
	v4 =	vadd.f32 v10, v15;
	v10 =	vmul.f32 $1.428571490e-01, v8;
	v14 =	vld.idx.msk [tilespmem:v31+s17+$0x0], $0xffff  }
.Ltmp5:
0x125: {  	s4 =	sshrl.u32 s2, $0x7;
	s15 =	sadd.s32 $0xFFFFFFEC, s16;
	v6 =	vand.u32 $0x7C, v5;
	v8 =	vmov s1;
	v5 =	vmov s0;
	v15 =	vld.idx.msk [tilespmem:v40+s17+$0x0], $0xffff;
	[tilespmem:v3+s22+$0x0] =	vst.idx.msk $0xffff, v23;
	(pc) =	sbr.rel @p0 .LBB2_5-.Ltmp5, $4  }
0x126: {  	s3 =	sadd.s32 $0xFFFFFFED, s16;
	s9 =	sadd.s32 $0xFFFFFFFD, s16;
	v21 =	vmov s4;
	s0 =	sshrl.u32 s5, $0x7;
	v3 =	vbroadcast v6, $0x0;
	v6 =	vadd.f32 v22, v16;
	v16 =	vld.idx.msk [tilespmem:v32+s17+$0x0], $0xffff;
	[tilespmem:v7+s22+$0x0] =	vst.idx.msk $0xffff, v24  }
0x127: {  	s20 =	sadd.s32 $0xFFFFFFEE, s16;
	s1 =	sadd.s32 $0xFFFFFFFE, s16;
	v21 =	vshll.u32 v21, $0x7;
	v23 =	vmov s0;
	s0 =	sshrl.u32 s9, $0x7;
	v7 =	vand.u32 $0x7D, v8;
	v8 =	vld.idx.msk [tilespmem:v25+s17+$0x0], $0xffff;
	[tilespmem:v9+s22+$0x0] =	vst.idx.msk $0xffff, v10  }
0x128: {  	s2 =	sand.u32 $0x7D, s2;
	s4 =	sadd.s32 $0xFFFFFFFF, s16;
	v22 =	vadd.s32 v0, v21;
	v21 =	vmov s0;
	s0 =	sshrl.u32 s1, $0x7;
	v10 =	vshll.u32 v23, $0x7;
	v9 =	vld.idx.msk [tilespmem:v26+s17+$0x0], $0xffff  }
0x129: {  	s6 =	sadd.s32 $0x4, s6;
	s5 =	sand.u32 $0x7E, s5;
	s10 =	sshrl.u32 s4, $0x7;
	v25 =	vor.u32 s2, v22;
	v23 =	vmov s0;
	v24 =	vadd.s32 v0, v10;
	v10 =	vld.idx.msk [tilespmem:v34+s17+$0x0], $0xffff  }
0x12a: {  	v24 =	vor.u32 s5, v24;
	v21 =	vshll.u32 v21, $0x7;
	v26 =	vmov s10  }
0x12b: {  	v23 =	vshll.u32 v23, $0x7;
	v11 =	vadd.f32 v13, v11;
	v12 =	vadd.f32 v14, v12  }
0x12c: {  	s0 =	sor.u32 $0x2, s2;
	v5 =	vand.u32 $0x7E, v5;
	v7 =	vbroadcast v7, $0x0;
	v3 =	vor.u32 v1, v3  }
0x12d: {  	s21 =	sadd.s32 $0xFFFFFFF0, s16;
	s12 =	sshrl.u32 s16, $0x7;
	s8 =	sshrl.u32 s7, $0x7;
	v22 =	vor.u32 s0, v22;
	v21 =	vadd.s32 v0, v21;
	v26 =	vshll.u32 v26, $0x7  }
0x12e: {  	s28 =	sshrl.u32 s13, $0x7;
	s30 =	sshrl.u32 s15, $0x7;
	s31 =	sshrl.u32 s3, $0x7;
	v27 =	vmov s12;
	v23 =	vadd.s32 v0, v23;
	v29 =	vmov s8  }
0x12f: {  	s10 =	sand.u32 $0x7C, s9;
	s1 =	sand.u32 $0x7D, s1;
	s14 =	sadd.s32 $0xFFFFFFF6, s16;
	v30 =	vmov s28;
	v31 =	vmov s30;
	v32 =	vmov s31  }
0x130: {  	s18 =	sand.u32 $0x7E, s4;
	s4 =	sadd.s32 $0xFFFFFFE5, s16;
	s6 =	sadd.s32 $0xFFFFFFF7, s16;
	v59 =	vadd.f32 v16, v15;
	v5 =	vbroadcast v5, $0x0;
	v21 =	vor.u32 s10, v21  }
0x131: {  	s23 =	sshrl.u32 s4, $0x7;
	s8 =	sshrl.u32 s20, $0x7;
	s12 =	sshrl.u32 s21, $0x7;
	v26 =	vadd.s32 v0, v26;
	v27 =	vshll.u32 v27, $0x7;
	v23 =	vor.u32 s1, v23  }
0x132: {  	s28 =	sshrl.u32 s14, $0x7;
	s30 =	sshrl.u32 s6, $0x7;
	v28 =	vmov s23;
	v33 =	vmov s8;
	v35 =	vmov s12  }
0x133: {  	v39 =	vmov s28;
	v40 =	vmov s30;
	v29 =	vshll.u32 v29, $0x7  }
0x134: {  	s29 =	sadd.s32 $0xFFFFFFEF, s16;
	s19 =	sadd.s32 $0xFFFFFFF3, s16;
	v30 =	vshll.u32 v30, $0x7;
	v31 =	vshll.u32 v31, $0x7;
	v32 =	vshll.u32 v32, $0x7  }
0x135: {  	s0 =	sadd.s32 $0xFFFFFFF8, s16;
	s10 =	sshrl.u32 s29, $0x7;
	s23 =	sshrl.u32 s19, $0x7;
	v6 =	vadd.f32 v11, v6;
	v7 =	vor.u32 v1, v7;
	v26 =	vor.u32 s18, v26  }
0x136: {  	s9 =	sadd.s32 $0xFFFFFFF2, s16;
	v18 =	vld.idx.msk [tilespmem:v18+s17+$0x0], $0xffff;
	s31 =	sshrl.u32 s0, $0x7;
	s8 =	sadd.s32 $0x3, s25;
	v27 =	vadd.s32 v0, v27;
	v34 =	vmov s10;
	v37 =	vmov s23  }
0x137: {  	v20 =	vld.idx.msk [tilespmem:v20+s17+$0x0], $0xffff;
	s12 =	sshrl.u32 s9, $0x7;
	v41 =	vmov s31;
	v28 =	vshll.u32 v28, $0x7;
	v42 =	vmov s8  }
0x138: {  	v19 =	vld.idx.msk [tilespmem:v19+s17+$0x0], $0xffff;
	v44 =	vmov s12;
	v29 =	vadd.s32 v0, v29;
	v30 =	vadd.s32 v0, v30  }
0x139: {  	v17 =	vld.idx.msk [tilespmem:v17+s17+$0x0], $0xffff;
	v31 =	vadd.s32 v0, v31;
	v33 =	vshll.u32 v33, $0x7;
	v32 =	vadd.s32 v0, v32  }
0x13a: {  	s26 =	sadd.s32 $0xFFFFFFF1, s16;
	s24 =	sand.u32 $0x7F, s16;
	v25 =	vld.idx.msk [tilespmem:v25+s17+$0x0], $0xffff;
	v35 =	vshll.u32 v35, $0x7;
	v39 =	vshll.u32 v39, $0x7;
	v40 =	vshll.u32 v40, $0x7  }
0x13b: {  	s30 =	sand.u32 $0x7C, s7;
	s18 =	sshrl.u32 s26, $0x7;
	v8 =	vadd.f32 v9, v8;
	v5 =	vor.u32 v1, v5;
	v27 =	vor.u32 s24, v27;
	v24 =	vld.idx.msk [tilespmem:v24+s17+$0x0], $0xffff  }
0x13c: {  	s4 =	sand.u32 $0x7C, s4;
	s31 =	sand.u32 $0x7D, s13;
	v36 =	vmov s18;
	v28 =	vadd.s32 v0, v28;
	v29 =	vor.u32 s30, v29;
	v22 =	vld.idx.msk [tilespmem:v22+s17+$0x0], $0xffff  }
0x13d: {  	s23 =	sor.u32 $0x1, s4;
	v30 =	vor.u32 s31, v30;
	v34 =	vshll.u32 v34, $0x7;
	v48 =	vor.u32 s4, v28;
	v21 =	vld.idx.msk [tilespmem:v21+s17+$0x0], $0xffff  }
0x13e: {  	s11 =	sadd.s32 $0xFFFFFFF5, s16;
	v33 =	vadd.s32 v0, v33;
	v37 =	vshll.u32 v37, $0x7;
	v46 =	vor.u32 s23, v28;
	v23 =	vld.idx.msk [tilespmem:v23+s17+$0x0], $0xffff  }
0x13f: {  	s7 =	sand.u32 $0x7D, s20;
	s10 =	sadd.s32 $0xFFFFFFEB, s16;
	s12 =	sand.u32 $0x7F, s21;
	v35 =	vadd.s32 v0, v35;
	v39 =	vadd.s32 v0, v39;
	v41 =	vshll.u32 v41, $0x7;
	v26 =	vld.idx.msk [tilespmem:v26+s17+$0x0], $0xffff  }
0x140: {  	s13 =	sand.u32 $0x7C, s26;
	s26 =	sadd.s32 $0x1, s25;
	s24 =	sshrl.u32 s11, $0x7;
	v40 =	vadd.s32 v0, v40;
	v51 =	vshll.u32 v44, $0x7;
	v33 =	vor.u32 s7, v33;
	v27 =	vld.idx.msk [tilespmem:v27+s17+$0x0], $0xffff  }
0x141: {  	s16 =	sadd.s32 $0xFFFFFFF9, s16;
	s5 =	sshrl.u32 s10, $0x7;
	v57 =	vmov s26;
	v38 =	vmov s24;
	s24 =	sor.u32 $0x2, s4;
	v35 =	vor.u32 s12, v35;
	v29 =	vld.idx.msk [tilespmem:v29+s17+$0x0], $0xffff  }
0x142: {  	s28 =	sor.u32 $0x3, s4;
	s18 =	sshrl.u32 s16, $0x7;
	v60 =	vand.u32 $0x7F, v42;
	v43 =	vmov s5;
	v47 =	vor.u32 s24, v28;
	v48 =	vld.idx.msk [tilespmem:v48+s17+$0x0], $0xffff  }
0x143: {  	v45 =	vmov s18;
	s4 =	sand.u32 $0x7F, s15;
	v34 =	vadd.s32 v0, v34;
	v28 =	vor.u32 s28, v28;
	v46 =	vld.idx.msk [tilespmem:v46+s17+$0x0], $0xffff  }
0x144: {  	s20 =	sand.u32 $0x7E, s6;
	s5 =	sand.u32 $0x7C, s3;
	v36 =	vshll.u32 v36, $0x7;
	v31 =	vor.u32 s4, v31;
	v24 =	vadd.f32 v24, v25;
	v25 =	vld.idx.msk [tilespmem:v30+s17+$0x0], $0xffff  }
0x145: {  	s8 =	sand.u32 $0x7E, s29;
	v37 =	vadd.s32 v0, v37;
	v40 =	vor.u32 s20, v40;
	v32 =	vor.u32 s5, v32;
	v56 =	vld.idx.msk [tilespmem:v33+s17+$0x0], $0xffff  }
0x146: {  	s15 =	sand.u32 $0x7E, s19;
	v41 =	vadd.s32 v0, v41;
	v62 =	vbroadcast v60, $0x0;
	v34 =	vor.u32 s8, v34;
	v61 =	vld.idx.msk [tilespmem:v35+s17+$0x0], $0xffff  }
0x147: {  	s0 =	sand.u32 $0x7F, s0;
	v10 =	vadd.f32 v18, v10;
	v4 =	vadd.f32 v20, v4;
	v49 =	vor.u32 s15, v37;
	v47 =	vld.idx.msk [tilespmem:v47+s17+$0x0], $0xffff  }
0x148: {  	s19 =	sand.u32 $0x7D, s14;
	v8 =	vadd.f32 v8, v59;
	v36 =	vadd.s32 v0, v36;
	v41 =	vor.u32 s0, v41;
	v28 =	vld.idx.msk [tilespmem:v28+s17+$0x0], $0xffff  }
0x149: {  	s1 =	sor.u32 $0x1, s15;
	v38 =	vshll.u32 v38, $0x7;
	v39 =	vor.u32 s19, v39;
	v36 =	vor.u32 s13, v36;
	v31 =	vld.idx.msk [tilespmem:v31+s17+$0x0], $0xffff  }
0x14a: {  	s18 =	sand.u32 $0x7C, s11;
	v43 =	vshll.u32 v43, $0x7;
	v37 =	vor.u32 s1, v37;
	v38 =	vadd.s32 v0, v38;
	v54 =	vld.idx.msk [tilespmem:v32+s17+$0x0], $0xffff  }
0x14b: {  	v52 =	vshll.u32 v45, $0x7;
	v43 =	vadd.s32 v0, v43;
	v38 =	vor.u32 s18, v38;
	v58 =	vld.idx.msk [tilespmem:v34+s17+$0x0], $0xffff  }
0x14c: {  	s21 =	sand.u32 $0x7E, s10;
	s24 =	sand.u32 $0x7C, s16;
	v53 =	vadd.s32 v0, v52;
	v10 =	vadd.f32 v17, v10;
	v2 =	vadd.f32 v4, v2;
	v34 =	vld.idx.msk [tilespmem:v49+s17+$0x0], $0xffff  }
0x14d: {  	v9 =	vor.u32 v1, v62;
	v43 =	vor.u32 s21, v43;
	v55 =	vor.u32 s24, v53;
	v50 =	vld.idx.msk [tilespmem:v41+s17+$0x0], $0xffff  }
0x14e: {  	s28 =	sadd.s32 $0x2, s25;
	v8 =	vadd.f32 v10, v8;
	v2 =	vmul.f32 $1.428571490e-01, v2;
	v33 =	vmov s25;
	v63 =	vld.idx.msk [tilespmem:v36+s17+$0x0], $0xffff  }
0x14f: {  	s23 =	sand.u32 $0x7D, s9;
	v35 =	vmov s28;
	v21 =	vadd.f32 v21, v22;
	v22 =	vadd.s32 v0, v51;
	v37 =	vld.idx.msk [tilespmem:v37+s17+$0x0], $0xffff  }
0x150: {  	v36 =	vadd.f32 v19, v12;
	v23 =	vadd.f32 v26, v23;
	v22 =	vor.u32 s23, v22;
	v44 =	vld.idx.msk [tilespmem:v38+s17+$0x0], $0xffff  }
0x151: {  	v18 =	vand.u32 $0x7C, v33;
	v21 =	vadd.f32 v21, v24;
	v45 =	vadd.f32 v46, v48;
	v46 =	vld.idx.msk [tilespmem:v39+s17+$0x0], $0xffff  }
0x152: {  	v8 =	vmul.f32 $1.428571490e-01, v8;
	v6 =	vadd.f32 v36, v6;
	v23 =	vadd.f32 v27, v23;
	v48 =	vld.idx.msk [tilespmem:v40+s17+$0x0], $0xffff  }
0x153: {  	v18 =	vbroadcast v18, $0x0;
	v51 =	vld.idx.msk [tilespmem:v43+s17+$0x0], $0xffff;
	v53 =	vadd.f32 v25, v29;
	v49 =	vadd.f32 v28, v47  }
0x154: {  	v13 =	vld.idx.msk [tilespmem:v55+s17+$0x0], $0xffff;
	v55 =	vand.u32 $0x7D, v57;
	v54 =	vadd.f32 v54, v31;
	v24 =	vadd.f32 v58, v56  }
0x155: {  	v57 =	vand.u32 $0x7E, v35;
	v21 =	vadd.f32 v23, v21;
	v15 =	vadd.f32 v63, v61;
	v52 =	vld.idx.msk [tilespmem:v22+s17+$0x0], $0xffff  }
0x156: {  	v16 =	vbroadcast v55, $0x0;
	v12 =	vadd.f32 v37, v34;
	v11 =	vadd.f32 v49, v45  }
0x157: {  	v60 =	vbroadcast v57, $0x0;
	v56 =	vadd.f32 v46, v44;
	v4 =	vadd.f32 v50, v48  }
0x158: {  	[tilespmem:v3+s22+$0x0] =	vst.idx.msk $0xffff, v2;
	v6 =	vmul.f32 $1.428571490e-01, v6;
	v10 =	vadd.f32 v51, v53;
	v58 =	vadd.f32 v24, v54  }
0x159: {  	v61 =	vor.u32 v1, v18;
	v59 =	vadd.f32 v56, v12;
	v4 =	vadd.f32 v13, v4  }
0x15a: {  	v3 =	vor.u32 v1, v60;
	v10 =	vadd.f32 v10, v11;
	v14 =	vadd.f32 v52, v15  }
0x15b: {  	[tilespmem:v5+s22+$0x0] =	vst.idx.msk $0xffff, v8;
	v62 =	vor.u32 v1, v16;
	v42 =	vmul.f32 $1.428571490e-01, v21;
	v4 =	vadd.f32 v4, v59  }
0x15c: {  	[tilespmem:v7+s22+$0x0] =	vst.idx.msk $0xffff, v6;
	v63 =	vmul.f32 $1.428571490e-01, v10;
	v2 =	vadd.f32 v14, v58  }
0x15d: {  	[tilespmem:v9+s22+$0x0] =	vst.idx.msk $0xffff, v42;
	v4 =	vmul.f32 $1.428571490e-01, v4  }
0x15e: {  	[tilespmem:v61+s22+$0x0] =	vst.idx.msk $0xffff, v63;
	v2 =	vmul.f32 $1.428571490e-01, v2  }
0x15f: {  	[tilespmem:v3+s22+$0x0] =	vst.idx.msk $0xffff, v4  }
0x160: {  	[tilespmem:v62+s22+$0x0] =	vst.idx.msk $0xffff, v2  }
0x161: {  	s8 =	rddreg [dreg:$0x13]  }
0x162: {  	p0 =	seq.s32 s8, $0xA  }
.Ltmp6:
0x163: {  	_ = 	snop;
	(pc) =	sbr.rel @p0 .LBB2_27-.Ltmp6, $4  }
0x164: {  	s29 =	rddreg [dreg:$0xb]  }
0x165: {  	s31 =	simm.s32 $0x0;
	s30 =	rddreg [dreg:$0x17]  }
0x166: {  	s12 =	simm.s32 $0x400;
	s14 =	simm.s32 $0xE400;
	s0 =	sadd.s32 s30, s29  }
0x167: {  	[hbm4b:s0+s31] =	stream.linear.scatter [tilespmem:s22], [sflag:$0xA], $0x800, $0x38;
	[tilespmem:$0xF400] =	vst v63  }
0x168: {  	s0 =	simm.s32 $0x3  }
0x169: {  	_ =	swait.ge [sflag:s0], $0x100  }
0x16a: {  	[sflag:s0] =	ssyncset.done $0x0  }
0x16b: {  	[sflag:s0] =	ssyncadd.s32 $0xFFFFFF00  }
0x16c: {  	s1 =	simm.s32 $0x70;
	s2 =	simm.s32 $0x200;
	s0 =	rddreg [dreg:$0x0]  }
0x16d: {  	[tilespmem:s12], [sflag:$0x5] =	stream.indirect.gather [hbm4b:s0+s1], $0x80, s2, s1, $0xb8;
	[tilespmem:$0xF400] =	vst v63  }
0x16e: {  	s25 =	simm.s32 $0x280;
	s26 =	sshll.u32 s8, $0xA;
	s28 =	rddreg [dreg:$0xc]  }
0x16f: {  	[tilespmem:s17], [sflag:$0x6] =	stream.indirect.gather [hbm4b:s0+s1], $0x80, s25, s1, $0xb8;
	[tilespmem:$0xF400] =	vst v63  }
0x170: {  	s0 =	sadd.s32 s26, s28  }
0x171: {  	s29 =	rddreg [dreg:$0x5];
	s0 =	sand.u32 $0xFFC00, s0  }
0x172: {  	s0 =	sor.u32 s29, s0  }
0x173: {  	s30 =	rddreg [dreg:$0x1];
	s0 =	sshrl.u32 s0, $0x3  }
0x174: {  	s31 =	simm.s32 $0x0;
	s3 =	rddreg [dreg:$0x15];
	s0 =	sadd.s32 s30, s0  }
0x175: {  	[tilespmem:s31], [sflag:$0x1] =	stream.linear.gather [hbm4b:s0+s31], $0x100, $0x38;
	[tilespmem:$0xF400] =	vst v63  }
0x176: {  	s0 =	sor.u32 $0x1, s3  }
0x177: {  	p0 =	sgt.u32 s0, $0x28  }
.Ltmp7:
0x178: {  	_ = 	snop;
	(pc) =	sbr.rel @p0 .LBB2_14-.Ltmp7, $1  }
0x179: {  	_ =	sdelay $0x3  }
0x17a: {  	[dreg:$0x1b] =	wrdreg s0;
	s20 =	simm.s32 $0x0;
	s3 =	simm.s32 $0x7  }
0x17b: {  	s21 =	simm.s32 $0x0;
	s1 =	simm.s32 $0x15;
	s22 =	simm.s32 $0x0  }
0x17c: {  	s2 =	simm.s32 $0x16;
	s23 =	simm.s32 $0x0;
	s24 =	simm.s32 $0x0;
	v2 =	vmov s20;
	v3 =	vmov s21  }
0x17d: {  	s30 =	simm.s32 $0x0;
	s5 =	simm.s32 $0x0;
	s6 =	simm.s32 $0x0;
	v4 =	vmov s22;
	v6 =	vmov s23;
	v7 =	vmov s24  }
0x17e: {  	s7 =	simm.s32 $0x0;
	s8 =	simm.s32 $0x0;
	s9 =	simm.s32 $0x0;
	v8 =	vmov s30;
	v11 =	vmov s5;
	v12 =	vmov s6  }
0x17f: {  	s4 =	simm.s32 $0x9;
	s10 =	simm.s32 $0x0;
	s11 =	simm.s32 $0x0;
	v13 =	vmov s7;
	v14 =	vmov s8;
	v15 =	vmov s9  }
0x180: {  	s25 =	simm.s32 $0x18;
	s26 =	simm.s32 $0x19;
	s13 =	simm.s32 $0x0;
	v16 =	vmov s10;
	v17 =	vmov s11;
	v2 =	vshll.u32 v2, $0x7  }
0x181: {  	s29 =	simm.s32 $0x1A;
	_ =	swait.ge [sflag:s3], $0x3800;
	s1 =	sand.u32 $0x7D, s1;
	v18 =	vmov s13;
	v3 =	vshll.u32 v3, $0x7;
	v2 =	vadd.s32 v0, v2  }
0x182: {  	s12 =	simm.s32 $0x7400;
	s2 =	sand.u32 $0x7E, s2;
	[sflag:s3] =	ssyncset.done $0x0;
	v4 =	vshll.u32 v4, $0x7;
	v3 =	vadd.s32 v0, v3;
	v5 =	vor.u32 s1, v2  }
0x183: {  	s15 =	simm.s32 $0x0;
	s28 =	sand.u32 $0x7C, s25;
	v6 =	vshll.u32 v6, $0x7;
	[sflag:s3] =	ssyncadd.s32 $0xFFFFC800;
	v4 =	vadd.s32 v0, v4;
	v3 =	vor.u32 s2, v3  }
0x184: {  	s16 =	simm.s32 $0x0;
	s0 =	sand.u32 $0x7D, s26;
	v7 =	vshll.u32 v7, $0x7;
	v6 =	vadd.s32 v0, v6;
	_ =	swait.ge [sflag:s4], $0x800;
	v4 =	vor.u32 s28, v4  }
0x185: {  	s17 =	simm.s32 $0x0;
	s31 =	sand.u32 $0x7E, s29;
	v19 =	vmov s15;
	v7 =	vadd.s32 v0, v7;
	v6 =	vor.u32 s0, v6;
	[sflag:s4] =	ssyncset.done $0x0  }
0x186: {  	s18 =	simm.s32 $0x0;
	v20 =	vmov s16;
	v21 =	vmov s17;
	s1 =	sor.u32 $0x2, s1;
	v7 =	vor.u32 s31, v7;
	[sflag:s4] =	ssyncadd.s32 $0xFFFFF800  }
0x187: {  	v22 =	vmov s18;
	v8 =	vshll.u32 v8, $0x7;
	v2 =	vor.u32 s1, v2;
	v5 =	vld.idx.msk [tilespmem:v5+s12+$0x0], $0xffff  }
0x188: {  	v11 =	vshll.u32 v11, $0x7;
	v12 =	vshll.u32 v12, $0x7;
	v13 =	vshll.u32 v13, $0x7;
	s2 =	simm.s32 $0x1B;
	v3 =	vld.idx.msk [tilespmem:v3+s12+$0x0], $0xffff  }
0x189: {  	v14 =	vshll.u32 v14, $0x7;
	v15 =	vshll.u32 v15, $0x7;
	v8 =	vadd.s32 v0, v8;
	s1 =	sand.u32 $0x7F, s2;
	v4 =	vld.idx.msk [tilespmem:v4+s12+$0x0], $0xffff  }
0x18a: {  	v16 =	vshll.u32 v16, $0x7;
	v17 =	vshll.u32 v17, $0x7;
	v8 =	vor.u32 s1, v8;
	v6 =	vld.idx.msk [tilespmem:v6+s12+$0x0], $0xffff  }
0x18b: {  	s23 =	simm.s32 $0x5;
	s6 =	simm.s32 $0x9;
	v18 =	vshll.u32 v18, $0x7;
	v11 =	vadd.s32 v0, v11;
	v12 =	vadd.s32 v0, v12;
	v7 =	vld.idx.msk [tilespmem:v7+s12+$0x0], $0xffff  }
0x18c: {  	s7 =	simm.s32 $0xB;
	s6 =	sand.u32 $0x7D, s6;
	s3 =	simm.s32 $0x0;
	v13 =	vadd.s32 v0, v13;
	v14 =	vadd.s32 v0, v14;
	v15 =	vadd.s32 v0, v15;
	v2 =	vld.idx.msk [tilespmem:v2+s12+$0x0], $0xffff  }
0x18d: {  	s25 =	simm.s32 $0x8;
	s7 =	sand.u32 $0x7F, s7;
	v16 =	vadd.s32 v0, v16;
	v9 =	vmov s3;
	v14 =	vor.u32 s6, v14;
	s4 =	simm.s32 $0x0  }
0x18e: {  	s24 =	simm.s32 $0x7;
	s3 =	sand.u32 $0x7D, s23;
	v16 =	vor.u32 s7, v16;
	v9 =	vshll.u32 v9, $0x7;
	s2 =	sand.u32 $0x7C, s25;
	v10 =	vmov s4  }
0x18f: {  	s19 =	simm.s32 $0x3;
	v11 =	vor.u32 s3, v11;
	v13 =	vor.u32 s2, v13;
	s4 =	sand.u32 $0x7F, s24;
	v23 =	vshll.u32 v10, $0x7;
	v8 =	vld.idx.msk [tilespmem:v8+s12+$0x0], $0xffff  }
0x190: {  	v12 =	vor.u32 s4, v12;
	v3 =	vadd.f32 v3, v5;
	v5 =	vmov s19  }
0x191: {  	v2 =	vadd.f32 v4, v2;
	v4 =	vadd.f32 v7, v6;
	v5 =	vand.u32 $0x7F, v5  }
0x192: {  	s31 =	simm.s32 $0x0;
	v6 =	vshll.u32 v19, $0x7;
	v7 =	vshll.u32 v20, $0x7;
	v19 =	vshll.u32 v21, $0x7  }
0x193: {  	s20 =	simm.s32 $0x0;
	v21 =	vmov s31;
	v5 =	vbroadcast v5, $0x0;
	v6 =	vadd.s32 v0, v6  }
0x194: {  	s0 =	sand.u32 $0x7C, s20;
	v2 =	vadd.f32 v2, v3;
	v3 =	vadd.f32 v8, v4;
	v4 =	vadd.s32 v0, v9  }
0x195: {  	s21 =	simm.s32 $0x4;
	s26 =	simm.s32 $0xA;
	s5 =	sor.u32 $0x2, s0;
	v7 =	vadd.s32 v0, v7;
	v8 =	vshll.u32 v22, $0x7;
	v9 =	vor.u32 s0, v4  }
0x196: {  	s29 =	simm.s32 $0x10;
	s22 =	sor.u32 $0x1, s0;
	v16 =	vld.idx.msk [tilespmem:v16+s12+$0x0], $0xffff;
	v10 =	vor.u32 v1, v5;
	s0 =	sor.u32 $0x3, s0;
	v20 =	vor.u32 s5, v4;
	v2 =	vadd.f32 v3, v2  }
0x197: {  	s30 =	simm.s32 $0x11;
	s1 =	sand.u32 $0x7C, s21;
	v28 =	vld.idx.msk [tilespmem:v11+s12+$0x0], $0xffff;
	v5 =	vadd.s32 v0, v23;
	s5 =	sand.u32 $0x7E, s26;
	v3 =	vor.u32 s22, v4;
	v4 =	vor.u32 s0, v4  }
0x198: {  	s10 =	simm.s32 $0x12;
	s15 =	sand.u32 $0x7D, s30;
	v24 =	vor.u32 s5, v15;
	v15 =	vld.idx.msk [tilespmem:v14+s12+$0x0], $0xffff;
	v22 =	vmul.f32 $1.428571490e-01, v2;
	v2 =	vor.u32 s1, v5;
	s1 =	sand.u32 $0x7C, s29  }
0x199: {  	s8 =	simm.s32 $0xE;
	s16 =	sand.u32 $0x7E, s10;
	v19 =	vadd.s32 v0, v19;
	v30 =	vor.u32 s15, v7;
	v29 =	vor.u32 s1, v6;
	v6 =	vld.idx.msk [tilespmem:v12+s12+$0x0], $0xffff  }
0x19a: {  	s9 =	simm.s32 $0x0;
	s11 =	simm.s32 $0x13;
	s28 =	simm.s32 $0xC;
	v31 =	vor.u32 s16, v19;
	v7 =	vshll.u32 v21, $0x7;
	v8 =	vadd.s32 v0, v8;
	v9 =	vld.idx.msk [tilespmem:v9+s12+$0x0], $0xffff  }
0x19b: {  	s8 =	sand.u32 $0x7E, s8;
	s0 =	sand.u32 $0x7C, s28;
	v5 =	vadd.s32 v0, v17;
	v17 =	vadd.s32 v0, v18;
	v18 =	vmov s9;
	s9 =	simm.s32 $0x0;
	v20 =	vld.idx.msk [tilespmem:v20+s12+$0x0], $0xffff  }
0x19c: {  	s17 =	sand.u32 $0x7F, s11;
	s13 =	sor.u32 $0x1, s8;
	s20 =	simm.s32 $0xD;
	v7 =	vadd.s32 v0, v7;
	v23 =	vmov s9;
	v5 =	vor.u32 s0, v5;
	v3 =	vld.idx.msk [tilespmem:v3+s12+$0x0], $0xffff  }
0x19d: {  	s18 =	simm.s32 $0x0;
	s2 =	sand.u32 $0x7D, s20;
	s29 =	simm.s32 $0x0;
	v26 =	vor.u32 s8, v17;
	v27 =	vor.u32 s13, v17;
	v12 =	vor.u32 s17, v8;
	v4 =	vld.idx.msk [tilespmem:v4+s12+$0x0], $0xffff  }
0x19e: {  	s30 =	simm.s32 $0x0;
	v8 =	vld.idx.msk [tilespmem:v13+s12+$0x0], $0xffff;
	v13 =	vor.u32 s2, v7;
	v7 =	vmov s18;
	v19 =	vmov s29  }
0x19f: {  	s10 =	simm.s32 $0x0;
	s21 =	simm.s32 $0x14;
	s31 =	simm.s32 $0x0;
	v11 =	vshll.u32 v23, $0x7;
	v23 =	vshll.u32 v19, $0x7;
	v19 =	vmov s30;
	v25 =	vld.idx.msk [tilespmem:v2+s12+$0x0], $0xffff  }
0x1a0: {  	s23 =	simm.s32 $0x2;
	s7 =	simm.s32 $0x25;
	s3 =	sand.u32 $0x7C, s21;
	[tilespmem:v10+s14+$0x0] =	vst.idx.msk $0xffff, v22;
	v22 =	vmov s31;
	v10 =	vld.idx.msk [tilespmem:v31+s12+$0x0], $0xffff;
	v11 =	vadd.s32 v0, v11;
	v2 =	vshll.u32 v18, $0x7  }
0x1a1: {  	s6 =	simm.s32 $0x8;
	s25 =	simm.s32 $0x4;
	s19 =	simm.s32 $0x6;
	v17 =	vld.idx.msk [tilespmem:v24+s12+$0x0], $0xffff;
	v23 =	vadd.s32 v0, v23;
	v11 =	vor.u32 s3, v11;
	v2 =	vadd.s32 v0, v2  }
0x1a2: {  	s20 =	simm.s32 $0x24;
	s26 =	simm.s32 $0x0;
	s0 =	sand.u32 $0x7E, s19;
	v18 =	vld.idx.msk [tilespmem:v5+s12+$0x0], $0xffff;
	v5 =	vmov s23;
	v3 =	vadd.f32 v3, v9;
	v4 =	vadd.f32 v4, v20  }
0x1a3: {  	s24 =	simm.s32 $0x31;
	s16 =	simm.s32 $0x37;
	s15 =	simm.s32 $0x21;
	v21 =	vld.idx.msk [tilespmem:v26+s12+$0x0], $0xffff;
	v6 =	vadd.f32 v8, v6;
	v14 =	vor.u32 s0, v2;
	v9 =	vmov s26  }
0x1a4: {  	s22 =	simm.s32 $0x1;
	s28 =	simm.s32 $0x32;
	s5 =	simm.s32 $0x35;
	v24 =	vld.idx.msk [tilespmem:v27+s12+$0x0], $0xffff;
	v9 =	vshll.u32 v9, $0x7;
	v2 =	vadd.f32 v4, v3;
	v3 =	vadd.f32 v28, v25  }
0x1a5: {  	s4 =	sand.u32 $0x7E, s28;
	s13 =	simm.s32 $0x23;
	s2 =	sand.u32 $0x7D, s24;
	v8 =	vld.idx.msk [tilespmem:v29+s12+$0x0], $0xffff;
	v4 =	vand.u32 $0x7C, v7;
	v7 =	vmov s22;
	v20 =	vadd.s32 v0, v9  }
0x1a6: {  	s9 =	simm.s32 $0x34;
	s1 =	simm.s32 $0x36;
	s3 =	simm.s32 $0x20;
	v9 =	vld.idx.msk [tilespmem:v30+s12+$0x0], $0xffff;
	v4 =	vbroadcast v4, $0x0;
	v7 =	vand.u32 $0x7D, v7;
	v25 =	vor.u32 s2, v20  }
.LBB2_9:
0x1a7: {  	p0 =	slt.u32 s6, $0x7C  }
0x1a8: {  	s0 =	sadd.s32 $0xFFFFFFEF, s16;
	v26 =	vor.u32 s4, v23;
	s2 =	sor.u32 $0x2, s2;
	v23 =	vshll.u32 v19, $0x7;
	v27 =	vmov s10;
	v19 =	vld.idx.msk [tilespmem:v12+s12+$0x0], $0xffff;
	s11 =	sadd.s32 $0xFFFFFFF0, s16  }
0x1a9: {  	s14 =	sadd.s32 $0xFFFFFFF1, s16;
	v22 =	vshll.u32 v22, $0x7;
	s10 =	sadd.s32 $0xFFFFFFF3, s16;
	v12 =	vor.u32 s2, v20;
	s2 =	sand.u32 $0x7C, s9;
	v23 =	vadd.s32 v0, v23;
	v20 =	vld.idx.msk [tilespmem:v14+s12+$0x0], $0xffff  }
0x1aa: {  	s4 =	sshrl.u32 s16, $0x7;
	s21 =	sadd.s32 $0xFFFFFFF5, s16;
	v27 =	vshll.u32 v27, $0x7;
	v14 =	vor.u32 s2, v23;
	s2 =	sand.u32 $0x7D, s5;
	v23 =	vadd.s32 v0, v22;
	v22 =	vld.idx.msk [tilespmem:v13+s12+$0x0], $0xffff  }
0x1ab: {  	s26 =	sadd.s32 $0xFFFFFFF6, s16;
	s1 =	sand.u32 $0x7E, s1;
	s19 =	sadd.s32 $0xFFFFFFF8, s16;
	v28 =	vmov s4;
	v27 =	vadd.s32 v0, v27;
	v13 =	vor.u32 s2, v23;
	v23 =	vld.idx.msk [tilespmem:v11+s12+$0x0], $0xffff  }
0x1ac: {  	v15 =	vadd.f32 v17, v15;
	s8 =	sshrl.u32 s20, $0x7;
	s9 =	sadd.s32 $0xFFFFFFF7, s16;
	s2 =	sadd.s32 $0xFFFFFFE5, s16;
	v11 =	vld.idx.msk [tilespmem:v25+s12+$0x0], $0xffff;
	v25 =	vor.u32 s1, v27;
	v27 =	vshll.u32 v28, $0x7  }
0x1ad: {  	v16 =	vadd.f32 v18, v16;
	s4 =	sshrl.u32 s3, $0x7;
	v17 =	vadd.f32 v24, v21;
	s5 =	sand.u32 $0x7F, s16;
	s1 =	sshrl.u32 s2, $0x7;
	v26 =	vld.idx.msk [tilespmem:v26+s12+$0x0], $0xffff;
	v27 =	vadd.s32 v0, v27  }
0x1ae: {  	s22 =	sadd.s32 $0xFFFFFFF2, s16;
	v21 =	vmov s4;
	s4 =	sshrl.u32 s13, $0x7;
	v18 =	vmov s1;
	s1 =	sshrl.u32 s15, $0x7;
	v12 =	vld.idx.msk [tilespmem:v12+s12+$0x0], $0xffff;
	v24 =	vor.u32 s5, v27  }
0x1af: {  	v29 =	vmov s8;
	v28 =	vmov s4;
	s4 =	sshrl.u32 s0, $0x7;
	v27 =	vmov s1;
	s1 =	sshrl.u32 s7, $0x7;
	s5 =	sshrl.u32 s11, $0x7;
	v14 =	vld.idx.msk [tilespmem:v14+s12+$0x0], $0xffff  }
0x1b0: {  	v31 =	vmov s4;
	s4 =	sshrl.u32 s10, $0x7;
	v30 =	vmov s1;
	v32 =	vmov s5;
	s1 =	sshrl.u32 s14, $0x7;
	s5 =	sshrl.u32 s21, $0x7;
	v13 =	vld.idx.msk [tilespmem:v13+s12+$0x0], $0xffff  }
0x1b1: {  	v34 =	vmov s4;
	s4 =	sshrl.u32 s9, $0x7;
	v33 =	vmov s1;
	v35 =	vmov s5;
	s1 =	sshrl.u32 s26, $0x7;
	s5 =	sshrl.u32 s19, $0x7;
	v25 =	vld.idx.msk [tilespmem:v25+s12+$0x0], $0xffff  }
0x1b2: {  	s24 =	sadd.s32 $0xFFFFFFF9, s16;
	s8 =	sadd.s32 $0xFFFFFFEB, s16;
	v37 =	vmov s4;
	v36 =	vmov s1;
	v38 =	vmov s5;
	s1 =	simm.s32 $0x7400  }
0x1b3: {  	s31 =	sshrl.u32 s8, $0x7;
	v21 =	vshll.u32 v21, $0x7;
	s29 =	sand.u32 $0x7C, s2;
	v18 =	vshll.u32 v18, $0x7;
	v27 =	vshll.u32 v27, $0x7;
	s12 =	sshrl.u32 s22, $0x7;
	v24 =	vld.idx.msk [tilespmem:v24+s1+$0x0], $0xffff  }
0x1b4: {  	s17 =	sshrl.u32 s24, $0x7;
	v29 =	vshll.u32 v29, $0x7;
	v28 =	vshll.u32 v28, $0x7;
	s10 =	sand.u32 $0x7E, s10;
	v30 =	vshll.u32 v30, $0x7;
	s5 =	sor.u32 $0x1, s29  }
0x1b5: {  	s2 =	sadd.s32 $0x3, s25;
	v31 =	vshll.u32 v31, $0x7;
	s4 =	sor.u32 $0x2, s29;
	v32 =	vshll.u32 v32, $0x7;
	v33 =	vshll.u32 v33, $0x7;
	s1 =	sor.u32 $0x3, s29  }
0x1b6: {  	s23 =	sand.u32 $0x7C, s3;
	s15 =	sand.u32 $0x7D, s15;
	s3 =	sor.u32 $0x1, s10;
	v34 =	vshll.u32 v34, $0x7;
	v11 =	vadd.f32 v26, v11;
	v26 =	vmov s2  }
0x1b7: {  	s20 =	sand.u32 $0x7C, s20;
	s18 =	sand.u32 $0x7D, s7;
	s13 =	sand.u32 $0x7F, s13;
	v12 =	vadd.f32 v14, v12;
	v14 =	vand.u32 $0x7F, v26;
	v13 =	vadd.f32 v25, v13  }
0x1b8: {  	s28 =	sand.u32 $0x7F, s11;
	s14 =	sand.u32 $0x7C, s14;
	s2 =	sand.u32 $0x7E, s0;
	v26 =	vshll.u32 v36, $0x7;
	v14 =	vbroadcast v14, $0x0;
	v25 =	vshll.u32 v35, $0x7  }
0x1b9: {  	s30 =	sand.u32 $0x7E, s9;
	s21 =	sand.u32 $0x7C, s21;
	s26 =	sand.u32 $0x7D, s26;
	v35 =	vshll.u32 v37, $0x7;
	v11 =	vadd.f32 v12, v11;
	v12 =	vadd.f32 v24, v13  }
0x1ba: {  	s7 =	sand.u32 $0x7E, s8;
	s9 =	sand.u32 $0x7D, s22;
	s8 =	sand.u32 $0x7F, s19;
	v14 =	vor.u32 v1, v14;
	v13 =	vadd.s32 v0, v18;
	v18 =	vshll.u32 v38, $0x7  }
0x1bb: {  	v21 =	vadd.s32 v0, v21;
	s11 =	sand.u32 $0x7C, s24;
	s0 =	smov.u32 s25;
	s25 =	smov.u32 s6;
	v24 =	vadd.s32 v0, v27;
	v11 =	vadd.f32 v12, v11  }
0x1bc: {  	v27 =	vadd.s32 v0, v29;
	v12 =	vadd.s32 v0, v28;
	v28 =	vadd.s32 v0, v30  }
0x1bd: {  	v29 =	vadd.s32 v0, v31;
	v30 =	vadd.s32 v0, v32;
	v11 =	vmul.f32 $1.428571490e-01, v11  }
0x1be: {  	s19 =	simm.s32 $0xE400;
	v25 =	vadd.s32 v0, v25;
	v31 =	vadd.s32 v0, v33;
	v32 =	vadd.s32 v0, v34  }
0x1bf: {  	v26 =	vadd.s32 v0, v26;
	v33 =	vmov s31;
	v34 =	vadd.s32 v0, v35;
	[tilespmem:v14+s19+$0x0] =	vst.idx.msk $0xffff, v11  }
0x1c0: {  	v11 =	vmov s12;
	s12 =	simm.s32 $0x7400;
	v14 =	vadd.s32 v0, v18;
	v18 =	vmov s17  }
0x1c1: {  	v36 =	vor.u32 s5, v13;
	v37 =	vor.u32 s4, v13;
	v35 =	vor.u32 s29, v13  }
0x1c2: {  	v21 =	vor.u32 s23, v21;
	v24 =	vor.u32 s15, v24;
	v13 =	vor.u32 s1, v13  }
0x1c3: {  	v27 =	vor.u32 s20, v27;
	v38 =	vor.u32 s13, v12;
	v28 =	vor.u32 s18, v28  }
0x1c4: {  	v29 =	vor.u32 s2, v29;
	v31 =	vor.u32 s14, v31;
	v30 =	vor.u32 s28, v30  }
0x1c5: {  	v25 =	vor.u32 s21, v25;
	v39 =	vor.u32 s10, v32;
	v32 =	vor.u32 s3, v32  }
0x1c6: {  	v26 =	vor.u32 s26, v26;
	v34 =	vor.u32 s30, v34;
	v12 =	vor.u32 s8, v14;
	v35 =	vld.idx.msk [tilespmem:v35+s12+$0x0], $0xffff  }
0x1c7: {  	v14 =	vshll.u32 v33, $0x7;
	v11 =	vshll.u32 v11, $0x7;
	v18 =	vshll.u32 v18, $0x7;
	v36 =	vld.idx.msk [tilespmem:v36+s12+$0x0], $0xffff  }
0x1c8: {  	v14 =	vadd.s32 v0, v14;
	v11 =	vadd.s32 v0, v11;
	v18 =	vadd.s32 v0, v18;
	v33 =	vld.idx.msk [tilespmem:v37+s12+$0x0], $0xffff  }
0x1c9: {  	v14 =	vor.u32 s7, v14;
	v37 =	vld.idx.msk [tilespmem:v13+s12+$0x0], $0xffff;
	v13 =	vor.u32 s9, v11;
	v11 =	vor.u32 s11, v18  }
0x1ca: {  	v5 =	vand.u32 $0x7E, v5;
	v8 =	vadd.f32 v9, v8;
	v9 =	vadd.f32 v19, v10;
	v18 =	vld.idx.msk [tilespmem:v21+s12+$0x0], $0xffff  }
0x1cb: {  	v7 =	vbroadcast v7, $0x0;
	v6 =	vadd.f32 v15, v6;
	v3 =	vadd.f32 v20, v3;
	v10 =	vld.idx.msk [tilespmem:v24+s12+$0x0], $0xffff  }
0x1cc: {  	v5 =	vbroadcast v5, $0x0;
	v8 =	vadd.f32 v8, v17;
	v16 =	vadd.f32 v22, v16;
	v19 =	vld.idx.msk [tilespmem:v38+s12+$0x0], $0xffff  }
0x1cd: {  	v4 =	vor.u32 v1, v4;
	v9 =	vadd.f32 v23, v9;
	v20 =	vadd.f32 v36, v35;
	v22 =	vld.idx.msk [tilespmem:v27+s12+$0x0], $0xffff  }
0x1ce: {  	v7 =	vor.u32 v1, v7;
	v2 =	vadd.f32 v3, v2;
	v3 =	vadd.f32 v16, v6;
	v15 =	vld.idx.msk [tilespmem:v28+s12+$0x0], $0xffff  }
0x1cf: {  	s16 =	sadd.s32 $0x1C, s16;
	v8 =	vadd.f32 v9, v8;
	v9 =	vor.u32 v1, v5;
	v6 =	vadd.f32 v37, v33;
	v17 =	vld.idx.msk [tilespmem:v29+s12+$0x0], $0xffff  }
0x1d0: {  	v23 =	vmul.f32 $1.428571490e-01, v2;
	v5 =	vmov s0;
	s2 =	sadd.s32 $0xFFFFFFFA, s16;
	s1 =	sadd.s32 $0x1, s0;
	s0 =	sadd.s32 $0x2, s0;
	v27 =	vmul.f32 $1.428571490e-01, v3;
	v16 =	vld.idx.msk [tilespmem:v30+s12+$0x0], $0xffff  }
0x1d1: {  	s15 =	sadd.s32 $0xFFFFFFEA, s16;
	s4 =	sshrl.u32 s2, $0x7;
	s3 =	sadd.s32 $0xFFFFFFE9, s16;
	v2 =	vadd.f32 v6, v20;
	v3 =	vadd.f32 v10, v18;
	v10 =	vmul.f32 $1.428571490e-01, v8;
	v18 =	vld.idx.msk [tilespmem:v31+s12+$0x0], $0xffff  }
.Ltmp8:
0x1d2: {  	s13 =	sadd.s32 $0xFFFFFFEC, s16;
	s8 =	sadd.s32 $0xFFFFFFFB, s16;
	v6 =	vand.u32 $0x7C, v5;
	v8 =	vmov s1;
	v5 =	vmov s0;
	v21 =	vld.idx.msk [tilespmem:v39+s12+$0x0], $0xffff;
	[tilespmem:v4+s19+$0x0] =	vst.idx.msk $0xffff, v23;
	(pc) =	sbr.rel @p0 .LBB2_9-.Ltmp8, $4  }
0x1d3: {  	s20 =	sadd.s32 $0xFFFFFFED, s16;
	s9 =	sadd.s32 $0xFFFFFFFD, s16;
	v20 =	vmov s4;
	s0 =	sshrl.u32 s8, $0x7;
	v4 =	vbroadcast v6, $0x0;
	v6 =	vadd.f32 v22, v19;
	v24 =	vld.idx.msk [tilespmem:v32+s12+$0x0], $0xffff;
	[tilespmem:v7+s19+$0x0] =	vst.idx.msk $0xffff, v27  }
0x1d4: {  	s5 =	sadd.s32 $0xFFFFFFFE, s16;
	s7 =	sadd.s32 $0xFFFFFFEE, s16;
	v19 =	vshll.u32 v20, $0x7;
	v22 =	vmov s0;
	s0 =	sshrl.u32 s9, $0x7;
	v7 =	vand.u32 $0x7D, v8;
	v8 =	vld.idx.msk [tilespmem:v25+s12+$0x0], $0xffff;
	[tilespmem:v9+s19+$0x0] =	vst.idx.msk $0xffff, v10  }
0x1d5: {  	s2 =	sand.u32 $0x7D, s2;
	s1 =	sadd.s32 $0xFFFFFFFF, s16;
	v20 =	vadd.s32 v0, v19;
	v19 =	vmov s0;
	s0 =	sshrl.u32 s5, $0x7;
	v10 =	vshll.u32 v22, $0x7;
	v9 =	vld.idx.msk [tilespmem:v26+s12+$0x0], $0xffff  }
0x1d6: {  	s6 =	sadd.s32 $0x4, s6;
	s4 =	sand.u32 $0x7E, s8;
	s10 =	sshrl.u32 s1, $0x7;
	v25 =	vor.u32 s2, v20;
	v22 =	vmov s0;
	v23 =	vadd.s32 v0, v10;
	v10 =	vld.idx.msk [tilespmem:v34+s12+$0x0], $0xffff  }
0x1d7: {  	v23 =	vor.u32 s4, v23;
	v19 =	vshll.u32 v19, $0x7;
	v26 =	vmov s10  }
0x1d8: {  	v22 =	vshll.u32 v22, $0x7;
	v15 =	vadd.f32 v17, v15;
	v16 =	vadd.f32 v18, v16  }
0x1d9: {  	s0 =	sadd.s32 $0xFFFFFFEF, s16;
	s2 =	sor.u32 $0x2, s2;
	v5 =	vand.u32 $0x7E, v5;
	v7 =	vbroadcast v7, $0x0;
	v4 =	vor.u32 v1, v4  }
0x1da: {  	s21 =	sadd.s32 $0xFFFFFFF0, s16;
	s18 =	sshrl.u32 s16, $0x7;
	s24 =	sshrl.u32 s3, $0x7;
	v20 =	vor.u32 s2, v20;
	v19 =	vadd.s32 v0, v19;
	v26 =	vshll.u32 v26, $0x7  }
0x1db: {  	s29 =	sshrl.u32 s15, $0x7;
	s30 =	sshrl.u32 s13, $0x7;
	s31 =	sshrl.u32 s20, $0x7;
	v27 =	vmov s18;
	v22 =	vadd.s32 v0, v22;
	v29 =	vmov s24  }
0x1dc: {  	s14 =	sadd.s32 $0xFFFFFFF1, s16;
	s17 =	sand.u32 $0x7C, s9;
	s19 =	sadd.s32 $0xFFFFFFF3, s16;
	v30 =	vmov s29;
	v31 =	vmov s30;
	v32 =	vmov s31  }
0x1dd: {  	s22 =	sand.u32 $0x7D, s5;
	s11 =	sadd.s32 $0xFFFFFFF6, s16;
	s4 =	sadd.s32 $0xFFFFFFE5, s16;
	v18 =	vadd.f32 v24, v21;
	v5 =	vbroadcast v5, $0x0;
	v19 =	vor.u32 s17, v19  }
0x1de: {  	s23 =	sshrl.u32 s4, $0x7;
	s2 =	sshrl.u32 s7, $0x7;
	s5 =	sshrl.u32 s0, $0x7;
	v26 =	vadd.s32 v0, v26;
	v27 =	vshll.u32 v27, $0x7;
	v22 =	vor.u32 s22, v22  }
0x1df: {  	s8 =	sshrl.u32 s21, $0x7;
	s9 =	sshrl.u32 s14, $0x7;
	s10 =	sshrl.u32 s19, $0x7;
	v28 =	vmov s23;
	v33 =	vmov s2;
	v34 =	vmov s5  }
0x1e0: {  	s18 =	sshrl.u32 s11, $0x7;
	v35 =	vmov s8;
	v36 =	vmov s9;
	v37 =	vmov s10  }
0x1e1: {  	s6 =	sadd.s32 $0xFFFFFFF5, s16;
	s1 =	sand.u32 $0x7E, s1;
	s26 =	sadd.s32 $0xFFFFFFF7, s16;
	v39 =	vmov s18;
	v17 =	vshll.u32 v29, $0x7;
	v24 =	vshll.u32 v32, $0x7  }
0x1e2: {  	v25 =	vld.idx.msk [tilespmem:v25+s12+$0x0], $0xffff;
	s29 =	sadd.s32 $0xFFFFFFF8, s16;
	s17 =	sshrl.u32 s6, $0x7;
	s22 =	sshrl.u32 s26, $0x7;
	v6 =	vadd.f32 v15, v6;
	v26 =	vor.u32 s1, v26;
	v27 =	vadd.s32 v0, v27  }
0x1e3: {  	v12 =	vld.idx.msk [tilespmem:v12+s12+$0x0], $0xffff;
	s23 =	sshrl.u32 s29, $0x7;
	v38 =	vmov s17;
	v40 =	vmov s22;
	v28 =	vshll.u32 v28, $0x7  }
0x1e4: {  	s28 =	sand.u32 $0x7F, s16;
	v11 =	vld.idx.msk [tilespmem:v11+s12+$0x0], $0xffff;
	v41 =	vmov s23;
	v17 =	vadd.s32 v0, v17;
	v52 =	vshll.u32 v36, $0x7  }
0x1e5: {  	s3 =	sand.u32 $0x7C, s3;
	s24 =	sand.u32 $0x7C, s4;
	s4 =	sand.u32 $0x7D, s15;
	v53 =	vshll.u32 v37, $0x7;
	v55 =	vshll.u32 v39, $0x7;
	v8 =	vadd.f32 v9, v8;
	v23 =	vld.idx.msk [tilespmem:v23+s12+$0x0], $0xffff  }
0x1e6: {  	s5 =	sand.u32 $0x7F, s13;
	s9 =	sadd.s32 $0xFFFFFFEB, s16;
	s13 =	sadd.s32 $0xFFFFFFF2, s16;
	v5 =	vor.u32 v1, v5;
	v27 =	vor.u32 s28, v27;
	v28 =	vadd.s32 v0, v28;
	v20 =	vld.idx.msk [tilespmem:v20+s12+$0x0], $0xffff  }
0x1e7: {  	s15 =	sshrl.u32 s9, $0x7;
	s17 =	sshrl.u32 s13, $0x7;
	s28 =	sadd.s32 $0x3, s25;
	v17 =	vor.u32 s3, v17;
	v54 =	vshll.u32 v38, $0x7;
	v56 =	vshll.u32 v41, $0x7;
	v19 =	vld.idx.msk [tilespmem:v19+s12+$0x0], $0xffff  }
0x1e8: {  	s30 =	sor.u32 $0x1, s24;
	s31 =	sor.u32 $0x2, s24;
	v59 =	vmov s15;
	v60 =	vmov s17;
	v42 =	vmov s28;
	v22 =	vld.idx.msk [tilespmem:v22+s12+$0x0], $0xffff  }
0x1e9: {  	s2 =	sor.u32 $0x3, s24;
	v43 =	vor.u32 s30, v28;
	v44 =	vor.u32 s31, v28;
	v45 =	vor.u32 s24, v28;
	v26 =	vld.idx.msk [tilespmem:v26+s12+$0x0], $0xffff  }
0x1ea: {  	v28 =	vor.u32 s2, v28;
	v32 =	vadd.s32 v0, v54;
	v10 =	vadd.f32 v12, v10  }
0x1eb: {  	v14 =	vld.idx.msk [tilespmem:v14+s12+$0x0], $0xffff;
	v37 =	vshll.u32 v59, $0x7;
	v38 =	vshll.u32 v60, $0x7;
	v23 =	vadd.f32 v23, v25  }
0x1ec: {  	s6 =	sand.u32 $0x7C, s6;
	s28 =	sand.u32 $0x7D, s11;
	v25 =	vshll.u32 v33, $0x7;
	v33 =	vadd.s32 v0, v55;
	v19 =	vadd.f32 v19, v20;
	v20 =	vld.idx.msk [tilespmem:v27+s12+$0x0], $0xffff  }
0x1ed: {  	v13 =	vld.idx.msk [tilespmem:v13+s12+$0x0], $0xffff;
	v32 =	vor.u32 s6, v32;
	v10 =	vadd.f32 v11, v10;
	v33 =	vor.u32 s28, v33  }
0x1ee: {  	v17 =	vld.idx.msk [tilespmem:v17+s12+$0x0], $0xffff;
	v27 =	vshll.u32 v35, $0x7;
	v21 =	vadd.f32 v26, v22;
	v22 =	vshll.u32 v30, $0x7  }
0x1ef: {  	s18 =	sand.u32 $0x7F, s21;
	v57 =	vld.idx.msk [tilespmem:v43+s12+$0x0], $0xffff;
	v26 =	vshll.u32 v34, $0x7;
	v27 =	vadd.s32 v0, v27;
	v30 =	vadd.s32 v0, v52  }
0x1f0: {  	s21 =	sand.u32 $0x7C, s14;
	v58 =	vld.idx.msk [tilespmem:v44+s12+$0x0], $0xffff;
	v34 =	vadd.s32 v0, v56;
	v19 =	vadd.f32 v19, v23;
	v27 =	vor.u32 s18, v27  }
0x1f1: {  	s31 =	sand.u32 $0x7F, s29;
	v28 =	vld.idx.msk [tilespmem:v28+s12+$0x0], $0xffff;
	v23 =	vshll.u32 v31, $0x7;
	v30 =	vor.u32 s21, v30;
	v20 =	vadd.f32 v20, v21  }
0x1f2: {  	s22 =	sand.u32 $0x7E, s19;
	v15 =	vld.idx.msk [tilespmem:v32+s12+$0x0], $0xffff;
	v22 =	vadd.s32 v0, v22;
	v31 =	vadd.s32 v0, v53;
	v34 =	vor.u32 s31, v34  }
0x1f3: {  	v22 =	vor.u32 s4, v22;
	v12 =	vor.u32 s22, v31;
	v11 =	vld.idx.msk [tilespmem:v33+s12+$0x0], $0xffff;
	v19 =	vadd.f32 v20, v19  }
0x1f4: {  	v20 =	vadd.s32 v0, v23;
	v23 =	vadd.s32 v0, v24;
	v24 =	vadd.s32 v0, v25;
	v25 =	vld.idx.msk [tilespmem:v45+s12+$0x0], $0xffff  }
0x1f5: {  	s24 =	sor.u32 $0x1, s22;
	v3 =	vadd.f32 v14, v3;
	v8 =	vadd.f32 v8, v18;
	v27 =	vld.idx.msk [tilespmem:v27+s12+$0x0], $0xffff;
	v20 =	vor.u32 s5, v20  }
0x1f6: {  	s0 =	sand.u32 $0x7E, s0;
	v26 =	vadd.s32 v0, v26;
	v31 =	vor.u32 s24, v31;
	v21 =	vshll.u32 v40, $0x7;
	v30 =	vld.idx.msk [tilespmem:v30+s12+$0x0], $0xffff  }
0x1f7: {  	s30 =	sand.u32 $0x7E, s26;
	v8 =	vadd.f32 v10, v8;
	v26 =	vor.u32 s0, v26;
	v21 =	vadd.s32 v0, v21;
	v10 =	vld.idx.msk [tilespmem:v34+s12+$0x0], $0xffff  }
0x1f8: {  	s8 =	sand.u32 $0x7C, s20;
	s20 =	sadd.s32 $0xFFFFFFF9, s16;
	v13 =	vadd.f32 v13, v16;
	v51 =	vand.u32 $0x7F, v42;
	v21 =	vor.u32 s30, v21;
	v22 =	vld.idx.msk [tilespmem:v22+s12+$0x0], $0xffff  }
0x1f9: {  	s10 =	sand.u32 $0x7D, s7;
	s23 =	sshrl.u32 s20, $0x7;
	v37 =	vadd.s32 v0, v37;
	v38 =	vadd.s32 v0, v38;
	v23 =	vor.u32 s8, v23;
	v12 =	vld.idx.msk [tilespmem:v12+s12+$0x0], $0xffff  }
0x1fa: {  	s1 =	sand.u32 $0x7D, s13;
	s2 =	sand.u32 $0x7E, s9;
	v29 =	vbroadcast v51, $0x0;
	v24 =	vor.u32 s10, v24;
	v9 =	vld.idx.msk [tilespmem:v20+s12+$0x0], $0xffff;
	v20 =	vmov s23  }
0x1fb: {  	v37 =	vor.u32 s2, v37;
	v38 =	vor.u32 s1, v38;
	v14 =	vld.idx.msk [tilespmem:v31+s12+$0x0], $0xffff;
	v20 =	vshll.u32 v20, $0x7  }
0x1fc: {  	v2 =	vadd.f32 v3, v2;
	v3 =	vadd.f32 v13, v6;
	s0 =	sand.u32 $0x7C, s20;
	v26 =	vld.idx.msk [tilespmem:v26+s12+$0x0], $0xffff;
	v20 =	vadd.s32 v0, v20  }
0x1fd: {  	v18 =	vmov s25;
	v6 =	vor.u32 v1, v7;
	v7 =	vld.idx.msk [tilespmem:v21+s12+$0x0], $0xffff;
	v20 =	vor.u32 s0, v20  }
0x1fe: {  	v29 =	vor.u32 v1, v29;
	v2 =	vmul.f32 $1.428571490e-01, v2;
	v3 =	vmul.f32 $1.428571490e-01, v3;
	v23 =	vld.idx.msk [tilespmem:v23+s12+$0x0], $0xffff  }
0x1ff: {  	v8 =	vmul.f32 $1.428571490e-01, v8;
	v13 =	vadd.f32 v28, v58;
	s5 =	sadd.s32 $0x2, s25;
	v16 =	vadd.f32 v57, v25;
	v24 =	vld.idx.msk [tilespmem:v24+s12+$0x0], $0xffff  }
0x200: {  	v11 =	vadd.f32 v11, v15;
	v21 =	vld.idx.msk [tilespmem:v37+s12+$0x0], $0xffff;
	v25 =	vmov s5;
	v12 =	vadd.f32 v14, v12  }
0x201: {  	s4 =	sadd.s32 $0x1, s25;
	v13 =	vadd.f32 v13, v16;
	v16 =	vadd.f32 v22, v17;
	v17 =	vand.u32 $0x7C, v18;
	v18 =	vld.idx.msk [tilespmem:v38+s12+$0x0], $0xffff  }
0x202: {  	v22 =	vmov s4;
	v17 =	vbroadcast v17, $0x0;
	v11 =	vadd.f32 v11, v12;
	v20 =	vld.idx.msk [tilespmem:v20+s12+$0x0], $0xffff  }
0x203: {  	v22 =	vand.u32 $0x7D, v22;
	v7 =	vadd.f32 v10, v7;
	v9 =	vadd.f32 v23, v9  }
0x204: {  	v15 =	vbroadcast v22, $0x0;
	v23 =	vadd.f32 v26, v24;
	v24 =	vadd.f32 v30, v27  }
0x205: {  	s6 =	simm.s32 $0xE400;
	v10 =	vand.u32 $0x7E, v25;
	v14 =	vadd.f32 v21, v16;
	v12 =	vor.u32 v1, v17  }
0x206: {  	[tilespmem:v4+s6+$0x0] =	vst.idx.msk $0xffff, v2;
	v10 =	vbroadcast v10, $0x0;
	v9 =	vadd.f32 v23, v9;
	v16 =	vadd.f32 v18, v24  }
0x207: {  	v13 =	vadd.f32 v14, v13;
	v14 =	vor.u32 v1, v15;
	v7 =	vadd.f32 v20, v7  }
0x208: {  	[tilespmem:v6+s6+$0x0] =	vst.idx.msk $0xffff, v3;
	v19 =	vmul.f32 $1.428571490e-01, v19;
	v4 =	vor.u32 v1, v10;
	v2 =	vadd.f32 v16, v9  }
0x209: {  	s14 =	simm.s32 $0x0;
	s16 =	simm.s32 $0x0;
	[tilespmem:v5+s6+$0x0] =	vst.idx.msk $0xffff, v8;
	v6 =	vmul.f32 $1.428571490e-01, v13;
	v3 =	vadd.f32 v7, v11  }
0x20a: {  	s13 =	simm.s32 $0x15;
	s19 =	simm.s32 $0x18;
	s3 =	simm.s32 $0x0;
	[tilespmem:v29+s6+$0x0] =	vst.idx.msk $0xffff, v19;
	v2 =	vmul.f32 $1.428571490e-01, v2  }
0x20b: {  	s15 =	simm.s32 $0x16;
	s17 =	simm.s32 $0x0;
	s23 =	simm.s32 $0x0;
	[tilespmem:v12+s6+$0x0] =	vst.idx.msk $0xffff, v6;
	v3 =	vmul.f32 $1.428571490e-01, v3  }
0x20c: {  	s11 =	simm.s32 $0x8;
	s28 =	simm.s32 $0x0;
	v8 =	vmov s23;
	s7 =	rddreg [dreg:$0x1b];
	[tilespmem:v14+s6+$0x0] =	vst.idx.msk $0xffff, v2  }
0x20d: {  	s10 =	simm.s32 $0x0;
	v8 =	vshll.u32 v8, $0x7;
	s0 =	sshll.u32 s7, $0x9;
	s8 =	rddreg [dreg:$0xd];
	[tilespmem:v4+s6+$0x0] =	vst.idx.msk $0xffff, v3  }
0x20e: {  	s5 =	simm.s32 $0x0;
	v8 =	vadd.s32 v0, v8;
	s1 =	sadd.s32 s8, s0;
	s9 =	rddreg [dreg:$0x4]  }
0x20f: {  	v15 =	vmov s5;
	v10 =	vmov s28;
	s12 =	simm.s32 $0x0;
	v2 =	vmov s10;
	[dreg:$0x18] =	wrdreg s1;
	s0 =	sadd.s32 s9, s1  }
0x210: {  	v15 =	vshll.u32 v15, $0x7;
	v2 =	vshll.u32 v2, $0x7;
	v3 =	vmov s12;
	[hbm4b:s0+s3] =	stream.linear.scatter [tilespmem:s6], [sflag:$0x9], $0x800, $0x38;
	[tilespmem:$0xF400] =	vst v63  }
0x211: {  	s2 =	sand.u32 $0x7E, s15;
	v6 =	vmov s16;
	v2 =	vadd.s32 v0, v2;
	v3 =	vshll.u32 v3, $0x7;
	s1 =	sand.u32 $0x7D, s13;
	_ =	swait.ge [sflag:s11], $0x3800  }
0x212: {  	s18 =	simm.s32 $0xA;
	s21 =	sand.u32 $0x7C, s19;
	v4 =	vmov s14;
	v3 =	vadd.s32 v0, v3;
	v5 =	vor.u32 s1, v2;
	[sflag:s11] =	ssyncset.done $0x0  }
0x213: {  	s31 =	simm.s32 $0x0;
	v6 =	vshll.u32 v6, $0x7;
	v4 =	vshll.u32 v4, $0x7;
	v3 =	vor.u32 s2, v3;
	s1 =	sor.u32 $0x2, s1;
	[sflag:s11] =	ssyncadd.s32 $0xFFFFC800  }
0x214: {  	s20 =	simm.s32 $0x19;
	s22 =	simm.s32 $0x1A;
	v7 =	vmov s17;
	v4 =	vadd.s32 v0, v4;
	v2 =	vor.u32 s1, v2;
	_ =	swait.ge [sflag:s18], $0x800  }
0x215: {  	s24 =	sand.u32 $0x7E, s22;
	v6 =	vadd.s32 v0, v6;
	v7 =	vshll.u32 v7, $0x7;
	v4 =	vor.u32 s21, v4;
	s0 =	sand.u32 $0x7D, s20;
	[sflag:s18] =	ssyncset.done $0x0  }
0x216: {  	s30 =	simm.s32 $0x0;
	v13 =	vmov s31;
	v7 =	vadd.s32 v0, v7;
	s12 =	simm.s32 $0xAC00;
	v6 =	vor.u32 s0, v6;
	[sflag:s18] =	ssyncadd.s32 $0xFFFFF800  }
0x217: {  	s26 =	simm.s32 $0x0;
	v23 =	vshll.u32 v10, $0x7;
	v12 =	vmov s30;
	v7 =	vor.u32 s24, v7;
	v5 =	vld.idx.msk [tilespmem:v5+s12+$0x0], $0xffff  }
0x218: {  	s19 =	simm.s32 $0x7;
	s25 =	simm.s32 $0x1B;
	v9 =	vmov s26;
	v13 =	vshll.u32 v13, $0x7;
	v12 =	vshll.u32 v12, $0x7;
	v3 =	vld.idx.msk [tilespmem:v3+s12+$0x0], $0xffff  }
0x219: {  	s5 =	sand.u32 $0x7F, s19;
	v9 =	vshll.u32 v9, $0x7;
	v13 =	vadd.s32 v0, v13;
	s7 =	simm.s32 $0x0;
	v12 =	vadd.s32 v0, v12;
	s1 =	sand.u32 $0x7F, s25;
	v2 =	vld.idx.msk [tilespmem:v2+s12+$0x0], $0xffff  }
0x21a: {  	s29 =	simm.s32 $0x0;
	v17 =	vmov s7;
	s10 =	simm.s32 $0x0;
	v12 =	vor.u32 s5, v12;
	s8 =	simm.s32 $0x0;
	v8 =	vor.u32 s1, v8;
	v4 =	vld.idx.msk [tilespmem:v4+s12+$0x0], $0xffff  }
0x21b: {  	v20 =	vmov s10;
	v11 =	vmov s29;
	v18 =	vmov s8;
	v6 =	vld.idx.msk [tilespmem:v6+s12+$0x0], $0xffff  }
0x21c: {  	v17 =	vshll.u32 v17, $0x7;
	v11 =	vshll.u32 v11, $0x7;
	v18 =	vshll.u32 v18, $0x7;
	s9 =	simm.s32 $0x0;
	s2 =	simm.s32 $0x0;
	v7 =	vld.idx.msk [tilespmem:v7+s12+$0x0], $0xffff  }
0x21d: {  	v11 =	vadd.s32 v0, v11;
	s13 =	simm.s32 $0x0;
	s6 =	simm.s32 $0x0;
	v19 =	vmov s9;
	s21 =	simm.s32 $0x8;
	v14 =	vmov s2  }
0x21e: {  	v22 =	vmov s13;
	v16 =	vmov s6;
	s2 =	sand.u32 $0x7C, s21;
	v14 =	vshll.u32 v14, $0x7;
	s18 =	simm.s32 $0x5  }
0x21f: {  	v16 =	vshll.u32 v16, $0x7;
	v13 =	vor.u32 s2, v13;
	s11 =	simm.s32 $0x0;
	v14 =	vadd.s32 v0, v14;
	v8 =	vld.idx.msk [tilespmem:v8+s12+$0x0], $0xffff;
	s4 =	sand.u32 $0x7D, s18  }
0x220: {  	s14 =	simm.s32 $0x3;
	v21 =	vmov s11;
	v11 =	vor.u32 s4, v11;
	v3 =	vadd.f32 v3, v5  }
0x221: {  	v5 =	vmov s14;
	v2 =	vadd.f32 v4, v2;
	v4 =	vadd.f32 v7, v6  }
0x222: {  	s15 =	simm.s32 $0x0;
	v6 =	vshll.u32 v19, $0x7;
	v7 =	vshll.u32 v20, $0x7;
	v5 =	vand.u32 $0x7F, v5  }
0x223: {  	s0 =	sand.u32 $0x7C, s15;
	v19 =	vshll.u32 v21, $0x7;
	v6 =	vadd.s32 v0, v6;
	v5 =	vbroadcast v5, $0x0  }
0x224: {  	s20 =	sor.u32 $0x2, s0;
	v2 =	vadd.f32 v2, v3;
	v3 =	vadd.f32 v8, v4;
	v4 =	vadd.s32 v0, v9  }
0x225: {  	s22 =	simm.s32 $0x9;
	v8 =	vshll.u32 v22, $0x7;
	v9 =	vor.u32 s0, v4;
	v20 =	vor.u32 s20, v4  }
0x226: {  	s16 =	simm.s32 $0x4;
	s17 =	sor.u32 $0x1, s0;
	s0 =	sor.u32 $0x3, s0;
	v8 =	vadd.s32 v0, v8;
	v10 =	vor.u32 v1, v5;
	v2 =	vadd.f32 v3, v2  }
0x227: {  	s23 =	simm.s32 $0xA;
	s26 =	simm.s32 $0x10;
	s1 =	sand.u32 $0x7C, s16;
	v5 =	vadd.s32 v0, v23;
	v3 =	vor.u32 s17, v4;
	v4 =	vor.u32 s0, v4  }
0x228: {  	s30 =	simm.s32 $0x12;
	s13 =	simm.s32 $0x13;
	v27 =	vld.idx.msk [tilespmem:v11+s12+$0x0], $0xffff;
	v23 =	vmul.f32 $1.428571490e-01, v2;
	v2 =	vor.u32 s1, v5;
	v5 =	vadd.s32 v0, v17;
	s1 =	sand.u32 $0x7C, s26  }
0x229: {  	s7 =	sand.u32 $0x7D, s22;
	s16 =	sand.u32 $0x7E, s30;
	s17 =	sand.u32 $0x7F, s13;
	v17 =	vadd.s32 v0, v18;
	v18 =	vadd.s32 v0, v19;
	v61 =	vor.u32 s1, v6;
	v6 =	vld.idx.msk [tilespmem:v12+s12+$0x0], $0xffff  }
0x22a: {  	s28 =	simm.s32 $0x0;
	s10 =	simm.s32 $0x0;
	s8 =	simm.s32 $0xB;
	v14 =	vor.u32 s7, v14;
	v63 =	vor.u32 s16, v18;
	v18 =	vor.u32 s17, v8;
	v8 =	vld.idx.msk [tilespmem:v13+s12+$0x0], $0xffff  }
0x22b: {  	v15 =	vadd.s32 v0, v15;
	s8 =	sand.u32 $0x7F, s8;
	s24 =	simm.s32 $0xC;
	s6 =	sand.u32 $0x7E, s23;
	v16 =	vadd.s32 v0, v16;
	v9 =	vld.idx.msk [tilespmem:v9+s12+$0x0], $0xffff  }
0x22c: {  	s29 =	simm.s32 $0x11;
	s25 =	simm.s32 $0xE;
	v15 =	vor.u32 s6, v15;
	v16 =	vor.u32 s8, v16;
	v21 =	vmov s28;
	s0 =	sand.u32 $0x7C, s24;
	v19 =	vld.idx.msk [tilespmem:v20+s12+$0x0], $0xffff  }
0x22d: {  	s15 =	sand.u32 $0x7D, s29;
	s9 =	sand.u32 $0x7E, s25;
	v7 =	vadd.s32 v0, v7;
	v22 =	vmov s10;
	v5 =	vor.u32 s0, v5;
	v3 =	vld.idx.msk [tilespmem:v3+s12+$0x0], $0xffff  }
0x22e: {  	s31 =	simm.s32 $0x0;
	s14 =	sor.u32 $0x1, s9;
	v62 =	vor.u32 s15, v7;
	s20 =	simm.s32 $0x14;
	v25 =	vor.u32 s9, v17;
	v12 =	vshll.u32 v22, $0x7;
	v4 =	vld.idx.msk [tilespmem:v4+s12+$0x0], $0xffff  }
0x22f: {  	s30 =	simm.s32 $0x0;
	v11 =	vld.idx.msk [tilespmem:v14+s12+$0x0], $0xffff;
	s2 =	sand.u32 $0x7C, s20;
	v26 =	vor.u32 s14, v17;
	v20 =	vmov s31;
	v12 =	vadd.s32 v0, v12;
	s31 =	simm.s32 $0xEC00  }
0x230: {  	s28 =	simm.s32 $0x0;
	v7 =	vshll.u32 v20, $0x7;
	v17 =	vor.u32 s2, v12;
	[tilespmem:v10+s31+$0x0] =	vst.idx.msk $0xffff, v23;
	v23 =	vmov s30;
	v24 =	vld.idx.msk [tilespmem:v2+s12+$0x0], $0xffff  }
0x231: {  	s19 =	simm.s32 $0xD;
	s22 =	simm.s32 $0x2;
	s18 =	simm.s32 $0x6;
	v13 =	vld.idx.msk [tilespmem:v15+s12+$0x0], $0xffff;
	v7 =	vadd.s32 v0, v7;
	v2 =	vshll.u32 v21, $0x7;
	v21 =	vmov s28  }
0x232: {  	s21 =	simm.s32 $0x1;
	s23 =	simm.s32 $0x31;
	s0 =	sand.u32 $0x7E, s18;
	v2 =	vadd.s32 v0, v2;
	v14 =	vld.idx.msk [tilespmem:v5+s12+$0x0], $0xffff;
	v5 =	vmov s22;
	v6 =	vadd.f32 v8, v6  }
0x233: {  	s29 =	simm.s32 $0x0;
	s24 =	simm.s32 $0x0;
	s1 =	sand.u32 $0x7D, s19;
	v12 =	vld.idx.msk [tilespmem:v16+s12+$0x0], $0xffff;
	v20 =	vor.u32 s0, v2;
	v3 =	vadd.f32 v3, v9;
	v4 =	vadd.f32 v4, v19  }
0x234: {  	s25 =	simm.s32 $0x4;
	s6 =	simm.s32 $0x8;
	s7 =	simm.s32 $0x20;
	v15 =	vld.idx.msk [tilespmem:v25+s12+$0x0], $0xffff;
	v19 =	vor.u32 s1, v7;
	v7 =	vmov s3;
	v9 =	vmov s24  }
0x235: {  	s4 =	simm.s32 $0x36;
	s15 =	simm.s32 $0x23;
	s10 =	simm.s32 $0x0;
	v16 =	vld.idx.msk [tilespmem:v26+s12+$0x0], $0xffff;
	v9 =	vshll.u32 v9, $0x7;
	v2 =	vadd.f32 v4, v3;
	v4 =	vadd.f32 v27, v24  }
0x236: {  	s13 =	simm.s32 $0x21;
	s20 =	simm.s32 $0x25;
	s26 =	simm.s32 $0x32;
	v8 =	vld.idx.msk [tilespmem:v61+s12+$0x0], $0xffff;
	v3 =	vand.u32 $0x7C, v7;
	v7 =	vmov s21;
	v22 =	vadd.s32 v0, v9  }
0x237: {  	s16 =	simm.s32 $0x37;
	s9 =	simm.s32 $0x34;
	s2 =	sand.u32 $0x7D, s23;
	v10 =	vld.idx.msk [tilespmem:v63+s12+$0x0], $0xffff;
	v24 =	vshll.u32 v21, $0x7;
	v21 =	vmov s29;
	v3 =	vbroadcast v3, $0x0  }
0x238: {  	s5 =	sand.u32 $0x7E, s26;
	s3 =	simm.s32 $0x24;
	s1 =	simm.s32 $0x35;
	v9 =	vld.idx.msk [tilespmem:v62+s12+$0x0], $0xffff;
	v7 =	vand.u32 $0x7D, v7;
	v25 =	vor.u32 s2, v22;
	v24 =	vadd.s32 v0, v24  }
.LBB2_11:
0x239: {  	p0 =	slt.u32 s6, $0x7C;
	s0 =	sadd.s32 $0xFFFFFFEF, s16  }
0x23a: {  	v26 =	vor.u32 s5, v24;
	s2 =	sor.u32 $0x2, s2;
	v24 =	vshll.u32 v21, $0x7;
	v27 =	vmov s10;
	v21 =	vld.idx.msk [tilespmem:v18+s12+$0x0], $0xffff;
	s11 =	sadd.s32 $0xFFFFFFF0, s16;
	s14 =	sadd.s32 $0xFFFFFFF1, s16  }
0x23b: {  	v23 =	vshll.u32 v23, $0x7;
	s10 =	sadd.s32 $0xFFFFFFF3, s16;
	s1 =	sand.u32 $0x7D, s1;
	v18 =	vor.u32 s2, v22;
	s2 =	sand.u32 $0x7C, s9;
	v24 =	vadd.s32 v0, v24;
	v22 =	vld.idx.msk [tilespmem:v20+s12+$0x0], $0xffff  }
0x23c: {  	s21 =	sadd.s32 $0xFFFFFFF5, s16;
	s26 =	sadd.s32 $0xFFFFFFF6, s16;
	v27 =	vshll.u32 v27, $0x7;
	v20 =	vor.u32 s2, v24;
	v24 =	vadd.s32 v0, v23;
	s2 =	sshrl.u32 s16, $0x7;
	v23 =	vld.idx.msk [tilespmem:v19+s12+$0x0], $0xffff  }
0x23d: {  	s19 =	sadd.s32 $0xFFFFFFF8, s16;
	s5 =	sand.u32 $0x7F, s16;
	v27 =	vadd.s32 v0, v27;
	v19 =	vor.u32 s1, v24;
	s1 =	sand.u32 $0x7E, s4;
	v28 =	vmov s2;
	v24 =	vld.idx.msk [tilespmem:v17+s12+$0x0], $0xffff  }
0x23e: {  	v11 =	vadd.f32 v13, v11;
	s8 =	sshrl.u32 s3, $0x7;
	s9 =	sadd.s32 $0xFFFFFFF7, s16;
	s2 =	sadd.s32 $0xFFFFFFE5, s16;
	v17 =	vld.idx.msk [tilespmem:v25+s12+$0x0], $0xffff;
	v25 =	vor.u32 s1, v27;
	v27 =	vshll.u32 v28, $0x7  }
0x23f: {  	v12 =	vadd.f32 v14, v12;
	s22 =	sadd.s32 $0xFFFFFFF2, s16;
	v13 =	vadd.f32 v16, v15;
	s4 =	sshrl.u32 s7, $0x7;
	s1 =	sshrl.u32 s2, $0x7;
	v26 =	vld.idx.msk [tilespmem:v26+s12+$0x0], $0xffff;
	v27 =	vadd.s32 v0, v27  }
0x240: {  	s24 =	sadd.s32 $0xFFFFFFF9, s16;
	v15 =	vmov s4;
	s4 =	sshrl.u32 s15, $0x7;
	v14 =	vmov s1;
	s1 =	sshrl.u32 s13, $0x7;
	v16 =	vld.idx.msk [tilespmem:v18+s12+$0x0], $0xffff;
	v18 =	vor.u32 s5, v27  }
0x241: {  	v29 =	vmov s8;
	v28 =	vmov s4;
	s4 =	sshrl.u32 s0, $0x7;
	v27 =	vmov s1;
	s1 =	sshrl.u32 s20, $0x7;
	s5 =	sshrl.u32 s11, $0x7;
	v20 =	vld.idx.msk [tilespmem:v20+s12+$0x0], $0xffff  }
0x242: {  	v31 =	vmov s4;
	s4 =	sshrl.u32 s10, $0x7;
	v30 =	vmov s1;
	v32 =	vmov s5;
	s1 =	sshrl.u32 s14, $0x7;
	s5 =	sshrl.u32 s21, $0x7;
	v19 =	vld.idx.msk [tilespmem:v19+s12+$0x0], $0xffff  }
0x243: {  	v34 =	vmov s4;
	s4 =	sshrl.u32 s9, $0x7;
	v33 =	vmov s1;
	v35 =	vmov s5;
	s1 =	sshrl.u32 s26, $0x7;
	s5 =	sshrl.u32 s19, $0x7;
	v25 =	vld.idx.msk [tilespmem:v25+s12+$0x0], $0xffff  }
0x244: {  	s23 =	sand.u32 $0x7C, s7;
	s8 =	sadd.s32 $0xFFFFFFEB, s16;
	v37 =	vmov s4;
	v36 =	vmov s1;
	v38 =	vmov s5;
	s1 =	simm.s32 $0xAC00  }
0x245: {  	s31 =	sshrl.u32 s8, $0x7;
	s29 =	sand.u32 $0x7C, s2;
	v15 =	vshll.u32 v15, $0x7;
	v14 =	vshll.u32 v14, $0x7;
	v27 =	vshll.u32 v27, $0x7;
	s12 =	sshrl.u32 s22, $0x7;
	v18 =	vld.idx.msk [tilespmem:v18+s1+$0x0], $0xffff  }
0x246: {  	s17 =	sshrl.u32 s24, $0x7;
	v29 =	vshll.u32 v29, $0x7;
	v28 =	vshll.u32 v28, $0x7;
	s10 =	sand.u32 $0x7E, s10;
	v30 =	vshll.u32 v30, $0x7;
	s5 =	sor.u32 $0x1, s29  }
0x247: {  	s2 =	sadd.s32 $0x3, s25;
	v31 =	vshll.u32 v31, $0x7;
	s4 =	sor.u32 $0x2, s29;
	v32 =	vshll.u32 v32, $0x7;
	v33 =	vshll.u32 v33, $0x7;
	s1 =	sor.u32 $0x3, s29  }
0x248: {  	s18 =	sand.u32 $0x7C, s3;
	s13 =	sand.u32 $0x7D, s13;
	s7 =	sor.u32 $0x1, s10;
	v34 =	vshll.u32 v34, $0x7;
	v17 =	vadd.f32 v26, v17;
	v26 =	vmov s2  }
0x249: {  	s28 =	sand.u32 $0x7F, s11;
	s15 =	sand.u32 $0x7F, s15;
	s20 =	sand.u32 $0x7D, s20;
	v16 =	vadd.f32 v20, v16;
	v20 =	vand.u32 $0x7F, v26;
	v19 =	vadd.f32 v25, v19  }
0x24a: {  	s30 =	sand.u32 $0x7E, s9;
	s14 =	sand.u32 $0x7C, s14;
	s2 =	sand.u32 $0x7E, s0;
	v26 =	vshll.u32 v36, $0x7;
	v20 =	vbroadcast v20, $0x0;
	v25 =	vshll.u32 v35, $0x7  }
0x24b: {  	s3 =	sand.u32 $0x7E, s8;
	s21 =	sand.u32 $0x7C, s21;
	s26 =	sand.u32 $0x7D, s26;
	v35 =	vshll.u32 v37, $0x7;
	v16 =	vadd.f32 v16, v17;
	v17 =	vadd.f32 v18, v19  }
0x24c: {  	s8 =	sand.u32 $0x7F, s19;
	v14 =	vadd.s32 v0, v14;
	s9 =	sand.u32 $0x7D, s22;
	s22 =	simm.s32 $0xEC00;
	v18 =	vshll.u32 v38, $0x7;
	v19 =	vor.u32 v1, v20  }
0x24d: {  	v15 =	vadd.s32 v0, v15;
	s11 =	sand.u32 $0x7C, s24;
	s0 =	smov.u32 s25;
	s25 =	smov.u32 s6;
	v20 =	vadd.s32 v0, v27;
	v16 =	vadd.f32 v17, v16  }
0x24e: {  	v27 =	vadd.s32 v0, v29;
	v17 =	vadd.s32 v0, v28;
	v28 =	vadd.s32 v0, v30  }
0x24f: {  	v29 =	vadd.s32 v0, v31;
	v30 =	vadd.s32 v0, v32;
	v16 =	vmul.f32 $1.428571490e-01, v16  }
0x250: {  	v25 =	vadd.s32 v0, v25;
	v31 =	vadd.s32 v0, v33;
	v32 =	vadd.s32 v0, v34  }
0x251: {  	v26 =	vadd.s32 v0, v26;
	v33 =	vmov s31;
	v34 =	vadd.s32 v0, v35;
	[tilespmem:v19+s22+$0x0] =	vst.idx.msk $0xffff, v16  }
0x252: {  	v18 =	vadd.s32 v0, v18;
	v16 =	vmov s12;
	s12 =	simm.s32 $0xAC00;
	v19 =	vmov s17  }
0x253: {  	v36 =	vor.u32 s5, v14;
	v37 =	vor.u32 s4, v14;
	v35 =	vor.u32 s29, v14  }
0x254: {  	v15 =	vor.u32 s23, v15;
	v38 =	vor.u32 s13, v20;
	v14 =	vor.u32 s1, v14  }
0x255: {  	v27 =	vor.u32 s18, v27;
	v39 =	vor.u32 s15, v17;
	v28 =	vor.u32 s20, v28  }
0x256: {  	v29 =	vor.u32 s2, v29;
	v31 =	vor.u32 s14, v31;
	v30 =	vor.u32 s28, v30  }
0x257: {  	v25 =	vor.u32 s21, v25;
	v40 =	vor.u32 s10, v32;
	v32 =	vor.u32 s7, v32  }
0x258: {  	v26 =	vor.u32 s26, v26;
	v18 =	vor.u32 s8, v18;
	v34 =	vor.u32 s30, v34;
	v35 =	vld.idx.msk [tilespmem:v35+s12+$0x0], $0xffff  }
0x259: {  	v17 =	vshll.u32 v33, $0x7;
	v16 =	vshll.u32 v16, $0x7;
	v19 =	vshll.u32 v19, $0x7;
	v36 =	vld.idx.msk [tilespmem:v36+s12+$0x0], $0xffff  }
0x25a: {  	v17 =	vadd.s32 v0, v17;
	v16 =	vadd.s32 v0, v16;
	v33 =	vld.idx.msk [tilespmem:v37+s12+$0x0], $0xffff;
	v37 =	vadd.s32 v0, v19  }
0x25b: {  	v20 =	vor.u32 s3, v17;
	v19 =	vor.u32 s9, v16;
	v14 =	vld.idx.msk [tilespmem:v14+s12+$0x0], $0xffff;
	v17 =	vor.u32 s11, v37  }
0x25c: {  	v5 =	vand.u32 $0x7E, v5;
	v8 =	vadd.f32 v9, v8;
	v9 =	vadd.f32 v21, v10;
	v15 =	vld.idx.msk [tilespmem:v15+s12+$0x0], $0xffff  }
0x25d: {  	v7 =	vbroadcast v7, $0x0;
	v6 =	vadd.f32 v11, v6;
	v4 =	vadd.f32 v22, v4;
	v10 =	vld.idx.msk [tilespmem:v38+s12+$0x0], $0xffff  }
0x25e: {  	v5 =	vbroadcast v5, $0x0;
	v8 =	vadd.f32 v8, v13;
	v12 =	vadd.f32 v23, v12;
	v16 =	vld.idx.msk [tilespmem:v39+s12+$0x0], $0xffff  }
0x25f: {  	v3 =	vor.u32 v1, v3;
	v9 =	vadd.f32 v24, v9;
	v21 =	vadd.f32 v36, v35;
	v22 =	vld.idx.msk [tilespmem:v27+s12+$0x0], $0xffff  }
0x260: {  	v7 =	vor.u32 v1, v7;
	v2 =	vadd.f32 v4, v2;
	v4 =	vadd.f32 v12, v6;
	v11 =	vld.idx.msk [tilespmem:v28+s12+$0x0], $0xffff  }
0x261: {  	s16 =	sadd.s32 $0x1C, s16;
	v8 =	vadd.f32 v9, v8;
	v9 =	vor.u32 v1, v5;
	v6 =	vadd.f32 v14, v33;
	v13 =	vld.idx.msk [tilespmem:v29+s12+$0x0], $0xffff  }
0x262: {  	v23 =	vmul.f32 $1.428571490e-01, v2;
	v5 =	vmov s0;
	v24 =	vmul.f32 $1.428571490e-01, v4;
	s5 =	sadd.s32 $0xFFFFFFFB, s16;
	s1 =	sadd.s32 $0x1, s0;
	s0 =	sadd.s32 $0x2, s0;
	v12 =	vld.idx.msk [tilespmem:v30+s12+$0x0], $0xffff  }
0x263: {  	s13 =	sadd.s32 $0xFFFFFFEA, s16;
	s2 =	sadd.s32 $0xFFFFFFFA, s16;
	s7 =	sadd.s32 $0xFFFFFFE9, s16;
	v2 =	vadd.f32 v6, v21;
	v4 =	vadd.f32 v10, v15;
	v10 =	vmul.f32 $1.428571490e-01, v8;
	v14 =	vld.idx.msk [tilespmem:v31+s12+$0x0], $0xffff  }
.Ltmp9:
0x264: {  	s4 =	sshrl.u32 s2, $0x7;
	s15 =	sadd.s32 $0xFFFFFFEC, s16;
	v6 =	vand.u32 $0x7C, v5;
	v8 =	vmov s1;
	v5 =	vmov s0;
	v15 =	vld.idx.msk [tilespmem:v40+s12+$0x0], $0xffff;
	[tilespmem:v3+s22+$0x0] =	vst.idx.msk $0xffff, v23;
	(pc) =	sbr.rel @p0 .LBB2_11-.Ltmp9, $4  }
0x265: {  	s3 =	sadd.s32 $0xFFFFFFED, s16;
	s9 =	sadd.s32 $0xFFFFFFFD, s16;
	v21 =	vmov s4;
	s0 =	sshrl.u32 s5, $0x7;
	v3 =	vbroadcast v6, $0x0;
	v6 =	vadd.f32 v22, v16;
	v16 =	vld.idx.msk [tilespmem:v32+s12+$0x0], $0xffff;
	[tilespmem:v7+s22+$0x0] =	vst.idx.msk $0xffff, v24  }
0x266: {  	s20 =	sadd.s32 $0xFFFFFFEE, s16;
	s1 =	sadd.s32 $0xFFFFFFFE, s16;
	v21 =	vshll.u32 v21, $0x7;
	v23 =	vmov s0;
	s0 =	sshrl.u32 s9, $0x7;
	v7 =	vand.u32 $0x7D, v8;
	v8 =	vld.idx.msk [tilespmem:v25+s12+$0x0], $0xffff;
	[tilespmem:v9+s22+$0x0] =	vst.idx.msk $0xffff, v10  }
0x267: {  	s2 =	sand.u32 $0x7D, s2;
	s4 =	sadd.s32 $0xFFFFFFFF, s16;
	v22 =	vadd.s32 v0, v21;
	v21 =	vmov s0;
	s0 =	sshrl.u32 s1, $0x7;
	v10 =	vshll.u32 v23, $0x7;
	v9 =	vld.idx.msk [tilespmem:v26+s12+$0x0], $0xffff  }
0x268: {  	s6 =	sadd.s32 $0x4, s6;
	s5 =	sand.u32 $0x7E, s5;
	s10 =	sshrl.u32 s4, $0x7;
	v25 =	vor.u32 s2, v22;
	v23 =	vmov s0;
	v24 =	vadd.s32 v0, v10;
	v10 =	vld.idx.msk [tilespmem:v34+s12+$0x0], $0xffff  }
0x269: {  	v24 =	vor.u32 s5, v24;
	v21 =	vshll.u32 v21, $0x7;
	v26 =	vmov s10  }
0x26a: {  	s29 =	sadd.s32 $0xFFFFFFEF, s16;
	v23 =	vshll.u32 v23, $0x7;
	v11 =	vadd.f32 v13, v11;
	v12 =	vadd.f32 v14, v12  }
0x26b: {  	s0 =	sor.u32 $0x2, s2;
	s8 =	sand.u32 $0x7C, s9;
	s1 =	sand.u32 $0x7D, s1;
	v5 =	vand.u32 $0x7E, v5;
	v7 =	vbroadcast v7, $0x0;
	v3 =	vor.u32 v1, v3  }
0x26c: {  	s9 =	sshrl.u32 s16, $0x7;
	s23 =	sshrl.u32 s13, $0x7;
	s24 =	sshrl.u32 s15, $0x7;
	v22 =	vor.u32 s0, v22;
	v21 =	vadd.s32 v0, v21;
	v26 =	vshll.u32 v26, $0x7  }
0x26d: {  	s28 =	sshrl.u32 s3, $0x7;
	s30 =	sshrl.u32 s20, $0x7;
	s5 =	sadd.s32 $0x3, s25;
	v27 =	vmov s9;
	v23 =	vadd.s32 v0, v23;
	v30 =	vmov s23  }
0x26e: {  	s2 =	sand.u32 $0x7C, s3;
	s3 =	sand.u32 $0x7D, s20;
	s20 =	sadd.s32 $0x1, s25;
	v31 =	vmov s24;
	v32 =	vmov s28;
	v33 =	vmov s30  }
0x26f: {  	s11 =	sadd.s32 $0xFFFFFFF5, s16;
	s10 =	sand.u32 $0x7E, s4;
	s4 =	sadd.s32 $0xFFFFFFE5, s16;
	v42 =	vmov s5;
	v57 =	vmov s20;
	v59 =	vadd.f32 v16, v15  }
0x270: {  	s14 =	sadd.s32 $0xFFFFFFF6, s16;
	s6 =	sadd.s32 $0xFFFFFFF7, s16;
	s17 =	sshrl.u32 s4, $0x7;
	v5 =	vbroadcast v5, $0x0;
	v21 =	vor.u32 s8, v21;
	v26 =	vadd.s32 v0, v26  }
0x271: {  	s31 =	sshrl.u32 s29, $0x7;
	s23 =	sshrl.u32 s11, $0x7;
	s24 =	sshrl.u32 s14, $0x7;
	v27 =	vshll.u32 v27, $0x7;
	v23 =	vor.u32 s1, v23;
	v28 =	vmov s17  }
0x272: {  	s28 =	sshrl.u32 s6, $0x7;
	v34 =	vmov s31;
	v38 =	vmov s23;
	v39 =	vmov s24  }
0x273: {  	v40 =	vmov s28;
	v30 =	vshll.u32 v30, $0x7;
	v31 =	vshll.u32 v31, $0x7  }
0x274: {  	s26 =	sadd.s32 $0xFFFFFFF1, s16;
	v18 =	vld.idx.msk [tilespmem:v18+s12+$0x0], $0xffff;
	v32 =	vshll.u32 v32, $0x7;
	v33 =	vshll.u32 v33, $0x7;
	v60 =	vand.u32 $0x7F, v42  }
0x275: {  	v20 =	vld.idx.msk [tilespmem:v20+s12+$0x0], $0xffff;
	s0 =	sadd.s32 $0xFFFFFFF8, s16;
	s8 =	sshrl.u32 s7, $0x7;
	s17 =	sshrl.u32 s26, $0x7;
	v6 =	vadd.f32 v11, v6;
	v7 =	vor.u32 v1, v7;
	v26 =	vor.u32 s10, v26  }
0x276: {  	v19 =	vld.idx.msk [tilespmem:v19+s12+$0x0], $0xffff;
	s30 =	sshrl.u32 s0, $0x7;
	v27 =	vadd.s32 v0, v27;
	v29 =	vmov s8;
	v36 =	vmov s17  }
0x277: {  	v17 =	vld.idx.msk [tilespmem:v17+s12+$0x0], $0xffff;
	v41 =	vmov s30;
	v28 =	vshll.u32 v28, $0x7;
	v30 =	vadd.s32 v0, v30  }
0x278: {  	s18 =	sand.u32 $0x7F, s16;
	v25 =	vld.idx.msk [tilespmem:v25+s12+$0x0], $0xffff;
	v31 =	vadd.s32 v0, v31;
	v34 =	vshll.u32 v34, $0x7;
	v32 =	vadd.s32 v0, v32  }
0x279: {  	v33 =	vadd.s32 v0, v33;
	v38 =	vshll.u32 v38, $0x7;
	v27 =	vor.u32 s18, v27;
	v24 =	vld.idx.msk [tilespmem:v24+s12+$0x0], $0xffff  }
0x27a: {  	v39 =	vshll.u32 v39, $0x7;
	v40 =	vshll.u32 v40, $0x7;
	v32 =	vor.u32 s2, v32;
	v22 =	vld.idx.msk [tilespmem:v22+s12+$0x0], $0xffff  }
0x27b: {  	s21 =	sadd.s32 $0xFFFFFFF0, s16;
	s9 =	sadd.s32 $0xFFFFFFF2, s16;
	s4 =	sand.u32 $0x7C, s4;
	v8 =	vadd.f32 v9, v8;
	v28 =	vadd.s32 v0, v28;
	v33 =	vor.u32 s3, v33;
	v21 =	vld.idx.msk [tilespmem:v21+s12+$0x0], $0xffff  }
0x27c: {  	s23 =	sor.u32 $0x2, s4;
	s10 =	sshrl.u32 s21, $0x7;
	s8 =	sshrl.u32 s9, $0x7;
	v62 =	vbroadcast v60, $0x0;
	v5 =	vor.u32 v1, v5;
	v48 =	vor.u32 s4, v28;
	v23 =	vld.idx.msk [tilespmem:v23+s12+$0x0], $0xffff  }
0x27d: {  	s19 =	sadd.s32 $0xFFFFFFF3, s16;
	s30 =	sand.u32 $0x7D, s13;
	v35 =	vmov s10;
	v44 =	vmov s8;
	v47 =	vor.u32 s23, v28;
	v26 =	vld.idx.msk [tilespmem:v26+s12+$0x0], $0xffff  }
0x27e: {  	s13 =	sand.u32 $0x7C, s11;
	s18 =	sshrl.u32 s19, $0x7;
	v29 =	vshll.u32 v29, $0x7;
	v30 =	vor.u32 s30, v30;
	v38 =	vadd.s32 v0, v38;
	v27 =	vld.idx.msk [tilespmem:v27+s12+$0x0], $0xffff  }
0x27f: {  	v34 =	vadd.s32 v0, v34;
	v37 =	vmov s18;
	s18 =	sor.u32 $0x1, s4;
	v38 =	vor.u32 s13, v38;
	v54 =	vld.idx.msk [tilespmem:v32+s12+$0x0], $0xffff  }
0x280: {  	s24 =	sor.u32 $0x3, s4;
	v36 =	vshll.u32 v36, $0x7;
	v39 =	vadd.s32 v0, v39;
	v46 =	vor.u32 s18, v28;
	v56 =	vld.idx.msk [tilespmem:v33+s12+$0x0], $0xffff  }
0x281: {  	s28 =	sand.u32 $0x7C, s7;
	v41 =	vshll.u32 v41, $0x7;
	v29 =	vadd.s32 v0, v29;
	v28 =	vor.u32 s24, v28;
	v48 =	vld.idx.msk [tilespmem:v48+s12+$0x0], $0xffff  }
0x282: {  	v40 =	vadd.s32 v0, v40;
	s4 =	sand.u32 $0x7E, s29;
	v35 =	vshll.u32 v35, $0x7;
	v29 =	vor.u32 s28, v29;
	v47 =	vld.idx.msk [tilespmem:v47+s12+$0x0], $0xffff  }
0x283: {  	s7 =	sand.u32 $0x7C, s26;
	s10 =	sadd.s32 $0xFFFFFFEB, s16;
	v36 =	vadd.s32 v0, v36;
	v34 =	vor.u32 s4, v34;
	v24 =	vadd.f32 v24, v25;
	v25 =	vld.idx.msk [tilespmem:v30+s12+$0x0], $0xffff  }
0x284: {  	s14 =	sand.u32 $0x7D, s14;
	s0 =	sand.u32 $0x7F, s0;
	s31 =	sshrl.u32 s10, $0x7;
	v41 =	vadd.s32 v0, v41;
	v51 =	vshll.u32 v44, $0x7;
	v36 =	vor.u32 s7, v36;
	v44 =	vld.idx.msk [tilespmem:v38+s12+$0x0], $0xffff  }
0x285: {  	v39 =	vor.u32 s14, v39;
	v43 =	vmov s31;
	s31 =	sand.u32 $0x7F, s15;
	v41 =	vor.u32 s0, v41;
	v46 =	vld.idx.msk [tilespmem:v46+s12+$0x0], $0xffff  }
0x286: {  	s5 =	sand.u32 $0x7F, s21;
	s16 =	sadd.s32 $0xFFFFFFF9, s16;
	v37 =	vshll.u32 v37, $0x7;
	v35 =	vadd.s32 v0, v35;
	v31 =	vor.u32 s31, v31;
	v28 =	vld.idx.msk [tilespmem:v28+s12+$0x0], $0xffff  }
0x287: {  	s8 =	sand.u32 $0x7E, s19;
	s17 =	sshrl.u32 s16, $0x7;
	v10 =	vadd.f32 v18, v10;
	v35 =	vor.u32 s5, v35;
	v37 =	vadd.s32 v0, v37;
	v29 =	vld.idx.msk [tilespmem:v29+s12+$0x0], $0xffff  }
0x288: {  	s1 =	sor.u32 $0x1, s8;
	v45 =	vmov s17;
	v43 =	vshll.u32 v43, $0x7;
	v49 =	vor.u32 s8, v37;
	v58 =	vld.idx.msk [tilespmem:v34+s12+$0x0], $0xffff  }
0x289: {  	s17 =	sand.u32 $0x7E, s10;
	v52 =	vshll.u32 v45, $0x7;
	v37 =	vor.u32 s1, v37;
	v43 =	vadd.s32 v0, v43;
	v63 =	vld.idx.msk [tilespmem:v36+s12+$0x0], $0xffff  }
0x28a: {  	s19 =	sand.u32 $0x7C, s16;
	v4 =	vadd.f32 v20, v4;
	v53 =	vadd.s32 v0, v52;
	v43 =	vor.u32 s17, v43;
	v50 =	vld.idx.msk [tilespmem:v41+s12+$0x0], $0xffff  }
0x28b: {  	v9 =	vor.u32 v1, v62;
	v8 =	vadd.f32 v8, v59;
	s15 =	sand.u32 $0x7E, s6;
	v55 =	vor.u32 s19, v53;
	v31 =	vld.idx.msk [tilespmem:v31+s12+$0x0], $0xffff  }
0x28c: {  	v40 =	vor.u32 s15, v40;
	v10 =	vadd.f32 v17, v10;
	v2 =	vadd.f32 v4, v2;
	v61 =	vld.idx.msk [tilespmem:v35+s12+$0x0], $0xffff  }
0x28d: {  	s18 =	sand.u32 $0x7D, s9;
	v33 =	vmov s25;
	v21 =	vadd.f32 v21, v22;
	v22 =	vadd.s32 v0, v51;
	v34 =	vld.idx.msk [tilespmem:v49+s12+$0x0], $0xffff  }
0x28e: {  	v8 =	vadd.f32 v10, v8;
	v36 =	vadd.f32 v19, v12;
	v22 =	vor.u32 s18, v22;
	v37 =	vld.idx.msk [tilespmem:v37+s12+$0x0], $0xffff  }
0x28f: {  	v2 =	vmul.f32 $1.428571490e-01, v2;
	v18 =	vand.u32 $0x7C, v33;
	v23 =	vadd.f32 v26, v23;
	v51 =	vld.idx.msk [tilespmem:v43+s12+$0x0], $0xffff  }
0x290: {  	v18 =	vbroadcast v18, $0x0;
	v6 =	vadd.f32 v36, v6;
	v21 =	vadd.f32 v21, v24;
	v13 =	vld.idx.msk [tilespmem:v55+s12+$0x0], $0xffff  }
0x291: {  	s21 =	sadd.s32 $0x2, s25;
	v8 =	vmul.f32 $1.428571490e-01, v8;
	v23 =	vadd.f32 v27, v23;
	v45 =	vadd.f32 v46, v48;
	v46 =	vld.idx.msk [tilespmem:v39+s12+$0x0], $0xffff  }
0x292: {  	v35 =	vmov s21;
	v48 =	vld.idx.msk [tilespmem:v40+s12+$0x0], $0xffff;
	v49 =	vadd.f32 v28, v47;
	v53 =	vadd.f32 v25, v29  }
0x293: {  	v55 =	vand.u32 $0x7D, v57;
	v24 =	vadd.f32 v58, v56;
	v21 =	vadd.f32 v23, v21;
	v52 =	vld.idx.msk [tilespmem:v22+s12+$0x0], $0xffff  }
0x294: {  	v57 =	vand.u32 $0x7E, v35;
	v54 =	vadd.f32 v54, v31;
	v15 =	vadd.f32 v63, v61  }
0x295: {  	v6 =	vmul.f32 $1.428571490e-01, v6;
	v11 =	vadd.f32 v49, v45;
	v12 =	vadd.f32 v37, v34  }
0x296: {  	v16 =	vbroadcast v55, $0x0;
	v10 =	vadd.f32 v51, v53;
	v58 =	vadd.f32 v24, v54  }
0x297: {  	[tilespmem:v3+s22+$0x0] =	vst.idx.msk $0xffff, v2;
	v60 =	vbroadcast v57, $0x0;
	v56 =	vadd.f32 v46, v44;
	v4 =	vadd.f32 v50, v48  }
0x298: {  	v61 =	vor.u32 v1, v18;
	v10 =	vadd.f32 v10, v11;
	v14 =	vadd.f32 v52, v15  }
0x299: {  	v62 =	vor.u32 v1, v16;
	v59 =	vadd.f32 v56, v12;
	v4 =	vadd.f32 v13, v4  }
0x29a: {  	[tilespmem:v5+s22+$0x0] =	vst.idx.msk $0xffff, v8;
	v3 =	vor.u32 v1, v60;
	v42 =	vmul.f32 $1.428571490e-01, v21;
	v2 =	vadd.f32 v14, v58  }
0x29b: {  	[tilespmem:v7+s22+$0x0] =	vst.idx.msk $0xffff, v6;
	v63 =	vmul.f32 $1.428571490e-01, v10;
	v4 =	vadd.f32 v4, v59  }
0x29c: {  	[tilespmem:v9+s22+$0x0] =	vst.idx.msk $0xffff, v42;
	v2 =	vmul.f32 $1.428571490e-01, v2  }
0x29d: {  	[tilespmem:v61+s22+$0x0] =	vst.idx.msk $0xffff, v63;
	v4 =	vmul.f32 $1.428571490e-01, v4  }
0x29e: {  	[tilespmem:v62+s22+$0x0] =	vst.idx.msk $0xffff, v2  }
0x29f: {  	[tilespmem:v3+s22+$0x0] =	vst.idx.msk $0xffff, v4  }
0x2a0: {  	s23 =	rddreg [dreg:$0xb]  }
0x2a1: {  	s24 =	rddreg [dreg:$0x18]  }
0x2a2: {  	s26 =	simm.s32 $0x4;
	s25 =	simm.s32 $0x0;
	s0 =	sadd.s32 s24, s23  }
0x2a3: {  	[hbm4b:s0+s25] =	stream.linear.scatter [tilespmem:s22], [sflag:$0xA], $0x800, $0x38;
	[tilespmem:$0xF400] =	vst v63  }
0x2a4: {  	_ =	swait.ge [sflag:s26], $0x100  }
0x2a5: {  	s30 =	simm.s32 $0x300;
	[sflag:s26] =	ssyncset.done $0x0;
	s8 =	rddreg [dreg:$0x13]  }
0x2a6: {  	s29 =	simm.s32 $0x7400;
	[sflag:s26] =	ssyncadd.s32 $0xFFFFFF00;
	p0 =	seq.s32 s8, $0x9  }
.Ltmp10:
0x2a7: {  	s28 =	simm.s32 $0x70;
	s0 =	rddreg [dreg:$0x0];
	(pc) =	sbr.rel @p0 .LBB2_15-.Ltmp10, $4  }
0x2a8: {  	[tilespmem:s29], [sflag:$0x7] =	stream.indirect.gather [hbm4b:s0+s28], $0x80, s30, s28, $0xb8;
	[tilespmem:$0xF400] =	vst v63  }
0x2a9: {  	s14 =	simm.s32 $0xE400;
	s31 =	simm.s32 $0x380;
	s17 =	simm.s32 $0x3C00  }
0x2aa: {  	[tilespmem:s12], [sflag:$0x8] =	stream.indirect.gather [hbm4b:s0+s28], $0x80, s31, s28, $0xb8;
	[tilespmem:$0xF400] =	vst v63  }
0x2ab: {  	s3 =	rddreg [dreg:$0x15];
	s0 =	simm.s32 $0x26;
	s12 =	simm.s32 $0x400  }
0x2ac: {  	s0 =	rddreg [dreg:$0xe]  }
0x2ad: {  	s1 =	rddreg [dreg:$0x14]  }
0x2ae: {  	s0 =	sadd.s32 s1, s0  }
0x2af: {  	s0 =	sshll.u32 s0, $0x4  }
0x2b0: {  	s30 =	rddreg [dreg:$0x1];
	s0 =	sand.u32 $0xFFFFFE0, s0  }
0x2b1: {  	s31 =	simm.s32 $0x0;
	s2 =	simm.s32 $0x100;
	s0 =	sadd.s32 s30, s0  }
0x2b2: {  	[tilespmem:s2], [sflag:$0x2] =	stream.linear.gather [hbm4b:s0+s31], $0x100, $0x38;
	[tilespmem:$0xF400] =	vst v63  }
.LBB2_14:
0x2b3: {  	s0 =	sor.u32 $0x2, s3  }
0x2b4: {  	p0 =	sgt.u32 s0, $0x28  }
.Ltmp11:
0x2b5: {  	_ = 	snop;
	(pc) =	sbr.rel @p0 .LBB2_20-.Ltmp11, $1  }
0x2b6: {  	_ =	sdelay $0x3  }
.LBB2_15:
0x2b7: {  	[dreg:$0x16] =	wrdreg s0;
	s20 =	simm.s32 $0x0  }
0x2b8: {  	s3 =	simm.s32 $0x5;
	s21 =	simm.s32 $0x0;
	s1 =	simm.s32 $0x15  }
0x2b9: {  	s22 =	simm.s32 $0x0;
	s23 =	simm.s32 $0x0;
	s24 =	simm.s32 $0x0;
	v2 =	vmov s20;
	v3 =	vmov s21  }
0x2ba: {  	s30 =	simm.s32 $0x0;
	s5 =	simm.s32 $0x0;
	s6 =	simm.s32 $0x0;
	v4 =	vmov s22;
	v6 =	vmov s23;
	v7 =	vmov s24  }
0x2bb: {  	s7 =	simm.s32 $0x0;
	s8 =	simm.s32 $0x0;
	s9 =	simm.s32 $0x0;
	v8 =	vmov s30;
	v11 =	vmov s5;
	v12 =	vmov s6  }
0x2bc: {  	s2 =	simm.s32 $0x16;
	s10 =	simm.s32 $0x0;
	s11 =	simm.s32 $0x0;
	v13 =	vmov s7;
	v14 =	vmov s8;
	v15 =	vmov s9  }
0x2bd: {  	s4 =	simm.s32 $0x9;
	s25 =	simm.s32 $0x18;
	s13 =	simm.s32 $0x0;
	v16 =	vmov s10;
	v17 =	vmov s11;
	v2 =	vshll.u32 v2, $0x7  }
0x2be: {  	s26 =	simm.s32 $0x19;
	_ =	swait.ge [sflag:s3], $0x3800;
	s1 =	sand.u32 $0x7D, s1;
	v18 =	vmov s13;
	v3 =	vshll.u32 v3, $0x7;
	v2 =	vadd.s32 v0, v2  }
0x2bf: {  	s29 =	simm.s32 $0x1A;
	s2 =	sand.u32 $0x7E, s2;
	[sflag:s3] =	ssyncset.done $0x0;
	v4 =	vshll.u32 v4, $0x7;
	v3 =	vadd.s32 v0, v3;
	v5 =	vor.u32 s1, v2  }
0x2c0: {  	s15 =	simm.s32 $0x0;
	s28 =	sand.u32 $0x7C, s25;
	v6 =	vshll.u32 v6, $0x7;
	[sflag:s3] =	ssyncadd.s32 $0xFFFFC800;
	v4 =	vadd.s32 v0, v4;
	v3 =	vor.u32 s2, v3  }
0x2c1: {  	s16 =	simm.s32 $0x0;
	s0 =	sand.u32 $0x7D, s26;
	v7 =	vshll.u32 v7, $0x7;
	v6 =	vadd.s32 v0, v6;
	_ =	swait.ge [sflag:s4], $0x800;
	v4 =	vor.u32 s28, v4  }
0x2c2: {  	s17 =	simm.s32 $0x0;
	s31 =	sand.u32 $0x7E, s29;
	v19 =	vmov s15;
	v7 =	vadd.s32 v0, v7;
	v6 =	vor.u32 s0, v6;
	[sflag:s4] =	ssyncset.done $0x0  }
0x2c3: {  	s18 =	simm.s32 $0x0;
	v20 =	vmov s16;
	v21 =	vmov s17;
	s1 =	sor.u32 $0x2, s1;
	v7 =	vor.u32 s31, v7;
	[sflag:s4] =	ssyncadd.s32 $0xFFFFF800  }
0x2c4: {  	v22 =	vmov s18;
	v8 =	vshll.u32 v8, $0x7;
	v2 =	vor.u32 s1, v2;
	v5 =	vld.idx.msk [tilespmem:v5+s12+$0x0], $0xffff  }
0x2c5: {  	v11 =	vshll.u32 v11, $0x7;
	v12 =	vshll.u32 v12, $0x7;
	v13 =	vshll.u32 v13, $0x7;
	s2 =	simm.s32 $0x1B;
	v3 =	vld.idx.msk [tilespmem:v3+s12+$0x0], $0xffff  }
0x2c6: {  	v14 =	vshll.u32 v14, $0x7;
	v15 =	vshll.u32 v15, $0x7;
	v8 =	vadd.s32 v0, v8;
	s1 =	sand.u32 $0x7F, s2;
	v4 =	vld.idx.msk [tilespmem:v4+s12+$0x0], $0xffff  }
0x2c7: {  	v16 =	vshll.u32 v16, $0x7;
	v17 =	vshll.u32 v17, $0x7;
	v8 =	vor.u32 s1, v8;
	v6 =	vld.idx.msk [tilespmem:v6+s12+$0x0], $0xffff  }
0x2c8: {  	s23 =	simm.s32 $0x5;
	s6 =	simm.s32 $0x9;
	v18 =	vshll.u32 v18, $0x7;
	v11 =	vadd.s32 v0, v11;
	v12 =	vadd.s32 v0, v12;
	v7 =	vld.idx.msk [tilespmem:v7+s12+$0x0], $0xffff  }
0x2c9: {  	s7 =	simm.s32 $0xB;
	s6 =	sand.u32 $0x7D, s6;
	s3 =	simm.s32 $0x0;
	v13 =	vadd.s32 v0, v13;
	v14 =	vadd.s32 v0, v14;
	v15 =	vadd.s32 v0, v15;
	v2 =	vld.idx.msk [tilespmem:v2+s12+$0x0], $0xffff  }
0x2ca: {  	s25 =	simm.s32 $0x8;
	s7 =	sand.u32 $0x7F, s7;
	v16 =	vadd.s32 v0, v16;
	v9 =	vmov s3;
	v14 =	vor.u32 s6, v14;
	s4 =	simm.s32 $0x0  }
0x2cb: {  	s24 =	simm.s32 $0x7;
	s3 =	sand.u32 $0x7D, s23;
	v16 =	vor.u32 s7, v16;
	v9 =	vshll.u32 v9, $0x7;
	s2 =	sand.u32 $0x7C, s25;
	v10 =	vmov s4  }
0x2cc: {  	s19 =	simm.s32 $0x3;
	v11 =	vor.u32 s3, v11;
	v13 =	vor.u32 s2, v13;
	s4 =	sand.u32 $0x7F, s24;
	v23 =	vshll.u32 v10, $0x7;
	v8 =	vld.idx.msk [tilespmem:v8+s12+$0x0], $0xffff  }
0x2cd: {  	v12 =	vor.u32 s4, v12;
	v3 =	vadd.f32 v3, v5;
	v5 =	vmov s19  }
0x2ce: {  	v2 =	vadd.f32 v4, v2;
	v4 =	vadd.f32 v7, v6;
	v5 =	vand.u32 $0x7F, v5  }
0x2cf: {  	s31 =	simm.s32 $0x0;
	v6 =	vshll.u32 v19, $0x7;
	v7 =	vshll.u32 v20, $0x7;
	v19 =	vshll.u32 v21, $0x7  }
0x2d0: {  	s20 =	simm.s32 $0x0;
	v21 =	vmov s31;
	v5 =	vbroadcast v5, $0x0;
	v6 =	vadd.s32 v0, v6  }
0x2d1: {  	s0 =	sand.u32 $0x7C, s20;
	v2 =	vadd.f32 v2, v3;
	v3 =	vadd.f32 v8, v4;
	v4 =	vadd.s32 v0, v9  }
0x2d2: {  	s21 =	simm.s32 $0x4;
	s26 =	simm.s32 $0xA;
	s5 =	sor.u32 $0x2, s0;
	v7 =	vadd.s32 v0, v7;
	v8 =	vshll.u32 v22, $0x7;
	v9 =	vor.u32 s0, v4  }
0x2d3: {  	s29 =	simm.s32 $0x10;
	s22 =	sor.u32 $0x1, s0;
	v16 =	vld.idx.msk [tilespmem:v16+s12+$0x0], $0xffff;
	v10 =	vor.u32 v1, v5;
	s0 =	sor.u32 $0x3, s0;
	v20 =	vor.u32 s5, v4;
	v2 =	vadd.f32 v3, v2  }
0x2d4: {  	s30 =	simm.s32 $0x11;
	s1 =	sand.u32 $0x7C, s21;
	v28 =	vld.idx.msk [tilespmem:v11+s12+$0x0], $0xffff;
	v5 =	vadd.s32 v0, v23;
	s5 =	sand.u32 $0x7E, s26;
	v3 =	vor.u32 s22, v4;
	v4 =	vor.u32 s0, v4  }
0x2d5: {  	s10 =	simm.s32 $0x12;
	s15 =	sand.u32 $0x7D, s30;
	v24 =	vor.u32 s5, v15;
	v15 =	vld.idx.msk [tilespmem:v14+s12+$0x0], $0xffff;
	v22 =	vmul.f32 $1.428571490e-01, v2;
	v2 =	vor.u32 s1, v5;
	s1 =	sand.u32 $0x7C, s29  }
0x2d6: {  	s8 =	simm.s32 $0xE;
	s16 =	sand.u32 $0x7E, s10;
	v19 =	vadd.s32 v0, v19;
	v30 =	vor.u32 s15, v7;
	v29 =	vor.u32 s1, v6;
	v6 =	vld.idx.msk [tilespmem:v12+s12+$0x0], $0xffff  }
0x2d7: {  	s9 =	simm.s32 $0x0;
	s11 =	simm.s32 $0x13;
	s28 =	simm.s32 $0xC;
	v31 =	vor.u32 s16, v19;
	v7 =	vshll.u32 v21, $0x7;
	v8 =	vadd.s32 v0, v8;
	v9 =	vld.idx.msk [tilespmem:v9+s12+$0x0], $0xffff  }
0x2d8: {  	s8 =	sand.u32 $0x7E, s8;
	s0 =	sand.u32 $0x7C, s28;
	v5 =	vadd.s32 v0, v17;
	v17 =	vadd.s32 v0, v18;
	v18 =	vmov s9;
	s9 =	simm.s32 $0x0;
	v20 =	vld.idx.msk [tilespmem:v20+s12+$0x0], $0xffff  }
0x2d9: {  	s17 =	sand.u32 $0x7F, s11;
	s13 =	sor.u32 $0x1, s8;
	s20 =	simm.s32 $0xD;
	v7 =	vadd.s32 v0, v7;
	v23 =	vmov s9;
	v5 =	vor.u32 s0, v5;
	v3 =	vld.idx.msk [tilespmem:v3+s12+$0x0], $0xffff  }
0x2da: {  	s18 =	simm.s32 $0x0;
	s2 =	sand.u32 $0x7D, s20;
	s29 =	simm.s32 $0x0;
	v26 =	vor.u32 s8, v17;
	v27 =	vor.u32 s13, v17;
	v12 =	vor.u32 s17, v8;
	v4 =	vld.idx.msk [tilespmem:v4+s12+$0x0], $0xffff  }
0x2db: {  	s30 =	simm.s32 $0x0;
	v8 =	vld.idx.msk [tilespmem:v13+s12+$0x0], $0xffff;
	v13 =	vor.u32 s2, v7;
	v7 =	vmov s18;
	v19 =	vmov s29  }
0x2dc: {  	s10 =	simm.s32 $0x0;
	s21 =	simm.s32 $0x14;
	s31 =	simm.s32 $0x0;
	v11 =	vshll.u32 v23, $0x7;
	v23 =	vshll.u32 v19, $0x7;
	v19 =	vmov s30;
	v25 =	vld.idx.msk [tilespmem:v2+s12+$0x0], $0xffff  }
0x2dd: {  	s23 =	simm.s32 $0x2;
	s7 =	simm.s32 $0x25;
	s3 =	sand.u32 $0x7C, s21;
	[tilespmem:v10+s14+$0x0] =	vst.idx.msk $0xffff, v22;
	v22 =	vmov s31;
	v10 =	vld.idx.msk [tilespmem:v31+s12+$0x0], $0xffff;
	v11 =	vadd.s32 v0, v11;
	v2 =	vshll.u32 v18, $0x7  }
0x2de: {  	s6 =	simm.s32 $0x8;
	s25 =	simm.s32 $0x4;
	s19 =	simm.s32 $0x6;
	v17 =	vld.idx.msk [tilespmem:v24+s12+$0x0], $0xffff;
	v23 =	vadd.s32 v0, v23;
	v11 =	vor.u32 s3, v11;
	v2 =	vadd.s32 v0, v2  }
0x2df: {  	s20 =	simm.s32 $0x24;
	s26 =	simm.s32 $0x0;
	s0 =	sand.u32 $0x7E, s19;
	v18 =	vld.idx.msk [tilespmem:v5+s12+$0x0], $0xffff;
	v5 =	vmov s23;
	v3 =	vadd.f32 v3, v9;
	v4 =	vadd.f32 v4, v20  }
0x2e0: {  	s24 =	simm.s32 $0x31;
	s16 =	simm.s32 $0x37;
	s15 =	simm.s32 $0x21;
	v21 =	vld.idx.msk [tilespmem:v26+s12+$0x0], $0xffff;
	v6 =	vadd.f32 v8, v6;
	v14 =	vor.u32 s0, v2;
	v9 =	vmov s26  }
0x2e1: {  	s22 =	simm.s32 $0x1;
	s28 =	simm.s32 $0x32;
	s5 =	simm.s32 $0x35;
	v24 =	vld.idx.msk [tilespmem:v27+s12+$0x0], $0xffff;
	v9 =	vshll.u32 v9, $0x7;
	v2 =	vadd.f32 v4, v3;
	v3 =	vadd.f32 v28, v25  }
0x2e2: {  	s4 =	sand.u32 $0x7E, s28;
	s13 =	simm.s32 $0x23;
	s2 =	sand.u32 $0x7D, s24;
	v8 =	vld.idx.msk [tilespmem:v29+s12+$0x0], $0xffff;
	v4 =	vand.u32 $0x7C, v7;
	v7 =	vmov s22;
	v20 =	vadd.s32 v0, v9  }
0x2e3: {  	s9 =	simm.s32 $0x34;
	s1 =	simm.s32 $0x36;
	s3 =	simm.s32 $0x20;
	v9 =	vld.idx.msk [tilespmem:v30+s12+$0x0], $0xffff;
	v4 =	vbroadcast v4, $0x0;
	v7 =	vand.u32 $0x7D, v7;
	v25 =	vor.u32 s2, v20  }
.LBB2_16:
0x2e4: {  	p0 =	slt.u32 s6, $0x7C  }
0x2e5: {  	s0 =	sadd.s32 $0xFFFFFFEF, s16;
	v26 =	vor.u32 s4, v23;
	s2 =	sor.u32 $0x2, s2;
	v23 =	vshll.u32 v19, $0x7;
	v27 =	vmov s10;
	v19 =	vld.idx.msk [tilespmem:v12+s12+$0x0], $0xffff;
	s11 =	sadd.s32 $0xFFFFFFF0, s16  }
0x2e6: {  	s14 =	sadd.s32 $0xFFFFFFF1, s16;
	v22 =	vshll.u32 v22, $0x7;
	s10 =	sadd.s32 $0xFFFFFFF3, s16;
	v12 =	vor.u32 s2, v20;
	s2 =	sand.u32 $0x7C, s9;
	v23 =	vadd.s32 v0, v23;
	v20 =	vld.idx.msk [tilespmem:v14+s12+$0x0], $0xffff  }
0x2e7: {  	s4 =	sshrl.u32 s16, $0x7;
	s21 =	sadd.s32 $0xFFFFFFF5, s16;
	v27 =	vshll.u32 v27, $0x7;
	v14 =	vor.u32 s2, v23;
	s2 =	sand.u32 $0x7D, s5;
	v23 =	vadd.s32 v0, v22;
	v22 =	vld.idx.msk [tilespmem:v13+s12+$0x0], $0xffff  }
0x2e8: {  	s26 =	sadd.s32 $0xFFFFFFF6, s16;
	s1 =	sand.u32 $0x7E, s1;
	s19 =	sadd.s32 $0xFFFFFFF8, s16;
	v28 =	vmov s4;
	v27 =	vadd.s32 v0, v27;
	v13 =	vor.u32 s2, v23;
	v23 =	vld.idx.msk [tilespmem:v11+s12+$0x0], $0xffff  }
0x2e9: {  	v15 =	vadd.f32 v17, v15;
	s8 =	sshrl.u32 s20, $0x7;
	s9 =	sadd.s32 $0xFFFFFFF7, s16;
	s2 =	sadd.s32 $0xFFFFFFE5, s16;
	v11 =	vld.idx.msk [tilespmem:v25+s12+$0x0], $0xffff;
	v25 =	vor.u32 s1, v27;
	v27 =	vshll.u32 v28, $0x7  }
0x2ea: {  	v16 =	vadd.f32 v18, v16;
	s4 =	sshrl.u32 s3, $0x7;
	v17 =	vadd.f32 v24, v21;
	s5 =	sand.u32 $0x7F, s16;
	s1 =	sshrl.u32 s2, $0x7;
	v26 =	vld.idx.msk [tilespmem:v26+s12+$0x0], $0xffff;
	v27 =	vadd.s32 v0, v27  }
0x2eb: {  	s22 =	sadd.s32 $0xFFFFFFF2, s16;
	v21 =	vmov s4;
	s4 =	sshrl.u32 s13, $0x7;
	v18 =	vmov s1;
	s1 =	sshrl.u32 s15, $0x7;
	v12 =	vld.idx.msk [tilespmem:v12+s12+$0x0], $0xffff;
	v24 =	vor.u32 s5, v27  }
0x2ec: {  	v29 =	vmov s8;
	v28 =	vmov s4;
	s4 =	sshrl.u32 s0, $0x7;
	v27 =	vmov s1;
	s1 =	sshrl.u32 s7, $0x7;
	s5 =	sshrl.u32 s11, $0x7;
	v14 =	vld.idx.msk [tilespmem:v14+s12+$0x0], $0xffff  }
0x2ed: {  	v31 =	vmov s4;
	s4 =	sshrl.u32 s10, $0x7;
	v30 =	vmov s1;
	v32 =	vmov s5;
	s1 =	sshrl.u32 s14, $0x7;
	s5 =	sshrl.u32 s21, $0x7;
	v13 =	vld.idx.msk [tilespmem:v13+s12+$0x0], $0xffff  }
0x2ee: {  	v34 =	vmov s4;
	s4 =	sshrl.u32 s9, $0x7;
	v33 =	vmov s1;
	v35 =	vmov s5;
	s1 =	sshrl.u32 s26, $0x7;
	s5 =	sshrl.u32 s19, $0x7;
	v25 =	vld.idx.msk [tilespmem:v25+s12+$0x0], $0xffff  }
0x2ef: {  	s24 =	sadd.s32 $0xFFFFFFF9, s16;
	s8 =	sadd.s32 $0xFFFFFFEB, s16;
	v37 =	vmov s4;
	v36 =	vmov s1;
	v38 =	vmov s5;
	s1 =	simm.s32 $0x400  }
0x2f0: {  	s31 =	sshrl.u32 s8, $0x7;
	v21 =	vshll.u32 v21, $0x7;
	s29 =	sand.u32 $0x7C, s2;
	v18 =	vshll.u32 v18, $0x7;
	v27 =	vshll.u32 v27, $0x7;
	s12 =	sshrl.u32 s22, $0x7;
	v24 =	vld.idx.msk [tilespmem:v24+s1+$0x0], $0xffff  }
0x2f1: {  	s17 =	sshrl.u32 s24, $0x7;
	v29 =	vshll.u32 v29, $0x7;
	v28 =	vshll.u32 v28, $0x7;
	s10 =	sand.u32 $0x7E, s10;
	v30 =	vshll.u32 v30, $0x7;
	s5 =	sor.u32 $0x1, s29  }
0x2f2: {  	s2 =	sadd.s32 $0x3, s25;
	v31 =	vshll.u32 v31, $0x7;
	s4 =	sor.u32 $0x2, s29;
	v32 =	vshll.u32 v32, $0x7;
	v33 =	vshll.u32 v33, $0x7;
	s1 =	sor.u32 $0x3, s29  }
0x2f3: {  	s23 =	sand.u32 $0x7C, s3;
	s15 =	sand.u32 $0x7D, s15;
	s3 =	sor.u32 $0x1, s10;
	v34 =	vshll.u32 v34, $0x7;
	v11 =	vadd.f32 v26, v11;
	v26 =	vmov s2  }
0x2f4: {  	s20 =	sand.u32 $0x7C, s20;
	s18 =	sand.u32 $0x7D, s7;
	s13 =	sand.u32 $0x7F, s13;
	v12 =	vadd.f32 v14, v12;
	v14 =	vand.u32 $0x7F, v26;
	v13 =	vadd.f32 v25, v13  }
0x2f5: {  	s28 =	sand.u32 $0x7F, s11;
	s14 =	sand.u32 $0x7C, s14;
	s2 =	sand.u32 $0x7E, s0;
	v26 =	vshll.u32 v36, $0x7;
	v14 =	vbroadcast v14, $0x0;
	v25 =	vshll.u32 v35, $0x7  }
0x2f6: {  	s30 =	sand.u32 $0x7E, s9;
	s21 =	sand.u32 $0x7C, s21;
	s26 =	sand.u32 $0x7D, s26;
	v35 =	vshll.u32 v37, $0x7;
	v11 =	vadd.f32 v12, v11;
	v12 =	vadd.f32 v24, v13  }
0x2f7: {  	s7 =	sand.u32 $0x7E, s8;
	s9 =	sand.u32 $0x7D, s22;
	s8 =	sand.u32 $0x7F, s19;
	v14 =	vor.u32 v1, v14;
	v13 =	vadd.s32 v0, v18;
	v18 =	vshll.u32 v38, $0x7  }
0x2f8: {  	v21 =	vadd.s32 v0, v21;
	s11 =	sand.u32 $0x7C, s24;
	s0 =	smov.u32 s25;
	s25 =	smov.u32 s6;
	v24 =	vadd.s32 v0, v27;
	v11 =	vadd.f32 v12, v11  }
0x2f9: {  	v27 =	vadd.s32 v0, v29;
	v12 =	vadd.s32 v0, v28;
	v28 =	vadd.s32 v0, v30  }
0x2fa: {  	v29 =	vadd.s32 v0, v31;
	v30 =	vadd.s32 v0, v32;
	v11 =	vmul.f32 $1.428571490e-01, v11  }
0x2fb: {  	s19 =	simm.s32 $0xE400;
	v25 =	vadd.s32 v0, v25;
	v31 =	vadd.s32 v0, v33;
	v32 =	vadd.s32 v0, v34  }
0x2fc: {  	v26 =	vadd.s32 v0, v26;
	v33 =	vmov s31;
	v34 =	vadd.s32 v0, v35;
	[tilespmem:v14+s19+$0x0] =	vst.idx.msk $0xffff, v11  }
0x2fd: {  	v11 =	vmov s12;
	s12 =	simm.s32 $0x400;
	v14 =	vadd.s32 v0, v18;
	v18 =	vmov s17  }
0x2fe: {  	v36 =	vor.u32 s5, v13;
	v37 =	vor.u32 s4, v13;
	v35 =	vor.u32 s29, v13  }
0x2ff: {  	v21 =	vor.u32 s23, v21;
	v24 =	vor.u32 s15, v24;
	v13 =	vor.u32 s1, v13  }
0x300: {  	v27 =	vor.u32 s20, v27;
	v38 =	vor.u32 s13, v12;
	v28 =	vor.u32 s18, v28  }
0x301: {  	v29 =	vor.u32 s2, v29;
	v31 =	vor.u32 s14, v31;
	v30 =	vor.u32 s28, v30  }
0x302: {  	v25 =	vor.u32 s21, v25;
	v39 =	vor.u32 s10, v32;
	v32 =	vor.u32 s3, v32  }
0x303: {  	v26 =	vor.u32 s26, v26;
	v34 =	vor.u32 s30, v34;
	v12 =	vor.u32 s8, v14;
	v35 =	vld.idx.msk [tilespmem:v35+s12+$0x0], $0xffff  }
0x304: {  	v14 =	vshll.u32 v33, $0x7;
	v11 =	vshll.u32 v11, $0x7;
	v18 =	vshll.u32 v18, $0x7;
	v36 =	vld.idx.msk [tilespmem:v36+s12+$0x0], $0xffff  }
0x305: {  	v14 =	vadd.s32 v0, v14;
	v11 =	vadd.s32 v0, v11;
	v18 =	vadd.s32 v0, v18;
	v33 =	vld.idx.msk [tilespmem:v37+s12+$0x0], $0xffff  }
0x306: {  	v14 =	vor.u32 s7, v14;
	v37 =	vld.idx.msk [tilespmem:v13+s12+$0x0], $0xffff;
	v13 =	vor.u32 s9, v11;
	v11 =	vor.u32 s11, v18  }
0x307: {  	v5 =	vand.u32 $0x7E, v5;
	v8 =	vadd.f32 v9, v8;
	v9 =	vadd.f32 v19, v10;
	v18 =	vld.idx.msk [tilespmem:v21+s12+$0x0], $0xffff  }
0x308: {  	v7 =	vbroadcast v7, $0x0;
	v6 =	vadd.f32 v15, v6;
	v3 =	vadd.f32 v20, v3;
	v10 =	vld.idx.msk [tilespmem:v24+s12+$0x0], $0xffff  }
0x309: {  	v5 =	vbroadcast v5, $0x0;
	v8 =	vadd.f32 v8, v17;
	v16 =	vadd.f32 v22, v16;
	v19 =	vld.idx.msk [tilespmem:v38+s12+$0x0], $0xffff  }
0x30a: {  	v4 =	vor.u32 v1, v4;
	v9 =	vadd.f32 v23, v9;
	v20 =	vadd.f32 v36, v35;
	v22 =	vld.idx.msk [tilespmem:v27+s12+$0x0], $0xffff  }
0x30b: {  	v7 =	vor.u32 v1, v7;
	v2 =	vadd.f32 v3, v2;
	v3 =	vadd.f32 v16, v6;
	v15 =	vld.idx.msk [tilespmem:v28+s12+$0x0], $0xffff  }
0x30c: {  	s16 =	sadd.s32 $0x1C, s16;
	v8 =	vadd.f32 v9, v8;
	v9 =	vor.u32 v1, v5;
	v6 =	vadd.f32 v37, v33;
	v17 =	vld.idx.msk [tilespmem:v29+s12+$0x0], $0xffff  }
0x30d: {  	v23 =	vmul.f32 $1.428571490e-01, v2;
	v5 =	vmov s0;
	s2 =	sadd.s32 $0xFFFFFFFA, s16;
	s1 =	sadd.s32 $0x1, s0;
	s0 =	sadd.s32 $0x2, s0;
	v27 =	vmul.f32 $1.428571490e-01, v3;
	v16 =	vld.idx.msk [tilespmem:v30+s12+$0x0], $0xffff  }
0x30e: {  	s15 =	sadd.s32 $0xFFFFFFEA, s16;
	s4 =	sshrl.u32 s2, $0x7;
	s3 =	sadd.s32 $0xFFFFFFE9, s16;
	v2 =	vadd.f32 v6, v20;
	v3 =	vadd.f32 v10, v18;
	v10 =	vmul.f32 $1.428571490e-01, v8;
	v18 =	vld.idx.msk [tilespmem:v31+s12+$0x0], $0xffff  }
.Ltmp12:
0x30f: {  	s13 =	sadd.s32 $0xFFFFFFEC, s16;
	s8 =	sadd.s32 $0xFFFFFFFB, s16;
	v6 =	vand.u32 $0x7C, v5;
	v8 =	vmov s1;
	v5 =	vmov s0;
	v21 =	vld.idx.msk [tilespmem:v39+s12+$0x0], $0xffff;
	[tilespmem:v4+s19+$0x0] =	vst.idx.msk $0xffff, v23;
	(pc) =	sbr.rel @p0 .LBB2_16-.Ltmp12, $4  }
0x310: {  	s20 =	sadd.s32 $0xFFFFFFED, s16;
	s9 =	sadd.s32 $0xFFFFFFFD, s16;
	v20 =	vmov s4;
	s0 =	sshrl.u32 s8, $0x7;
	v4 =	vbroadcast v6, $0x0;
	v6 =	vadd.f32 v22, v19;
	v24 =	vld.idx.msk [tilespmem:v32+s12+$0x0], $0xffff;
	[tilespmem:v7+s19+$0x0] =	vst.idx.msk $0xffff, v27  }
0x311: {  	s5 =	sadd.s32 $0xFFFFFFFE, s16;
	s7 =	sadd.s32 $0xFFFFFFEE, s16;
	v19 =	vshll.u32 v20, $0x7;
	v22 =	vmov s0;
	s0 =	sshrl.u32 s9, $0x7;
	v7 =	vand.u32 $0x7D, v8;
	v8 =	vld.idx.msk [tilespmem:v25+s12+$0x0], $0xffff;
	[tilespmem:v9+s19+$0x0] =	vst.idx.msk $0xffff, v10  }
0x312: {  	s2 =	sand.u32 $0x7D, s2;
	s1 =	sadd.s32 $0xFFFFFFFF, s16;
	v20 =	vadd.s32 v0, v19;
	v19 =	vmov s0;
	s0 =	sshrl.u32 s5, $0x7;
	v10 =	vshll.u32 v22, $0x7;
	v9 =	vld.idx.msk [tilespmem:v26+s12+$0x0], $0xffff  }
0x313: {  	s6 =	sadd.s32 $0x4, s6;
	s4 =	sand.u32 $0x7E, s8;
	s10 =	sshrl.u32 s1, $0x7;
	v25 =	vor.u32 s2, v20;
	v22 =	vmov s0;
	v23 =	vadd.s32 v0, v10;
	v10 =	vld.idx.msk [tilespmem:v34+s12+$0x0], $0xffff  }
0x314: {  	v23 =	vor.u32 s4, v23;
	v19 =	vshll.u32 v19, $0x7;
	v26 =	vmov s10  }
0x315: {  	v22 =	vshll.u32 v22, $0x7;
	v15 =	vadd.f32 v17, v15;
	v16 =	vadd.f32 v18, v16  }
0x316: {  	s0 =	sadd.s32 $0xFFFFFFEF, s16;
	s2 =	sor.u32 $0x2, s2;
	v5 =	vand.u32 $0x7E, v5;
	v7 =	vbroadcast v7, $0x0;
	v4 =	vor.u32 v1, v4  }
0x317: {  	s21 =	sadd.s32 $0xFFFFFFF0, s16;
	s18 =	sshrl.u32 s16, $0x7;
	s24 =	sshrl.u32 s3, $0x7;
	v20 =	vor.u32 s2, v20;
	v19 =	vadd.s32 v0, v19;
	v26 =	vshll.u32 v26, $0x7  }
0x318: {  	s29 =	sshrl.u32 s15, $0x7;
	s30 =	sshrl.u32 s13, $0x7;
	s31 =	sshrl.u32 s20, $0x7;
	v27 =	vmov s18;
	v22 =	vadd.s32 v0, v22;
	v29 =	vmov s24  }
0x319: {  	s14 =	sadd.s32 $0xFFFFFFF1, s16;
	s17 =	sand.u32 $0x7C, s9;
	s19 =	sadd.s32 $0xFFFFFFF3, s16;
	v30 =	vmov s29;
	v31 =	vmov s30;
	v32 =	vmov s31  }
0x31a: {  	s22 =	sand.u32 $0x7D, s5;
	s11 =	sadd.s32 $0xFFFFFFF6, s16;
	s4 =	sadd.s32 $0xFFFFFFE5, s16;
	v18 =	vadd.f32 v24, v21;
	v5 =	vbroadcast v5, $0x0;
	v19 =	vor.u32 s17, v19  }
0x31b: {  	s23 =	sshrl.u32 s4, $0x7;
	s2 =	sshrl.u32 s7, $0x7;
	s5 =	sshrl.u32 s0, $0x7;
	v26 =	vadd.s32 v0, v26;
	v27 =	vshll.u32 v27, $0x7;
	v22 =	vor.u32 s22, v22  }
0x31c: {  	s8 =	sshrl.u32 s21, $0x7;
	s9 =	sshrl.u32 s14, $0x7;
	s10 =	sshrl.u32 s19, $0x7;
	v28 =	vmov s23;
	v33 =	vmov s2;
	v34 =	vmov s5  }
0x31d: {  	s18 =	sshrl.u32 s11, $0x7;
	v35 =	vmov s8;
	v36 =	vmov s9;
	v37 =	vmov s10  }
0x31e: {  	s6 =	sadd.s32 $0xFFFFFFF5, s16;
	s1 =	sand.u32 $0x7E, s1;
	s26 =	sadd.s32 $0xFFFFFFF7, s16;
	v39 =	vmov s18;
	v17 =	vshll.u32 v29, $0x7;
	v24 =	vshll.u32 v32, $0x7  }
0x31f: {  	v25 =	vld.idx.msk [tilespmem:v25+s12+$0x0], $0xffff;
	s29 =	sadd.s32 $0xFFFFFFF8, s16;
	s17 =	sshrl.u32 s6, $0x7;
	s22 =	sshrl.u32 s26, $0x7;
	v6 =	vadd.f32 v15, v6;
	v26 =	vor.u32 s1, v26;
	v27 =	vadd.s32 v0, v27  }
0x320: {  	v12 =	vld.idx.msk [tilespmem:v12+s12+$0x0], $0xffff;
	s23 =	sshrl.u32 s29, $0x7;
	v38 =	vmov s17;
	v40 =	vmov s22;
	v28 =	vshll.u32 v28, $0x7  }
0x321: {  	s28 =	sand.u32 $0x7F, s16;
	v11 =	vld.idx.msk [tilespmem:v11+s12+$0x0], $0xffff;
	v41 =	vmov s23;
	v17 =	vadd.s32 v0, v17;
	v52 =	vshll.u32 v36, $0x7  }
0x322: {  	s3 =	sand.u32 $0x7C, s3;
	s24 =	sand.u32 $0x7C, s4;
	s4 =	sand.u32 $0x7D, s15;
	v53 =	vshll.u32 v37, $0x7;
	v55 =	vshll.u32 v39, $0x7;
	v8 =	vadd.f32 v9, v8;
	v23 =	vld.idx.msk [tilespmem:v23+s12+$0x0], $0xffff  }
0x323: {  	s5 =	sand.u32 $0x7F, s13;
	s9 =	sadd.s32 $0xFFFFFFEB, s16;
	s13 =	sadd.s32 $0xFFFFFFF2, s16;
	v5 =	vor.u32 v1, v5;
	v27 =	vor.u32 s28, v27;
	v28 =	vadd.s32 v0, v28;
	v20 =	vld.idx.msk [tilespmem:v20+s12+$0x0], $0xffff  }
0x324: {  	s15 =	sshrl.u32 s9, $0x7;
	s17 =	sshrl.u32 s13, $0x7;
	s28 =	sadd.s32 $0x3, s25;
	v17 =	vor.u32 s3, v17;
	v54 =	vshll.u32 v38, $0x7;
	v56 =	vshll.u32 v41, $0x7;
	v19 =	vld.idx.msk [tilespmem:v19+s12+$0x0], $0xffff  }
0x325: {  	s30 =	sor.u32 $0x1, s24;
	s31 =	sor.u32 $0x2, s24;
	v59 =	vmov s15;
	v60 =	vmov s17;
	v42 =	vmov s28;
	v22 =	vld.idx.msk [tilespmem:v22+s12+$0x0], $0xffff  }
0x326: {  	s2 =	sor.u32 $0x3, s24;
	v43 =	vor.u32 s30, v28;
	v44 =	vor.u32 s31, v28;
	v45 =	vor.u32 s24, v28;
	v26 =	vld.idx.msk [tilespmem:v26+s12+$0x0], $0xffff  }
0x327: {  	v28 =	vor.u32 s2, v28;
	v32 =	vadd.s32 v0, v54;
	v10 =	vadd.f32 v12, v10  }
0x328: {  	v14 =	vld.idx.msk [tilespmem:v14+s12+$0x0], $0xffff;
	v37 =	vshll.u32 v59, $0x7;
	v38 =	vshll.u32 v60, $0x7;
	v23 =	vadd.f32 v23, v25  }
0x329: {  	s6 =	sand.u32 $0x7C, s6;
	s28 =	sand.u32 $0x7D, s11;
	v25 =	vshll.u32 v33, $0x7;
	v33 =	vadd.s32 v0, v55;
	v19 =	vadd.f32 v19, v20;
	v20 =	vld.idx.msk [tilespmem:v27+s12+$0x0], $0xffff  }
0x32a: {  	v13 =	vld.idx.msk [tilespmem:v13+s12+$0x0], $0xffff;
	v32 =	vor.u32 s6, v32;
	v10 =	vadd.f32 v11, v10;
	v33 =	vor.u32 s28, v33  }
0x32b: {  	v17 =	vld.idx.msk [tilespmem:v17+s12+$0x0], $0xffff;
	v27 =	vshll.u32 v35, $0x7;
	v21 =	vadd.f32 v26, v22;
	v22 =	vshll.u32 v30, $0x7  }
0x32c: {  	s18 =	sand.u32 $0x7F, s21;
	v57 =	vld.idx.msk [tilespmem:v43+s12+$0x0], $0xffff;
	v26 =	vshll.u32 v34, $0x7;
	v27 =	vadd.s32 v0, v27;
	v30 =	vadd.s32 v0, v52  }
0x32d: {  	s21 =	sand.u32 $0x7C, s14;
	v58 =	vld.idx.msk [tilespmem:v44+s12+$0x0], $0xffff;
	v34 =	vadd.s32 v0, v56;
	v19 =	vadd.f32 v19, v23;
	v27 =	vor.u32 s18, v27  }
0x32e: {  	s31 =	sand.u32 $0x7F, s29;
	v28 =	vld.idx.msk [tilespmem:v28+s12+$0x0], $0xffff;
	v23 =	vshll.u32 v31, $0x7;
	v30 =	vor.u32 s21, v30;
	v20 =	vadd.f32 v20, v21  }
0x32f: {  	s22 =	sand.u32 $0x7E, s19;
	v15 =	vld.idx.msk [tilespmem:v32+s12+$0x0], $0xffff;
	v22 =	vadd.s32 v0, v22;
	v31 =	vadd.s32 v0, v53;
	v34 =	vor.u32 s31, v34  }
0x330: {  	v22 =	vor.u32 s4, v22;
	v12 =	vor.u32 s22, v31;
	v11 =	vld.idx.msk [tilespmem:v33+s12+$0x0], $0xffff;
	v19 =	vadd.f32 v20, v19  }
0x331: {  	v20 =	vadd.s32 v0, v23;
	v23 =	vadd.s32 v0, v24;
	v24 =	vadd.s32 v0, v25;
	v25 =	vld.idx.msk [tilespmem:v45+s12+$0x0], $0xffff  }
0x332: {  	s24 =	sor.u32 $0x1, s22;
	v3 =	vadd.f32 v14, v3;
	v8 =	vadd.f32 v8, v18;
	v27 =	vld.idx.msk [tilespmem:v27+s12+$0x0], $0xffff;
	v20 =	vor.u32 s5, v20  }
0x333: {  	s0 =	sand.u32 $0x7E, s0;
	v26 =	vadd.s32 v0, v26;
	v31 =	vor.u32 s24, v31;
	v21 =	vshll.u32 v40, $0x7;
	v30 =	vld.idx.msk [tilespmem:v30+s12+$0x0], $0xffff  }
0x334: {  	s30 =	sand.u32 $0x7E, s26;
	v8 =	vadd.f32 v10, v8;
	v26 =	vor.u32 s0, v26;
	v21 =	vadd.s32 v0, v21;
	v10 =	vld.idx.msk [tilespmem:v34+s12+$0x0], $0xffff  }
0x335: {  	s8 =	sand.u32 $0x7C, s20;
	s20 =	sadd.s32 $0xFFFFFFF9, s16;
	v13 =	vadd.f32 v13, v16;
	v51 =	vand.u32 $0x7F, v42;
	v21 =	vor.u32 s30, v21;
	v22 =	vld.idx.msk [tilespmem:v22+s12+$0x0], $0xffff  }
0x336: {  	s10 =	sand.u32 $0x7D, s7;
	s23 =	sshrl.u32 s20, $0x7;
	v37 =	vadd.s32 v0, v37;
	v38 =	vadd.s32 v0, v38;
	v23 =	vor.u32 s8, v23;
	v12 =	vld.idx.msk [tilespmem:v12+s12+$0x0], $0xffff  }
0x337: {  	s1 =	sand.u32 $0x7D, s13;
	s2 =	sand.u32 $0x7E, s9;
	v29 =	vbroadcast v51, $0x0;
	v24 =	vor.u32 s10, v24;
	v9 =	vld.idx.msk [tilespmem:v20+s12+$0x0], $0xffff;
	v20 =	vmov s23  }
0x338: {  	v37 =	vor.u32 s2, v37;
	v38 =	vor.u32 s1, v38;
	v14 =	vld.idx.msk [tilespmem:v31+s12+$0x0], $0xffff;
	v20 =	vshll.u32 v20, $0x7  }
0x339: {  	v2 =	vadd.f32 v3, v2;
	v3 =	vadd.f32 v13, v6;
	s0 =	sand.u32 $0x7C, s20;
	v26 =	vld.idx.msk [tilespmem:v26+s12+$0x0], $0xffff;
	v20 =	vadd.s32 v0, v20  }
0x33a: {  	v18 =	vmov s25;
	v6 =	vor.u32 v1, v7;
	v7 =	vld.idx.msk [tilespmem:v21+s12+$0x0], $0xffff;
	v20 =	vor.u32 s0, v20  }
0x33b: {  	v29 =	vor.u32 v1, v29;
	v2 =	vmul.f32 $1.428571490e-01, v2;
	v3 =	vmul.f32 $1.428571490e-01, v3;
	v23 =	vld.idx.msk [tilespmem:v23+s12+$0x0], $0xffff  }
0x33c: {  	v8 =	vmul.f32 $1.428571490e-01, v8;
	v13 =	vadd.f32 v28, v58;
	s5 =	sadd.s32 $0x2, s25;
	v16 =	vadd.f32 v57, v25;
	v24 =	vld.idx.msk [tilespmem:v24+s12+$0x0], $0xffff  }
0x33d: {  	v11 =	vadd.f32 v11, v15;
	v21 =	vld.idx.msk [tilespmem:v37+s12+$0x0], $0xffff;
	v25 =	vmov s5;
	v12 =	vadd.f32 v14, v12  }
0x33e: {  	s4 =	sadd.s32 $0x1, s25;
	v13 =	vadd.f32 v13, v16;
	v16 =	vadd.f32 v22, v17;
	v17 =	vand.u32 $0x7C, v18;
	v18 =	vld.idx.msk [tilespmem:v38+s12+$0x0], $0xffff  }
0x33f: {  	v22 =	vmov s4;
	v17 =	vbroadcast v17, $0x0;
	v11 =	vadd.f32 v11, v12;
	v20 =	vld.idx.msk [tilespmem:v20+s12+$0x0], $0xffff  }
0x340: {  	v22 =	vand.u32 $0x7D, v22;
	v7 =	vadd.f32 v10, v7;
	v9 =	vadd.f32 v23, v9  }
0x341: {  	v15 =	vbroadcast v22, $0x0;
	v23 =	vadd.f32 v26, v24;
	v24 =	vadd.f32 v30, v27  }
0x342: {  	s6 =	simm.s32 $0xE400;
	v10 =	vand.u32 $0x7E, v25;
	v14 =	vadd.f32 v21, v16;
	v12 =	vor.u32 v1, v17  }
0x343: {  	[tilespmem:v4+s6+$0x0] =	vst.idx.msk $0xffff, v2;
	v10 =	vbroadcast v10, $0x0;
	v9 =	vadd.f32 v23, v9;
	v16 =	vadd.f32 v18, v24  }
0x344: {  	v13 =	vadd.f32 v14, v13;
	v14 =	vor.u32 v1, v15;
	v7 =	vadd.f32 v20, v7  }
0x345: {  	[tilespmem:v6+s6+$0x0] =	vst.idx.msk $0xffff, v3;
	v19 =	vmul.f32 $1.428571490e-01, v19;
	v4 =	vor.u32 v1, v10;
	v2 =	vadd.f32 v16, v9  }
0x346: {  	s14 =	simm.s32 $0x0;
	s16 =	simm.s32 $0x0;
	[tilespmem:v5+s6+$0x0] =	vst.idx.msk $0xffff, v8;
	v6 =	vmul.f32 $1.428571490e-01, v13;
	v3 =	vadd.f32 v7, v11  }
0x347: {  	s13 =	simm.s32 $0x15;
	s19 =	simm.s32 $0x18;
	s3 =	simm.s32 $0x0;
	[tilespmem:v29+s6+$0x0] =	vst.idx.msk $0xffff, v19;
	v2 =	vmul.f32 $1.428571490e-01, v2  }
0x348: {  	s15 =	simm.s32 $0x16;
	s17 =	simm.s32 $0x0;
	s23 =	simm.s32 $0x0;
	[tilespmem:v12+s6+$0x0] =	vst.idx.msk $0xffff, v6;
	v3 =	vmul.f32 $1.428571490e-01, v3  }
0x349: {  	s11 =	simm.s32 $0x6;
	s28 =	simm.s32 $0x0;
	v8 =	vmov s23;
	s7 =	rddreg [dreg:$0x16];
	[tilespmem:v14+s6+$0x0] =	vst.idx.msk $0xffff, v2  }
0x34a: {  	s10 =	simm.s32 $0x0;
	v8 =	vshll.u32 v8, $0x7;
	s0 =	sshll.u32 s7, $0x9;
	s8 =	rddreg [dreg:$0xd];
	[tilespmem:v4+s6+$0x0] =	vst.idx.msk $0xffff, v3  }
0x34b: {  	s5 =	simm.s32 $0x0;
	v8 =	vadd.s32 v0, v8;
	s1 =	sadd.s32 s8, s0;
	s9 =	rddreg [dreg:$0x4]  }
0x34c: {  	v15 =	vmov s5;
	v10 =	vmov s28;
	s12 =	simm.s32 $0x0;
	v2 =	vmov s10;
	[dreg:$0x19] =	wrdreg s1;
	s0 =	sadd.s32 s9, s1  }
0x34d: {  	v15 =	vshll.u32 v15, $0x7;
	v2 =	vshll.u32 v2, $0x7;
	v3 =	vmov s12;
	[hbm4b:s0+s3] =	stream.linear.scatter [tilespmem:s6], [sflag:$0x9], $0x800, $0x38;
	[tilespmem:$0xF400] =	vst v63  }
0x34e: {  	s2 =	sand.u32 $0x7E, s15;
	v6 =	vmov s16;
	v2 =	vadd.s32 v0, v2;
	v3 =	vshll.u32 v3, $0x7;
	s1 =	sand.u32 $0x7D, s13;
	_ =	swait.ge [sflag:s11], $0x3800  }
0x34f: {  	s18 =	simm.s32 $0xA;
	s21 =	sand.u32 $0x7C, s19;
	v4 =	vmov s14;
	v3 =	vadd.s32 v0, v3;
	v5 =	vor.u32 s1, v2;
	[sflag:s11] =	ssyncset.done $0x0  }
0x350: {  	s31 =	simm.s32 $0x0;
	v6 =	vshll.u32 v6, $0x7;
	v4 =	vshll.u32 v4, $0x7;
	v3 =	vor.u32 s2, v3;
	s1 =	sor.u32 $0x2, s1;
	[sflag:s11] =	ssyncadd.s32 $0xFFFFC800  }
0x351: {  	s20 =	simm.s32 $0x19;
	s22 =	simm.s32 $0x1A;
	v7 =	vmov s17;
	v4 =	vadd.s32 v0, v4;
	v2 =	vor.u32 s1, v2;
	_ =	swait.ge [sflag:s18], $0x800  }
0x352: {  	s24 =	sand.u32 $0x7E, s22;
	v6 =	vadd.s32 v0, v6;
	v7 =	vshll.u32 v7, $0x7;
	v4 =	vor.u32 s21, v4;
	s0 =	sand.u32 $0x7D, s20;
	[sflag:s18] =	ssyncset.done $0x0  }
0x353: {  	s30 =	simm.s32 $0x0;
	v13 =	vmov s31;
	s17 =	simm.s32 $0x3C00;
	v7 =	vadd.s32 v0, v7;
	v6 =	vor.u32 s0, v6;
	[sflag:s18] =	ssyncadd.s32 $0xFFFFF800  }
0x354: {  	s26 =	simm.s32 $0x0;
	v23 =	vshll.u32 v10, $0x7;
	v12 =	vmov s30;
	v7 =	vor.u32 s24, v7;
	v5 =	vld.idx.msk [tilespmem:v5+s17+$0x0], $0xffff  }
0x355: {  	s19 =	simm.s32 $0x7;
	s25 =	simm.s32 $0x1B;
	v9 =	vmov s26;
	v13 =	vshll.u32 v13, $0x7;
	v12 =	vshll.u32 v12, $0x7;
	v3 =	vld.idx.msk [tilespmem:v3+s17+$0x0], $0xffff  }
0x356: {  	s5 =	sand.u32 $0x7F, s19;
	v9 =	vshll.u32 v9, $0x7;
	v13 =	vadd.s32 v0, v13;
	s7 =	simm.s32 $0x0;
	v12 =	vadd.s32 v0, v12;
	s1 =	sand.u32 $0x7F, s25;
	v2 =	vld.idx.msk [tilespmem:v2+s17+$0x0], $0xffff  }
0x357: {  	s29 =	simm.s32 $0x0;
	v17 =	vmov s7;
	s10 =	simm.s32 $0x0;
	v12 =	vor.u32 s5, v12;
	s8 =	simm.s32 $0x0;
	v8 =	vor.u32 s1, v8;
	v4 =	vld.idx.msk [tilespmem:v4+s17+$0x0], $0xffff  }
0x358: {  	v20 =	vmov s10;
	v11 =	vmov s29;
	v18 =	vmov s8;
	v6 =	vld.idx.msk [tilespmem:v6+s17+$0x0], $0xffff  }
0x359: {  	v17 =	vshll.u32 v17, $0x7;
	v11 =	vshll.u32 v11, $0x7;
	v18 =	vshll.u32 v18, $0x7;
	s12 =	simm.s32 $0x0;
	s2 =	simm.s32 $0x0;
	v7 =	vld.idx.msk [tilespmem:v7+s17+$0x0], $0xffff  }
0x35a: {  	v11 =	vadd.s32 v0, v11;
	v22 =	vmov s12;
	s9 =	simm.s32 $0x0;
	s6 =	simm.s32 $0x0;
	s21 =	simm.s32 $0x8;
	v14 =	vmov s2  }
0x35b: {  	v19 =	vmov s9;
	v16 =	vmov s6;
	s2 =	sand.u32 $0x7C, s21;
	v14 =	vshll.u32 v14, $0x7;
	s18 =	simm.s32 $0x5  }
0x35c: {  	v16 =	vshll.u32 v16, $0x7;
	v13 =	vor.u32 s2, v13;
	s11 =	simm.s32 $0x0;
	v14 =	vadd.s32 v0, v14;
	v8 =	vld.idx.msk [tilespmem:v8+s17+$0x0], $0xffff;
	s4 =	sand.u32 $0x7D, s18  }
0x35d: {  	s13 =	simm.s32 $0x3;
	v21 =	vmov s11;
	v11 =	vor.u32 s4, v11;
	v3 =	vadd.f32 v3, v5  }
0x35e: {  	v5 =	vmov s13;
	v2 =	vadd.f32 v4, v2;
	v4 =	vadd.f32 v7, v6  }
0x35f: {  	s14 =	simm.s32 $0x0;
	v6 =	vshll.u32 v19, $0x7;
	v7 =	vshll.u32 v20, $0x7;
	v5 =	vand.u32 $0x7F, v5  }
0x360: {  	s0 =	sand.u32 $0x7C, s14;
	v19 =	vshll.u32 v21, $0x7;
	v6 =	vadd.s32 v0, v6;
	v5 =	vbroadcast v5, $0x0  }
0x361: {  	s20 =	sor.u32 $0x2, s0;
	v2 =	vadd.f32 v2, v3;
	v3 =	vadd.f32 v8, v4;
	v4 =	vadd.s32 v0, v9  }
0x362: {  	s15 =	simm.s32 $0x4;
	v8 =	vshll.u32 v22, $0x7;
	v9 =	vor.u32 s0, v4;
	v20 =	vor.u32 s20, v4  }
0x363: {  	s22 =	simm.s32 $0x9;
	s16 =	sor.u32 $0x1, s0;
	s0 =	sor.u32 $0x3, s0;
	v8 =	vadd.s32 v0, v8;
	v10 =	vor.u32 v1, v5;
	v2 =	vadd.f32 v3, v2  }
0x364: {  	s23 =	simm.s32 $0xA;
	s26 =	simm.s32 $0x10;
	s1 =	sand.u32 $0x7C, s15;
	v5 =	vadd.s32 v0, v23;
	v3 =	vor.u32 s16, v4;
	v4 =	vor.u32 s0, v4  }
0x365: {  	s30 =	simm.s32 $0x12;
	s12 =	simm.s32 $0x13;
	v27 =	vld.idx.msk [tilespmem:v11+s17+$0x0], $0xffff;
	v23 =	vmul.f32 $1.428571490e-01, v2;
	v2 =	vor.u32 s1, v5;
	v5 =	vadd.s32 v0, v17;
	s1 =	sand.u32 $0x7C, s26  }
0x366: {  	s7 =	sand.u32 $0x7D, s22;
	s15 =	sand.u32 $0x7E, s30;
	s16 =	sand.u32 $0x7F, s12;
	v17 =	vadd.s32 v0, v18;
	v18 =	vadd.s32 v0, v19;
	v61 =	vor.u32 s1, v6;
	v6 =	vld.idx.msk [tilespmem:v12+s17+$0x0], $0xffff  }
0x367: {  	s28 =	simm.s32 $0x0;
	s10 =	simm.s32 $0x0;
	s8 =	simm.s32 $0xB;
	v14 =	vor.u32 s7, v14;
	v63 =	vor.u32 s15, v18;
	v18 =	vor.u32 s16, v8;
	v8 =	vld.idx.msk [tilespmem:v13+s17+$0x0], $0xffff  }
0x368: {  	v15 =	vadd.s32 v0, v15;
	s8 =	sand.u32 $0x7F, s8;
	s24 =	simm.s32 $0xC;
	s6 =	sand.u32 $0x7E, s23;
	v16 =	vadd.s32 v0, v16;
	v9 =	vld.idx.msk [tilespmem:v9+s17+$0x0], $0xffff  }
0x369: {  	s29 =	simm.s32 $0x11;
	s25 =	simm.s32 $0xE;
	v15 =	vor.u32 s6, v15;
	v16 =	vor.u32 s8, v16;
	v21 =	vmov s28;
	s0 =	sand.u32 $0x7C, s24;
	v19 =	vld.idx.msk [tilespmem:v20+s17+$0x0], $0xffff  }
0x36a: {  	s14 =	sand.u32 $0x7D, s29;
	s9 =	sand.u32 $0x7E, s25;
	v7 =	vadd.s32 v0, v7;
	v22 =	vmov s10;
	v5 =	vor.u32 s0, v5;
	v3 =	vld.idx.msk [tilespmem:v3+s17+$0x0], $0xffff  }
0x36b: {  	s31 =	simm.s32 $0x0;
	s13 =	sor.u32 $0x1, s9;
	v62 =	vor.u32 s14, v7;
	s20 =	simm.s32 $0x14;
	v25 =	vor.u32 s9, v17;
	v12 =	vshll.u32 v22, $0x7;
	v4 =	vld.idx.msk [tilespmem:v4+s17+$0x0], $0xffff  }
0x36c: {  	s30 =	simm.s32 $0x0;
	v11 =	vld.idx.msk [tilespmem:v14+s17+$0x0], $0xffff;
	s2 =	sand.u32 $0x7C, s20;
	v26 =	vor.u32 s13, v17;
	v20 =	vmov s31;
	v12 =	vadd.s32 v0, v12;
	s31 =	simm.s32 $0xEC00  }
0x36d: {  	s28 =	simm.s32 $0x0;
	v7 =	vshll.u32 v20, $0x7;
	v17 =	vor.u32 s2, v12;
	[tilespmem:v10+s31+$0x0] =	vst.idx.msk $0xffff, v23;
	v23 =	vmov s30;
	v24 =	vld.idx.msk [tilespmem:v2+s17+$0x0], $0xffff  }
0x36e: {  	s19 =	simm.s32 $0xD;
	s22 =	simm.s32 $0x2;
	s18 =	simm.s32 $0x6;
	v13 =	vld.idx.msk [tilespmem:v15+s17+$0x0], $0xffff;
	v7 =	vadd.s32 v0, v7;
	v2 =	vshll.u32 v21, $0x7;
	v21 =	vmov s28  }
0x36f: {  	s21 =	simm.s32 $0x1;
	s23 =	simm.s32 $0x31;
	s0 =	sand.u32 $0x7E, s18;
	v2 =	vadd.s32 v0, v2;
	v14 =	vld.idx.msk [tilespmem:v5+s17+$0x0], $0xffff;
	v5 =	vmov s22;
	v6 =	vadd.f32 v8, v6  }
0x370: {  	s29 =	simm.s32 $0x0;
	s24 =	simm.s32 $0x0;
	s1 =	sand.u32 $0x7D, s19;
	v12 =	vld.idx.msk [tilespmem:v16+s17+$0x0], $0xffff;
	v20 =	vor.u32 s0, v2;
	v3 =	vadd.f32 v3, v9;
	v4 =	vadd.f32 v4, v19  }
0x371: {  	s25 =	simm.s32 $0x4;
	s6 =	simm.s32 $0x8;
	s7 =	simm.s32 $0x23;
	v15 =	vld.idx.msk [tilespmem:v25+s17+$0x0], $0xffff;
	v19 =	vor.u32 s1, v7;
	v7 =	vmov s3;
	v9 =	vmov s24  }
0x372: {  	s4 =	simm.s32 $0x36;
	s10 =	simm.s32 $0x0;
	s20 =	simm.s32 $0x25;
	v16 =	vld.idx.msk [tilespmem:v26+s17+$0x0], $0xffff;
	v9 =	vshll.u32 v9, $0x7;
	v2 =	vadd.f32 v4, v3;
	v3 =	vadd.f32 v27, v24  }
0x373: {  	s26 =	simm.s32 $0x32;
	s16 =	simm.s32 $0x37;
	s15 =	simm.s32 $0x20;
	v8 =	vld.idx.msk [tilespmem:v61+s17+$0x0], $0xffff;
	v4 =	vand.u32 $0x7C, v7;
	v7 =	vmov s21;
	v22 =	vadd.s32 v0, v9  }
0x374: {  	s13 =	simm.s32 $0x21;
	s9 =	simm.s32 $0x34;
	s2 =	sand.u32 $0x7D, s23;
	v10 =	vld.idx.msk [tilespmem:v63+s17+$0x0], $0xffff;
	v24 =	vshll.u32 v21, $0x7;
	v21 =	vmov s29;
	v4 =	vbroadcast v4, $0x0  }
0x375: {  	s5 =	sand.u32 $0x7E, s26;
	s3 =	simm.s32 $0x24;
	s1 =	simm.s32 $0x35;
	v9 =	vld.idx.msk [tilespmem:v62+s17+$0x0], $0xffff;
	v7 =	vand.u32 $0x7D, v7;
	v25 =	vor.u32 s2, v22;
	v24 =	vadd.s32 v0, v24  }
.LBB2_18:
0x376: {  	p0 =	slt.u32 s6, $0x7C  }
0x377: {  	s0 =	sadd.s32 $0xFFFFFFEF, s16;
	v26 =	vor.u32 s5, v24;
	s2 =	sor.u32 $0x2, s2;
	v24 =	vshll.u32 v21, $0x7;
	v27 =	vmov s10;
	v21 =	vld.idx.msk [tilespmem:v18+s17+$0x0], $0xffff;
	s11 =	sadd.s32 $0xFFFFFFF0, s16  }
0x378: {  	s14 =	sadd.s32 $0xFFFFFFF1, s16;
	v23 =	vshll.u32 v23, $0x7;
	s10 =	sadd.s32 $0xFFFFFFF3, s16;
	v18 =	vor.u32 s2, v22;
	s2 =	sand.u32 $0x7C, s9;
	v24 =	vadd.s32 v0, v24;
	v22 =	vld.idx.msk [tilespmem:v20+s17+$0x0], $0xffff  }
0x379: {  	s1 =	sand.u32 $0x7D, s1;
	s21 =	sadd.s32 $0xFFFFFFF5, s16;
	v27 =	vshll.u32 v27, $0x7;
	v20 =	vor.u32 s2, v24;
	v24 =	vadd.s32 v0, v23;
	s2 =	sshrl.u32 s16, $0x7;
	v23 =	vld.idx.msk [tilespmem:v19+s17+$0x0], $0xffff  }
0x37a: {  	s26 =	sadd.s32 $0xFFFFFFF6, s16;
	s19 =	sadd.s32 $0xFFFFFFF8, s16;
	v27 =	vadd.s32 v0, v27;
	v19 =	vor.u32 s1, v24;
	s1 =	sand.u32 $0x7E, s4;
	v28 =	vmov s2;
	v24 =	vld.idx.msk [tilespmem:v17+s17+$0x0], $0xffff  }
0x37b: {  	v11 =	vadd.f32 v13, v11;
	s5 =	sand.u32 $0x7F, s16;
	s9 =	sadd.s32 $0xFFFFFFF7, s16;
	s2 =	sadd.s32 $0xFFFFFFE5, s16;
	v17 =	vld.idx.msk [tilespmem:v25+s17+$0x0], $0xffff;
	v25 =	vor.u32 s1, v27;
	v27 =	vshll.u32 v28, $0x7  }
0x37c: {  	v12 =	vadd.f32 v14, v12;
	s8 =	sshrl.u32 s3, $0x7;
	v13 =	vadd.f32 v16, v15;
	s4 =	sshrl.u32 s15, $0x7;
	s1 =	sshrl.u32 s2, $0x7;
	v26 =	vld.idx.msk [tilespmem:v26+s17+$0x0], $0xffff;
	v27 =	vadd.s32 v0, v27  }
0x37d: {  	s22 =	sadd.s32 $0xFFFFFFF2, s16;
	v15 =	vmov s4;
	s4 =	sshrl.u32 s7, $0x7;
	v14 =	vmov s1;
	s1 =	sshrl.u32 s13, $0x7;
	v16 =	vld.idx.msk [tilespmem:v18+s17+$0x0], $0xffff;
	v18 =	vor.u32 s5, v27  }
0x37e: {  	v29 =	vmov s8;
	v28 =	vmov s4;
	s4 =	sshrl.u32 s0, $0x7;
	v27 =	vmov s1;
	s1 =	sshrl.u32 s20, $0x7;
	s5 =	sshrl.u32 s11, $0x7;
	v20 =	vld.idx.msk [tilespmem:v20+s17+$0x0], $0xffff  }
0x37f: {  	v31 =	vmov s4;
	s4 =	sshrl.u32 s10, $0x7;
	v30 =	vmov s1;
	v32 =	vmov s5;
	s1 =	sshrl.u32 s14, $0x7;
	s5 =	sshrl.u32 s21, $0x7;
	v19 =	vld.idx.msk [tilespmem:v19+s17+$0x0], $0xffff  }
0x380: {  	v34 =	vmov s4;
	s4 =	sshrl.u32 s9, $0x7;
	v33 =	vmov s1;
	v35 =	vmov s5;
	s1 =	sshrl.u32 s26, $0x7;
	s5 =	sshrl.u32 s19, $0x7;
	v25 =	vld.idx.msk [tilespmem:v25+s17+$0x0], $0xffff  }
0x381: {  	s24 =	sadd.s32 $0xFFFFFFF9, s16;
	s23 =	sand.u32 $0x7D, s13;
	s8 =	sadd.s32 $0xFFFFFFEB, s16;
	v37 =	vmov s4;
	v36 =	vmov s1;
	v38 =	vmov s5  }
0x382: {  	s12 =	sshrl.u32 s22, $0x7;
	s31 =	sshrl.u32 s8, $0x7;
	s29 =	sand.u32 $0x7C, s2;
	v15 =	vshll.u32 v15, $0x7;
	v14 =	vshll.u32 v14, $0x7;
	v27 =	vshll.u32 v27, $0x7;
	v18 =	vld.idx.msk [tilespmem:v18+s17+$0x0], $0xffff  }
0x383: {  	v29 =	vshll.u32 v29, $0x7;
	v28 =	vshll.u32 v28, $0x7;
	s10 =	sand.u32 $0x7E, s10;
	v30 =	vshll.u32 v30, $0x7;
	s5 =	sor.u32 $0x1, s29;
	s17 =	sshrl.u32 s24, $0x7  }
0x384: {  	s2 =	sadd.s32 $0x3, s25;
	v31 =	vshll.u32 v31, $0x7;
	s4 =	sor.u32 $0x2, s29;
	v32 =	vshll.u32 v32, $0x7;
	s1 =	sor.u32 $0x3, s29;
	v33 =	vshll.u32 v33, $0x7  }
0x385: {  	s18 =	sand.u32 $0x7F, s7;
	s15 =	sand.u32 $0x7C, s15;
	s13 =	sor.u32 $0x1, s10;
	v34 =	vshll.u32 v34, $0x7;
	v17 =	vadd.f32 v26, v17;
	v26 =	vmov s2  }
0x386: {  	s28 =	sand.u32 $0x7E, s0;
	s20 =	sand.u32 $0x7D, s20;
	s2 =	sand.u32 $0x7C, s3;
	v16 =	vadd.f32 v20, v16;
	v20 =	vand.u32 $0x7F, v26;
	v19 =	vadd.f32 v25, v19  }
0x387: {  	s30 =	sand.u32 $0x7E, s9;
	s11 =	sand.u32 $0x7F, s11;
	s14 =	sand.u32 $0x7C, s14;
	v26 =	vshll.u32 v36, $0x7;
	v20 =	vbroadcast v20, $0x0;
	v25 =	vshll.u32 v35, $0x7  }
0x388: {  	s7 =	sand.u32 $0x7D, s22;
	s21 =	sand.u32 $0x7C, s21;
	s26 =	sand.u32 $0x7D, s26;
	v35 =	vshll.u32 v37, $0x7;
	v16 =	vadd.f32 v16, v17;
	v17 =	vadd.f32 v18, v19  }
0x389: {  	s22 =	simm.s32 $0xEC00;
	v14 =	vadd.s32 v0, v14;
	s3 =	sand.u32 $0x7E, s8;
	s8 =	sand.u32 $0x7F, s19;
	v18 =	vshll.u32 v38, $0x7;
	v19 =	vor.u32 v1, v20  }
0x38a: {  	s0 =	smov.u32 s25;
	s25 =	smov.u32 s6;
	v15 =	vadd.s32 v0, v15;
	s9 =	sand.u32 $0x7C, s24;
	v20 =	vadd.s32 v0, v27;
	v16 =	vadd.f32 v17, v16  }
0x38b: {  	v27 =	vadd.s32 v0, v29;
	v17 =	vadd.s32 v0, v28;
	v28 =	vadd.s32 v0, v30  }
0x38c: {  	v29 =	vadd.s32 v0, v31;
	v30 =	vadd.s32 v0, v32;
	v16 =	vmul.f32 $1.428571490e-01, v16  }
0x38d: {  	v25 =	vadd.s32 v0, v25;
	v31 =	vadd.s32 v0, v33;
	v32 =	vadd.s32 v0, v34  }
0x38e: {  	v26 =	vadd.s32 v0, v26;
	v33 =	vmov s31;
	v34 =	vadd.s32 v0, v35;
	[tilespmem:v19+s22+$0x0] =	vst.idx.msk $0xffff, v16  }
0x38f: {  	v18 =	vadd.s32 v0, v18;
	v16 =	vmov s12;
	v19 =	vmov s17;
	s17 =	simm.s32 $0x3C00  }
0x390: {  	v36 =	vor.u32 s5, v14;
	v37 =	vor.u32 s4, v14;
	v35 =	vor.u32 s29, v14  }
0x391: {  	v15 =	vor.u32 s15, v15;
	v38 =	vor.u32 s23, v20;
	v14 =	vor.u32 s1, v14  }
0x392: {  	v27 =	vor.u32 s2, v27;
	v39 =	vor.u32 s18, v17;
	v28 =	vor.u32 s20, v28  }
0x393: {  	v29 =	vor.u32 s28, v29;
	v31 =	vor.u32 s14, v31;
	v30 =	vor.u32 s11, v30  }
0x394: {  	v25 =	vor.u32 s21, v25;
	v40 =	vor.u32 s10, v32;
	v32 =	vor.u32 s13, v32  }
0x395: {  	v26 =	vor.u32 s26, v26;
	v18 =	vor.u32 s8, v18;
	v34 =	vor.u32 s30, v34;
	v35 =	vld.idx.msk [tilespmem:v35+s17+$0x0], $0xffff  }
0x396: {  	v17 =	vshll.u32 v33, $0x7;
	v16 =	vshll.u32 v16, $0x7;
	v19 =	vshll.u32 v19, $0x7;
	v36 =	vld.idx.msk [tilespmem:v36+s17+$0x0], $0xffff  }
0x397: {  	v17 =	vadd.s32 v0, v17;
	v16 =	vadd.s32 v0, v16;
	v33 =	vld.idx.msk [tilespmem:v37+s17+$0x0], $0xffff;
	v37 =	vadd.s32 v0, v19  }
0x398: {  	v20 =	vor.u32 s3, v17;
	v19 =	vor.u32 s7, v16;
	v14 =	vld.idx.msk [tilespmem:v14+s17+$0x0], $0xffff;
	v17 =	vor.u32 s9, v37  }
0x399: {  	v5 =	vand.u32 $0x7E, v5;
	v8 =	vadd.f32 v9, v8;
	v9 =	vadd.f32 v21, v10;
	v15 =	vld.idx.msk [tilespmem:v15+s17+$0x0], $0xffff  }
0x39a: {  	v7 =	vbroadcast v7, $0x0;
	v6 =	vadd.f32 v11, v6;
	v3 =	vadd.f32 v22, v3;
	v10 =	vld.idx.msk [tilespmem:v38+s17+$0x0], $0xffff  }
0x39b: {  	v5 =	vbroadcast v5, $0x0;
	v8 =	vadd.f32 v8, v13;
	v12 =	vadd.f32 v23, v12;
	v16 =	vld.idx.msk [tilespmem:v39+s17+$0x0], $0xffff  }
0x39c: {  	v4 =	vor.u32 v1, v4;
	v9 =	vadd.f32 v24, v9;
	v21 =	vadd.f32 v36, v35;
	v22 =	vld.idx.msk [tilespmem:v27+s17+$0x0], $0xffff  }
0x39d: {  	v7 =	vor.u32 v1, v7;
	v2 =	vadd.f32 v3, v2;
	v3 =	vadd.f32 v12, v6;
	v11 =	vld.idx.msk [tilespmem:v28+s17+$0x0], $0xffff  }
0x39e: {  	s16 =	sadd.s32 $0x1C, s16;
	v8 =	vadd.f32 v9, v8;
	v9 =	vor.u32 v1, v5;
	v6 =	vadd.f32 v14, v33;
	v13 =	vld.idx.msk [tilespmem:v29+s17+$0x0], $0xffff  }
0x39f: {  	s15 =	sadd.s32 $0xFFFFFFE9, s16;
	v5 =	vmov s0;
	v23 =	vmul.f32 $1.428571490e-01, v2;
	v24 =	vmul.f32 $1.428571490e-01, v3;
	s1 =	sadd.s32 $0x1, s0;
	s0 =	sadd.s32 $0x2, s0;
	v12 =	vld.idx.msk [tilespmem:v30+s17+$0x0], $0xffff  }
0x3a0: {  	s5 =	sadd.s32 $0xFFFFFFFB, s16;
	s2 =	sadd.s32 $0xFFFFFFFA, s16;
	s13 =	sadd.s32 $0xFFFFFFEA, s16;
	v2 =	vadd.f32 v6, v21;
	v3 =	vadd.f32 v10, v15;
	v10 =	vmul.f32 $1.428571490e-01, v8;
	v14 =	vld.idx.msk [tilespmem:v31+s17+$0x0], $0xffff  }
.Ltmp13:
0x3a1: {  	s4 =	sshrl.u32 s2, $0x7;
	s7 =	sadd.s32 $0xFFFFFFEC, s16;
	v6 =	vand.u32 $0x7C, v5;
	v8 =	vmov s1;
	v5 =	vmov s0;
	v15 =	vld.idx.msk [tilespmem:v40+s17+$0x0], $0xffff;
	[tilespmem:v4+s22+$0x0] =	vst.idx.msk $0xffff, v23;
	(pc) =	sbr.rel @p0 .LBB2_18-.Ltmp13, $4  }
0x3a2: {  	s3 =	sadd.s32 $0xFFFFFFED, s16;
	s9 =	sadd.s32 $0xFFFFFFFD, s16;
	v21 =	vmov s4;
	s0 =	sshrl.u32 s5, $0x7;
	v4 =	vbroadcast v6, $0x0;
	v6 =	vadd.f32 v22, v16;
	v16 =	vld.idx.msk [tilespmem:v32+s17+$0x0], $0xffff;
	[tilespmem:v7+s22+$0x0] =	vst.idx.msk $0xffff, v24  }
0x3a3: {  	s20 =	sadd.s32 $0xFFFFFFEE, s16;
	s1 =	sadd.s32 $0xFFFFFFFE, s16;
	v21 =	vshll.u32 v21, $0x7;
	v23 =	vmov s0;
	s0 =	sshrl.u32 s9, $0x7;
	v7 =	vand.u32 $0x7D, v8;
	v8 =	vld.idx.msk [tilespmem:v25+s17+$0x0], $0xffff;
	[tilespmem:v9+s22+$0x0] =	vst.idx.msk $0xffff, v10  }
0x3a4: {  	s2 =	sand.u32 $0x7D, s2;
	s4 =	sadd.s32 $0xFFFFFFFF, s16;
	v22 =	vadd.s32 v0, v21;
	v21 =	vmov s0;
	s0 =	sshrl.u32 s1, $0x7;
	v10 =	vshll.u32 v23, $0x7;
	v9 =	vld.idx.msk [tilespmem:v26+s17+$0x0], $0xffff  }
0x3a5: {  	s6 =	sadd.s32 $0x4, s6;
	s5 =	sand.u32 $0x7E, s5;
	s10 =	sshrl.u32 s4, $0x7;
	v25 =	vor.u32 s2, v22;
	v23 =	vmov s0;
	v24 =	vadd.s32 v0, v10;
	v10 =	vld.idx.msk [tilespmem:v34+s17+$0x0], $0xffff  }
0x3a6: {  	v24 =	vor.u32 s5, v24;
	v21 =	vshll.u32 v21, $0x7;
	v26 =	vmov s10  }
0x3a7: {  	v23 =	vshll.u32 v23, $0x7;
	v11 =	vadd.f32 v13, v11;
	v12 =	vadd.f32 v14, v12  }
0x3a8: {  	s0 =	sor.u32 $0x2, s2;
	v5 =	vand.u32 $0x7E, v5;
	v7 =	vbroadcast v7, $0x0;
	v4 =	vor.u32 v1, v4  }
0x3a9: {  	s29 =	sadd.s32 $0xFFFFFFEF, s16;
	s8 =	sand.u32 $0x7C, s9;
	s9 =	sshrl.u32 s16, $0x7;
	v50 =	vmov s25;
	v22 =	vor.u32 s0, v22;
	v21 =	vadd.s32 v0, v21  }
0x3aa: {  	s23 =	sshrl.u32 s13, $0x7;
	s24 =	sshrl.u32 s7, $0x7;
	s28 =	sshrl.u32 s3, $0x7;
	v26 =	vshll.u32 v26, $0x7;
	v27 =	vmov s9;
	v23 =	vadd.s32 v0, v23  }
0x3ab: {  	s1 =	sand.u32 $0x7D, s1;
	s30 =	sshrl.u32 s20, $0x7;
	s5 =	sadd.s32 $0x3, s25;
	v30 =	vmov s23;
	v31 =	vmov s24;
	v32 =	vmov s28  }
0x3ac: {  	s19 =	sadd.s32 $0xFFFFFFF5, s16;
	s10 =	sand.u32 $0x7E, s4;
	s4 =	sadd.s32 $0xFFFFFFE5, s16;
	v33 =	vmov s30;
	v42 =	vmov s5;
	v63 =	vadd.f32 v16, v15  }
0x3ad: {  	s6 =	sadd.s32 $0xFFFFFFF7, s16;
	s14 =	sadd.s32 $0xFFFFFFF8, s16;
	s12 =	sshrl.u32 s4, $0x7;
	v5 =	vbroadcast v5, $0x0;
	v21 =	vor.u32 s8, v21;
	v26 =	vadd.s32 v0, v26  }
0x3ae: {  	s31 =	sshrl.u32 s29, $0x7;
	s23 =	sshrl.u32 s19, $0x7;
	s28 =	sshrl.u32 s6, $0x7;
	v27 =	vshll.u32 v27, $0x7;
	v23 =	vor.u32 s1, v23;
	v28 =	vmov s12  }
0x3af: {  	s30 =	sshrl.u32 s14, $0x7;
	v34 =	vmov s31;
	v38 =	vmov s23;
	v40 =	vmov s28  }
0x3b0: {  	v41 =	vmov s30;
	v30 =	vshll.u32 v30, $0x7;
	v31 =	vshll.u32 v31, $0x7  }
0x3b1: {  	s11 =	sadd.s32 $0xFFFFFFF1, s16;
	s0 =	sadd.s32 $0xFFFFFFF6, s16;
	s9 =	sadd.s32 $0xFFFFFFEB, s16;
	v32 =	vshll.u32 v32, $0x7;
	v33 =	vshll.u32 v33, $0x7;
	v61 =	vand.u32 $0x7F, v42  }
0x3b2: {  	v18 =	vld.idx.msk [tilespmem:v18+s17+$0x0], $0xffff;
	s8 =	sshrl.u32 s15, $0x7;
	s12 =	sshrl.u32 s11, $0x7;
	s24 =	sshrl.u32 s0, $0x7;
	v6 =	vadd.f32 v11, v6;
	v26 =	vor.u32 s10, v26;
	v27 =	vadd.s32 v0, v27  }
0x3b3: {  	v20 =	vld.idx.msk [tilespmem:v20+s17+$0x0], $0xffff;
	s31 =	sshrl.u32 s9, $0x7;
	v29 =	vmov s8;
	v36 =	vmov s12;
	v39 =	vmov s24  }
0x3b4: {  	v19 =	vld.idx.msk [tilespmem:v19+s17+$0x0], $0xffff;
	v28 =	vshll.u32 v28, $0x7;
	v43 =	vmov s31;
	v30 =	vadd.s32 v0, v30  }
0x3b5: {  	v17 =	vld.idx.msk [tilespmem:v17+s17+$0x0], $0xffff;
	v31 =	vadd.s32 v0, v31;
	v32 =	vadd.s32 v0, v32;
	v34 =	vshll.u32 v34, $0x7  }
0x3b6: {  	s26 =	sadd.s32 $0xFFFFFFF0, s16;
	s18 =	sand.u32 $0x7F, s16;
	v25 =	vld.idx.msk [tilespmem:v25+s17+$0x0], $0xffff;
	v33 =	vadd.s32 v0, v33;
	v38 =	vshll.u32 v38, $0x7;
	v40 =	vshll.u32 v40, $0x7  }
0x3b7: {  	s30 =	sand.u32 $0x7D, s13;
	s10 =	sshrl.u32 s26, $0x7;
	v41 =	vshll.u32 v41, $0x7;
	v8 =	vadd.f32 v9, v8;
	v27 =	vor.u32 s18, v27;
	v24 =	vld.idx.msk [tilespmem:v24+s17+$0x0], $0xffff  }
0x3b8: {  	s31 =	sand.u32 $0x7F, s7;
	v5 =	vor.u32 v1, v5;
	v35 =	vmov s10;
	v30 =	vor.u32 s30, v30;
	v22 =	vld.idx.msk [tilespmem:v22+s17+$0x0], $0xffff  }
0x3b9: {  	s3 =	sand.u32 $0x7C, s3;
	v28 =	vadd.s32 v0, v28;
	v29 =	vshll.u32 v29, $0x7;
	v31 =	vor.u32 s31, v31;
	v21 =	vld.idx.msk [tilespmem:v21+s17+$0x0], $0xffff  }
0x3ba: {  	s4 =	sand.u32 $0x7C, s4;
	v32 =	vor.u32 s3, v32;
	v34 =	vadd.s32 v0, v34;
	v36 =	vshll.u32 v36, $0x7;
	v23 =	vld.idx.msk [tilespmem:v23+s17+$0x0], $0xffff  }
0x3bb: {  	s21 =	sadd.s32 $0xFFFFFFF3, s16;
	s23 =	sor.u32 $0x2, s4;
	v38 =	vadd.s32 v0, v38;
	v39 =	vshll.u32 v39, $0x7;
	v47 =	vor.u32 s4, v28;
	v26 =	vld.idx.msk [tilespmem:v26+s17+$0x0], $0xffff  }
0x3bc: {  	s5 =	sand.u32 $0x7E, s29;
	s18 =	sshrl.u32 s21, $0x7;
	v40 =	vadd.s32 v0, v40;
	v41 =	vadd.s32 v0, v41;
	v48 =	vor.u32 s23, v28;
	v27 =	vld.idx.msk [tilespmem:v27+s17+$0x0], $0xffff  }
0x3bd: {  	s13 =	sand.u32 $0x7C, s19;
	v56 =	vshll.u32 v43, $0x7;
	v37 =	vmov s18;
	v34 =	vor.u32 s5, v34;
	v30 =	vld.idx.msk [tilespmem:v30+s17+$0x0], $0xffff  }
0x3be: {  	s18 =	sor.u32 $0x1, s4;
	v29 =	vadd.s32 v0, v29;
	v35 =	vshll.u32 v35, $0x7;
	v38 =	vor.u32 s13, v38;
	v59 =	vld.idx.msk [tilespmem:v31+s17+$0x0], $0xffff  }
0x3bf: {  	s28 =	sand.u32 $0x7C, s15;
	s15 =	sand.u32 $0x7E, s6;
	s24 =	sor.u32 $0x3, s4;
	v36 =	vadd.s32 v0, v36;
	v39 =	vadd.s32 v0, v39;
	v46 =	vor.u32 s18, v28;
	v60 =	vld.idx.msk [tilespmem:v32+s17+$0x0], $0xffff  }
0x3c0: {  	v40 =	vor.u32 s15, v40;
	v10 =	vadd.f32 v18, v10;
	v28 =	vor.u32 s24, v28;
	v47 =	vld.idx.msk [tilespmem:v47+s17+$0x0], $0xffff  }
0x3c1: {  	s10 =	sadd.s32 $0xFFFFFFF2, s16;
	s4 =	sand.u32 $0x7D, s20;
	v3 =	vadd.f32 v20, v3;
	v12 =	vadd.f32 v19, v12;
	v29 =	vor.u32 s28, v29;
	v48 =	vld.idx.msk [tilespmem:v48+s17+$0x0], $0xffff  }
0x3c2: {  	s0 =	sand.u32 $0x7D, s0;
	s16 =	sadd.s32 $0xFFFFFFF9, s16;
	s8 =	sshrl.u32 s10, $0x7;
	v8 =	vadd.f32 v8, v63;
	v20 =	vand.u32 $0x7C, v50;
	v33 =	vor.u32 s4, v33;
	v32 =	vld.idx.msk [tilespmem:v34+s17+$0x0], $0xffff  }
0x3c3: {  	s7 =	sand.u32 $0x7F, s26;
	s12 =	sshrl.u32 s16, $0x7;
	v44 =	vmov s8;
	v35 =	vadd.s32 v0, v35;
	v39 =	vor.u32 s0, v39;
	v43 =	vld.idx.msk [tilespmem:v38+s17+$0x0], $0xffff  }
0x3c4: {  	s23 =	sadd.s32 $0x1, s25;
	v45 =	vmov s12;
	v37 =	vshll.u32 v37, $0x7;
	s12 =	sand.u32 $0x7C, s11;
	v35 =	vor.u32 s7, v35;
	v46 =	vld.idx.msk [tilespmem:v46+s17+$0x0], $0xffff  }
0x3c5: {  	s8 =	sand.u32 $0x7E, s21;
	s18 =	sand.u32 $0x7F, s14;
	v53 =	vmov s23;
	v37 =	vadd.s32 v0, v37;
	v36 =	vor.u32 s12, v36;
	v28 =	vld.idx.msk [tilespmem:v28+s17+$0x0], $0xffff  }
0x3c6: {  	v20 =	vbroadcast v20, $0x0;
	s1 =	sor.u32 $0x1, s8;
	v41 =	vor.u32 s18, v41;
	v49 =	vor.u32 s8, v37;
	v55 =	vld.idx.msk [tilespmem:v29+s17+$0x0], $0xffff  }
0x3c7: {  	v57 =	vshll.u32 v44, $0x7;
	v10 =	vadd.f32 v17, v10;
	v37 =	vor.u32 s1, v37;
	v62 =	vld.idx.msk [tilespmem:v33+s17+$0x0], $0xffff  }
0x3c8: {  	s24 =	sadd.s32 $0x2, s25;
	v2 =	vadd.f32 v3, v2;
	v3 =	vadd.f32 v12, v6;
	v33 =	vshll.u32 v45, $0x7;
	v45 =	vld.idx.msk [tilespmem:v39+s17+$0x0], $0xffff  }
0x3c9: {  	s19 =	sand.u32 $0x7E, s9;
	v54 =	vmov s24;
	v21 =	vadd.f32 v21, v22;
	v22 =	vadd.s32 v0, v56;
	v34 =	vld.idx.msk [tilespmem:v35+s17+$0x0], $0xffff  }
0x3ca: {  	s20 =	sand.u32 $0x7D, s10;
	v58 =	vadd.s32 v0, v57;
	v24 =	vadd.f32 v24, v25;
	v35 =	vld.idx.msk [tilespmem:v36+s17+$0x0], $0xffff;
	v22 =	vor.u32 s19, v22  }
0x3cb: {  	s21 =	sand.u32 $0x7C, s16;
	v9 =	vadd.s32 v0, v33;
	v23 =	vadd.f32 v26, v23;
	v26 =	vor.u32 s20, v58;
	v36 =	vld.idx.msk [tilespmem:v49+s17+$0x0], $0xffff  }
0x3cc: {  	v31 =	vbroadcast v61, $0x0;
	v8 =	vadd.f32 v10, v8;
	v9 =	vor.u32 s21, v9;
	v42 =	vld.idx.msk [tilespmem:v37+s17+$0x0], $0xffff  }
0x3cd: {  	v2 =	vmul.f32 $1.428571490e-01, v2;
	v3 =	vmul.f32 $1.428571490e-01, v3;
	v49 =	vld.idx.msk [tilespmem:v41+s17+$0x0], $0xffff;
	v21 =	vadd.f32 v21, v24  }
0x3ce: {  	v15 =	vor.u32 v1, v31;
	v13 =	vadd.f32 v60, v59;
	v44 =	vadd.f32 v46, v47;
	v47 =	vld.idx.msk [tilespmem:v40+s17+$0x0], $0xffff  }
0x3cf: {  	v8 =	vmul.f32 $1.428571490e-01, v8;
	v23 =	vadd.f32 v27, v23;
	v48 =	vadd.f32 v28, v48;
	v22 =	vld.idx.msk [tilespmem:v22+s17+$0x0], $0xffff  }
0x3d0: {  	v56 =	vand.u32 $0x7E, v54;
	v51 =	vadd.f32 v30, v55;
	v16 =	vadd.f32 v32, v62;
	v52 =	vld.idx.msk [tilespmem:v26+s17+$0x0], $0xffff  }
0x3d1: {  	v10 =	vbroadcast v56, $0x0;
	v14 =	vadd.f32 v45, v43;
	v21 =	vadd.f32 v23, v21;
	v9 =	vld.idx.msk [tilespmem:v9+s17+$0x0], $0xffff  }
0x3d2: {  	v46 =	vor.u32 v1, v7;
	v18 =	vadd.f32 v35, v34;
	v12 =	vadd.f32 v48, v44  }
0x3d3: {  	v55 =	vand.u32 $0x7D, v53;
	v11 =	vadd.f32 v42, v36;
	v13 =	vadd.f32 v16, v13  }
0x3d4: {  	[tilespmem:v4+s22+$0x0] =	vst.idx.msk $0xffff, v2;
	v58 =	vbroadcast v55, $0x0;
	v7 =	vadd.f32 v49, v47;
	v57 =	vadd.f32 v22, v51  }
0x3d5: {  	v59 =	vor.u32 v1, v20;
	v11 =	vadd.f32 v14, v11;
	v18 =	vadd.f32 v52, v18  }
0x3d6: {  	v61 =	vor.u32 v1, v58;
	v7 =	vadd.f32 v9, v7;
	v60 =	vadd.f32 v57, v12  }
0x3d7: {  	[tilespmem:v5+s22+$0x0] =	vst.idx.msk $0xffff, v8;
	v62 =	vor.u32 v1, v10;
	v21 =	vmul.f32 $1.428571490e-01, v21;
	v2 =	vadd.f32 v18, v13  }
0x3d8: {  	[tilespmem:v46+s22+$0x0] =	vst.idx.msk $0xffff, v3;
	v3 =	vadd.f32 v7, v11;
	v63 =	vmul.f32 $1.428571490e-01, v60  }
0x3d9: {  	[tilespmem:v15+s22+$0x0] =	vst.idx.msk $0xffff, v21;
	v2 =	vmul.f32 $1.428571490e-01, v2  }
0x3da: {  	v3 =	vmul.f32 $1.428571490e-01, v3;
	[tilespmem:v59+s22+$0x0] =	vst.idx.msk $0xffff, v63  }
0x3db: {  	[tilespmem:v61+s22+$0x0] =	vst.idx.msk $0xffff, v2  }
0x3dc: {  	[tilespmem:v62+s22+$0x0] =	vst.idx.msk $0xffff, v3  }
0x3dd: {  	s25 =	rddreg [dreg:$0xb]  }
0x3de: {  	s26 =	rddreg [dreg:$0x19]  }
0x3df: {  	s29 =	simm.s32 $0x1;
	s28 =	simm.s32 $0x0;
	s0 =	sadd.s32 s26, s25  }
0x3e0: {  	[hbm4b:s0+s28] =	stream.linear.scatter [tilespmem:s22], [sflag:$0xA], $0x800, $0x38;
	[tilespmem:$0xF400] =	vst v63  }
0x3e1: {  	_ =	swait.ge [sflag:s29], $0x100  }
0x3e2: {  	[sflag:s29] =	ssyncset.done $0x0  }
0x3e3: {  	s8 =	rddreg [dreg:$0x13];
	[sflag:s29] =	ssyncadd.s32 $0xFFFFFF00  }
0x3e4: {  	s30 =	simm.s32 $0x70;
	s12 =	simm.s32 $0x400;
	s0 =	rddreg [dreg:$0x0]  }
0x3e5: {  	[tilespmem:s12], [sflag:$0x5] =	stream.indirect.gather [hbm4b:s0+s30], $0x80, s28, s30, $0xb8;
	[tilespmem:$0xF400] =	vst v63  }
0x3e6: {  	s31 =	simm.s32 $0x80;
	s1 =	rddreg [dreg:$0x14]  }
0x3e7: {  	[tilespmem:s17], [sflag:$0x6] =	stream.indirect.gather [hbm4b:s0+s30], $0x80, s31, s30, $0xb8;
	[tilespmem:$0xF400] =	vst v63  }
0x3e8: {  	p0 =	sgt.u32 s8, $0x8;
	s0 =	rddreg [dreg:$0xf]  }
0x3e9: {  	s0 =	sadd.s32 @!p0 s1, s0  }
0x3ea: {  	s3 =	rddreg [dreg:$0x15];
	s0 =	sshll.u32 @!p0 s0, $0x4  }
0x3eb: {  	s14 =	simm.s32 $0xE400;
	s1 =	rddreg [dreg:$0x1];
	s0 =	sand.u32 @!p0 $0xFFFFFE0, s0  }
0x3ec: {  	s2 =	simm.s32 @!p0 $0x200;
	s0 =	sadd.s32 @!p0 s1, s0;
	s1 =	simm.s32 @!p0 $0x0  }
0x3ed: {  	[tilespmem:s2], [sflag:$0x3] =	stream.linear.gather @!p0 [hbm4b:s0+s1], $0x100, $0x38;
	[tilespmem:$0xF400] =	vst v63  }
.LBB2_20:
0x3ee: {  	s0 =	sor.u32 $0x3, s3  }
0x3ef: {  	p0 =	sgt.u32 s0, $0x28  }
.Ltmp14:
0x3f0: {  	_ = 	snop;
	(pc) =	sbr.rel @p0 .LBB2_26-.Ltmp14, $1  }
0x3f1: {  	_ =	sdelay $0x3  }
0x3f2: {  	[dreg:$0x1c] =	wrdreg s0;
	s20 =	simm.s32 $0x0;
	s3 =	simm.s32 $0x7  }
0x3f3: {  	s21 =	simm.s32 $0x0;
	s1 =	simm.s32 $0x15;
	s22 =	simm.s32 $0x0  }
0x3f4: {  	s2 =	simm.s32 $0x16;
	s23 =	simm.s32 $0x0;
	s24 =	simm.s32 $0x0;
	v2 =	vmov s20;
	v3 =	vmov s21  }
0x3f5: {  	s30 =	simm.s32 $0x0;
	s5 =	simm.s32 $0x0;
	s6 =	simm.s32 $0x0;
	v4 =	vmov s22;
	v6 =	vmov s23;
	v7 =	vmov s24  }
0x3f6: {  	s7 =	simm.s32 $0x0;
	s8 =	simm.s32 $0x0;
	s9 =	simm.s32 $0x0;
	v8 =	vmov s30;
	v11 =	vmov s5;
	v12 =	vmov s6  }
0x3f7: {  	s4 =	simm.s32 $0x9;
	s10 =	simm.s32 $0x0;
	s11 =	simm.s32 $0x0;
	v13 =	vmov s7;
	v14 =	vmov s8;
	v15 =	vmov s9  }
0x3f8: {  	s25 =	simm.s32 $0x18;
	s26 =	simm.s32 $0x19;
	s13 =	simm.s32 $0x0;
	v16 =	vmov s10;
	v17 =	vmov s11;
	v2 =	vshll.u32 v2, $0x7  }
0x3f9: {  	s29 =	simm.s32 $0x1A;
	_ =	swait.ge [sflag:s3], $0x3800;
	s1 =	sand.u32 $0x7D, s1;
	v18 =	vmov s13;
	v3 =	vshll.u32 v3, $0x7;
	v2 =	vadd.s32 v0, v2  }
0x3fa: {  	s12 =	simm.s32 $0x7400;
	s2 =	sand.u32 $0x7E, s2;
	[sflag:s3] =	ssyncset.done $0x0;
	v4 =	vshll.u32 v4, $0x7;
	v3 =	vadd.s32 v0, v3;
	v5 =	vor.u32 s1, v2  }
0x3fb: {  	s15 =	simm.s32 $0x0;
	s28 =	sand.u32 $0x7C, s25;
	v6 =	vshll.u32 v6, $0x7;
	[sflag:s3] =	ssyncadd.s32 $0xFFFFC800;
	v4 =	vadd.s32 v0, v4;
	v3 =	vor.u32 s2, v3  }
0x3fc: {  	s16 =	simm.s32 $0x0;
	s0 =	sand.u32 $0x7D, s26;
	v7 =	vshll.u32 v7, $0x7;
	v6 =	vadd.s32 v0, v6;
	_ =	swait.ge [sflag:s4], $0x800;
	v4 =	vor.u32 s28, v4  }
0x3fd: {  	s17 =	simm.s32 $0x0;
	s31 =	sand.u32 $0x7E, s29;
	v19 =	vmov s15;
	v7 =	vadd.s32 v0, v7;
	v6 =	vor.u32 s0, v6;
	[sflag:s4] =	ssyncset.done $0x0  }
0x3fe: {  	s18 =	simm.s32 $0x0;
	v20 =	vmov s16;
	v21 =	vmov s17;
	s1 =	sor.u32 $0x2, s1;
	v7 =	vor.u32 s31, v7;
	[sflag:s4] =	ssyncadd.s32 $0xFFFFF800  }
0x3ff: {  	v22 =	vmov s18;
	v8 =	vshll.u32 v8, $0x7;
	v2 =	vor.u32 s1, v2;
	v5 =	vld.idx.msk [tilespmem:v5+s12+$0x0], $0xffff  }
0x400: {  	v11 =	vshll.u32 v11, $0x7;
	v12 =	vshll.u32 v12, $0x7;
	v13 =	vshll.u32 v13, $0x7;
	s2 =	simm.s32 $0x1B;
	v3 =	vld.idx.msk [tilespmem:v3+s12+$0x0], $0xffff  }
0x401: {  	v14 =	vshll.u32 v14, $0x7;
	v15 =	vshll.u32 v15, $0x7;
	v8 =	vadd.s32 v0, v8;
	s1 =	sand.u32 $0x7F, s2;
	v4 =	vld.idx.msk [tilespmem:v4+s12+$0x0], $0xffff  }
0x402: {  	v16 =	vshll.u32 v16, $0x7;
	v17 =	vshll.u32 v17, $0x7;
	v8 =	vor.u32 s1, v8;
	v6 =	vld.idx.msk [tilespmem:v6+s12+$0x0], $0xffff  }
0x403: {  	s23 =	simm.s32 $0x5;
	s6 =	simm.s32 $0x9;
	v18 =	vshll.u32 v18, $0x7;
	v11 =	vadd.s32 v0, v11;
	v12 =	vadd.s32 v0, v12;
	v7 =	vld.idx.msk [tilespmem:v7+s12+$0x0], $0xffff  }
0x404: {  	s7 =	simm.s32 $0xB;
	s6 =	sand.u32 $0x7D, s6;
	s3 =	simm.s32 $0x0;
	v13 =	vadd.s32 v0, v13;
	v14 =	vadd.s32 v0, v14;
	v15 =	vadd.s32 v0, v15;
	v2 =	vld.idx.msk [tilespmem:v2+s12+$0x0], $0xffff  }
0x405: {  	s25 =	simm.s32 $0x8;
	s7 =	sand.u32 $0x7F, s7;
	v16 =	vadd.s32 v0, v16;
	v9 =	vmov s3;
	v14 =	vor.u32 s6, v14;
	s4 =	simm.s32 $0x0  }
0x406: {  	s24 =	simm.s32 $0x7;
	s3 =	sand.u32 $0x7D, s23;
	v16 =	vor.u32 s7, v16;
	v9 =	vshll.u32 v9, $0x7;
	s2 =	sand.u32 $0x7C, s25;
	v10 =	vmov s4  }
0x407: {  	s19 =	simm.s32 $0x3;
	v11 =	vor.u32 s3, v11;
	v13 =	vor.u32 s2, v13;
	s4 =	sand.u32 $0x7F, s24;
	v23 =	vshll.u32 v10, $0x7;
	v8 =	vld.idx.msk [tilespmem:v8+s12+$0x0], $0xffff  }
0x408: {  	v12 =	vor.u32 s4, v12;
	v3 =	vadd.f32 v3, v5;
	v5 =	vmov s19  }
0x409: {  	v2 =	vadd.f32 v4, v2;
	v4 =	vadd.f32 v7, v6;
	v5 =	vand.u32 $0x7F, v5  }
0x40a: {  	s31 =	simm.s32 $0x0;
	v6 =	vshll.u32 v19, $0x7;
	v7 =	vshll.u32 v20, $0x7;
	v19 =	vshll.u32 v21, $0x7  }
0x40b: {  	s20 =	simm.s32 $0x0;
	v21 =	vmov s31;
	v5 =	vbroadcast v5, $0x0;
	v6 =	vadd.s32 v0, v6  }
0x40c: {  	s0 =	sand.u32 $0x7C, s20;
	v2 =	vadd.f32 v2, v3;
	v3 =	vadd.f32 v8, v4;
	v4 =	vadd.s32 v0, v9  }
0x40d: {  	s21 =	simm.s32 $0x4;
	s26 =	simm.s32 $0xA;
	s5 =	sor.u32 $0x2, s0;
	v7 =	vadd.s32 v0, v7;
	v8 =	vshll.u32 v22, $0x7;
	v9 =	vor.u32 s0, v4  }
0x40e: {  	s29 =	simm.s32 $0x10;
	s22 =	sor.u32 $0x1, s0;
	v16 =	vld.idx.msk [tilespmem:v16+s12+$0x0], $0xffff;
	v10 =	vor.u32 v1, v5;
	s0 =	sor.u32 $0x3, s0;
	v20 =	vor.u32 s5, v4;
	v2 =	vadd.f32 v3, v2  }
0x40f: {  	s30 =	simm.s32 $0x11;
	s1 =	sand.u32 $0x7C, s21;
	v28 =	vld.idx.msk [tilespmem:v11+s12+$0x0], $0xffff;
	v5 =	vadd.s32 v0, v23;
	s5 =	sand.u32 $0x7E, s26;
	v3 =	vor.u32 s22, v4;
	v4 =	vor.u32 s0, v4  }
0x410: {  	s10 =	simm.s32 $0x12;
	s15 =	sand.u32 $0x7D, s30;
	v24 =	vor.u32 s5, v15;
	v15 =	vld.idx.msk [tilespmem:v14+s12+$0x0], $0xffff;
	v22 =	vmul.f32 $1.428571490e-01, v2;
	v2 =	vor.u32 s1, v5;
	s1 =	sand.u32 $0x7C, s29  }
0x411: {  	s8 =	simm.s32 $0xE;
	s16 =	sand.u32 $0x7E, s10;
	v19 =	vadd.s32 v0, v19;
	v30 =	vor.u32 s15, v7;
	v29 =	vor.u32 s1, v6;
	v6 =	vld.idx.msk [tilespmem:v12+s12+$0x0], $0xffff  }
0x412: {  	s9 =	simm.s32 $0x0;
	s11 =	simm.s32 $0x13;
	s28 =	simm.s32 $0xC;
	v31 =	vor.u32 s16, v19;
	v7 =	vshll.u32 v21, $0x7;
	v8 =	vadd.s32 v0, v8;
	v9 =	vld.idx.msk [tilespmem:v9+s12+$0x0], $0xffff  }
0x413: {  	s8 =	sand.u32 $0x7E, s8;
	s0 =	sand.u32 $0x7C, s28;
	v5 =	vadd.s32 v0, v17;
	v17 =	vadd.s32 v0, v18;
	v18 =	vmov s9;
	s9 =	simm.s32 $0x0;
	v20 =	vld.idx.msk [tilespmem:v20+s12+$0x0], $0xffff  }
0x414: {  	s17 =	sand.u32 $0x7F, s11;
	s13 =	sor.u32 $0x1, s8;
	s21 =	simm.s32 $0xD;
	v7 =	vadd.s32 v0, v7;
	v23 =	vmov s9;
	v5 =	vor.u32 s0, v5;
	v3 =	vld.idx.msk [tilespmem:v3+s12+$0x0], $0xffff  }
0x415: {  	s2 =	sand.u32 $0x7D, s21;
	s19 =	simm.s32 $0x0;
	s29 =	simm.s32 $0x0;
	v26 =	vor.u32 s8, v17;
	v27 =	vor.u32 s13, v17;
	v12 =	vor.u32 s17, v8;
	v4 =	vld.idx.msk [tilespmem:v4+s12+$0x0], $0xffff  }
0x416: {  	s30 =	simm.s32 $0x0;
	v8 =	vld.idx.msk [tilespmem:v13+s12+$0x0], $0xffff;
	v13 =	vor.u32 s2, v7;
	v7 =	vmov s19;
	v19 =	vmov s29  }
0x417: {  	s18 =	simm.s32 $0x4;
	s31 =	simm.s32 $0x0;
	s22 =	simm.s32 $0x14;
	v11 =	vshll.u32 v23, $0x7;
	v23 =	vshll.u32 v19, $0x7;
	v19 =	vmov s30;
	v25 =	vld.idx.msk [tilespmem:v2+s12+$0x0], $0xffff  }
0x418: {  	s10 =	simm.s32 $0x0;
	s20 =	simm.s32 $0x6;
	s3 =	sand.u32 $0x7C, s22;
	[tilespmem:v10+s14+$0x0] =	vst.idx.msk $0xffff, v22;
	v22 =	vmov s31;
	v10 =	vld.idx.msk [tilespmem:v31+s12+$0x0], $0xffff;
	v11 =	vadd.s32 v0, v11;
	v2 =	vshll.u32 v18, $0x7  }
0x419: {  	s23 =	simm.s32 $0x1;
	s7 =	simm.s32 $0x25;
	s24 =	simm.s32 $0x2;
	v17 =	vld.idx.msk [tilespmem:v24+s12+$0x0], $0xffff;
	v23 =	vadd.s32 v0, v23;
	v11 =	vor.u32 s3, v11;
	v2 =	vadd.s32 v0, v2  }
0x41a: {  	s6 =	simm.s32 $0x8;
	s26 =	simm.s32 $0x0;
	s0 =	sand.u32 $0x7E, s20;
	v18 =	vld.idx.msk [tilespmem:v5+s12+$0x0], $0xffff;
	v5 =	vmov s24;
	v3 =	vadd.f32 v3, v9;
	v4 =	vadd.f32 v4, v20  }
0x41b: {  	s25 =	simm.s32 $0x31;
	s16 =	simm.s32 $0x37;
	s28 =	simm.s32 $0x32;
	v21 =	vld.idx.msk [tilespmem:v26+s12+$0x0], $0xffff;
	v6 =	vadd.f32 v8, v6;
	v14 =	vor.u32 s0, v2;
	v9 =	vmov s26  }
0x41c: {  	s15 =	simm.s32 $0x21;
	s5 =	simm.s32 $0x35;
	s4 =	sand.u32 $0x7E, s28;
	v24 =	vld.idx.msk [tilespmem:v27+s12+$0x0], $0xffff;
	v9 =	vshll.u32 v9, $0x7;
	v2 =	vadd.f32 v4, v3;
	v3 =	vadd.f32 v28, v25  }
0x41d: {  	s13 =	simm.s32 $0x23;
	s20 =	simm.s32 $0x24;
	s2 =	sand.u32 $0x7D, s25;
	v8 =	vld.idx.msk [tilespmem:v29+s12+$0x0], $0xffff;
	v4 =	vand.u32 $0x7C, v7;
	v7 =	vmov s23;
	v20 =	vadd.s32 v0, v9  }
0x41e: {  	s9 =	simm.s32 $0x34;
	s1 =	simm.s32 $0x36;
	s3 =	simm.s32 $0x20;
	v9 =	vld.idx.msk [tilespmem:v30+s12+$0x0], $0xffff;
	v4 =	vbroadcast v4, $0x0;
	v7 =	vand.u32 $0x7D, v7;
	v25 =	vor.u32 s2, v20  }
.LBB2_22:
0x41f: {  	p0 =	slt.u32 s6, $0x7C  }
0x420: {  	s0 =	sadd.s32 $0xFFFFFFEF, s16;
	v26 =	vor.u32 s4, v23;
	s2 =	sor.u32 $0x2, s2;
	v23 =	vshll.u32 v19, $0x7;
	v27 =	vmov s10;
	v19 =	vld.idx.msk [tilespmem:v12+s12+$0x0], $0xffff;
	s11 =	sadd.s32 $0xFFFFFFF0, s16  }
0x421: {  	s14 =	sadd.s32 $0xFFFFFFF1, s16;
	v22 =	vshll.u32 v22, $0x7;
	s10 =	sadd.s32 $0xFFFFFFF3, s16;
	v12 =	vor.u32 s2, v20;
	s2 =	sand.u32 $0x7C, s9;
	v23 =	vadd.s32 v0, v23;
	v20 =	vld.idx.msk [tilespmem:v14+s12+$0x0], $0xffff  }
0x422: {  	s4 =	sshrl.u32 s16, $0x7;
	s21 =	sadd.s32 $0xFFFFFFF5, s16;
	v27 =	vshll.u32 v27, $0x7;
	v14 =	vor.u32 s2, v23;
	s2 =	sand.u32 $0x7D, s5;
	v23 =	vadd.s32 v0, v22;
	v22 =	vld.idx.msk [tilespmem:v13+s12+$0x0], $0xffff  }
0x423: {  	s25 =	sadd.s32 $0xFFFFFFF6, s16;
	s1 =	sand.u32 $0x7E, s1;
	s19 =	sadd.s32 $0xFFFFFFF8, s16;
	v28 =	vmov s4;
	v27 =	vadd.s32 v0, v27;
	v13 =	vor.u32 s2, v23;
	v23 =	vld.idx.msk [tilespmem:v11+s12+$0x0], $0xffff  }
0x424: {  	v15 =	vadd.f32 v17, v15;
	s8 =	sshrl.u32 s20, $0x7;
	s9 =	sadd.s32 $0xFFFFFFF7, s16;
	s2 =	sadd.s32 $0xFFFFFFE5, s16;
	v11 =	vld.idx.msk [tilespmem:v25+s12+$0x0], $0xffff;
	v25 =	vor.u32 s1, v27;
	v27 =	vshll.u32 v28, $0x7  }
0x425: {  	v16 =	vadd.f32 v18, v16;
	s4 =	sshrl.u32 s3, $0x7;
	v17 =	vadd.f32 v24, v21;
	s5 =	sand.u32 $0x7F, s16;
	s1 =	sshrl.u32 s2, $0x7;
	v26 =	vld.idx.msk [tilespmem:v26+s12+$0x0], $0xffff;
	v27 =	vadd.s32 v0, v27  }
0x426: {  	s22 =	sadd.s32 $0xFFFFFFF2, s16;
	v21 =	vmov s4;
	s4 =	sshrl.u32 s13, $0x7;
	v18 =	vmov s1;
	s1 =	sshrl.u32 s15, $0x7;
	v12 =	vld.idx.msk [tilespmem:v12+s12+$0x0], $0xffff;
	v24 =	vor.u32 s5, v27  }
0x427: {  	v29 =	vmov s8;
	v28 =	vmov s4;
	s4 =	sshrl.u32 s0, $0x7;
	v27 =	vmov s1;
	s1 =	sshrl.u32 s7, $0x7;
	s5 =	sshrl.u32 s11, $0x7;
	v14 =	vld.idx.msk [tilespmem:v14+s12+$0x0], $0xffff  }
0x428: {  	v31 =	vmov s4;
	s4 =	sshrl.u32 s10, $0x7;
	v30 =	vmov s1;
	v32 =	vmov s5;
	s1 =	sshrl.u32 s14, $0x7;
	s5 =	sshrl.u32 s21, $0x7;
	v13 =	vld.idx.msk [tilespmem:v13+s12+$0x0], $0xffff  }
0x429: {  	v34 =	vmov s4;
	s4 =	sshrl.u32 s9, $0x7;
	v33 =	vmov s1;
	v35 =	vmov s5;
	s1 =	sshrl.u32 s25, $0x7;
	s5 =	sshrl.u32 s19, $0x7;
	v25 =	vld.idx.msk [tilespmem:v25+s12+$0x0], $0xffff  }
0x42a: {  	s24 =	sadd.s32 $0xFFFFFFF9, s16;
	s8 =	sadd.s32 $0xFFFFFFEB, s16;
	v37 =	vmov s4;
	v36 =	vmov s1;
	v38 =	vmov s5;
	s1 =	simm.s32 $0x7400  }
0x42b: {  	s29 =	sshrl.u32 s8, $0x7;
	v21 =	vshll.u32 v21, $0x7;
	s26 =	sand.u32 $0x7C, s2;
	v18 =	vshll.u32 v18, $0x7;
	v27 =	vshll.u32 v27, $0x7;
	s12 =	sshrl.u32 s22, $0x7;
	v24 =	vld.idx.msk [tilespmem:v24+s1+$0x0], $0xffff  }
0x42c: {  	s31 =	sshrl.u32 s24, $0x7;
	v29 =	vshll.u32 v29, $0x7;
	v28 =	vshll.u32 v28, $0x7;
	s10 =	sand.u32 $0x7E, s10;
	v30 =	vshll.u32 v30, $0x7;
	s5 =	sor.u32 $0x1, s26  }
0x42d: {  	s2 =	sadd.s32 $0x3, s18;
	v31 =	vshll.u32 v31, $0x7;
	s4 =	sor.u32 $0x2, s26;
	v32 =	vshll.u32 v32, $0x7;
	v33 =	vshll.u32 v33, $0x7;
	s1 =	sor.u32 $0x3, s26  }
0x42e: {  	s23 =	sand.u32 $0x7C, s3;
	s15 =	sand.u32 $0x7D, s15;
	s3 =	sor.u32 $0x1, s10;
	v34 =	vshll.u32 v34, $0x7;
	v11 =	vadd.f32 v26, v11;
	v26 =	vmov s2  }
0x42f: {  	s2 =	sand.u32 $0x7F, s13;
	s13 =	sand.u32 $0x7C, s20;
	s20 =	sand.u32 $0x7D, s7;
	v12 =	vadd.f32 v14, v12;
	v14 =	vand.u32 $0x7F, v26;
	v13 =	vadd.f32 v25, v13  }
0x430: {  	s28 =	sand.u32 $0x7E, s0;
	s30 =	sand.u32 $0x7F, s11;
	s14 =	sand.u32 $0x7C, s14;
	v26 =	vshll.u32 v36, $0x7;
	v14 =	vbroadcast v14, $0x0;
	v25 =	vshll.u32 v35, $0x7  }
0x431: {  	s17 =	sand.u32 $0x7E, s9;
	s21 =	sand.u32 $0x7C, s21;
	s25 =	sand.u32 $0x7D, s25;
	v35 =	vshll.u32 v37, $0x7;
	v11 =	vadd.f32 v12, v11;
	v12 =	vadd.f32 v24, v13  }
0x432: {  	s9 =	sand.u32 $0x7D, s22;
	s7 =	sand.u32 $0x7E, s8;
	s8 =	sand.u32 $0x7F, s19;
	v14 =	vor.u32 v1, v14;
	v13 =	vadd.s32 v0, v18;
	v18 =	vshll.u32 v38, $0x7  }
0x433: {  	v21 =	vadd.s32 v0, v21;
	s0 =	smov.u32 s18;
	s18 =	smov.u32 s6;
	s11 =	sand.u32 $0x7C, s24;
	v24 =	vadd.s32 v0, v27;
	v11 =	vadd.f32 v12, v11  }
0x434: {  	v27 =	vadd.s32 v0, v29;
	v12 =	vadd.s32 v0, v28;
	v28 =	vadd.s32 v0, v30  }
0x435: {  	v29 =	vadd.s32 v0, v31;
	v30 =	vadd.s32 v0, v32;
	v11 =	vmul.f32 $1.428571490e-01, v11  }
0x436: {  	s19 =	simm.s32 $0xE400;
	v25 =	vadd.s32 v0, v25;
	v31 =	vadd.s32 v0, v33;
	v32 =	vadd.s32 v0, v34  }
0x437: {  	v26 =	vadd.s32 v0, v26;
	v33 =	vmov s29;
	v34 =	vadd.s32 v0, v35;
	[tilespmem:v14+s19+$0x0] =	vst.idx.msk $0xffff, v11  }
0x438: {  	v11 =	vmov s12;
	s12 =	simm.s32 $0x7400;
	v14 =	vadd.s32 v0, v18;
	v18 =	vmov s31  }
0x439: {  	v36 =	vor.u32 s5, v13;
	v37 =	vor.u32 s4, v13;
	v35 =	vor.u32 s26, v13  }
0x43a: {  	v21 =	vor.u32 s23, v21;
	v24 =	vor.u32 s15, v24;
	v13 =	vor.u32 s1, v13  }
0x43b: {  	v27 =	vor.u32 s13, v27;
	v38 =	vor.u32 s2, v12;
	v28 =	vor.u32 s20, v28  }
0x43c: {  	v29 =	vor.u32 s28, v29;
	v31 =	vor.u32 s14, v31;
	v30 =	vor.u32 s30, v30  }
0x43d: {  	v25 =	vor.u32 s21, v25;
	v39 =	vor.u32 s10, v32;
	v32 =	vor.u32 s3, v32  }
0x43e: {  	v26 =	vor.u32 s25, v26;
	v34 =	vor.u32 s17, v34;
	v12 =	vor.u32 s8, v14;
	v35 =	vld.idx.msk [tilespmem:v35+s12+$0x0], $0xffff  }
0x43f: {  	v14 =	vshll.u32 v33, $0x7;
	v11 =	vshll.u32 v11, $0x7;
	v18 =	vshll.u32 v18, $0x7;
	v36 =	vld.idx.msk [tilespmem:v36+s12+$0x0], $0xffff  }
0x440: {  	v14 =	vadd.s32 v0, v14;
	v11 =	vadd.s32 v0, v11;
	v18 =	vadd.s32 v0, v18;
	v33 =	vld.idx.msk [tilespmem:v37+s12+$0x0], $0xffff  }
0x441: {  	v14 =	vor.u32 s7, v14;
	v37 =	vld.idx.msk [tilespmem:v13+s12+$0x0], $0xffff;
	v13 =	vor.u32 s9, v11;
	v11 =	vor.u32 s11, v18  }
0x442: {  	v5 =	vand.u32 $0x7E, v5;
	v8 =	vadd.f32 v9, v8;
	v9 =	vadd.f32 v19, v10;
	v18 =	vld.idx.msk [tilespmem:v21+s12+$0x0], $0xffff  }
0x443: {  	v7 =	vbroadcast v7, $0x0;
	v6 =	vadd.f32 v15, v6;
	v3 =	vadd.f32 v20, v3;
	v10 =	vld.idx.msk [tilespmem:v24+s12+$0x0], $0xffff  }
0x444: {  	v5 =	vbroadcast v5, $0x0;
	v8 =	vadd.f32 v8, v17;
	v16 =	vadd.f32 v22, v16;
	v19 =	vld.idx.msk [tilespmem:v38+s12+$0x0], $0xffff  }
0x445: {  	v4 =	vor.u32 v1, v4;
	v9 =	vadd.f32 v23, v9;
	v20 =	vadd.f32 v36, v35;
	v22 =	vld.idx.msk [tilespmem:v27+s12+$0x0], $0xffff  }
0x446: {  	v7 =	vor.u32 v1, v7;
	v2 =	vadd.f32 v3, v2;
	v3 =	vadd.f32 v16, v6;
	v15 =	vld.idx.msk [tilespmem:v28+s12+$0x0], $0xffff  }
0x447: {  	s16 =	sadd.s32 $0x1C, s16;
	v8 =	vadd.f32 v9, v8;
	v9 =	vor.u32 v1, v5;
	v6 =	vadd.f32 v37, v33;
	v17 =	vld.idx.msk [tilespmem:v29+s12+$0x0], $0xffff  }
0x448: {  	v5 =	vmov s0;
	v23 =	vmul.f32 $1.428571490e-01, v2;
	s15 =	sadd.s32 $0xFFFFFFEA, s16;
	s1 =	sadd.s32 $0x1, s0;
	s0 =	sadd.s32 $0x2, s0;
	v27 =	vmul.f32 $1.428571490e-01, v3;
	v16 =	vld.idx.msk [tilespmem:v30+s12+$0x0], $0xffff  }
0x449: {  	s13 =	sadd.s32 $0xFFFFFFEC, s16;
	s3 =	sadd.s32 $0xFFFFFFE9, s16;
	s2 =	sadd.s32 $0xFFFFFFFA, s16;
	v2 =	vadd.f32 v6, v20;
	v3 =	vadd.f32 v10, v18;
	v10 =	vmul.f32 $1.428571490e-01, v8;
	v18 =	vld.idx.msk [tilespmem:v31+s12+$0x0], $0xffff  }
.Ltmp15:
0x44a: {  	s4 =	sshrl.u32 s2, $0x7;
	s8 =	sadd.s32 $0xFFFFFFFB, s16;
	v6 =	vand.u32 $0x7C, v5;
	v8 =	vmov s1;
	v5 =	vmov s0;
	v21 =	vld.idx.msk [tilespmem:v39+s12+$0x0], $0xffff;
	[tilespmem:v4+s19+$0x0] =	vst.idx.msk $0xffff, v23;
	(pc) =	sbr.rel @p0 .LBB2_22-.Ltmp15, $4  }
0x44b: {  	s20 =	sadd.s32 $0xFFFFFFED, s16;
	s9 =	sadd.s32 $0xFFFFFFFD, s16;
	v20 =	vmov s4;
	s0 =	sshrl.u32 s8, $0x7;
	v4 =	vbroadcast v6, $0x0;
	v6 =	vadd.f32 v22, v19;
	v24 =	vld.idx.msk [tilespmem:v32+s12+$0x0], $0xffff;
	[tilespmem:v7+s19+$0x0] =	vst.idx.msk $0xffff, v27  }
0x44c: {  	s5 =	sadd.s32 $0xFFFFFFFE, s16;
	s7 =	sadd.s32 $0xFFFFFFEE, s16;
	v19 =	vshll.u32 v20, $0x7;
	v22 =	vmov s0;
	s0 =	sshrl.u32 s9, $0x7;
	v7 =	vand.u32 $0x7D, v8;
	v8 =	vld.idx.msk [tilespmem:v25+s12+$0x0], $0xffff;
	[tilespmem:v9+s19+$0x0] =	vst.idx.msk $0xffff, v10  }
0x44d: {  	s2 =	sand.u32 $0x7D, s2;
	s1 =	sadd.s32 $0xFFFFFFFF, s16;
	v20 =	vadd.s32 v0, v19;
	v19 =	vmov s0;
	s0 =	sshrl.u32 s5, $0x7;
	v10 =	vshll.u32 v22, $0x7;
	v9 =	vld.idx.msk [tilespmem:v26+s12+$0x0], $0xffff  }
0x44e: {  	s6 =	sadd.s32 $0x4, s6;
	s4 =	sand.u32 $0x7E, s8;
	s10 =	sshrl.u32 s1, $0x7;
	v25 =	vor.u32 s2, v20;
	v22 =	vmov s0;
	v23 =	vadd.s32 v0, v10;
	v10 =	vld.idx.msk [tilespmem:v34+s12+$0x0], $0xffff  }
0x44f: {  	v23 =	vor.u32 s4, v23;
	v19 =	vshll.u32 v19, $0x7;
	v26 =	vmov s10  }
0x450: {  	v22 =	vshll.u32 v22, $0x7;
	v15 =	vadd.f32 v17, v15;
	v16 =	vadd.f32 v18, v16  }
0x451: {  	s0 =	sadd.s32 $0xFFFFFFEF, s16;
	s2 =	sor.u32 $0x2, s2;
	v5 =	vand.u32 $0x7E, v5;
	v7 =	vbroadcast v7, $0x0;
	v4 =	vor.u32 v1, v4  }
0x452: {  	s21 =	sadd.s32 $0xFFFFFFF0, s16;
	s22 =	sshrl.u32 s16, $0x7;
	s26 =	sshrl.u32 s3, $0x7;
	v20 =	vor.u32 s2, v20;
	v19 =	vadd.s32 v0, v19;
	v26 =	vshll.u32 v26, $0x7  }
0x453: {  	s29 =	sshrl.u32 s15, $0x7;
	s30 =	sshrl.u32 s13, $0x7;
	s31 =	sshrl.u32 s20, $0x7;
	v27 =	vmov s22;
	v22 =	vadd.s32 v0, v22;
	v29 =	vmov s26  }
0x454: {  	s14 =	sadd.s32 $0xFFFFFFF1, s16;
	s17 =	sand.u32 $0x7C, s9;
	s19 =	sadd.s32 $0xFFFFFFF3, s16;
	v30 =	vmov s29;
	v31 =	vmov s30;
	v32 =	vmov s31  }
0x455: {  	s23 =	sand.u32 $0x7D, s5;
	s11 =	sadd.s32 $0xFFFFFFF6, s16;
	s4 =	sadd.s32 $0xFFFFFFE5, s16;
	v18 =	vadd.f32 v24, v21;
	v5 =	vbroadcast v5, $0x0;
	v19 =	vor.u32 s17, v19  }
0x456: {  	s24 =	sshrl.u32 s4, $0x7;
	s2 =	sshrl.u32 s7, $0x7;
	s5 =	sshrl.u32 s0, $0x7;
	v26 =	vadd.s32 v0, v26;
	v27 =	vshll.u32 v27, $0x7;
	v22 =	vor.u32 s23, v22  }
0x457: {  	s8 =	sshrl.u32 s21, $0x7;
	s9 =	sshrl.u32 s14, $0x7;
	s10 =	sshrl.u32 s19, $0x7;
	v28 =	vmov s24;
	v33 =	vmov s2;
	v34 =	vmov s5  }
0x458: {  	s22 =	sshrl.u32 s11, $0x7;
	s29 =	sadd.s32 $0x3, s18;
	v35 =	vmov s8;
	v36 =	vmov s9;
	v37 =	vmov s10  }
0x459: {  	s6 =	sadd.s32 $0xFFFFFFF5, s16;
	s1 =	sand.u32 $0x7E, s1;
	s25 =	sadd.s32 $0xFFFFFFF7, s16;
	v39 =	vmov s22;
	v42 =	vmov s29;
	v17 =	vshll.u32 v29, $0x7  }
0x45a: {  	v25 =	vld.idx.msk [tilespmem:v25+s12+$0x0], $0xffff;
	s26 =	sadd.s32 $0xFFFFFFF8, s16;
	s17 =	sshrl.u32 s6, $0x7;
	s23 =	sshrl.u32 s25, $0x7;
	v24 =	vshll.u32 v32, $0x7;
	v6 =	vadd.f32 v15, v6;
	v26 =	vor.u32 s1, v26  }
0x45b: {  	v12 =	vld.idx.msk [tilespmem:v12+s12+$0x0], $0xffff;
	s24 =	sshrl.u32 s26, $0x7;
	v27 =	vadd.s32 v0, v27;
	v38 =	vmov s17;
	v40 =	vmov s23  }
0x45c: {  	v11 =	vld.idx.msk [tilespmem:v11+s12+$0x0], $0xffff;
	v28 =	vshll.u32 v28, $0x7;
	v41 =	vmov s24;
	v17 =	vadd.s32 v0, v17  }
0x45d: {  	v51 =	vand.u32 $0x7F, v42;
	v52 =	vshll.u32 v36, $0x7;
	v53 =	vshll.u32 v37, $0x7;
	v23 =	vld.idx.msk [tilespmem:v23+s12+$0x0], $0xffff  }
0x45e: {  	s28 =	sand.u32 $0x7F, s16;
	s3 =	sand.u32 $0x7C, s3;
	v55 =	vshll.u32 v39, $0x7;
	v8 =	vadd.f32 v9, v8;
	v5 =	vor.u32 v1, v5;
	v20 =	vld.idx.msk [tilespmem:v20+s12+$0x0], $0xffff  }
0x45f: {  	s5 =	sand.u32 $0x7F, s13;
	s13 =	sadd.s32 $0xFFFFFFF2, s16;
	v27 =	vor.u32 s28, v27;
	v28 =	vadd.s32 v0, v28;
	v17 =	vor.u32 s3, v17;
	v19 =	vld.idx.msk [tilespmem:v19+s12+$0x0], $0xffff  }
0x460: {  	s9 =	sadd.s32 $0xFFFFFFEB, s16;
	s17 =	sshrl.u32 s13, $0x7;
	s28 =	sand.u32 $0x7C, s4;
	v29 =	vbroadcast v51, $0x0;
	v54 =	vshll.u32 v38, $0x7;
	v56 =	vshll.u32 v41, $0x7;
	v22 =	vld.idx.msk [tilespmem:v22+s12+$0x0], $0xffff  }
0x461: {  	s4 =	sand.u32 $0x7D, s15;
	s15 =	sshrl.u32 s9, $0x7;
	v60 =	vmov s17;
	s30 =	sor.u32 $0x1, s28;
	v45 =	vor.u32 s28, v28;
	v32 =	vadd.s32 v0, v54;
	v26 =	vld.idx.msk [tilespmem:v26+s12+$0x0], $0xffff  }
0x462: {  	s31 =	sor.u32 $0x2, s28;
	s2 =	sor.u32 $0x3, s28;
	v59 =	vmov s15;
	v10 =	vadd.f32 v12, v10;
	v43 =	vor.u32 s30, v28  }
0x463: {  	v14 =	vld.idx.msk [tilespmem:v14+s12+$0x0], $0xffff;
	v44 =	vor.u32 s31, v28;
	v28 =	vor.u32 s2, v28;
	v23 =	vadd.f32 v23, v25  }
0x464: {  	s6 =	sand.u32 $0x7C, s6;
	s29 =	sand.u32 $0x7D, s11;
	v25 =	vshll.u32 v33, $0x7;
	v33 =	vadd.s32 v0, v55;
	v19 =	vadd.f32 v19, v20;
	v20 =	vld.idx.msk [tilespmem:v27+s12+$0x0], $0xffff  }
0x465: {  	v13 =	vld.idx.msk [tilespmem:v13+s12+$0x0], $0xffff;
	v32 =	vor.u32 s6, v32;
	v10 =	vadd.f32 v11, v10;
	v33 =	vor.u32 s29, v33  }
0x466: {  	v17 =	vld.idx.msk [tilespmem:v17+s12+$0x0], $0xffff;
	v27 =	vshll.u32 v35, $0x7;
	v21 =	vadd.f32 v26, v22;
	v22 =	vshll.u32 v30, $0x7  }
0x467: {  	s8 =	sand.u32 $0x7C, s20;
	s20 =	sand.u32 $0x7F, s21;
	v57 =	vld.idx.msk [tilespmem:v43+s12+$0x0], $0xffff;
	v26 =	vshll.u32 v34, $0x7;
	v27 =	vadd.s32 v0, v27;
	v30 =	vadd.s32 v0, v52  }
0x468: {  	s22 =	sand.u32 $0x7C, s14;
	v58 =	vld.idx.msk [tilespmem:v44+s12+$0x0], $0xffff;
	v34 =	vadd.s32 v0, v56;
	v19 =	vadd.f32 v19, v23;
	v27 =	vor.u32 s20, v27  }
0x469: {  	s31 =	sand.u32 $0x7F, s26;
	v28 =	vld.idx.msk [tilespmem:v28+s12+$0x0], $0xffff;
	v23 =	vshll.u32 v31, $0x7;
	v30 =	vor.u32 s22, v30;
	v20 =	vadd.f32 v20, v21  }
0x46a: {  	s23 =	sand.u32 $0x7E, s19;
	v15 =	vld.idx.msk [tilespmem:v32+s12+$0x0], $0xffff;
	v22 =	vadd.s32 v0, v22;
	v31 =	vadd.s32 v0, v53;
	v34 =	vor.u32 s31, v34  }
0x46b: {  	v22 =	vor.u32 s4, v22;
	v12 =	vor.u32 s23, v31;
	v11 =	vld.idx.msk [tilespmem:v33+s12+$0x0], $0xffff;
	v19 =	vadd.f32 v20, v19  }
0x46c: {  	v20 =	vadd.s32 v0, v23;
	v23 =	vadd.s32 v0, v24;
	v24 =	vadd.s32 v0, v25;
	v25 =	vld.idx.msk [tilespmem:v45+s12+$0x0], $0xffff  }
0x46d: {  	s28 =	sor.u32 $0x1, s23;
	v38 =	vshll.u32 v60, $0x7;
	v8 =	vadd.f32 v8, v18;
	v27 =	vld.idx.msk [tilespmem:v27+s12+$0x0], $0xffff;
	v20 =	vor.u32 s5, v20  }
0x46e: {  	s0 =	sand.u32 $0x7E, s0;
	v26 =	vadd.s32 v0, v26;
	v31 =	vor.u32 s28, v31;
	v21 =	vshll.u32 v40, $0x7;
	v30 =	vld.idx.msk [tilespmem:v30+s12+$0x0], $0xffff  }
0x46f: {  	s30 =	sand.u32 $0x7E, s25;
	v8 =	vadd.f32 v10, v8;
	v26 =	vor.u32 s0, v26;
	v21 =	vadd.s32 v0, v21;
	v10 =	vld.idx.msk [tilespmem:v34+s12+$0x0], $0xffff  }
0x470: {  	s21 =	sadd.s32 $0xFFFFFFF9, s16;
	v3 =	vadd.f32 v14, v3;
	v13 =	vadd.f32 v13, v16;
	v21 =	vor.u32 s30, v21;
	v22 =	vld.idx.msk [tilespmem:v22+s12+$0x0], $0xffff  }
0x471: {  	s10 =	sand.u32 $0x7D, s7;
	s24 =	sshrl.u32 s21, $0x7;
	v37 =	vshll.u32 v59, $0x7;
	v38 =	vadd.s32 v0, v38;
	v23 =	vor.u32 s8, v23;
	v12 =	vld.idx.msk [tilespmem:v12+s12+$0x0], $0xffff  }
0x472: {  	s1 =	sand.u32 $0x7D, s13;
	s2 =	sand.u32 $0x7E, s9;
	v37 =	vadd.s32 v0, v37;
	v24 =	vor.u32 s10, v24;
	v9 =	vld.idx.msk [tilespmem:v20+s12+$0x0], $0xffff;
	v20 =	vmov s24  }
0x473: {  	v38 =	vor.u32 s1, v38;
	v37 =	vor.u32 s2, v37;
	v14 =	vld.idx.msk [tilespmem:v31+s12+$0x0], $0xffff;
	v20 =	vshll.u32 v20, $0x7  }
0x474: {  	v2 =	vadd.f32 v3, v2;
	v3 =	vadd.f32 v13, v6;
	s0 =	sand.u32 $0x7C, s21;
	v26 =	vld.idx.msk [tilespmem:v26+s12+$0x0], $0xffff;
	v20 =	vadd.s32 v0, v20  }
0x475: {  	v18 =	vmov s18;
	v6 =	vor.u32 v1, v7;
	v7 =	vld.idx.msk [tilespmem:v21+s12+$0x0], $0xffff;
	v20 =	vor.u32 s0, v20  }
0x476: {  	v29 =	vor.u32 v1, v29;
	v2 =	vmul.f32 $1.428571490e-01, v2;
	v3 =	vmul.f32 $1.428571490e-01, v3;
	v23 =	vld.idx.msk [tilespmem:v23+s12+$0x0], $0xffff  }
0x477: {  	v8 =	vmul.f32 $1.428571490e-01, v8;
	v13 =	vadd.f32 v28, v58;
	s5 =	sadd.s32 $0x2, s18;
	v16 =	vadd.f32 v57, v25;
	v24 =	vld.idx.msk [tilespmem:v24+s12+$0x0], $0xffff  }
0x478: {  	v11 =	vadd.f32 v11, v15;
	v21 =	vld.idx.msk [tilespmem:v37+s12+$0x0], $0xffff;
	v25 =	vmov s5;
	v12 =	vadd.f32 v14, v12  }
0x479: {  	s4 =	sadd.s32 $0x1, s18;
	v13 =	vadd.f32 v13, v16;
	v16 =	vadd.f32 v22, v17;
	v17 =	vand.u32 $0x7C, v18;
	v18 =	vld.idx.msk [tilespmem:v38+s12+$0x0], $0xffff  }
0x47a: {  	v22 =	vmov s4;
	v17 =	vbroadcast v17, $0x0;
	v11 =	vadd.f32 v11, v12;
	v20 =	vld.idx.msk [tilespmem:v20+s12+$0x0], $0xffff  }
0x47b: {  	v22 =	vand.u32 $0x7D, v22;
	v7 =	vadd.f32 v10, v7;
	v9 =	vadd.f32 v23, v9  }
0x47c: {  	v15 =	vbroadcast v22, $0x0;
	v23 =	vadd.f32 v26, v24;
	v24 =	vadd.f32 v30, v27  }
0x47d: {  	s6 =	simm.s32 $0xE400;
	v10 =	vand.u32 $0x7E, v25;
	v14 =	vadd.f32 v21, v16;
	v12 =	vor.u32 v1, v17  }
0x47e: {  	[tilespmem:v4+s6+$0x0] =	vst.idx.msk $0xffff, v2;
	v10 =	vbroadcast v10, $0x0;
	v9 =	vadd.f32 v23, v9;
	v16 =	vadd.f32 v18, v24  }
0x47f: {  	v13 =	vadd.f32 v14, v13;
	v14 =	vor.u32 v1, v15;
	v7 =	vadd.f32 v20, v7  }
0x480: {  	[tilespmem:v6+s6+$0x0] =	vst.idx.msk $0xffff, v3;
	v19 =	vmul.f32 $1.428571490e-01, v19;
	v4 =	vor.u32 v1, v10;
	v2 =	vadd.f32 v16, v9  }
0x481: {  	s11 =	simm.s32 $0x8;
	s14 =	simm.s32 $0x0;
	[tilespmem:v5+s6+$0x0] =	vst.idx.msk $0xffff, v8;
	v6 =	vmul.f32 $1.428571490e-01, v13;
	v3 =	vadd.f32 v7, v11  }
0x482: {  	s16 =	simm.s32 $0x0;
	s13 =	simm.s32 $0x15;
	s19 =	simm.s32 $0x18;
	[tilespmem:v29+s6+$0x0] =	vst.idx.msk $0xffff, v19;
	v2 =	vmul.f32 $1.428571490e-01, v2  }
0x483: {  	s3 =	simm.s32 $0x0;
	s17 =	simm.s32 $0x0;
	s23 =	simm.s32 $0x0;
	[tilespmem:v12+s6+$0x0] =	vst.idx.msk $0xffff, v6;
	v3 =	vmul.f32 $1.428571490e-01, v3  }
0x484: {  	s15 =	simm.s32 $0x16;
	s28 =	simm.s32 $0x0;
	v8 =	vmov s23;
	s7 =	rddreg [dreg:$0x1c];
	[tilespmem:v14+s6+$0x0] =	vst.idx.msk $0xffff, v2  }
0x485: {  	v8 =	vshll.u32 v8, $0x7;
	s10 =	simm.s32 $0x0;
	s0 =	sshll.u32 s7, $0x9;
	s8 =	rddreg [dreg:$0xd];
	[tilespmem:v4+s6+$0x0] =	vst.idx.msk $0xffff, v3  }
0x486: {  	v8 =	vadd.s32 v0, v8;
	s5 =	simm.s32 $0x0;
	s1 =	sadd.s32 s8, s0;
	s9 =	rddreg [dreg:$0x4]  }
0x487: {  	v15 =	vmov s5;
	v10 =	vmov s28;
	s12 =	simm.s32 $0x0;
	v2 =	vmov s10;
	[dreg:$0x1a] =	wrdreg s1;
	s0 =	sadd.s32 s9, s1  }
0x488: {  	v15 =	vshll.u32 v15, $0x7;
	v2 =	vshll.u32 v2, $0x7;
	v3 =	vmov s12;
	[hbm4b:s0+s3] =	stream.linear.scatter [tilespmem:s6], [sflag:$0x9], $0x800, $0x38;
	[tilespmem:$0xF400] =	vst v63  }
0x489: {  	s2 =	sand.u32 $0x7E, s15;
	v6 =	vmov s16;
	v2 =	vadd.s32 v0, v2;
	v3 =	vshll.u32 v3, $0x7;
	s1 =	sand.u32 $0x7D, s13;
	_ =	swait.ge [sflag:s11], $0x3800  }
0x48a: {  	s20 =	simm.s32 $0x19;
	s22 =	simm.s32 $0x1A;
	v4 =	vmov s14;
	v3 =	vadd.s32 v0, v3;
	v5 =	vor.u32 s1, v2;
	[sflag:s11] =	ssyncset.done $0x0  }
0x48b: {  	s18 =	simm.s32 $0xA;
	v6 =	vshll.u32 v6, $0x7;
	v4 =	vshll.u32 v4, $0x7;
	v3 =	vor.u32 s2, v3;
	s1 =	sor.u32 $0x2, s1;
	[sflag:s11] =	ssyncadd.s32 $0xFFFFC800  }
0x48c: {  	s31 =	simm.s32 $0x0;
	s21 =	sand.u32 $0x7C, s19;
	v7 =	vmov s17;
	v4 =	vadd.s32 v0, v4;
	v2 =	vor.u32 s1, v2;
	_ =	swait.ge [sflag:s18], $0x800  }
0x48d: {  	s30 =	simm.s32 $0x0;
	v6 =	vadd.s32 v0, v6;
	v7 =	vshll.u32 v7, $0x7;
	v4 =	vor.u32 s21, v4;
	s0 =	sand.u32 $0x7D, s20;
	[sflag:s18] =	ssyncset.done $0x0  }
0x48e: {  	s24 =	sand.u32 $0x7E, s22;
	v13 =	vmov s31;
	v7 =	vadd.s32 v0, v7;
	s12 =	simm.s32 $0xAC00;
	v6 =	vor.u32 s0, v6;
	[sflag:s18] =	ssyncadd.s32 $0xFFFFF800  }
0x48f: {  	s26 =	simm.s32 $0x0;
	v23 =	vshll.u32 v10, $0x7;
	v12 =	vmov s30;
	v7 =	vor.u32 s24, v7;
	v5 =	vld.idx.msk [tilespmem:v5+s12+$0x0], $0xffff  }
0x490: {  	s25 =	simm.s32 $0x1B;
	s19 =	simm.s32 $0x7;
	v9 =	vmov s26;
	v13 =	vshll.u32 v13, $0x7;
	v12 =	vshll.u32 v12, $0x7;
	v3 =	vld.idx.msk [tilespmem:v3+s12+$0x0], $0xffff  }
0x491: {  	s5 =	sand.u32 $0x7F, s19;
	v9 =	vshll.u32 v9, $0x7;
	v13 =	vadd.s32 v0, v13;
	s7 =	simm.s32 $0x0;
	v12 =	vadd.s32 v0, v12;
	s1 =	sand.u32 $0x7F, s25;
	v2 =	vld.idx.msk [tilespmem:v2+s12+$0x0], $0xffff  }
0x492: {  	s29 =	simm.s32 $0x0;
	v17 =	vmov s7;
	s10 =	simm.s32 $0x0;
	v12 =	vor.u32 s5, v12;
	s8 =	simm.s32 $0x0;
	v8 =	vor.u32 s1, v8;
	v4 =	vld.idx.msk [tilespmem:v4+s12+$0x0], $0xffff  }
0x493: {  	v20 =	vmov s10;
	v11 =	vmov s29;
	v18 =	vmov s8;
	v6 =	vld.idx.msk [tilespmem:v6+s12+$0x0], $0xffff  }
0x494: {  	v17 =	vshll.u32 v17, $0x7;
	v11 =	vshll.u32 v11, $0x7;
	v18 =	vshll.u32 v18, $0x7;
	s9 =	simm.s32 $0x0;
	s2 =	simm.s32 $0x0;
	v7 =	vld.idx.msk [tilespmem:v7+s12+$0x0], $0xffff  }
0x495: {  	v11 =	vadd.s32 v0, v11;
	s13 =	simm.s32 $0x0;
	s6 =	simm.s32 $0x0;
	v19 =	vmov s9;
	s21 =	simm.s32 $0x8;
	v14 =	vmov s2  }
0x496: {  	v22 =	vmov s13;
	v16 =	vmov s6;
	s2 =	sand.u32 $0x7C, s21;
	v14 =	vshll.u32 v14, $0x7;
	s18 =	simm.s32 $0x5  }
0x497: {  	v16 =	vshll.u32 v16, $0x7;
	v13 =	vor.u32 s2, v13;
	s11 =	simm.s32 $0x0;
	v14 =	vadd.s32 v0, v14;
	v8 =	vld.idx.msk [tilespmem:v8+s12+$0x0], $0xffff;
	s4 =	sand.u32 $0x7D, s18  }
0x498: {  	s14 =	simm.s32 $0x3;
	v21 =	vmov s11;
	v11 =	vor.u32 s4, v11;
	v3 =	vadd.f32 v3, v5  }
0x499: {  	v5 =	vmov s14;
	v2 =	vadd.f32 v4, v2;
	v4 =	vadd.f32 v7, v6  }
0x49a: {  	s15 =	simm.s32 $0x0;
	v6 =	vshll.u32 v19, $0x7;
	v7 =	vshll.u32 v20, $0x7;
	v5 =	vand.u32 $0x7F, v5  }
0x49b: {  	s0 =	sand.u32 $0x7C, s15;
	v19 =	vshll.u32 v21, $0x7;
	v6 =	vadd.s32 v0, v6;
	v5 =	vbroadcast v5, $0x0  }
0x49c: {  	s20 =	sor.u32 $0x2, s0;
	v2 =	vadd.f32 v2, v3;
	v3 =	vadd.f32 v8, v4;
	v4 =	vadd.s32 v0, v9  }
0x49d: {  	s23 =	simm.s32 $0xA;
	v8 =	vshll.u32 v22, $0x7;
	v9 =	vor.u32 s0, v4;
	v20 =	vor.u32 s20, v4  }
0x49e: {  	s16 =	simm.s32 $0x4;
	s17 =	sor.u32 $0x1, s0;
	s0 =	sor.u32 $0x3, s0;
	v8 =	vadd.s32 v0, v8;
	v10 =	vor.u32 v1, v5;
	v2 =	vadd.f32 v3, v2  }
0x49f: {  	s22 =	simm.s32 $0x9;
	s26 =	simm.s32 $0x10;
	s1 =	sand.u32 $0x7C, s16;
	v5 =	vadd.s32 v0, v23;
	v3 =	vor.u32 s17, v4;
	v4 =	vor.u32 s0, v4  }
0x4a0: {  	s30 =	simm.s32 $0x12;
	s13 =	simm.s32 $0x13;
	v27 =	vld.idx.msk [tilespmem:v11+s12+$0x0], $0xffff;
	v23 =	vmul.f32 $1.428571490e-01, v2;
	v2 =	vor.u32 s1, v5;
	v5 =	vadd.s32 v0, v17;
	s1 =	sand.u32 $0x7C, s26  }
0x4a1: {  	s7 =	sand.u32 $0x7D, s22;
	s16 =	sand.u32 $0x7E, s30;
	s17 =	sand.u32 $0x7F, s13;
	v17 =	vadd.s32 v0, v18;
	v18 =	vadd.s32 v0, v19;
	v61 =	vor.u32 s1, v6;
	v6 =	vld.idx.msk [tilespmem:v12+s12+$0x0], $0xffff  }
0x4a2: {  	s28 =	simm.s32 $0x0;
	s10 =	simm.s32 $0x0;
	s8 =	simm.s32 $0xB;
	v14 =	vor.u32 s7, v14;
	v63 =	vor.u32 s16, v18;
	v18 =	vor.u32 s17, v8;
	v8 =	vld.idx.msk [tilespmem:v13+s12+$0x0], $0xffff  }
0x4a3: {  	v15 =	vadd.s32 v0, v15;
	s8 =	sand.u32 $0x7F, s8;
	s24 =	simm.s32 $0xC;
	s6 =	sand.u32 $0x7E, s23;
	v16 =	vadd.s32 v0, v16;
	v9 =	vld.idx.msk [tilespmem:v9+s12+$0x0], $0xffff  }
0x4a4: {  	s29 =	simm.s32 $0x11;
	s25 =	simm.s32 $0xE;
	v15 =	vor.u32 s6, v15;
	v16 =	vor.u32 s8, v16;
	v21 =	vmov s28;
	s0 =	sand.u32 $0x7C, s24;
	v19 =	vld.idx.msk [tilespmem:v20+s12+$0x0], $0xffff  }
0x4a5: {  	s15 =	sand.u32 $0x7D, s29;
	s9 =	sand.u32 $0x7E, s25;
	v7 =	vadd.s32 v0, v7;
	v22 =	vmov s10;
	v5 =	vor.u32 s0, v5;
	v3 =	vld.idx.msk [tilespmem:v3+s12+$0x0], $0xffff  }
0x4a6: {  	s31 =	simm.s32 $0x0;
	s21 =	simm.s32 $0x14;
	s14 =	sor.u32 $0x1, s9;
	v62 =	vor.u32 s15, v7;
	v25 =	vor.u32 s9, v17;
	v12 =	vshll.u32 v22, $0x7;
	v4 =	vld.idx.msk [tilespmem:v4+s12+$0x0], $0xffff  }
0x4a7: {  	s2 =	sand.u32 $0x7C, s21;
	s30 =	simm.s32 $0x0;
	v11 =	vld.idx.msk [tilespmem:v14+s12+$0x0], $0xffff;
	v26 =	vor.u32 s14, v17;
	v20 =	vmov s31;
	v12 =	vadd.s32 v0, v12;
	s31 =	simm.s32 $0xEC00  }
0x4a8: {  	s28 =	simm.s32 $0x0;
	v7 =	vshll.u32 v20, $0x7;
	v17 =	vor.u32 s2, v12;
	[tilespmem:v10+s31+$0x0] =	vst.idx.msk $0xffff, v23;
	v23 =	vmov s30;
	v24 =	vld.idx.msk [tilespmem:v2+s12+$0x0], $0xffff  }
0x4a9: {  	s19 =	simm.s32 $0x6;
	s22 =	simm.s32 $0x1;
	s23 =	simm.s32 $0x2;
	v13 =	vld.idx.msk [tilespmem:v15+s12+$0x0], $0xffff;
	v7 =	vadd.s32 v0, v7;
	v2 =	vshll.u32 v21, $0x7;
	v21 =	vmov s28  }
0x4aa: {  	s29 =	simm.s32 $0x0;
	s20 =	simm.s32 $0xD;
	s0 =	sand.u32 $0x7E, s19;
	v2 =	vadd.s32 v0, v2;
	v14 =	vld.idx.msk [tilespmem:v5+s12+$0x0], $0xffff;
	v5 =	vmov s23;
	v6 =	vadd.f32 v8, v6  }
0x4ab: {  	s25 =	simm.s32 $0x0;
	s6 =	simm.s32 $0x8;
	s1 =	sand.u32 $0x7D, s20;
	v12 =	vld.idx.msk [tilespmem:v16+s12+$0x0], $0xffff;
	v20 =	vor.u32 s0, v2;
	v3 =	vadd.f32 v3, v9;
	v4 =	vadd.f32 v4, v19  }
0x4ac: {  	s7 =	simm.s32 $0x23;
	s18 =	simm.s32 $0x4;
	s4 =	simm.s32 $0x36;
	v15 =	vld.idx.msk [tilespmem:v25+s12+$0x0], $0xffff;
	v19 =	vor.u32 s1, v7;
	v7 =	vmov s3;
	v9 =	vmov s25  }
0x4ad: {  	s15 =	simm.s32 $0x20;
	s10 =	simm.s32 $0x0;
	s13 =	simm.s32 $0x21;
	v16 =	vld.idx.msk [tilespmem:v26+s12+$0x0], $0xffff;
	v9 =	vshll.u32 v9, $0x7;
	v2 =	vadd.f32 v4, v3;
	v3 =	vadd.f32 v27, v24  }
0x4ae: {  	s24 =	simm.s32 $0x31;
	s26 =	simm.s32 $0x32;
	s16 =	simm.s32 $0x37;
	v8 =	vld.idx.msk [tilespmem:v61+s12+$0x0], $0xffff;
	v4 =	vand.u32 $0x7C, v7;
	v7 =	vmov s22;
	v22 =	vadd.s32 v0, v9  }
0x4af: {  	s9 =	simm.s32 $0x34;
	s20 =	simm.s32 $0x25;
	s2 =	sand.u32 $0x7D, s24;
	v10 =	vld.idx.msk [tilespmem:v63+s12+$0x0], $0xffff;
	v24 =	vshll.u32 v21, $0x7;
	v21 =	vmov s29;
	v4 =	vbroadcast v4, $0x0  }
0x4b0: {  	s5 =	sand.u32 $0x7E, s26;
	s3 =	simm.s32 $0x24;
	s1 =	simm.s32 $0x35;
	v9 =	vld.idx.msk [tilespmem:v62+s12+$0x0], $0xffff;
	v7 =	vand.u32 $0x7D, v7;
	v25 =	vor.u32 s2, v22;
	v24 =	vadd.s32 v0, v24  }
.LBB2_24:
0x4b1: {  	p0 =	slt.u32 s6, $0x7C;
	s0 =	sadd.s32 $0xFFFFFFEF, s16  }
0x4b2: {  	v26 =	vor.u32 s5, v24;
	s2 =	sor.u32 $0x2, s2;
	v24 =	vshll.u32 v21, $0x7;
	v27 =	vmov s10;
	v21 =	vld.idx.msk [tilespmem:v18+s12+$0x0], $0xffff;
	s11 =	sadd.s32 $0xFFFFFFF0, s16;
	s14 =	sadd.s32 $0xFFFFFFF1, s16  }
0x4b3: {  	v23 =	vshll.u32 v23, $0x7;
	s10 =	sadd.s32 $0xFFFFFFF3, s16;
	s1 =	sand.u32 $0x7D, s1;
	v18 =	vor.u32 s2, v22;
	s2 =	sand.u32 $0x7C, s9;
	v24 =	vadd.s32 v0, v24;
	v22 =	vld.idx.msk [tilespmem:v20+s12+$0x0], $0xffff  }
0x4b4: {  	s21 =	sadd.s32 $0xFFFFFFF5, s16;
	s25 =	sadd.s32 $0xFFFFFFF6, s16;
	v27 =	vshll.u32 v27, $0x7;
	v20 =	vor.u32 s2, v24;
	v24 =	vadd.s32 v0, v23;
	s2 =	sshrl.u32 s16, $0x7;
	v23 =	vld.idx.msk [tilespmem:v19+s12+$0x0], $0xffff  }
0x4b5: {  	s19 =	sadd.s32 $0xFFFFFFF8, s16;
	s5 =	sand.u32 $0x7F, s16;
	v27 =	vadd.s32 v0, v27;
	v19 =	vor.u32 s1, v24;
	s1 =	sand.u32 $0x7E, s4;
	v28 =	vmov s2;
	v24 =	vld.idx.msk [tilespmem:v17+s12+$0x0], $0xffff  }
0x4b6: {  	v11 =	vadd.f32 v13, v11;
	s8 =	sshrl.u32 s3, $0x7;
	s9 =	sadd.s32 $0xFFFFFFF7, s16;
	s2 =	sadd.s32 $0xFFFFFFE5, s16;
	v17 =	vld.idx.msk [tilespmem:v25+s12+$0x0], $0xffff;
	v25 =	vor.u32 s1, v27;
	v27 =	vshll.u32 v28, $0x7  }
0x4b7: {  	v12 =	vadd.f32 v14, v12;
	s22 =	sadd.s32 $0xFFFFFFF2, s16;
	v13 =	vadd.f32 v16, v15;
	s4 =	sshrl.u32 s15, $0x7;
	s1 =	sshrl.u32 s2, $0x7;
	v26 =	vld.idx.msk [tilespmem:v26+s12+$0x0], $0xffff;
	v27 =	vadd.s32 v0, v27  }
0x4b8: {  	s24 =	sadd.s32 $0xFFFFFFF9, s16;
	v15 =	vmov s4;
	s4 =	sshrl.u32 s7, $0x7;
	v14 =	vmov s1;
	s1 =	sshrl.u32 s13, $0x7;
	v16 =	vld.idx.msk [tilespmem:v18+s12+$0x0], $0xffff;
	v18 =	vor.u32 s5, v27  }
0x4b9: {  	v29 =	vmov s8;
	v28 =	vmov s4;
	s4 =	sshrl.u32 s0, $0x7;
	v27 =	vmov s1;
	s1 =	sshrl.u32 s20, $0x7;
	s5 =	sshrl.u32 s11, $0x7;
	v20 =	vld.idx.msk [tilespmem:v20+s12+$0x0], $0xffff  }
0x4ba: {  	v31 =	vmov s4;
	s4 =	sshrl.u32 s10, $0x7;
	v30 =	vmov s1;
	v32 =	vmov s5;
	s1 =	sshrl.u32 s14, $0x7;
	s5 =	sshrl.u32 s21, $0x7;
	v19 =	vld.idx.msk [tilespmem:v19+s12+$0x0], $0xffff  }
0x4bb: {  	v34 =	vmov s4;
	s4 =	sshrl.u32 s9, $0x7;
	v33 =	vmov s1;
	v35 =	vmov s5;
	s1 =	sshrl.u32 s25, $0x7;
	s5 =	sshrl.u32 s19, $0x7;
	v25 =	vld.idx.msk [tilespmem:v25+s12+$0x0], $0xffff  }
0x4bc: {  	s23 =	sand.u32 $0x7D, s13;
	s8 =	sadd.s32 $0xFFFFFFEB, s16;
	v37 =	vmov s4;
	v36 =	vmov s1;
	v38 =	vmov s5;
	s1 =	simm.s32 $0xAC00  }
0x4bd: {  	s29 =	sshrl.u32 s8, $0x7;
	s26 =	sand.u32 $0x7C, s2;
	v15 =	vshll.u32 v15, $0x7;
	v14 =	vshll.u32 v14, $0x7;
	v27 =	vshll.u32 v27, $0x7;
	s12 =	sshrl.u32 s22, $0x7;
	v18 =	vld.idx.msk [tilespmem:v18+s1+$0x0], $0xffff  }
0x4be: {  	s31 =	sshrl.u32 s24, $0x7;
	v29 =	vshll.u32 v29, $0x7;
	v28 =	vshll.u32 v28, $0x7;
	s10 =	sand.u32 $0x7E, s10;
	v30 =	vshll.u32 v30, $0x7;
	s5 =	sor.u32 $0x1, s26  }
0x4bf: {  	s2 =	sadd.s32 $0x3, s18;
	v31 =	vshll.u32 v31, $0x7;
	s4 =	sor.u32 $0x2, s26;
	v32 =	vshll.u32 v32, $0x7;
	v33 =	vshll.u32 v33, $0x7;
	s1 =	sor.u32 $0x3, s26  }
0x4c0: {  	s17 =	sand.u32 $0x7C, s3;
	s15 =	sand.u32 $0x7C, s15;
	s13 =	sor.u32 $0x1, s10;
	v34 =	vshll.u32 v34, $0x7;
	v17 =	vadd.f32 v26, v17;
	v26 =	vmov s2  }
0x4c1: {  	s28 =	sand.u32 $0x7E, s0;
	s20 =	sand.u32 $0x7D, s20;
	s2 =	sand.u32 $0x7F, s7;
	v16 =	vadd.f32 v20, v16;
	v20 =	vand.u32 $0x7F, v26;
	v19 =	vadd.f32 v25, v19  }
0x4c2: {  	s30 =	sand.u32 $0x7E, s9;
	s11 =	sand.u32 $0x7F, s11;
	s14 =	sand.u32 $0x7C, s14;
	v26 =	vshll.u32 v36, $0x7;
	v20 =	vbroadcast v20, $0x0;
	v25 =	vshll.u32 v35, $0x7  }
0x4c3: {  	s3 =	sand.u32 $0x7E, s8;
	s21 =	sand.u32 $0x7C, s21;
	s25 =	sand.u32 $0x7D, s25;
	v35 =	vshll.u32 v37, $0x7;
	v16 =	vadd.f32 v16, v17;
	v17 =	vadd.f32 v18, v19  }
0x4c4: {  	s8 =	sand.u32 $0x7F, s19;
	v14 =	vadd.s32 v0, v14;
	s7 =	sand.u32 $0x7D, s22;
	s22 =	simm.s32 $0xEC00;
	v18 =	vshll.u32 v38, $0x7;
	v19 =	vor.u32 v1, v20  }
0x4c5: {  	s0 =	smov.u32 s18;
	s18 =	smov.u32 s6;
	v15 =	vadd.s32 v0, v15;
	s9 =	sand.u32 $0x7C, s24;
	v20 =	vadd.s32 v0, v27;
	v16 =	vadd.f32 v17, v16  }
0x4c6: {  	v27 =	vadd.s32 v0, v29;
	v17 =	vadd.s32 v0, v28;
	v28 =	vadd.s32 v0, v30  }
0x4c7: {  	v29 =	vadd.s32 v0, v31;
	v30 =	vadd.s32 v0, v32;
	v16 =	vmul.f32 $1.428571490e-01, v16  }
0x4c8: {  	v25 =	vadd.s32 v0, v25;
	v31 =	vadd.s32 v0, v33;
	v32 =	vadd.s32 v0, v34  }
0x4c9: {  	v26 =	vadd.s32 v0, v26;
	v33 =	vmov s29;
	v34 =	vadd.s32 v0, v35;
	[tilespmem:v19+s22+$0x0] =	vst.idx.msk $0xffff, v16  }
0x4ca: {  	v18 =	vadd.s32 v0, v18;
	v16 =	vmov s12;
	s12 =	simm.s32 $0xAC00;
	v19 =	vmov s31  }
0x4cb: {  	v36 =	vor.u32 s5, v14;
	v37 =	vor.u32 s4, v14;
	v35 =	vor.u32 s26, v14  }
0x4cc: {  	v15 =	vor.u32 s15, v15;
	v38 =	vor.u32 s23, v20;
	v14 =	vor.u32 s1, v14  }
0x4cd: {  	v27 =	vor.u32 s17, v27;
	v39 =	vor.u32 s2, v17;
	v28 =	vor.u32 s20, v28  }
0x4ce: {  	v29 =	vor.u32 s28, v29;
	v31 =	vor.u32 s14, v31;
	v30 =	vor.u32 s11, v30  }
0x4cf: {  	v25 =	vor.u32 s21, v25;
	v40 =	vor.u32 s10, v32;
	v32 =	vor.u32 s13, v32  }
0x4d0: {  	v26 =	vor.u32 s25, v26;
	v18 =	vor.u32 s8, v18;
	v34 =	vor.u32 s30, v34;
	v35 =	vld.idx.msk [tilespmem:v35+s12+$0x0], $0xffff  }
0x4d1: {  	v17 =	vshll.u32 v33, $0x7;
	v16 =	vshll.u32 v16, $0x7;
	v19 =	vshll.u32 v19, $0x7;
	v36 =	vld.idx.msk [tilespmem:v36+s12+$0x0], $0xffff  }
0x4d2: {  	v17 =	vadd.s32 v0, v17;
	v16 =	vadd.s32 v0, v16;
	v33 =	vld.idx.msk [tilespmem:v37+s12+$0x0], $0xffff;
	v37 =	vadd.s32 v0, v19  }
0x4d3: {  	v20 =	vor.u32 s3, v17;
	v19 =	vor.u32 s7, v16;
	v14 =	vld.idx.msk [tilespmem:v14+s12+$0x0], $0xffff;
	v17 =	vor.u32 s9, v37  }
0x4d4: {  	v5 =	vand.u32 $0x7E, v5;
	v8 =	vadd.f32 v9, v8;
	v9 =	vadd.f32 v21, v10;
	v15 =	vld.idx.msk [tilespmem:v15+s12+$0x0], $0xffff  }
0x4d5: {  	v7 =	vbroadcast v7, $0x0;
	v6 =	vadd.f32 v11, v6;
	v3 =	vadd.f32 v22, v3;
	v10 =	vld.idx.msk [tilespmem:v38+s12+$0x0], $0xffff  }
0x4d6: {  	v5 =	vbroadcast v5, $0x0;
	v8 =	vadd.f32 v8, v13;
	v12 =	vadd.f32 v23, v12;
	v16 =	vld.idx.msk [tilespmem:v39+s12+$0x0], $0xffff  }
0x4d7: {  	v4 =	vor.u32 v1, v4;
	v9 =	vadd.f32 v24, v9;
	v21 =	vadd.f32 v36, v35;
	v22 =	vld.idx.msk [tilespmem:v27+s12+$0x0], $0xffff  }
0x4d8: {  	v7 =	vor.u32 v1, v7;
	v2 =	vadd.f32 v3, v2;
	v3 =	vadd.f32 v12, v6;
	v11 =	vld.idx.msk [tilespmem:v28+s12+$0x0], $0xffff  }
0x4d9: {  	s16 =	sadd.s32 $0x1C, s16;
	v8 =	vadd.f32 v9, v8;
	v9 =	vor.u32 v1, v5;
	v6 =	vadd.f32 v14, v33;
	v13 =	vld.idx.msk [tilespmem:v29+s12+$0x0], $0xffff  }
0x4da: {  	s15 =	sadd.s32 $0xFFFFFFE9, s16;
	v5 =	vmov s0;
	v23 =	vmul.f32 $1.428571490e-01, v2;
	v24 =	vmul.f32 $1.428571490e-01, v3;
	s1 =	sadd.s32 $0x1, s0;
	s0 =	sadd.s32 $0x2, s0;
	v12 =	vld.idx.msk [tilespmem:v30+s12+$0x0], $0xffff  }
0x4db: {  	s5 =	sadd.s32 $0xFFFFFFFB, s16;
	s13 =	sadd.s32 $0xFFFFFFEA, s16;
	s2 =	sadd.s32 $0xFFFFFFFA, s16;
	v2 =	vadd.f32 v6, v21;
	v3 =	vadd.f32 v10, v15;
	v10 =	vmul.f32 $1.428571490e-01, v8;
	v14 =	vld.idx.msk [tilespmem:v31+s12+$0x0], $0xffff  }
.Ltmp16:
0x4dc: {  	s4 =	sshrl.u32 s2, $0x7;
	s7 =	sadd.s32 $0xFFFFFFEC, s16;
	v6 =	vand.u32 $0x7C, v5;
	v8 =	vmov s1;
	v5 =	vmov s0;
	v15 =	vld.idx.msk [tilespmem:v40+s12+$0x0], $0xffff;
	[tilespmem:v4+s22+$0x0] =	vst.idx.msk $0xffff, v23;
	(pc) =	sbr.rel @p0 .LBB2_24-.Ltmp16, $4  }
0x4dd: {  	s3 =	sadd.s32 $0xFFFFFFED, s16;
	s9 =	sadd.s32 $0xFFFFFFFD, s16;
	v21 =	vmov s4;
	s0 =	sshrl.u32 s5, $0x7;
	v4 =	vbroadcast v6, $0x0;
	v6 =	vadd.f32 v22, v16;
	v16 =	vld.idx.msk [tilespmem:v32+s12+$0x0], $0xffff;
	[tilespmem:v7+s22+$0x0] =	vst.idx.msk $0xffff, v24  }
0x4de: {  	s20 =	sadd.s32 $0xFFFFFFEE, s16;
	s1 =	sadd.s32 $0xFFFFFFFE, s16;
	v21 =	vshll.u32 v21, $0x7;
	v23 =	vmov s0;
	s0 =	sshrl.u32 s9, $0x7;
	v7 =	vand.u32 $0x7D, v8;
	v8 =	vld.idx.msk [tilespmem:v25+s12+$0x0], $0xffff;
	[tilespmem:v9+s22+$0x0] =	vst.idx.msk $0xffff, v10  }
0x4df: {  	s2 =	sand.u32 $0x7D, s2;
	s4 =	sadd.s32 $0xFFFFFFFF, s16;
	v22 =	vadd.s32 v0, v21;
	v21 =	vmov s0;
	s0 =	sshrl.u32 s1, $0x7;
	v10 =	vshll.u32 v23, $0x7;
	v9 =	vld.idx.msk [tilespmem:v26+s12+$0x0], $0xffff  }
0x4e0: {  	s6 =	sadd.s32 $0x4, s6;
	s5 =	sand.u32 $0x7E, s5;
	s10 =	sshrl.u32 s4, $0x7;
	v25 =	vor.u32 s2, v22;
	v23 =	vmov s0;
	v24 =	vadd.s32 v0, v10;
	v10 =	vld.idx.msk [tilespmem:v34+s12+$0x0], $0xffff  }
0x4e1: {  	v24 =	vor.u32 s5, v24;
	v21 =	vshll.u32 v21, $0x7;
	v26 =	vmov s10  }
0x4e2: {  	v23 =	vshll.u32 v23, $0x7;
	v11 =	vadd.f32 v13, v11;
	v12 =	vadd.f32 v14, v12  }
0x4e3: {  	s0 =	sor.u32 $0x2, s2;
	v5 =	vand.u32 $0x7E, v5;
	v7 =	vbroadcast v7, $0x0;
	v4 =	vor.u32 v1, v4  }
0x4e4: {  	s25 =	sadd.s32 $0xFFFFFFF0, s16;
	s23 =	sshrl.u32 s16, $0x7;
	v50 =	vmov s18;
	v22 =	vor.u32 s0, v22;
	v21 =	vadd.s32 v0, v21  }
0x4e5: {  	s8 =	sshrl.u32 s15, $0x7;
	s30 =	sshrl.u32 s13, $0x7;
	s31 =	sshrl.u32 s7, $0x7;
	v26 =	vshll.u32 v26, $0x7;
	v27 =	vmov s23;
	v23 =	vadd.s32 v0, v23  }
0x4e6: {  	s17 =	sand.u32 $0x7C, s9;
	s1 =	sand.u32 $0x7D, s1;
	s10 =	sshrl.u32 s20, $0x7;
	v29 =	vmov s8;
	v30 =	vmov s30;
	v31 =	vmov s31  }
0x4e7: {  	s24 =	sand.u32 $0x7E, s4;
	s4 =	sadd.s32 $0xFFFFFFE5, s16;
	s6 =	sadd.s32 $0xFFFFFFF7, s16;
	v33 =	vmov s10;
	v63 =	vadd.f32 v16, v15;
	v5 =	vbroadcast v5, $0x0  }
0x4e8: {  	s14 =	sadd.s32 $0xFFFFFFF8, s16;
	s28 =	sshrl.u32 s4, $0x7;
	s8 =	sshrl.u32 s3, $0x7;
	v21 =	vor.u32 s17, v21;
	v26 =	vadd.s32 v0, v26;
	v27 =	vshll.u32 v27, $0x7  }
0x4e9: {  	s23 =	sshrl.u32 s25, $0x7;
	s31 =	sshrl.u32 s6, $0x7;
	s5 =	sshrl.u32 s14, $0x7;
	v23 =	vor.u32 s1, v23;
	v28 =	vmov s28;
	v32 =	vmov s8  }
0x4ea: {  	v35 =	vmov s23;
	v40 =	vmov s31;
	v41 =	vmov s5  }
0x4eb: {  	s26 =	sadd.s32 $0xFFFFFFEF, s16;
	s21 =	sadd.s32 $0xFFFFFFF3, s16;
	s9 =	sadd.s32 $0xFFFFFFEB, s16;
	v29 =	vshll.u32 v29, $0x7;
	v30 =	vshll.u32 v30, $0x7;
	v31 =	vshll.u32 v31, $0x7  }
0x4ec: {  	s0 =	sadd.s32 $0xFFFFFFF6, s16;
	s17 =	sshrl.u32 s26, $0x7;
	s28 =	sshrl.u32 s21, $0x7;
	v33 =	vshll.u32 v33, $0x7;
	v6 =	vadd.f32 v11, v6;
	v26 =	vor.u32 s24, v26  }
0x4ed: {  	v18 =	vld.idx.msk [tilespmem:v18+s12+$0x0], $0xffff;
	s10 =	sadd.s32 $0xFFFFFFF2, s16;
	s30 =	sshrl.u32 s0, $0x7;
	s8 =	sshrl.u32 s9, $0x7;
	v27 =	vadd.s32 v0, v27;
	v34 =	vmov s17;
	v37 =	vmov s28  }
0x4ee: {  	v20 =	vld.idx.msk [tilespmem:v20+s12+$0x0], $0xffff;
	s23 =	sshrl.u32 s10, $0x7;
	v39 =	vmov s30;
	v28 =	vshll.u32 v28, $0x7;
	v43 =	vmov s8  }
0x4ef: {  	v19 =	vld.idx.msk [tilespmem:v19+s12+$0x0], $0xffff;
	v44 =	vmov s23;
	v29 =	vadd.s32 v0, v29;
	v32 =	vshll.u32 v32, $0x7  }
0x4f0: {  	v17 =	vld.idx.msk [tilespmem:v17+s12+$0x0], $0xffff;
	v30 =	vadd.s32 v0, v30;
	v31 =	vadd.s32 v0, v31;
	v35 =	vshll.u32 v35, $0x7  }
0x4f1: {  	s11 =	sadd.s32 $0xFFFFFFF1, s16;
	s29 =	sand.u32 $0x7F, s16;
	v25 =	vld.idx.msk [tilespmem:v25+s12+$0x0], $0xffff;
	v33 =	vadd.s32 v0, v33;
	v40 =	vshll.u32 v40, $0x7;
	v41 =	vshll.u32 v41, $0x7  }
0x4f2: {  	s31 =	sand.u32 $0x7C, s15;
	s24 =	sshrl.u32 s11, $0x7;
	s17 =	sadd.s32 $0x3, s18;
	v8 =	vadd.f32 v9, v8;
	v5 =	vor.u32 v1, v5;
	v27 =	vor.u32 s29, v27;
	v24 =	vld.idx.msk [tilespmem:v24+s12+$0x0], $0xffff  }
0x4f3: {  	s2 =	sand.u32 $0x7D, s13;
	v36 =	vmov s24;
	v42 =	vmov s17;
	v29 =	vor.u32 s31, v29;
	v22 =	vld.idx.msk [tilespmem:v22+s12+$0x0], $0xffff  }
0x4f4: {  	s4 =	sand.u32 $0x7C, s4;
	v28 =	vadd.s32 v0, v28;
	v30 =	vor.u32 s2, v30;
	v32 =	vadd.s32 v0, v32;
	v21 =	vld.idx.msk [tilespmem:v21+s12+$0x0], $0xffff  }
0x4f5: {  	s19 =	sadd.s32 $0xFFFFFFF5, s16;
	s28 =	sor.u32 $0x1, s4;
	v34 =	vshll.u32 v34, $0x7;
	v35 =	vadd.s32 v0, v35;
	v47 =	vor.u32 s4, v28;
	v23 =	vld.idx.msk [tilespmem:v23+s12+$0x0], $0xffff  }
0x4f6: {  	s5 =	sand.u32 $0x7C, s3;
	s29 =	sshrl.u32 s19, $0x7;
	v37 =	vshll.u32 v37, $0x7;
	v39 =	vshll.u32 v39, $0x7;
	v46 =	vor.u32 s28, v28;
	v26 =	vld.idx.msk [tilespmem:v26+s12+$0x0], $0xffff  }
0x4f7: {  	s16 =	sadd.s32 $0xFFFFFFF9, s16;
	v40 =	vadd.s32 v0, v40;
	v38 =	vmov s29;
	s29 =	sor.u32 $0x2, s4;
	v32 =	vor.u32 s5, v32;
	v27 =	vld.idx.msk [tilespmem:v27+s12+$0x0], $0xffff  }
0x4f8: {  	s30 =	sor.u32 $0x3, s4;
	s8 =	sand.u32 $0x7E, s26;
	s26 =	sadd.s32 $0x1, s18;
	v41 =	vadd.s32 v0, v41;
	v56 =	vshll.u32 v43, $0x7;
	v48 =	vor.u32 s29, v28;
	v55 =	vld.idx.msk [tilespmem:v29+s12+$0x0], $0xffff  }
0x4f9: {  	s24 =	sshrl.u32 s16, $0x7;
	v57 =	vshll.u32 v44, $0x7;
	v53 =	vmov s26;
	s4 =	sand.u32 $0x7F, s7;
	v28 =	vor.u32 s30, v28;
	v30 =	vld.idx.msk [tilespmem:v30+s12+$0x0], $0xffff  }
0x4fa: {  	s13 =	sand.u32 $0x7F, s25;
	v45 =	vmov s24;
	s7 =	sand.u32 $0x7D, s20;
	v34 =	vadd.s32 v0, v34;
	v31 =	vor.u32 s4, v31;
	v47 =	vld.idx.msk [tilespmem:v47+s12+$0x0], $0xffff  }
0x4fb: {  	v35 =	vor.u32 s13, v35;
	v36 =	vshll.u32 v36, $0x7;
	v33 =	vor.u32 s7, v33;
	v46 =	vld.idx.msk [tilespmem:v46+s12+$0x0], $0xffff  }
0x4fc: {  	s15 =	sand.u32 $0x7E, s21;
	s21 =	sand.u32 $0x7F, s14;
	v37 =	vadd.s32 v0, v37;
	v39 =	vadd.s32 v0, v39;
	v34 =	vor.u32 s8, v34;
	v60 =	vld.idx.msk [tilespmem:v32+s12+$0x0], $0xffff  }
0x4fd: {  	s1 =	sor.u32 $0x1, s15;
	v41 =	vor.u32 s21, v41;
	v58 =	vadd.s32 v0, v57;
	v61 =	vand.u32 $0x7F, v42;
	v48 =	vld.idx.msk [tilespmem:v48+s12+$0x0], $0xffff  }
0x4fe: {  	s0 =	sand.u32 $0x7D, s0;
	v10 =	vadd.f32 v18, v10;
	v49 =	vor.u32 s15, v37;
	v37 =	vor.u32 s1, v37;
	v28 =	vld.idx.msk [tilespmem:v28+s12+$0x0], $0xffff  }
0x4ff: {  	s17 =	sand.u32 $0x7C, s11;
	v3 =	vadd.f32 v20, v3;
	v36 =	vadd.s32 v0, v36;
	v39 =	vor.u32 s0, v39;
	v59 =	vld.idx.msk [tilespmem:v31+s12+$0x0], $0xffff  }
0x500: {  	s20 =	sand.u32 $0x7E, s6;
	v12 =	vadd.f32 v19, v12;
	v8 =	vadd.f32 v8, v63;
	v36 =	vor.u32 s17, v36;
	v62 =	vld.idx.msk [tilespmem:v33+s12+$0x0], $0xffff  }
0x501: {  	s28 =	sadd.s32 $0x2, s18;
	v20 =	vand.u32 $0x7C, v50;
	v38 =	vshll.u32 v38, $0x7;
	v40 =	vor.u32 s20, v40;
	v32 =	vld.idx.msk [tilespmem:v34+s12+$0x0], $0xffff  }
0x502: {  	s19 =	sand.u32 $0x7C, s19;
	v54 =	vmov s28;
	v20 =	vbroadcast v20, $0x0;
	v38 =	vadd.s32 v0, v38;
	v34 =	vld.idx.msk [tilespmem:v35+s12+$0x0], $0xffff  }
0x503: {  	v10 =	vadd.f32 v17, v10;
	v2 =	vadd.f32 v3, v2;
	v38 =	vor.u32 s19, v38;
	v42 =	vld.idx.msk [tilespmem:v37+s12+$0x0], $0xffff  }
0x504: {  	s23 =	sand.u32 $0x7E, s9;
	v33 =	vshll.u32 v45, $0x7;
	v45 =	vld.idx.msk [tilespmem:v39+s12+$0x0], $0xffff;
	v21 =	vadd.f32 v21, v22;
	v22 =	vadd.s32 v0, v56  }
0x505: {  	s24 =	sand.u32 $0x7D, s10;
	v3 =	vadd.f32 v12, v6;
	v24 =	vadd.f32 v24, v25;
	v35 =	vld.idx.msk [tilespmem:v36+s12+$0x0], $0xffff;
	v22 =	vor.u32 s23, v22  }
0x506: {  	s25 =	sand.u32 $0x7C, s16;
	v9 =	vadd.s32 v0, v33;
	v36 =	vld.idx.msk [tilespmem:v49+s12+$0x0], $0xffff;
	v23 =	vadd.f32 v26, v23;
	v26 =	vor.u32 s24, v58  }
0x507: {  	v8 =	vadd.f32 v10, v8;
	v2 =	vmul.f32 $1.428571490e-01, v2;
	v49 =	vld.idx.msk [tilespmem:v41+s12+$0x0], $0xffff;
	v9 =	vor.u32 s25, v9  }
0x508: {  	v3 =	vmul.f32 $1.428571490e-01, v3;
	v31 =	vbroadcast v61, $0x0;
	v43 =	vld.idx.msk [tilespmem:v38+s12+$0x0], $0xffff;
	v21 =	vadd.f32 v21, v24  }
0x509: {  	v8 =	vmul.f32 $1.428571490e-01, v8;
	v51 =	vadd.f32 v30, v55;
	v44 =	vadd.f32 v46, v47;
	v47 =	vld.idx.msk [tilespmem:v40+s12+$0x0], $0xffff  }
0x50a: {  	v56 =	vand.u32 $0x7E, v54;
	v23 =	vadd.f32 v27, v23;
	v48 =	vadd.f32 v28, v48;
	v22 =	vld.idx.msk [tilespmem:v22+s12+$0x0], $0xffff  }
0x50b: {  	v15 =	vor.u32 v1, v31;
	v13 =	vadd.f32 v60, v59;
	v16 =	vadd.f32 v32, v62;
	v52 =	vld.idx.msk [tilespmem:v26+s12+$0x0], $0xffff  }
0x50c: {  	v10 =	vbroadcast v56, $0x0;
	v21 =	vadd.f32 v23, v21;
	v18 =	vadd.f32 v35, v34;
	v9 =	vld.idx.msk [tilespmem:v9+s12+$0x0], $0xffff  }
0x50d: {  	v55 =	vand.u32 $0x7D, v53;
	v11 =	vadd.f32 v42, v36;
	v12 =	vadd.f32 v48, v44  }
0x50e: {  	v46 =	vor.u32 v1, v7;
	v14 =	vadd.f32 v45, v43;
	v13 =	vadd.f32 v16, v13  }
0x50f: {  	[tilespmem:v4+s22+$0x0] =	vst.idx.msk $0xffff, v2;
	v58 =	vbroadcast v55, $0x0;
	v7 =	vadd.f32 v49, v47;
	v57 =	vadd.f32 v22, v51  }
0x510: {  	v59 =	vor.u32 v1, v20;
	v11 =	vadd.f32 v14, v11;
	v18 =	vadd.f32 v52, v18  }
0x511: {  	v61 =	vor.u32 v1, v58;
	v7 =	vadd.f32 v9, v7;
	v60 =	vadd.f32 v57, v12  }
0x512: {  	[tilespmem:v5+s22+$0x0] =	vst.idx.msk $0xffff, v8;
	v62 =	vor.u32 v1, v10;
	v21 =	vmul.f32 $1.428571490e-01, v21;
	v2 =	vadd.f32 v18, v13  }
0x513: {  	[tilespmem:v46+s22+$0x0] =	vst.idx.msk $0xffff, v3;
	v3 =	vadd.f32 v7, v11;
	v63 =	vmul.f32 $1.428571490e-01, v60  }
0x514: {  	[tilespmem:v15+s22+$0x0] =	vst.idx.msk $0xffff, v21;
	v2 =	vmul.f32 $1.428571490e-01, v2  }
0x515: {  	v3 =	vmul.f32 $1.428571490e-01, v3;
	[tilespmem:v59+s22+$0x0] =	vst.idx.msk $0xffff, v63  }
0x516: {  	[tilespmem:v61+s22+$0x0] =	vst.idx.msk $0xffff, v2  }
0x517: {  	[tilespmem:v62+s22+$0x0] =	vst.idx.msk $0xffff, v3  }
0x518: {  	s29 =	rddreg [dreg:$0xb]  }
0x519: {  	s30 =	rddreg [dreg:$0x1a]  }
0x51a: {  	s8 =	rddreg [dreg:$0x13]  }
0x51b: {  	s31 =	simm.s32 $0x0;
	s0 =	sadd.s32 s30, s29;
	p0 =	sgt.u32 s8, $0x8  }
0x51c: {  	[hbm4b:s0+s31] =	stream.linear.scatter [tilespmem:s22], [sflag:$0xA], $0x800, $0x38;
	[tilespmem:$0xF400] =	vst v63  }
0x51d: {  	s0 =	simm.s32 @!p0 $0x2  }
0x51e: {  	_ =	swait.ge @!p0 [sflag:s0], $0x100  }
0x51f: {  	[sflag:s0] =	ssyncset.done @!p0 $0x0  }
0x520: {  	s1 =	simm.s32 @!p0 $0x100;
	[sflag:s0] =	ssyncadd.s32 @!p0 $0xFFFFFF00  }
0x521: {  	s2 =	simm.s32 @!p0 $0x7400;
	s0 =	simm.s32 @!p0 $0x70;
	s3 =	rddreg [dreg:$0x0]  }
0x522: {  	[tilespmem:s2], [sflag:$0x7] =	stream.indirect.gather @!p0 [hbm4b:s3+s0], $0x80, s1, s0, $0xb8;
	[tilespmem:$0xF400] =	vst v63  }
0x523: {  	s1 =	simm.s32 @!p0 $0x180;
	s2 =	simm.s32 @!p0 $0xAC00  }
0x524: {  	[tilespmem:s2], [sflag:$0x8] =	stream.indirect.gather @!p0 [hbm4b:s3+s0], $0x80, s1, s0, $0xb8;
	[tilespmem:$0xF400] =	vst v63  }
0x525: {  	s0 =	rddreg [dreg:$0x10]  }
0x526: {  	s1 =	rddreg [dreg:$0x14]  }
.Ltmp17:
0x527: {  	s0 =	sadd.s32 @!p0 s1, s0;
	(pc) =	sbr.rel .LBB2_26-.Ltmp17, $4  }
0x528: {  	s14 =	simm.s32 $0xE400;
	s17 =	simm.s32 $0x3C00;
	s0 =	sshll.u32 @!p0 s0, $0x4  }
0x529: {  	s12 =	simm.s32 $0x400;
	s1 =	rddreg [dreg:$0x1];
	s0 =	sand.u32 @!p0 $0xFFFFFE0, s0  }
0x52a: {  	s2 =	simm.s32 @!p0 $0x300;
	s0 =	sadd.s32 @!p0 s1, s0;
	s1 =	simm.s32 @!p0 $0x0  }
0x52b: {  	[tilespmem:s2], [sflag:$0x4] =	stream.linear.gather @!p0 [hbm4b:s0+s1], $0x100, $0x38;
	[tilespmem:$0xF400] =	vst v63  }
.LBB2_28:
0x52c: {  	_ =	sfence.sel $0x180000  }
0x52d: {  	[bflag:$0x0] =	sbarrier.arrive $0xFFFF  }
0x52e: {  	_ =	strace $0x90000047  }
0x52f: {  	s0 =	stileid.u32;
	[bflag:$0x2] =	sbarrier.arrive $0xFFFF  }
0x530: {  	p0 =	sne.s32 s0, $0x0;
	s0 =	rddreg [dreg:$0x3]  }
0x531: {  	s0 =	sadd.s32 @!p0 $0x100000, s0  }
0x532: {  	[sflag:s0] =	ssyncadd.tile.s32 @!p0 $0x1;
	_ =	shalt  }
.Lfunc_end2:
_tile_overlayer_lowered:
.L_overlay_start_2:
0x533: {  	(tag) =	ssettag $0x2  }
0x534: {  	s0 =	rddreg [dreg:$0x0];
	s2 =	stileid.u32  }
0x535: {  	s1 =	rddreg [dreg:$0x1];
	p0 =	sne.s32 s2, $0x0  }
0x536: {  	s3 =	rddreg [dreg:$0x2];
	[bflag:$0x3] =	sbarrier.arrive $0xFFFF;
	s2 =	simm.s32 @!p0 $0x1C0B  }
0x537: {  	[timem:s3], [sflag:s2] =	dma.local @!p0 [hbm:s0], s1  }
0x538: {  	s0 =	simm.s32 @!p0 $0xB  }
0x539: {  	_ =	swait.ge @!p0 [sflag:s0], s1  }
0x53a: {  	s1 =	ssub.s32 @!p0 $0x0, s1;
	[sflag:s0] =	ssyncset.done @!p0 $0x0  }
0x53b: {  	[sflag:s0] =	ssyncadd.s32 @!p0 s1  }
0x53c: {  	[bflag:$0x3] =	sbarrier.arrive $0xFFFF  }
0x53d: {  	_ =	shalt  }

</sc_bundles>
